<compile_context>
chip_gen: v7x
topology: tpu7x:2x2x1
jax: 0.10.2.dev20260603
libtpu: 0.0.44.dev20260713+nightly
codegen_flags: <defaults>
</compile_context>

<pallas_src>
import functools

import jax
import jax.numpy as jnp
from jax import lax
from jax.experimental import pallas as pl
from jax.experimental.pallas import tpu as pltpu, tpu_sc as plsc

GAMMA = 0.1
NC = 2
NS = 16
NW = NC * NS
L = 16
CHUNK_E = 128
ROWCHUNK = 64


def _mesh():
    return plsc.VectorSubcoreMesh(core_axis_name="c", subcore_axis_name="s")


def _make_accum(n_pad, f, e_chunks_per_tile):
    ept = e_chunks_per_tile * CHUNK_E
    copy_steps = n_pad // NS // ROWCHUNK

    @functools.partial(
        pl.kernel,
        mesh=_mesh(),
        out_type=jax.ShapeDtypeStruct((NC, n_pad, f), jnp.float32),
        scratch_types=[
            pltpu.VMEM((CHUNK_E,), jnp.int32),
            pltpu.VMEM((CHUNK_E,), jnp.int32),
            pltpu.VMEM((CHUNK_E, f), jnp.float32),
            pltpu.VMEM((ROWCHUNK, f), jnp.float32),
            pltpu.VMEM_SHARED((n_pad, f), jnp.float32),
            pltpu.SemaphoreType.DMA,
        ],
    )
    def accum(h_hbm, src_hbm, dst_hbm, part_hbm, src_v, dst_v, rows_v,
              buf_v, agg_sh, sem):
        cid = lax.axis_index("c")
        sid = lax.axis_index("s")
        wid = cid * NS + sid

        def zbody(i, _):
            r = i // (f // L)
            cc = i % (f // L)
            buf_v[r, pl.ds(cc * L, L)] = jnp.zeros((L,), jnp.float32)
            return 0
        lax.fori_loop(0, ROWCHUNK * (f // L), zbody, 0)

        def zcopy(k, _):
            row0 = sid * (n_pad // NS) + k * ROWCHUNK
            pltpu.sync_copy(buf_v, agg_sh.at[pl.ds(row0, ROWCHUNK)])
            return 0
        lax.fori_loop(0, copy_steps, zcopy, 0)
        plsc.subcore_barrier()

        def ebody(j, _):
            base = wid * ept + j * CHUNK_E
            pltpu.sync_copy(src_hbm.at[pl.ds(base, CHUNK_E)], src_v)
            pltpu.sync_copy(dst_hbm.at[pl.ds(base, CHUNK_E)], dst_v)
            pltpu.async_copy(h_hbm.at[src_v], rows_v, sem).wait()
            pltpu.sync_copy(rows_v, agg_sh.at[dst_v], add=True)
            return 0
        lax.fori_loop(0, e_chunks_per_tile, ebody, 0)
        plsc.subcore_barrier()

        def ocopy(k, _):
            row0 = sid * (n_pad // NS) + k * ROWCHUNK
            pltpu.sync_copy(agg_sh.at[pl.ds(row0, ROWCHUNK)], buf_v)
            pltpu.sync_copy(buf_v, part_hbm.at[cid, pl.ds(row0, ROWCHUNK)])
            return 0
        lax.fori_loop(0, copy_steps, ocopy, 0)

    return accum


def _make_combine(n_pad, f, row_chunks_per_tile):
    @functools.partial(
        pl.kernel,
        mesh=_mesh(),
        out_type=jax.ShapeDtypeStruct((n_pad, f), jnp.float32),
        scratch_types=[
            pltpu.VMEM((ROWCHUNK, f), jnp.float32),
            pltpu.VMEM((ROWCHUNK, f), jnp.float32),
            pltpu.VMEM((ROWCHUNK, f), jnp.float32),
            pltpu.VMEM((ROWCHUNK,), jnp.float32),
        ],
    )
    def combine(h_hbm, part_hbm, d_hbm, out_hbm, hv, p0v, p1v, dv):
        cid = lax.axis_index("c")
        sid = lax.axis_index("s")
        wid = cid * NS + sid

        def cbody(k, _):
            row0 = (wid * row_chunks_per_tile + k) * ROWCHUNK
            pltpu.sync_copy(h_hbm.at[pl.ds(row0, ROWCHUNK)], hv)
            pltpu.sync_copy(part_hbm.at[0, pl.ds(row0, ROWCHUNK)], p0v)
            pltpu.sync_copy(part_hbm.at[1, pl.ds(row0, ROWCHUNK)], p1v)
            pltpu.sync_copy(d_hbm.at[pl.ds(row0, ROWCHUNK)], dv)

            def gbody(g, _):
                dvec = dv[pl.ds(g * L, L)]
                invv = 1.0 / (1.0 + GAMMA * dvec)
                for rr in range(L):
                    r = g * L + rr
                    inv_b = jnp.full((L,), invv[rr], jnp.float32)

                    def fbody(cc, _, r=r, inv_b=inv_b):
                        col = cc * L
                        agg = p0v[r, pl.ds(col, L)] + p1v[r, pl.ds(col, L)]
                        hv[r, pl.ds(col, L)] = (
                            hv[r, pl.ds(col, L)] + GAMMA * agg) * inv_b
                        return 0
                    lax.fori_loop(0, f // L, fbody, 0)
                return 0
            lax.fori_loop(0, ROWCHUNK // L, gbody, 0)
            pltpu.sync_copy(hv, out_hbm.at[pl.ds(row0, ROWCHUNK)])
            return 0
        lax.fori_loop(0, row_chunks_per_tile, cbody, 0)

    return combine


def kernel(h, edge_indexT, D):
    n, f = h.shape
    e = edge_indexT.shape[1]

    e_chunks_per_tile = -(-e // (NW * CHUNK_E))
    e_pad = NW * CHUNK_E * e_chunks_per_tile
    row_chunks_per_tile = -(-n // (NW * ROWCHUNK))
    n_pad = NW * ROWCHUNK * row_chunks_per_tile

    src = jnp.concatenate(
        [edge_indexT[0], jnp.zeros((e_pad - e,), jnp.int32)])
    dst = jnp.concatenate(
        [edge_indexT[1], jnp.full((e_pad - e,), n, jnp.int32)])
    h_pad = jnp.zeros((n_pad, f), jnp.float32).at[:n].set(h)
    d_pad = jnp.zeros((n_pad,), jnp.float32).at[:n].set(D)

    accum = _make_accum(n_pad, f, e_chunks_per_tile)
    combine = _make_combine(n_pad, f, row_chunks_per_tile)

    cur = h_pad
    for _ in range(2):
        part = accum(cur, src, dst)
        cur = combine(cur, part, d_pad)
    return cur[:n]

# --- scband reference (transcript-rebuilt; emitter-appended) ---
"""Pipeline reference for scband-smoothing-block-12051678232913 (READ-ONLY COPY).

The authoritative reference and input builder live on the scoring server;
editing this copy changes nothing except your own understanding.
"""

import jax, jax.numpy as jnp
import numpy as np

N = 10000
E = 320000
DFEAT = 128
GAMMA = 0.1

def setup_inputs(seed: int = 0) -> dict:
    key = jax.random.key(seed)
    k1, k2 = jax.random.split(key, 2)
    h = jax.random.normal(k1, (N, DFEAT), dtype=jnp.float32)
    edge_indexT = jax.random.randint(k2, (2, E), 0, N, dtype=jnp.int32)
    # D is the (positive) degree vector used by the smoothing normalizer.
    # Derive it from the edge targets so the normalization is consistent.
    D = jnp.zeros((N,), dtype=jnp.float32).at[edge_indexT[1]].add(1.0)
    return {"h": h, "edge_indexT": edge_indexT, "D": D}

def reference(h, edge_indexT, D):
    gamma = GAMMA
    src = edge_indexT[0]
    dst = edge_indexT[1]
    hp = h
    for _ in range(2):
        # scatter_add(h[src], dst, dim=0) -> segment_sum
        agg = jax.ops.segment_sum(h[src], dst, num_segments=N)
        f1 = h + gamma * agg
        f2 = jnp.ones_like(D) + gamma * D
        f2_inv = 1.0 / f2
        # torch.sparse.mm(torch.diag(f2_inv), f1) == row-wise scaling
        hp = f2_inv[:, None] * f1
        h = hp
    return hp

if __name__ == "__main__":
    import jax
    _d = setup_inputs()
    print(jax.jit(kernel)(*tuple(_d.values())))

</pallas_src>

<mosaic_0001>
#map = affine_map<(d0, d1) -> (0, 0)>
#map1 = affine_map<(d0, d1) -> (0)>
#map2 = affine_map<(d0, d1) -> (0, 0, 0)>
module attributes {stable_mosaic.version = 14 : i64} {
  func.func @accum(%arg0: i32, %arg1: i32, %arg2: memref<10240x128xf32, #tpu.memory_space<hbm>>, %arg3: memref<323584xi32, #tpu.memory_space<hbm>>, %arg4: memref<323584xi32, #tpu.memory_space<hbm>>, %arg5: memref<2x10240x128xf32, #tpu.memory_space<hbm>>, %arg6: memref<128xi32, #tpu.memory_space<vmem>>, %arg7: memref<128xi32, #tpu.memory_space<vmem>>, %arg8: memref<128x128xf32, #tpu.memory_space<vmem>>, %arg9: memref<64x128xf32, #tpu.memory_space<vmem>>, %arg10: memref<10240x128xf32, #tpu.memory_space<vmem_shared>>, %arg11: memref<!tpu.dma_semaphore, #tpu.memory_space<semaphore_mem>>) attributes {dimension_semantics = [#tpu.dimension_semantics<core_parallel>, #tpu.dimension_semantics<subcore_parallel>], iteration_bounds = array<i64: 2, 16>, scalar_prefetch = 0 : i64, scratch_operands = 6 : i64, tpu.core_type = #tpu.core_type<sc_vector_subcore>, window_params = [{transform_indices = #map}, {transform_indices = #map1}, {transform_indices = #map1}, {transform_indices = #map2}]} {
    %mul3A = arith.constant 16 : i32
    %mul3A_0 = arith.muli %arg0, %mul3A : i32
    %add3A = arith.addi %mul3A_0, %arg1 : i32
    %scan3A = arith.constant 0 : i32
    %scan3A_1 = arith.constant 0 : i32
    %scan3A_2 = arith.constant 512 : i32
    %scan3A_3 = arith.addi %scan3A_1, %scan3A_2 : i32
    %scan3A_4 = arith.constant 1 : i32
    %scan3A_5 = scf.for %scan3A_29 = %scan3A_1 to %scan3A_3 step %scan3A_4 iter_args(%scan3A_30 = %scan3A) -> (i32)  : i32 {
      %jit3A = arith.constant 8 : i32
      %div3A = arith.divsi %scan3A_29, %jit3A : i32
      %sign3A = arith.constant 0 : i32
      %sign3A_31 = arith.cmpi sgt, %scan3A_29, %sign3A : i32
      %sign3A_32 = arith.extui %sign3A_31 : i1 to i32
      %sign3A_33 = arith.constant 0 : i32
      %sign3A_34 = arith.cmpi slt, %scan3A_29, %sign3A_33 : i32
      %sign3A_35 = arith.extui %sign3A_34 : i1 to i32
      %sign3A_36 = arith.subi %sign3A_32, %sign3A_35 : i32
      %sign3A_37 = arith.constant 0 : i32
      %sign3A_38 = arith.cmpi sgt, %jit3A, %sign3A_37 : i32
      %sign3A_39 = arith.extui %sign3A_38 : i1 to i32
      %sign3A_40 = arith.constant 0 : i32
      %sign3A_41 = arith.cmpi slt, %jit3A, %sign3A_40 : i32
      %sign3A_42 = arith.extui %sign3A_41 : i1 to i32
      %sign3A_43 = arith.subi %sign3A_39, %sign3A_42 : i32
      %ne3A = arith.cmpi ne, %sign3A_36, %sign3A_43 : i32
      %rem3A = arith.remsi %scan3A_29, %jit3A : i32
      %ne3A_44 = arith.constant 0 : i32
      %ne3A_45 = arith.cmpi ne, %rem3A, %ne3A_44 : i32
      %and3A = arith.andi %ne3A, %ne3A_45 : i1
      %sub3A = arith.constant 1 : i32
      %sub3A_46 = arith.subi %div3A, %sub3A : i32
      %select_n3A = arith.select %and3A, %sub3A_46, %div3A : i32
      %jit3A_47 = arith.constant 8 : i32
      %eq3A = arith.constant 0 : i32
      %eq3A_48 = arith.cmpi eq, %jit3A_47, %eq3A : i32
      %jit3A_49 = arith.constant 1 : i32
      %select_n3A_50 = arith.select %eq3A_48, %jit3A_49, %jit3A_47 : i32
      %rem3A_51 = arith.remsi %scan3A_29, %select_n3A_50 : i32
      %ne3A_52 = arith.constant 0 : i32
      %ne3A_53 = arith.cmpi ne, %rem3A_51, %ne3A_52 : i32
      %lt3A = arith.constant 0 : i32
      %lt3A_54 = arith.cmpi slt, %rem3A_51, %lt3A : i32
      %lt3A_55 = arith.constant 0 : i32
      %lt3A_56 = arith.cmpi slt, %select_n3A_50, %lt3A_55 : i32
      %ne3A_57 = arith.xori %lt3A_54, %lt3A_56 : i1
      %and3A_58 = arith.andi %ne3A_57, %ne3A_53 : i1
      %add3A_59 = arith.addi %rem3A_51, %select_n3A_50 : i32
      %select_n3A_60 = arith.select %and3A_58, %add3A_59, %rem3A_51 : i32
      %broadcast_in_dim3A = arith.constant 0.000000e+00 : f32
      %broadcast_in_dim3A_61 = vector.broadcast %broadcast_in_dim3A : f32 to vector<16xf32>
      %mul3A_62 = arith.constant 16 : i32
      %mul3A_63 = arith.muli %select_n3A_60, %mul3A_62 : i32
      %swap3A = arith.index_cast %select_n3A : i32 to index
      %swap3A_64 = arith.index_cast %mul3A_63 : i32 to index
      %swap3A_65 = tpu.vector_load %arg9[%swap3A, %swap3A_64] {strides = array<i32>} : memref<64x128xf32, #tpu.memory_space<vmem>>, vector<1x16xf32>,
      %swap3A_66 = vector.shape_cast %swap3A_65 : vector<1x16xf32> to vector<16xf32>
      %swap3A_67 = vector.shape_cast %broadcast_in_dim3A_61 : vector<16xf32> to vector<1x16xf32>
      tpu.vector_store %arg9[%swap3A, %swap3A_64], %swap3A_67 {strides = array<i32>} : memref<64x128xf32, #tpu.memory_space<vmem>>, vector<1x16xf32>,
      %scan3A_68 = arith.constant 0 : i32
      scf.yield %scan3A_68 : i32
    }
    %scan3A_6 = arith.constant 512 : i32
    %scan3A_7 = arith.constant 0 : i32
    %scan3A_8 = arith.constant 0 : i32
    %scan3A_9 = arith.constant 10 : i32
    %scan3A_10 = arith.addi %scan3A_8, %scan3A_9 : i32
    %scan3A_11 = arith.constant 1 : i32
    %scan3A_12 = scf.for %scan3A_29 = %scan3A_8 to %scan3A_10 step %scan3A_11 iter_args(%scan3A_30 = %scan3A_7) -> (i32)  : i32 {
      %mul3A_31 = arith.constant 640 : i32
      %mul3A_32 = arith.muli %arg1, %mul3A_31 : i32
      %mul3A_33 = arith.constant 64 : i32
      %mul3A_34 = arith.muli %scan3A_29, %mul3A_33 : i32
      %add3A_35 = arith.addi %mul3A_32, %mul3A_34 : i32
      "tpu.region"() ({
        %run_scoped3A = tpu.sem_alloc : memref<!tpu.dma_semaphore, #tpu.memory_space<semaphore_mem>>
        %dma_start3A = arith.constant 0 : i32
        %dma_start3A_37 = tpu.memref_slice %arg10[%add3A_35, %dma_start3A] : memref<10240x128xf32, #tpu.memory_space<vmem_shared>> -> memref<64x128xf32, #tpu.memory_space<vmem_shared>>
        %dma_start3A_38 = arith.constant 0 : i32
        %dma_start3A_39 = tpu.memref_slice %arg10[%add3A_35, %dma_start3A_38] : memref<10240x128xf32, #tpu.memory_space<vmem_shared>> -> memref<64x128xf32, #tpu.memory_space<vmem_shared>>
        tpu.enqueue_dma source(%arg9 : memref<64x128xf32, #tpu.memory_space<vmem>>) target(%dma_start3A_39 : memref<64x128xf32, #tpu.memory_space<vmem_shared>>) target_semaphore(%run_scoped3A : memref<!tpu.dma_semaphore, #tpu.memory_space<semaphore_mem>>)
        %dma_wait3A = arith.constant 0 : i32
        %dma_wait3A_40 = tpu.memref_slice %arg10[%add3A_35, %dma_wait3A] : memref<10240x128xf32, #tpu.memory_space<vmem_shared>> -> memref<64x128xf32, #tpu.memory_space<vmem_shared>>
        %dma_wait3A_41 = arith.constant 0 : i32
        %dma_wait3A_42 = tpu.memref_slice %arg10[%add3A_35, %dma_wait3A_41] : memref<10240x128xf32, #tpu.memory_space<vmem_shared>> -> memref<64x128xf32, #tpu.memory_space<vmem_shared>>
        tpu.wait_dma2 semaphore(%run_scoped3A : memref<!tpu.dma_semaphore, #tpu.memory_space<semaphore_mem>>) src(%arg9 : memref<64x128xf32, #tpu.memory_space<vmem>>) dst(%dma_wait3A_42 : memref<64x128xf32, #tpu.memory_space<vmem_shared>>)
        tpu.yield
      }) : () -> ()
      %scan3A_36 = arith.constant 0 : i32
      scf.yield %scan3A_36 : i32
    }
    %scan3A_13 = arith.constant 10 : i32
    %barrier3A = arith.constant 0 : index
    tpu.barrier barrier_id(%barrier3A)
    %scan3A_14 = arith.constant 0 : i32
    %scan3A_15 = arith.constant 0 : i32
    %scan3A_16 = arith.constant 79 : i32
    %scan3A_17 = arith.addi %scan3A_15, %scan3A_16 : i32
    %scan3A_18 = arith.constant 1 : i32
    %scan3A_19 = scf.for %scan3A_29 = %scan3A_15 to %scan3A_17 step %scan3A_18 iter_args(%scan3A_30 = %scan3A_14) -> (i32)  : i32 {
      %mul3A_31 = arith.constant 10112 : i32
      %mul3A_32 = arith.muli %add3A, %mul3A_31 : i32
      %mul3A_33 = arith.constant 128 : i32
      %mul3A_34 = arith.muli %scan3A_29, %mul3A_33 : i32
      %add3A_35 = arith.addi %mul3A_32, %mul3A_34 : i32
      "tpu.region"() ({
        %run_scoped3A = tpu.sem_alloc : memref<!tpu.dma_semaphore, #tpu.memory_space<semaphore_mem>>
        %dma_start3A_41 = tpu.memref_slice %arg3[%add3A_35] : memref<323584xi32, #tpu.memory_space<hbm>> -> memref<128xi32, #tpu.memory_space<hbm>>
        %dma_start3A_42 = tpu.memref_slice %arg3[%add3A_35] : memref<323584xi32, #tpu.memory_space<hbm>> -> memref<128xi32, #tpu.memory_space<hbm>>
        tpu.enqueue_dma source(%dma_start3A_42 : memref<128xi32, #tpu.memory_space<hbm>>) target(%arg6 : memref<128xi32, #tpu.memory_space<vmem>>) target_semaphore(%run_scoped3A : memref<!tpu.dma_semaphore, #tpu.memory_space<semaphore_mem>>)
        %dma_wait3A_43 = tpu.memref_slice %arg3[%add3A_35] : memref<323584xi32, #tpu.memory_space<hbm>> -> memref<128xi32, #tpu.memory_space<hbm>>
        %dma_wait3A_44 = tpu.memref_slice %arg3[%add3A_35] : memref<323584xi32, #tpu.memory_space<hbm>> -> memref<128xi32, #tpu.memory_space<hbm>>
        tpu.wait_dma2 semaphore(%run_scoped3A : memref<!tpu.dma_semaphore, #tpu.memory_space<semaphore_mem>>) src(%dma_wait3A_44 : memref<128xi32, #tpu.memory_space<hbm>>) dst(%arg6 : memref<128xi32, #tpu.memory_space<vmem>>)
        tpu.yield
      }) : () -> ()
      "tpu.region"() ({
        %run_scoped3A = tpu.sem_alloc : memref<!tpu.dma_semaphore, #tpu.memory_space<semaphore_mem>>
        %dma_start3A_41 = tpu.memref_slice %arg4[%add3A_35] : memref<323584xi32, #tpu.memory_space<hbm>> -> memref<128xi32, #tpu.memory_space<hbm>>
        %dma_start3A_42 = tpu.memref_slice %arg4[%add3A_35] : memref<323584xi32, #tpu.memory_space<hbm>> -> memref<128xi32, #tpu.memory_space<hbm>>
        tpu.enqueue_dma source(%dma_start3A_42 : memref<128xi32, #tpu.memory_space<hbm>>) target(%arg7 : memref<128xi32, #tpu.memory_space<vmem>>) target_semaphore(%run_scoped3A : memref<!tpu.dma_semaphore, #tpu.memory_space<semaphore_mem>>)
        %dma_wait3A_43 = tpu.memref_slice %arg4[%add3A_35] : memref<323584xi32, #tpu.memory_space<hbm>> -> memref<128xi32, #tpu.memory_space<hbm>>
        %dma_wait3A_44 = tpu.memref_slice %arg4[%add3A_35] : memref<323584xi32, #tpu.memory_space<hbm>> -> memref<128xi32, #tpu.memory_space<hbm>>
        tpu.wait_dma2 semaphore(%run_scoped3A : memref<!tpu.dma_semaphore, #tpu.memory_space<semaphore_mem>>) src(%dma_wait3A_44 : memref<128xi32, #tpu.memory_space<hbm>>) dst(%arg7 : memref<128xi32, #tpu.memory_space<vmem>>)
        tpu.yield
      }) : () -> ()
      %dma_start3A = arith.constant 0 : i32
      %dma_start3A_36 = arith.constant 0 : i32
      %dma_start3A_37 = tpu.memref_slice %arg2[%dma_start3A, %dma_start3A_36] : memref<10240x128xf32, #tpu.memory_space<hbm>> -> memref<10240x128xf32, #tpu.memory_space<hbm>>
      tpu.enqueue_indirect_dma source(%dma_start3A_37 : memref<10240x128xf32, #tpu.memory_space<hbm>>) target(%arg8 : memref<128x128xf32, #tpu.memory_space<vmem>>) offsets(%arg6 : memref<128xi32, #tpu.memory_space<vmem>>) semaphore(%arg11 : memref<!tpu.dma_semaphore, #tpu.memory_space<semaphore_mem>>)
      %dma_wait3A = arith.constant 0 : i32
      %dma_wait3A_38 = arith.constant 0 : i32
      %dma_wait3A_39 = tpu.memref_slice %arg2[%dma_wait3A, %dma_wait3A_38] : memref<10240x128xf32, #tpu.memory_space<hbm>> -> memref<10240x128xf32, #tpu.memory_space<hbm>>
      tpu.wait_indirect_dma semaphore(%arg11 : memref<!tpu.dma_semaphore, #tpu.memory_space<semaphore_mem>>) src(%dma_wait3A_39 : memref<10240x128xf32, #tpu.memory_space<hbm>>) dst(%arg8 : memref<128x128xf32, #tpu.memory_space<vmem>>)
      "tpu.region"() ({
        %run_scoped3A = tpu.sem_alloc : memref<!tpu.dma_semaphore, #tpu.memory_space<semaphore_mem>>
        %dma_start3A_41 = arith.constant 0 : i32
        %dma_start3A_42 = arith.constant 0 : i32
        %dma_start3A_43 = tpu.memref_slice %arg10[%dma_start3A_41, %dma_start3A_42] : memref<10240x128xf32, #tpu.memory_space<vmem_shared>> -> memref<10240x128xf32, #tpu.memory_space<vmem_shared>>
        tpu.enqueue_indirect_dma source(%arg8 : memref<128x128xf32, #tpu.memory_space<vmem>>) target(%dma_start3A_43 : memref<10240x128xf32, #tpu.memory_space<vmem_shared>>) offsets(%arg7 : memref<128xi32, #tpu.memory_space<vmem>>) semaphore(%run_scoped3A : memref<!tpu.dma_semaphore, #tpu.memory_space<semaphore_mem>>) {add = true}
        %dma_wait3A_44 = arith.constant 0 : i32
        %dma_wait3A_45 = arith.constant 0 : i32
        %dma_wait3A_46 = tpu.memref_slice %arg10[%dma_wait3A_44, %dma_wait3A_45] : memref<10240x128xf32, #tpu.memory_space<vmem_shared>> -> memref<10240x128xf32, #tpu.memory_space<vmem_shared>>
        tpu.wait_indirect_dma semaphore(%run_scoped3A : memref<!tpu.dma_semaphore, #tpu.memory_space<semaphore_mem>>) src(%arg8 : memref<128x128xf32, #tpu.memory_space<vmem>>) dst(%dma_wait3A_46 : memref<10240x128xf32, #tpu.memory_space<vmem_shared>>)
        tpu.yield
      }) : () -> ()
      %scan3A_40 = arith.constant 0 : i32
      scf.yield %scan3A_40 : i32
    }
    %scan3A_20 = arith.constant 79 : i32
    %barrier3A_21 = arith.constant 0 : index
    tpu.barrier barrier_id(%barrier3A_21)
    %scan3A_22 = arith.constant 0 : i32
    %scan3A_23 = arith.constant 0 : i32
    %scan3A_24 = arith.constant 10 : i32
    %scan3A_25 = arith.addi %scan3A_23, %scan3A_24 : i32
    %scan3A_26 = arith.constant 1 : i32
    %scan3A_27 = scf.for %scan3A_29 = %scan3A_23 to %scan3A_25 step %scan3A_26 iter_args(%scan3A_30 = %scan3A_22) -> (i32)  : i32 {
      %mul3A_31 = arith.constant 640 : i32
      %mul3A_32 = arith.muli %arg1, %mul3A_31 : i32
      %mul3A_33 = arith.constant 64 : i32
      %mul3A_34 = arith.muli %scan3A_29, %mul3A_33 : i32
      %add3A_35 = arith.addi %mul3A_32, %mul3A_34 : i32
      "tpu.region"() ({
        %run_scoped3A = tpu.sem_alloc : memref<!tpu.dma_semaphore, #tpu.memory_space<semaphore_mem>>
        %dma_start3A = arith.constant 0 : i32
        %dma_start3A_37 = tpu.memref_slice %arg10[%add3A_35, %dma_start3A] : memref<10240x128xf32, #tpu.memory_space<vmem_shared>> -> memref<64x128xf32, #tpu.memory_space<vmem_shared>>
        %dma_start3A_38 = arith.constant 0 : i32
        %dma_start3A_39 = tpu.memref_slice %arg10[%add3A_35, %dma_start3A_38] : memref<10240x128xf32, #tpu.memory_space<vmem_shared>> -> memref<64x128xf32, #tpu.memory_space<vmem_shared>>
        tpu.enqueue_dma source(%dma_start3A_39 : memref<64x128xf32, #tpu.memory_space<vmem_shared>>) target(%arg9 : memref<64x128xf32, #tpu.memory_space<vmem>>) target_semaphore(%run_scoped3A : memref<!tpu.dma_semaphore, #tpu.memory_space<semaphore_mem>>)
        %dma_wait3A = arith.constant 0 : i32
        %dma_wait3A_40 = tpu.memref_slice %arg10[%add3A_35, %dma_wait3A] : memref<10240x128xf32, #tpu.memory_space<vmem_shared>> -> memref<64x128xf32, #tpu.memory_space<vmem_shared>>
        %dma_wait3A_41 = arith.constant 0 : i32
        %dma_wait3A_42 = tpu.memref_slice %arg10[%add3A_35, %dma_wait3A_41] : memref<10240x128xf32, #tpu.memory_space<vmem_shared>> -> memref<64x128xf32, #tpu.memory_space<vmem_shared>>
        tpu.wait_dma2 semaphore(%run_scoped3A : memref<!tpu.dma_semaphore, #tpu.memory_space<semaphore_mem>>) src(%dma_wait3A_42 : memref<64x128xf32, #tpu.memory_space<vmem_shared>>) dst(%arg9 : memref<64x128xf32, #tpu.memory_space<vmem>>)
        tpu.yield
      }) : () -> ()
      "tpu.region"() ({
        %run_scoped3A = tpu.sem_alloc : memref<!tpu.dma_semaphore, #tpu.memory_space<semaphore_mem>>
        %dma_start3A = arith.constant 0 : i32
        %dma_start3A_37 = tpu.memref_slice %arg5[%arg0, %add3A_35, %dma_start3A] : memref<2x10240x128xf32, #tpu.memory_space<hbm>> -> memref<1x64x128xf32, #tpu.memory_space<hbm>>
        %dma_start3A_38 = tpu.memref_squeeze %dma_start3A_37 : memref<1x64x128xf32, #tpu.memory_space<hbm>> -> memref<64x128xf32, #tpu.memory_space<hbm>>
        %dma_start3A_39 = arith.constant 0 : i32
        %dma_start3A_40 = tpu.memref_slice %arg5[%arg0, %add3A_35, %dma_start3A_39] : memref<2x10240x128xf32, #tpu.memory_space<hbm>> -> memref<1x64x128xf32, #tpu.memory_space<hbm>>
        %dma_start3A_41 = tpu.memref_squeeze %dma_start3A_40 : memref<1x64x128xf32, #tpu.memory_space<hbm>> -> memref<64x128xf32, #tpu.memory_space<hbm>>
        tpu.enqueue_dma source(%arg9 : memref<64x128xf32, #tpu.memory_space<vmem>>) target(%dma_start3A_41 : memref<64x128xf32, #tpu.memory_space<hbm>>) target_semaphore(%run_scoped3A : memref<!tpu.dma_semaphore, #tpu.memory_space<semaphore_mem>>)
        %dma_wait3A = arith.constant 0 : i32
        %dma_wait3A_42 = tpu.memref_slice %arg5[%arg0, %add3A_35, %dma_wait3A] : memref<2x10240x128xf32, #tpu.memory_space<hbm>> -> memref<1x64x128xf32, #tpu.memory_space<hbm>>
        %dma_wait3A_43 = tpu.memref_squeeze %dma_wait3A_42 : memref<1x64x128xf32, #tpu.memory_space<hbm>> -> memref<64x128xf32, #tpu.memory_space<hbm>>
        %dma_wait3A_44 = arith.constant 0 : i32
        %dma_wait3A_45 = tpu.memref_slice %arg5[%arg0, %add3A_35, %dma_wait3A_44] : memref<2x10240x128xf32, #tpu.memory_space<hbm>> -> memref<1x64x128xf32, #tpu.memory_space<hbm>>
        %dma_wait3A_46 = tpu.memref_squeeze %dma_wait3A_45 : memref<1x64x128xf32, #tpu.memory_space<hbm>> -> memref<64x128xf32, #tpu.memory_space<hbm>>
        tpu.wait_dma2 semaphore(%run_scoped3A : memref<!tpu.dma_semaphore, #tpu.memory_space<semaphore_mem>>) src(%arg9 : memref<64x128xf32, #tpu.memory_space<vmem>>) dst(%dma_wait3A_46 : memref<64x128xf32, #tpu.memory_space<hbm>>)
        tpu.yield
      }) : () -> ()
      %scan3A_36 = arith.constant 0 : i32
      scf.yield %scan3A_36 : i32
    }
    %scan3A_28 = arith.constant 10 : i32
    return
  }
}

#map = affine_map<(d0, d1) -> (0, 0)>
#map1 = affine_map<(d0, d1) -> (0, 0, 0)>
#map2 = affine_map<(d0, d1) -> (0)>
module attributes {stable_mosaic.version = 14 : i64} {
  func.func @combine(%arg0: i32, %arg1: i32, %arg2: memref<10240x128xf32, #tpu.memory_space<hbm>>, %arg3: memref<2x10240x128xf32, #tpu.memory_space<hbm>>, %arg4: memref<10240xf32, #tpu.memory_space<hbm>>, %arg5: memref<10240x128xf32, #tpu.memory_space<hbm>>, %arg6: memref<64x128xf32, #tpu.memory_space<vmem>>, %arg7: memref<64x128xf32, #tpu.memory_space<vmem>>, %arg8: memref<64x128xf32, #tpu.memory_space<vmem>>, %arg9: memref<64xf32, #tpu.memory_space<vmem>>) attributes {dimension_semantics = [#tpu.dimension_semantics<core_parallel>, #tpu.dimension_semantics<subcore_parallel>], iteration_bounds = array<i64: 2, 16>, scalar_prefetch = 0 : i64, scratch_operands = 4 : i64, tpu.core_type = #tpu.core_type<sc_vector_subcore>, window_params = [{transform_indices = #map}, {transform_indices = #map1}, {transform_indices = #map2}, {transform_indices = #map}]} {
    %mul3A = arith.constant 16 : i32
    %mul3A_0 = arith.muli %arg0, %mul3A : i32
    %add3A = arith.addi %mul3A_0, %arg1 : i32
    %scan3A = arith.constant 0 : i32
    %scan3A_1 = arith.constant 0 : i32
    %scan3A_2 = arith.constant 5 : i32
    %scan3A_3 = arith.addi %scan3A_1, %scan3A_2 : i32
    %scan3A_4 = arith.constant 1 : i32
    %scan3A_5 = scf.for %scan3A_7 = %scan3A_1 to %scan3A_3 step %scan3A_4 iter_args(%scan3A_8 = %scan3A) -> (i32)  : i32 {
      %mul3A_9 = arith.constant 5 : i32
      %mul3A_10 = arith.muli %add3A, %mul3A_9 : i32
      %add3A_11 = arith.addi %mul3A_10, %scan3A_7 : i32
      %mul3A_12 = arith.constant 64 : i32
      %mul3A_13 = arith.muli %add3A_11, %mul3A_12 : i32
      "tpu.region"() ({
        %run_scoped3A_23 = tpu.sem_alloc : memref<!tpu.dma_semaphore, #tpu.memory_space<semaphore_mem>>
        %dma_start3A = arith.constant 0 : i32
        %dma_start3A_24 = tpu.memref_slice %arg2[%mul3A_13, %dma_start3A] : memref<10240x128xf32, #tpu.memory_space<hbm>> -> memref<64x128xf32, #tpu.memory_space<hbm>>
        %dma_start3A_25 = arith.constant 0 : i32
        %dma_start3A_26 = tpu.memref_slice %arg2[%mul3A_13, %dma_start3A_25] : memref<10240x128xf32, #tpu.memory_space<hbm>> -> memref<64x128xf32, #tpu.memory_space<hbm>>
        tpu.enqueue_dma source(%dma_start3A_26 : memref<64x128xf32, #tpu.memory_space<hbm>>) target(%arg6 : memref<64x128xf32, #tpu.memory_space<vmem>>) target_semaphore(%run_scoped3A_23 : memref<!tpu.dma_semaphore, #tpu.memory_space<semaphore_mem>>)
        %dma_wait3A = arith.constant 0 : i32
        %dma_wait3A_27 = tpu.memref_slice %arg2[%mul3A_13, %dma_wait3A] : memref<10240x128xf32, #tpu.memory_space<hbm>> -> memref<64x128xf32, #tpu.memory_space<hbm>>
        %dma_wait3A_28 = arith.constant 0 : i32
        %dma_wait3A_29 = tpu.memref_slice %arg2[%mul3A_13, %dma_wait3A_28] : memref<10240x128xf32, #tpu.memory_space<hbm>> -> memref<64x128xf32, #tpu.memory_space<hbm>>
        tpu.wait_dma2 semaphore(%run_scoped3A_23 : memref<!tpu.dma_semaphore, #tpu.memory_space<semaphore_mem>>) src(%dma_wait3A_29 : memref<64x128xf32, #tpu.memory_space<hbm>>) dst(%arg6 : memref<64x128xf32, #tpu.memory_space<vmem>>)
        tpu.yield
      }) : () -> ()
      %run_scoped3A = arith.constant 0 : i32
      "tpu.region"() ({
        %run_scoped3A_23 = tpu.sem_alloc : memref<!tpu.dma_semaphore, #tpu.memory_space<semaphore_mem>>
        %dma_start3A = arith.constant 0 : i32
        %dma_start3A_24 = tpu.memref_slice %arg3[%run_scoped3A, %mul3A_13, %dma_start3A] : memref<2x10240x128xf32, #tpu.memory_space<hbm>> -> memref<1x64x128xf32, #tpu.memory_space<hbm>>
        %dma_start3A_25 = tpu.memref_squeeze %dma_start3A_24 : memref<1x64x128xf32, #tpu.memory_space<hbm>> -> memref<64x128xf32, #tpu.memory_space<hbm>>
        %dma_start3A_26 = arith.constant 0 : i32
        %dma_start3A_27 = tpu.memref_slice %arg3[%run_scoped3A, %mul3A_13, %dma_start3A_26] : memref<2x10240x128xf32, #tpu.memory_space<hbm>> -> memref<1x64x128xf32, #tpu.memory_space<hbm>>
        %dma_start3A_28 = tpu.memref_squeeze %dma_start3A_27 : memref<1x64x128xf32, #tpu.memory_space<hbm>> -> memref<64x128xf32, #tpu.memory_space<hbm>>
        tpu.enqueue_dma source(%dma_start3A_28 : memref<64x128xf32, #tpu.memory_space<hbm>>) target(%arg7 : memref<64x128xf32, #tpu.memory_space<vmem>>) target_semaphore(%run_scoped3A_23 : memref<!tpu.dma_semaphore, #tpu.memory_space<semaphore_mem>>)
        %dma_wait3A = arith.constant 0 : i32
        %dma_wait3A_29 = tpu.memref_slice %arg3[%run_scoped3A, %mul3A_13, %dma_wait3A] : memref<2x10240x128xf32, #tpu.memory_space<hbm>> -> memref<1x64x128xf32, #tpu.memory_space<hbm>>
        %dma_wait3A_30 = tpu.memref_squeeze %dma_wait3A_29 : memref<1x64x128xf32, #tpu.memory_space<hbm>> -> memref<64x128xf32, #tpu.memory_space<hbm>>
        %dma_wait3A_31 = arith.constant 0 : i32
        %dma_wait3A_32 = tpu.memref_slice %arg3[%run_scoped3A, %mul3A_13, %dma_wait3A_31] : memref<2x10240x128xf32, #tpu.memory_space<hbm>> -> memref<1x64x128xf32, #tpu.memory_space<hbm>>
        %dma_wait3A_33 = tpu.memref_squeeze %dma_wait3A_32 : memref<1x64x128xf32, #tpu.memory_space<hbm>> -> memref<64x128xf32, #tpu.memory_space<hbm>>
        tpu.wait_dma2 semaphore(%run_scoped3A_23 : memref<!tpu.dma_semaphore, #tpu.memory_space<semaphore_mem>>) src(%dma_wait3A_33 : memref<64x128xf32, #tpu.memory_space<hbm>>) dst(%arg7 : memref<64x128xf32, #tpu.memory_space<vmem>>)
        tpu.yield
      }) : () -> ()
      %run_scoped3A_14 = arith.constant 1 : i32
      "tpu.region"() ({
        %run_scoped3A_23 = tpu.sem_alloc : memref<!tpu.dma_semaphore, #tpu.memory_space<semaphore_mem>>
        %dma_start3A = arith.constant 0 : i32
        %dma_start3A_24 = tpu.memref_slice %arg3[%run_scoped3A_14, %mul3A_13, %dma_start3A] : memref<2x10240x128xf32, #tpu.memory_space<hbm>> -> memref<1x64x128xf32, #tpu.memory_space<hbm>>
        %dma_start3A_25 = tpu.memref_squeeze %dma_start3A_24 : memref<1x64x128xf32, #tpu.memory_space<hbm>> -> memref<64x128xf32, #tpu.memory_space<hbm>>
        %dma_start3A_26 = arith.constant 0 : i32
        %dma_start3A_27 = tpu.memref_slice %arg3[%run_scoped3A_14, %mul3A_13, %dma_start3A_26] : memref<2x10240x128xf32, #tpu.memory_space<hbm>> -> memref<1x64x128xf32, #tpu.memory_space<hbm>>
        %dma_start3A_28 = tpu.memref_squeeze %dma_start3A_27 : memref<1x64x128xf32, #tpu.memory_space<hbm>> -> memref<64x128xf32, #tpu.memory_space<hbm>>
        tpu.enqueue_dma source(%dma_start3A_28 : memref<64x128xf32, #tpu.memory_space<hbm>>) target(%arg8 : memref<64x128xf32, #tpu.memory_space<vmem>>) target_semaphore(%run_scoped3A_23 : memref<!tpu.dma_semaphore, #tpu.memory_space<semaphore_mem>>)
        %dma_wait3A = arith.constant 0 : i32
        %dma_wait3A_29 = tpu.memref_slice %arg3[%run_scoped3A_14, %mul3A_13, %dma_wait3A] : memref<2x10240x128xf32, #tpu.memory_space<hbm>> -> memref<1x64x128xf32, #tpu.memory_space<hbm>>
        %dma_wait3A_30 = tpu.memref_squeeze %dma_wait3A_29 : memref<1x64x128xf32, #tpu.memory_space<hbm>> -> memref<64x128xf32, #tpu.memory_space<hbm>>
        %dma_wait3A_31 = arith.constant 0 : i32
        %dma_wait3A_32 = tpu.memref_slice %arg3[%run_scoped3A_14, %mul3A_13, %dma_wait3A_31] : memref<2x10240x128xf32, #tpu.memory_space<hbm>> -> memref<1x64x128xf32, #tpu.memory_space<hbm>>
        %dma_wait3A_33 = tpu.memref_squeeze %dma_wait3A_32 : memref<1x64x128xf32, #tpu.memory_space<hbm>> -> memref<64x128xf32, #tpu.memory_space<hbm>>
        tpu.wait_dma2 semaphore(%run_scoped3A_23 : memref<!tpu.dma_semaphore, #tpu.memory_space<semaphore_mem>>) src(%dma_wait3A_33 : memref<64x128xf32, #tpu.memory_space<hbm>>) dst(%arg8 : memref<64x128xf32, #tpu.memory_space<vmem>>)
        tpu.yield
      }) : () -> ()
      "tpu.region"() ({
        %run_scoped3A_23 = tpu.sem_alloc : memref<!tpu.dma_semaphore, #tpu.memory_space<semaphore_mem>>
        %dma_start3A = tpu.memref_slice %arg4[%mul3A_13] : memref<10240xf32, #tpu.memory_space<hbm>> -> memref<64xf32, #tpu.memory_space<hbm>>
        %dma_start3A_24 = tpu.memref_slice %arg4[%mul3A_13] : memref<10240xf32, #tpu.memory_space<hbm>> -> memref<64xf32, #tpu.memory_space<hbm>>
        tpu.enqueue_dma source(%dma_start3A_24 : memref<64xf32, #tpu.memory_space<hbm>>) target(%arg9 : memref<64xf32, #tpu.memory_space<vmem>>) target_semaphore(%run_scoped3A_23 : memref<!tpu.dma_semaphore, #tpu.memory_space<semaphore_mem>>)
        %dma_wait3A = tpu.memref_slice %arg4[%mul3A_13] : memref<10240xf32, #tpu.memory_space<hbm>> -> memref<64xf32, #tpu.memory_space<hbm>>
        %dma_wait3A_25 = tpu.memref_slice %arg4[%mul3A_13] : memref<10240xf32, #tpu.memory_space<hbm>> -> memref<64xf32, #tpu.memory_space<hbm>>
        tpu.wait_dma2 semaphore(%run_scoped3A_23 : memref<!tpu.dma_semaphore, #tpu.memory_space<semaphore_mem>>) src(%dma_wait3A_25 : memref<64xf32, #tpu.memory_space<hbm>>) dst(%arg9 : memref<64xf32, #tpu.memory_space<vmem>>)
        tpu.yield
      }) : () -> ()
      %scan3A_15 = arith.constant 0 : i32
      %scan3A_16 = arith.constant 0 : i32
      %scan3A_17 = arith.constant 4 : i32
      %scan3A_18 = arith.addi %scan3A_16, %scan3A_17 : i32
      %scan3A_19 = arith.constant 1 : i32
      %scan3A_20 = scf.for %scan3A_23 = %scan3A_16 to %scan3A_18 step %scan3A_19 iter_args(%scan3A_24 = %scan3A_15) -> (i32)  : i32 {
        %mul3A_25 = arith.constant 16 : i32
        %mul3A_26 = arith.muli %scan3A_23, %mul3A_25 : i32
        %get3A = arith.index_cast %mul3A_26 : i32 to index
        %get3A_27 = tpu.vector_load %arg9[%get3A] {strides = array<i32>} : memref<64xf32, #tpu.memory_space<vmem>>, vector<16xf32>,
        %get3A_28 = vector.shape_cast %get3A_27 : vector<16xf32> to vector<16xf32>
        %mul3A_29 = arith.constant 1.000000e-01 : f32
        %mul3A_30 = vector.broadcast %mul3A_29 : f32 to vector<16xf32>
        %mul3A_31 = arith.mulf %mul3A_30, %get3A_28 : vector<16xf32>
        %add3A_32 = arith.constant 1.000000e+00 : f32
        %add3A_33 = vector.broadcast %add3A_32 : f32 to vector<16xf32>
        %add3A_34 = arith.addf %add3A_33, %mul3A_31 : vector<16xf32>
        %div3A = arith.constant 1.000000e+00 : f32
        %div3A_35 = vector.broadcast %div3A : f32 to vector<16xf32>
        %div3A_36 = arith.divf %div3A_35, %add3A_34 : vector<16xf32>
        %mul3A_37 = arith.constant 16 : i32
        %mul3A_38 = arith.muli %scan3A_23, %mul3A_37 : i32
        %add3A_39 = arith.constant 0 : i32
        %add3A_40 = arith.addi %mul3A_38, %add3A_39 : i32
        %slice3A = vector.extract_strided_slice %div3A_36 {offsets = [0], sizes = [1], strides = [1]} : vector<16xf32> to vector<1xf32>
        %squeeze3A = vector.extract %slice3A[0] : f32 from vector<1xf32>
        %broadcast_in_dim3A = vector.broadcast %squeeze3A : f32 to vector<16xf32>
        %scan3A_41 = arith.constant 0 : i32
        %scan3A_42 = arith.constant 0 : i32
        %scan3A_43 = arith.constant 8 : i32
        %scan3A_44 = arith.addi %scan3A_42, %scan3A_43 : i32
        %scan3A_45 = arith.constant 1 : i32
        %scan3A_46 = scf.for %scan3A_259 = %scan3A_42 to %scan3A_44 step %scan3A_45 iter_args(%scan3A_260 = %scan3A_41) -> (i32)  : i32 {
          %mul3A_261 = arith.constant 16 : i32
          %mul3A_262 = arith.muli %scan3A_259, %mul3A_261 : i32
          %get3A_263 = arith.index_cast %add3A_40 : i32 to index
          %get3A_264 = arith.index_cast %mul3A_262 : i32 to index
          %get3A_265 = tpu.vector_load %arg7[%get3A_263, %get3A_264] {strides = array<i32>} : memref<64x128xf32, #tpu.memory_space<vmem>>, vector<1x16xf32>,
          %get3A_266 = vector.shape_cast %get3A_265 : vector<1x16xf32> to vector<16xf32>
          %get3A_267 = arith.index_cast %add3A_40 : i32 to index
          %get3A_268 = arith.index_cast %mul3A_262 : i32 to index
          %get3A_269 = tpu.vector_load %arg8[%get3A_267, %get3A_268] {strides = array<i32>} : memref<64x128xf32, #tpu.memory_space<vmem>>, vector<1x16xf32>,
          %get3A_270 = vector.shape_cast %get3A_269 : vector<1x16xf32> to vector<16xf32>
          %add3A_271 = arith.addf %get3A_266, %get3A_270 : vector<16xf32>
          %get3A_272 = arith.index_cast %add3A_40 : i32 to index
          %get3A_273 = arith.index_cast %mul3A_262 : i32 to index
          %get3A_274 = tpu.vector_load %arg6[%get3A_272, %get3A_273] {strides = array<i32>} : memref<64x128xf32, #tpu.memory_space<vmem>>, vector<1x16xf32>,
          %get3A_275 = vector.shape_cast %get3A_274 : vector<1x16xf32> to vector<16xf32>
          %mul3A_276 = arith.constant 1.000000e-01 : f32
          %mul3A_277 = vector.broadcast %mul3A_276 : f32 to vector<16xf32>
          %mul3A_278 = arith.mulf %mul3A_277, %add3A_271 : vector<16xf32>
          %add3A_279 = arith.addf %get3A_275, %mul3A_278 : vector<16xf32>
          %mul3A_280 = arith.mulf %add3A_279, %broadcast_in_dim3A : vector<16xf32>
          %swap3A = arith.index_cast %add3A_40 : i32 to index
          %swap3A_281 = arith.index_cast %mul3A_262 : i32 to index
          %swap3A_282 = tpu.vector_load %arg6[%swap3A, %swap3A_281] {strides = array<i32>} : memref<64x128xf32, #tpu.memory_space<vmem>>, vector<1x16xf32>,
          %swap3A_283 = vector.shape_cast %swap3A_282 : vector<1x16xf32> to vector<16xf32>
          %swap3A_284 = vector.shape_cast %mul3A_280 : vector<16xf32> to vector<1x16xf32>
          tpu.vector_store %arg6[%swap3A, %swap3A_281], %swap3A_284 {strides = array<i32>} : memref<64x128xf32, #tpu.memory_space<vmem>>, vector<1x16xf32>,
          %scan3A_285 = arith.constant 0 : i32
          scf.yield %scan3A_285 : i32
        }
        %scan3A_47 = arith.constant 8 : i32
        %mul3A_48 = arith.constant 16 : i32
        %mul3A_49 = arith.muli %scan3A_23, %mul3A_48 : i32
        %add3A_50 = arith.constant 1 : i32
        %add3A_51 = arith.addi %mul3A_49, %add3A_50 : i32
        %slice3A_52 = vector.extract_strided_slice %div3A_36 {offsets = [1], sizes = [1], strides = [1]} : vector<16xf32> to vector<1xf32>
        %squeeze3A_53 = vector.extract %slice3A_52[0] : f32 from vector<1xf32>
        %broadcast_in_dim3A_54 = vector.broadcast %squeeze3A_53 : f32 to vector<16xf32>
        %scan3A_55 = arith.constant 0 : i32
        %scan3A_56 = arith.constant 0 : i32
        %scan3A_57 = arith.constant 8 : i32
        %scan3A_58 = arith.addi %scan3A_56, %scan3A_57 : i32
        %scan3A_59 = arith.constant 1 : i32
        %scan3A_60 = scf.for %scan3A_259 = %scan3A_56 to %scan3A_58 step %scan3A_59 iter_args(%scan3A_260 = %scan3A_55) -> (i32)  : i32 {
          %mul3A_261 = arith.constant 16 : i32
          %mul3A_262 = arith.muli %scan3A_259, %mul3A_261 : i32
          %get3A_263 = arith.index_cast %add3A_51 : i32 to index
          %get3A_264 = arith.index_cast %mul3A_262 : i32 to index
          %get3A_265 = tpu.vector_load %arg7[%get3A_263, %get3A_264] {strides = array<i32>} : memref<64x128xf32, #tpu.memory_space<vmem>>, vector<1x16xf32>,
          %get3A_266 = vector.shape_cast %get3A_265 : vector<1x16xf32> to vector<16xf32>
          %get3A_267 = arith.index_cast %add3A_51 : i32 to index
          %get3A_268 = arith.index_cast %mul3A_262 : i32 to index
          %get3A_269 = tpu.vector_load %arg8[%get3A_267, %get3A_268] {strides = array<i32>} : memref<64x128xf32, #tpu.memory_space<vmem>>, vector<1x16xf32>,
          %get3A_270 = vector.shape_cast %get3A_269 : vector<1x16xf32> to vector<16xf32>
          %add3A_271 = arith.addf %get3A_266, %get3A_270 : vector<16xf32>
          %get3A_272 = arith.index_cast %add3A_51 : i32 to index
          %get3A_273 = arith.index_cast %mul3A_262 : i32 to index
          %get3A_274 = tpu.vector_load %arg6[%get3A_272, %get3A_273] {strides = array<i32>} : memref<64x128xf32, #tpu.memory_space<vmem>>, vector<1x16xf32>,
          %get3A_275 = vector.shape_cast %get3A_274 : vector<1x16xf32> to vector<16xf32>
          %mul3A_276 = arith.constant 1.000000e-01 : f32
          %mul3A_277 = vector.broadcast %mul3A_276 : f32 to vector<16xf32>
          %mul3A_278 = arith.mulf %mul3A_277, %add3A_271 : vector<16xf32>
          %add3A_279 = arith.addf %get3A_275, %mul3A_278 : vector<16xf32>
          %mul3A_280 = arith.mulf %add3A_279, %broadcast_in_dim3A_54 : vector<16xf32>
          %swap3A = arith.index_cast %add3A_51 : i32 to index
          %swap3A_281 = arith.index_cast %mul3A_262 : i32 to index
          %swap3A_282 = tpu.vector_load %arg6[%swap3A, %swap3A_281] {strides = array<i32>} : memref<64x128xf32, #tpu.memory_space<vmem>>, vector<1x16xf32>,
          %swap3A_283 = vector.shape_cast %swap3A_282 : vector<1x16xf32> to vector<16xf32>
          %swap3A_284 = vector.shape_cast %mul3A_280 : vector<16xf32> to vector<1x16xf32>
          tpu.vector_store %arg6[%swap3A, %swap3A_281], %swap3A_284 {strides = array<i32>} : memref<64x128xf32, #tpu.memory_space<vmem>>, vector<1x16xf32>,
          %scan3A_285 = arith.constant 0 : i32
          scf.yield %scan3A_285 : i32
        }
        %scan3A_61 = arith.constant 8 : i32
        %mul3A_62 = arith.constant 16 : i32
        %mul3A_63 = arith.muli %scan3A_23, %mul3A_62 : i32
        %add3A_64 = arith.constant 2 : i32
        %add3A_65 = arith.addi %mul3A_63, %add3A_64 : i32
        %slice3A_66 = vector.extract_strided_slice %div3A_36 {offsets = [2], sizes = [1], strides = [1]} : vector<16xf32> to vector<1xf32>
        %squeeze3A_67 = vector.extract %slice3A_66[0] : f32 from vector<1xf32>
        %broadcast_in_dim3A_68 = vector.broadcast %squeeze3A_67 : f32 to vector<16xf32>
        %scan3A_69 = arith.constant 0 : i32
        %scan3A_70 = arith.constant 0 : i32
        %scan3A_71 = arith.constant 8 : i32
        %scan3A_72 = arith.addi %scan3A_70, %scan3A_71 : i32
        %scan3A_73 = arith.constant 1 : i32
        %scan3A_74 = scf.for %scan3A_259 = %scan3A_70 to %scan3A_72 step %scan3A_73 iter_args(%scan3A_260 = %scan3A_69) -> (i32)  : i32 {
          %mul3A_261 = arith.constant 16 : i32
          %mul3A_262 = arith.muli %scan3A_259, %mul3A_261 : i32
          %get3A_263 = arith.index_cast %add3A_65 : i32 to index
          %get3A_264 = arith.index_cast %mul3A_262 : i32 to index
          %get3A_265 = tpu.vector_load %arg7[%get3A_263, %get3A_264] {strides = array<i32>} : memref<64x128xf32, #tpu.memory_space<vmem>>, vector<1x16xf32>,
          %get3A_266 = vector.shape_cast %get3A_265 : vector<1x16xf32> to vector<16xf32>
          %get3A_267 = arith.index_cast %add3A_65 : i32 to index
          %get3A_268 = arith.index_cast %mul3A_262 : i32 to index
          %get3A_269 = tpu.vector_load %arg8[%get3A_267, %get3A_268] {strides = array<i32>} : memref<64x128xf32, #tpu.memory_space<vmem>>, vector<1x16xf32>,
          %get3A_270 = vector.shape_cast %get3A_269 : vector<1x16xf32> to vector<16xf32>
          %add3A_271 = arith.addf %get3A_266, %get3A_270 : vector<16xf32>
          %get3A_272 = arith.index_cast %add3A_65 : i32 to index
          %get3A_273 = arith.index_cast %mul3A_262 : i32 to index
          %get3A_274 = tpu.vector_load %arg6[%get3A_272, %get3A_273] {strides = array<i32>} : memref<64x128xf32, #tpu.memory_space<vmem>>, vector<1x16xf32>,
          %get3A_275 = vector.shape_cast %get3A_274 : vector<1x16xf32> to vector<16xf32>
          %mul3A_276 = arith.constant 1.000000e-01 : f32
          %mul3A_277 = vector.broadcast %mul3A_276 : f32 to vector<16xf32>
          %mul3A_278 = arith.mulf %mul3A_277, %add3A_271 : vector<16xf32>
          %add3A_279 = arith.addf %get3A_275, %mul3A_278 : vector<16xf32>
          %mul3A_280 = arith.mulf %add3A_279, %broadcast_in_dim3A_68 : vector<16xf32>
          %swap3A = arith.index_cast %add3A_65 : i32 to index
          %swap3A_281 = arith.index_cast %mul3A_262 : i32 to index
          %swap3A_282 = tpu.vector_load %arg6[%swap3A, %swap3A_281] {strides = array<i32>} : memref<64x128xf32, #tpu.memory_space<vmem>>, vector<1x16xf32>,
          %swap3A_283 = vector.shape_cast %swap3A_282 : vector<1x16xf32> to vector<16xf32>
          %swap3A_284 = vector.shape_cast %mul3A_280 : vector<16xf32> to vector<1x16xf32>
          tpu.vector_store %arg6[%swap3A, %swap3A_281], %swap3A_284 {strides = array<i32>} : memref<64x128xf32, #tpu.memory_space<vmem>>, vector<1x16xf32>,
          %scan3A_285 = arith.constant 0 : i32
          scf.yield %scan3A_285 : i32
        }
        %scan3A_75 = arith.constant 8 : i32
        %mul3A_76 = arith.constant 16 : i32
        %mul3A_77 = arith.muli %scan3A_23, %mul3A_76 : i32
        %add3A_78 = arith.constant 3 : i32
        %add3A_79 = arith.addi %mul3A_77, %add3A_78 : i32
        %slice3A_80 = vector.extract_strided_slice %div3A_36 {offsets = [3], sizes = [1], strides = [1]} : vector<16xf32> to vector<1xf32>
        %squeeze3A_81 = vector.extract %slice3A_80[0] : f32 from vector<1xf32>
        %broadcast_in_dim3A_82 = vector.broadcast %squeeze3A_81 : f32 to vector<16xf32>
        %scan3A_83 = arith.constant 0 : i32
        %scan3A_84 = arith.constant 0 : i32
        %scan3A_85 = arith.constant 8 : i32
        %scan3A_86 = arith.addi %scan3A_84, %scan3A_85 : i32
        %scan3A_87 = arith.constant 1 : i32
        %scan3A_88 = scf.for %scan3A_259 = %scan3A_84 to %scan3A_86 step %scan3A_87 iter_args(%scan3A_260 = %scan3A_83) -> (i32)  : i32 {
          %mul3A_261 = arith.constant 16 : i32
          %mul3A_262 = arith.muli %scan3A_259, %mul3A_261 : i32
          %get3A_263 = arith.index_cast %add3A_79 : i32 to index
          %get3A_264 = arith.index_cast %mul3A_262 : i32 to index
          %get3A_265 = tpu.vector_load %arg7[%get3A_263, %get3A_264] {strides = array<i32>} : memref<64x128xf32, #tpu.memory_space<vmem>>, vector<1x16xf32>,
          %get3A_266 = vector.shape_cast %get3A_265 : vector<1x16xf32> to vector<16xf32>
          %get3A_267 = arith.index_cast %add3A_79 : i32 to index
          %get3A_268 = arith.index_cast %mul3A_262 : i32 to index
          %get3A_269 = tpu.vector_load %arg8[%get3A_267, %get3A_268] {strides = array<i32>} : memref<64x128xf32, #tpu.memory_space<vmem>>, vector<1x16xf32>,
          %get3A_270 = vector.shape_cast %get3A_269 : vector<1x16xf32> to vector<16xf32>
          %add3A_271 = arith.addf %get3A_266, %get3A_270 : vector<16xf32>
          %get3A_272 = arith.index_cast %add3A_79 : i32 to index
          %get3A_273 = arith.index_cast %mul3A_262 : i32 to index
          %get3A_274 = tpu.vector_load %arg6[%get3A_272, %get3A_273] {strides = array<i32>} : memref<64x128xf32, #tpu.memory_space<vmem>>, vector<1x16xf32>,
          %get3A_275 = vector.shape_cast %get3A_274 : vector<1x16xf32> to vector<16xf32>
          %mul3A_276 = arith.constant 1.000000e-01 : f32
          %mul3A_277 = vector.broadcast %mul3A_276 : f32 to vector<16xf32>
          %mul3A_278 = arith.mulf %mul3A_277, %add3A_271 : vector<16xf32>
          %add3A_279 = arith.addf %get3A_275, %mul3A_278 : vector<16xf32>
          %mul3A_280 = arith.mulf %add3A_279, %broadcast_in_dim3A_82 : vector<16xf32>
          %swap3A = arith.index_cast %add3A_79 : i32 to index
          %swap3A_281 = arith.index_cast %mul3A_262 : i32 to index
          %swap3A_282 = tpu.vector_load %arg6[%swap3A, %swap3A_281] {strides = array<i32>} : memref<64x128xf32, #tpu.memory_space<vmem>>, vector<1x16xf32>,
          %swap3A_283 = vector.shape_cast %swap3A_282 : vector<1x16xf32> to vector<16xf32>
          %swap3A_284 = vector.shape_cast %mul3A_280 : vector<16xf32> to vector<1x16xf32>
          tpu.vector_store %arg6[%swap3A, %swap3A_281], %swap3A_284 {strides = array<i32>} : memref<64x128xf32, #tpu.memory_space<vmem>>, vector<1x16xf32>,
          %scan3A_285 = arith.constant 0 : i32
          scf.yield %scan3A_285 : i32
        }
        %scan3A_89 = arith.constant 8 : i32
        %mul3A_90 = arith.constant 16 : i32
        %mul3A_91 = arith.muli %scan3A_23, %mul3A_90 : i32
        %add3A_92 = arith.constant 4 : i32
        %add3A_93 = arith.addi %mul3A_91, %add3A_92 : i32
        %slice3A_94 = vector.extract_strided_slice %div3A_36 {offsets = [4], sizes = [1], strides = [1]} : vector<16xf32> to vector<1xf32>
        %squeeze3A_95 = vector.extract %slice3A_94[0] : f32 from vector<1xf32>
        %broadcast_in_dim3A_96 = vector.broadcast %squeeze3A_95 : f32 to vector<16xf32>
        %scan3A_97 = arith.constant 0 : i32
        %scan3A_98 = arith.constant 0 : i32
        %scan3A_99 = arith.constant 8 : i32
        %scan3A_100 = arith.addi %scan3A_98, %scan3A_99 : i32
        %scan3A_101 = arith.constant 1 : i32
        %scan3A_102 = scf.for %scan3A_259 = %scan3A_98 to %scan3A_100 step %scan3A_101 iter_args(%scan3A_260 = %scan3A_97) -> (i32)  : i32 {
          %mul3A_261 = arith.constant 16 : i32
          %mul3A_262 = arith.muli %scan3A_259, %mul3A_261 : i32
          %get3A_263 = arith.index_cast %add3A_93 : i32 to index
          %get3A_264 = arith.index_cast %mul3A_262 : i32 to index
          %get3A_265 = tpu.vector_load %arg7[%get3A_263, %get3A_264] {strides = array<i32>} : memref<64x128xf32, #tpu.memory_space<vmem>>, vector<1x16xf32>,
          %get3A_266 = vector.shape_cast %get3A_265 : vector<1x16xf32> to vector<16xf32>
          %get3A_267 = arith.index_cast %add3A_93 : i32 to index
          %get3A_268 = arith.index_cast %mul3A_262 : i32 to index
          %get3A_269 = tpu.vector_load %arg8[%get3A_267, %get3A_268] {strides = array<i32>} : memref<64x128xf32, #tpu.memory_space<vmem>>, vector<1x16xf32>,
          %get3A_270 = vector.shape_cast %get3A_269 : vector<1x16xf32> to vector<16xf32>
          %add3A_271 = arith.addf %get3A_266, %get3A_270 : vector<16xf32>
          %get3A_272 = arith.index_cast %add3A_93 : i32 to index
          %get3A_273 = arith.index_cast %mul3A_262 : i32 to index
          %get3A_274 = tpu.vector_load %arg6[%get3A_272, %get3A_273] {strides = array<i32>} : memref<64x128xf32, #tpu.memory_space<vmem>>, vector<1x16xf32>,
          %get3A_275 = vector.shape_cast %get3A_274 : vector<1x16xf32> to vector<16xf32>
          %mul3A_276 = arith.constant 1.000000e-01 : f32
          %mul3A_277 = vector.broadcast %mul3A_276 : f32 to vector<16xf32>
          %mul3A_278 = arith.mulf %mul3A_277, %add3A_271 : vector<16xf32>
          %add3A_279 = arith.addf %get3A_275, %mul3A_278 : vector<16xf32>
          %mul3A_280 = arith.mulf %add3A_279, %broadcast_in_dim3A_96 : vector<16xf32>
          %swap3A = arith.index_cast %add3A_93 : i32 to index
          %swap3A_281 = arith.index_cast %mul3A_262 : i32 to index
          %swap3A_282 = tpu.vector_load %arg6[%swap3A, %swap3A_281] {strides = array<i32>} : memref<64x128xf32, #tpu.memory_space<vmem>>, vector<1x16xf32>,
          %swap3A_283 = vector.shape_cast %swap3A_282 : vector<1x16xf32> to vector<16xf32>
          %swap3A_284 = vector.shape_cast %mul3A_280 : vector<16xf32> to vector<1x16xf32>
          tpu.vector_store %arg6[%swap3A, %swap3A_281], %swap3A_284 {strides = array<i32>} : memref<64x128xf32, #tpu.memory_space<vmem>>, vector<1x16xf32>,
          %scan3A_285 = arith.constant 0 : i32
          scf.yield %scan3A_285 : i32
        }
        %scan3A_103 = arith.constant 8 : i32
        %mul3A_104 = arith.constant 16 : i32
        %mul3A_105 = arith.muli %scan3A_23, %mul3A_104 : i32
        %add3A_106 = arith.constant 5 : i32
        %add3A_107 = arith.addi %mul3A_105, %add3A_106 : i32
        %slice3A_108 = vector.extract_strided_slice %div3A_36 {offsets = [5], sizes = [1], strides = [1]} : vector<16xf32> to vector<1xf32>
        %squeeze3A_109 = vector.extract %slice3A_108[0] : f32 from vector<1xf32>
        %broadcast_in_dim3A_110 = vector.broadcast %squeeze3A_109 : f32 to vector<16xf32>
        %scan3A_111 = arith.constant 0 : i32
        %scan3A_112 = arith.constant 0 : i32
        %scan3A_113 = arith.constant 8 : i32
        %scan3A_114 = arith.addi %scan3A_112, %scan3A_113 : i32
        %scan3A_115 = arith.constant 1 : i32
        %scan3A_116 = scf.for %scan3A_259 = %scan3A_112 to %scan3A_114 step %scan3A_115 iter_args(%scan3A_260 = %scan3A_111) -> (i32)  : i32 {
          %mul3A_261 = arith.constant 16 : i32
          %mul3A_262 = arith.muli %scan3A_259, %mul3A_261 : i32
          %get3A_263 = arith.index_cast %add3A_107 : i32 to index
          %get3A_264 = arith.index_cast %mul3A_262 : i32 to index
          %get3A_265 = tpu.vector_load %arg7[%get3A_263, %get3A_264] {strides = array<i32>} : memref<64x128xf32, #tpu.memory_space<vmem>>, vector<1x16xf32>,
          %get3A_266 = vector.shape_cast %get3A_265 : vector<1x16xf32> to vector<16xf32>
          %get3A_267 = arith.index_cast %add3A_107 : i32 to index
          %get3A_268 = arith.index_cast %mul3A_262 : i32 to index
          %get3A_269 = tpu.vector_load %arg8[%get3A_267, %get3A_268] {strides = array<i32>} : memref<64x128xf32, #tpu.memory_space<vmem>>, vector<1x16xf32>,
          %get3A_270 = vector.shape_cast %get3A_269 : vector<1x16xf32> to vector<16xf32>
          %add3A_271 = arith.addf %get3A_266, %get3A_270 : vector<16xf32>
          %get3A_272 = arith.index_cast %add3A_107 : i32 to index
          %get3A_273 = arith.index_cast %mul3A_262 : i32 to index
          %get3A_274 = tpu.vector_load %arg6[%get3A_272, %get3A_273] {strides = array<i32>} : memref<64x128xf32, #tpu.memory_space<vmem>>, vector<1x16xf32>,
          %get3A_275 = vector.shape_cast %get3A_274 : vector<1x16xf32> to vector<16xf32>
          %mul3A_276 = arith.constant 1.000000e-01 : f32
          %mul3A_277 = vector.broadcast %mul3A_276 : f32 to vector<16xf32>
          %mul3A_278 = arith.mulf %mul3A_277, %add3A_271 : vector<16xf32>
          %add3A_279 = arith.addf %get3A_275, %mul3A_278 : vector<16xf32>
          %mul3A_280 = arith.mulf %add3A_279, %broadcast_in_dim3A_110 : vector<16xf32>
          %swap3A = arith.index_cast %add3A_107 : i32 to index
          %swap3A_281 = arith.index_cast %mul3A_262 : i32 to index
          %swap3A_282 = tpu.vector_load %arg6[%swap3A, %swap3A_281] {strides = array<i32>} : memref<64x128xf32, #tpu.memory_space<vmem>>, vector<1x16xf32>,
          %swap3A_283 = vector.shape_cast %swap3A_282 : vector<1x16xf32> to vector<16xf32>
          %swap3A_284 = vector.shape_cast %mul3A_280 : vector<16xf32> to vector<1x16xf32>
          tpu.vector_store %arg6[%swap3A, %swap3A_281], %swap3A_284 {strides = array<i32>} : memref<64x128xf32, #tpu.memory_space<vmem>>, vector<1x16xf32>,
          %scan3A_285 = arith.constant 0 : i32
          scf.yield %scan3A_285 : i32
        }
        %scan3A_117 = arith.constant 8 : i32
        %mul3A_118 = arith.constant 16 : i32
        %mul3A_119 = arith.muli %scan3A_23, %mul3A_118 : i32
        %add3A_120 = arith.constant 6 : i32
        %add3A_121 = arith.addi %mul3A_119, %add3A_120 : i32
        %slice3A_122 = vector.extract_strided_slice %div3A_36 {offsets = [6], sizes = [1], strides = [1]} : vector<16xf32> to vector<1xf32>
        %squeeze3A_123 = vector.extract %slice3A_122[0] : f32 from vector<1xf32>
        %broadcast_in_dim3A_124 = vector.broadcast %squeeze3A_123 : f32 to vector<16xf32>
        %scan3A_125 = arith.constant 0 : i32
        %scan3A_126 = arith.constant 0 : i32
        %scan3A_127 = arith.constant 8 : i32
        %scan3A_128 = arith.addi %scan3A_126, %scan3A_127 : i32
        %scan3A_129 = arith.constant 1 : i32
        %scan3A_130 = scf.for %scan3A_259 = %scan3A_126 to %scan3A_128 step %scan3A_129 iter_args(%scan3A_260 = %scan3A_125) -> (i32)  : i32 {
          %mul3A_261 = arith.constant 16 : i32
          %mul3A_262 = arith.muli %scan3A_259, %mul3A_261 : i32
          %get3A_263 = arith.index_cast %add3A_121 : i32 to index
          %get3A_264 = arith.index_cast %mul3A_262 : i32 to index
          %get3A_265 = tpu.vector_load %arg7[%get3A_263, %get3A_264] {strides = array<i32>} : memref<64x128xf32, #tpu.memory_space<vmem>>, vector<1x16xf32>,
          %get3A_266 = vector.shape_cast %get3A_265 : vector<1x16xf32> to vector<16xf32>
          %get3A_267 = arith.index_cast %add3A_121 : i32 to index
          %get3A_268 = arith.index_cast %mul3A_262 : i32 to index
          %get3A_269 = tpu.vector_load %arg8[%get3A_267, %get3A_268] {strides = array<i32>} : memref<64x128xf32, #tpu.memory_space<vmem>>, vector<1x16xf32>,
          %get3A_270 = vector.shape_cast %get3A_269 : vector<1x16xf32> to vector<16xf32>
          %add3A_271 = arith.addf %get3A_266, %get3A_270 : vector<16xf32>
          %get3A_272 = arith.index_cast %add3A_121 : i32 to index
          %get3A_273 = arith.index_cast %mul3A_262 : i32 to index
          %get3A_274 = tpu.vector_load %arg6[%get3A_272, %get3A_273] {strides = array<i32>} : memref<64x128xf32, #tpu.memory_space<vmem>>, vector<1x16xf32>,
          %get3A_275 = vector.shape_cast %get3A_274 : vector<1x16xf32> to vector<16xf32>
          %mul3A_276 = arith.constant 1.000000e-01 : f32
          %mul3A_277 = vector.broadcast %mul3A_276 : f32 to vector<16xf32>
          %mul3A_278 = arith.mulf %mul3A_277, %add3A_271 : vector<16xf32>
          %add3A_279 = arith.addf %get3A_275, %mul3A_278 : vector<16xf32>
          %mul3A_280 = arith.mulf %add3A_279, %broadcast_in_dim3A_124 : vector<16xf32>
          %swap3A = arith.index_cast %add3A_121 : i32 to index
          %swap3A_281 = arith.index_cast %mul3A_262 : i32 to index
          %swap3A_282 = tpu.vector_load %arg6[%swap3A, %swap3A_281] {strides = array<i32>} : memref<64x128xf32, #tpu.memory_space<vmem>>, vector<1x16xf32>,
          %swap3A_283 = vector.shape_cast %swap3A_282 : vector<1x16xf32> to vector<16xf32>
          %swap3A_284 = vector.shape_cast %mul3A_280 : vector<16xf32> to vector<1x16xf32>
          tpu.vector_store %arg6[%swap3A, %swap3A_281], %swap3A_284 {strides = array<i32>} : memref<64x128xf32, #tpu.memory_space<vmem>>, vector<1x16xf32>,
          %scan3A_285 = arith.constant 0 : i32
          scf.yield %scan3A_285 : i32
        }
        %scan3A_131 = arith.constant 8 : i32
        %mul3A_132 = arith.constant 16 : i32
        %mul3A_133 = arith.muli %scan3A_23, %mul3A_132 : i32
        %add3A_134 = arith.constant 7 : i32
        %add3A_135 = arith.addi %mul3A_133, %add3A_134 : i32
        %slice3A_136 = vector.extract_strided_slice %div3A_36 {offsets = [7], sizes = [1], strides = [1]} : vector<16xf32> to vector<1xf32>
        %squeeze3A_137 = vector.extract %slice3A_136[0] : f32 from vector<1xf32>
        %broadcast_in_dim3A_138 = vector.broadcast %squeeze3A_137 : f32 to vector<16xf32>
        %scan3A_139 = arith.constant 0 : i32
        %scan3A_140 = arith.constant 0 : i32
        %scan3A_141 = arith.constant 8 : i32
        %scan3A_142 = arith.addi %scan3A_140, %scan3A_141 : i32
        %scan3A_143 = arith.constant 1 : i32
        %scan3A_144 = scf.for %scan3A_259 = %scan3A_140 to %scan3A_142 step %scan3A_143 iter_args(%scan3A_260 = %scan3A_139) -> (i32)  : i32 {
          %mul3A_261 = arith.constant 16 : i32
          %mul3A_262 = arith.muli %scan3A_259, %mul3A_261 : i32
          %get3A_263 = arith.index_cast %add3A_135 : i32 to index
          %get3A_264 = arith.index_cast %mul3A_262 : i32 to index
          %get3A_265 = tpu.vector_load %arg7[%get3A_263, %get3A_264] {strides = array<i32>} : memref<64x128xf32, #tpu.memory_space<vmem>>, vector<1x16xf32>,
          %get3A_266 = vector.shape_cast %get3A_265 : vector<1x16xf32> to vector<16xf32>
          %get3A_267 = arith.index_cast %add3A_135 : i32 to index
          %get3A_268 = arith.index_cast %mul3A_262 : i32 to index
          %get3A_269 = tpu.vector_load %arg8[%get3A_267, %get3A_268] {strides = array<i32>} : memref<64x128xf32, #tpu.memory_space<vmem>>, vector<1x16xf32>,
          %get3A_270 = vector.shape_cast %get3A_269 : vector<1x16xf32> to vector<16xf32>
          %add3A_271 = arith.addf %get3A_266, %get3A_270 : vector<16xf32>
          %get3A_272 = arith.index_cast %add3A_135 : i32 to index
          %get3A_273 = arith.index_cast %mul3A_262 : i32 to index
          %get3A_274 = tpu.vector_load %arg6[%get3A_272, %get3A_273] {strides = array<i32>} : memref<64x128xf32, #tpu.memory_space<vmem>>, vector<1x16xf32>,
          %get3A_275 = vector.shape_cast %get3A_274 : vector<1x16xf32> to vector<16xf32>
          %mul3A_276 = arith.constant 1.000000e-01 : f32
          %mul3A_277 = vector.broadcast %mul3A_276 : f32 to vector<16xf32>
          %mul3A_278 = arith.mulf %mul3A_277, %add3A_271 : vector<16xf32>
          %add3A_279 = arith.addf %get3A_275, %mul3A_278 : vector<16xf32>
          %mul3A_280 = arith.mulf %add3A_279, %broadcast_in_dim3A_138 : vector<16xf32>
          %swap3A = arith.index_cast %add3A_135 : i32 to index
          %swap3A_281 = arith.index_cast %mul3A_262 : i32 to index
          %swap3A_282 = tpu.vector_load %arg6[%swap3A, %swap3A_281] {strides = array<i32>} : memref<64x128xf32, #tpu.memory_space<vmem>>, vector<1x16xf32>,
          %swap3A_283 = vector.shape_cast %swap3A_282 : vector<1x16xf32> to vector<16xf32>
          %swap3A_284 = vector.shape_cast %mul3A_280 : vector<16xf32> to vector<1x16xf32>
          tpu.vector_store %arg6[%swap3A, %swap3A_281], %swap3A_284 {strides = array<i32>} : memref<64x128xf32, #tpu.memory_space<vmem>>, vector<1x16xf32>,
          %scan3A_285 = arith.constant 0 : i32
          scf.yield %scan3A_285 : i32
        }
        %scan3A_145 = arith.constant 8 : i32
        %mul3A_146 = arith.constant 16 : i32
        %mul3A_147 = arith.muli %scan3A_23, %mul3A_146 : i32
        %add3A_148 = arith.constant 8 : i32
        %add3A_149 = arith.addi %mul3A_147, %add3A_148 : i32
        %slice3A_150 = vector.extract_strided_slice %div3A_36 {offsets = [8], sizes = [1], strides = [1]} : vector<16xf32> to vector<1xf32>
        %squeeze3A_151 = vector.extract %slice3A_150[0] : f32 from vector<1xf32>
        %broadcast_in_dim3A_152 = vector.broadcast %squeeze3A_151 : f32 to vector<16xf32>
        %scan3A_153 = arith.constant 0 : i32
        %scan3A_154 = arith.constant 0 : i32
        %scan3A_155 = arith.constant 8 : i32
        %scan3A_156 = arith.addi %scan3A_154, %scan3A_155 : i32
        %scan3A_157 = arith.constant 1 : i32
        %scan3A_158 = scf.for %scan3A_259 = %scan3A_154 to %scan3A_156 step %scan3A_157 iter_args(%scan3A_260 = %scan3A_153) -> (i32)  : i32 {
          %mul3A_261 = arith.constant 16 : i32
          %mul3A_262 = arith.muli %scan3A_259, %mul3A_261 : i32
          %get3A_263 = arith.index_cast %add3A_149 : i32 to index
          %get3A_264 = arith.index_cast %mul3A_262 : i32 to index
          %get3A_265 = tpu.vector_load %arg7[%get3A_263, %get3A_264] {strides = array<i32>} : memref<64x128xf32, #tpu.memory_space<vmem>>, vector<1x16xf32>,
          %get3A_266 = vector.shape_cast %get3A_265 : vector<1x16xf32> to vector<16xf32>
          %get3A_267 = arith.index_cast %add3A_149 : i32 to index
          %get3A_268 = arith.index_cast %mul3A_262 : i32 to index
          %get3A_269 = tpu.vector_load %arg8[%get3A_267, %get3A_268] {strides = array<i32>} : memref<64x128xf32, #tpu.memory_space<vmem>>, vector<1x16xf32>,
          %get3A_270 = vector.shape_cast %get3A_269 : vector<1x16xf32> to vector<16xf32>
          %add3A_271 = arith.addf %get3A_266, %get3A_270 : vector<16xf32>
          %get3A_272 = arith.index_cast %add3A_149 : i32 to index
          %get3A_273 = arith.index_cast %mul3A_262 : i32 to index
          %get3A_274 = tpu.vector_load %arg6[%get3A_272, %get3A_273] {strides = array<i32>} : memref<64x128xf32, #tpu.memory_space<vmem>>, vector<1x16xf32>,
          %get3A_275 = vector.shape_cast %get3A_274 : vector<1x16xf32> to vector<16xf32>
          %mul3A_276 = arith.constant 1.000000e-01 : f32
          %mul3A_277 = vector.broadcast %mul3A_276 : f32 to vector<16xf32>
          %mul3A_278 = arith.mulf %mul3A_277, %add3A_271 : vector<16xf32>
          %add3A_279 = arith.addf %get3A_275, %mul3A_278 : vector<16xf32>
          %mul3A_280 = arith.mulf %add3A_279, %broadcast_in_dim3A_152 : vector<16xf32>
          %swap3A = arith.index_cast %add3A_149 : i32 to index
          %swap3A_281 = arith.index_cast %mul3A_262 : i32 to index
          %swap3A_282 = tpu.vector_load %arg6[%swap3A, %swap3A_281] {strides = array<i32>} : memref<64x128xf32, #tpu.memory_space<vmem>>, vector<1x16xf32>,
          %swap3A_283 = vector.shape_cast %swap3A_282 : vector<1x16xf32> to vector<16xf32>
          %swap3A_284 = vector.shape_cast %mul3A_280 : vector<16xf32> to vector<1x16xf32>
          tpu.vector_store %arg6[%swap3A, %swap3A_281], %swap3A_284 {strides = array<i32>} : memref<64x128xf32, #tpu.memory_space<vmem>>, vector<1x16xf32>,
          %scan3A_285 = arith.constant 0 : i32
          scf.yield %scan3A_285 : i32
        }
        %scan3A_159 = arith.constant 8 : i32
        %mul3A_160 = arith.constant 16 : i32
        %mul3A_161 = arith.muli %scan3A_23, %mul3A_160 : i32
        %add3A_162 = arith.constant 9 : i32
        %add3A_163 = arith.addi %mul3A_161, %add3A_162 : i32
        %slice3A_164 = vector.extract_strided_slice %div3A_36 {offsets = [9], sizes = [1], strides = [1]} : vector<16xf32> to vector<1xf32>
        %squeeze3A_165 = vector.extract %slice3A_164[0] : f32 from vector<1xf32>
        %broadcast_in_dim3A_166 = vector.broadcast %squeeze3A_165 : f32 to vector<16xf32>
        %scan3A_167 = arith.constant 0 : i32
        %scan3A_168 = arith.constant 0 : i32
        %scan3A_169 = arith.constant 8 : i32
        %scan3A_170 = arith.addi %scan3A_168, %scan3A_169 : i32
        %scan3A_171 = arith.constant 1 : i32
        %scan3A_172 = scf.for %scan3A_259 = %scan3A_168 to %scan3A_170 step %scan3A_171 iter_args(%scan3A_260 = %scan3A_167) -> (i32)  : i32 {
          %mul3A_261 = arith.constant 16 : i32
          %mul3A_262 = arith.muli %scan3A_259, %mul3A_261 : i32
          %get3A_263 = arith.index_cast %add3A_163 : i32 to index
          %get3A_264 = arith.index_cast %mul3A_262 : i32 to index
          %get3A_265 = tpu.vector_load %arg7[%get3A_263, %get3A_264] {strides = array<i32>} : memref<64x128xf32, #tpu.memory_space<vmem>>, vector<1x16xf32>,
          %get3A_266 = vector.shape_cast %get3A_265 : vector<1x16xf32> to vector<16xf32>
          %get3A_267 = arith.index_cast %add3A_163 : i32 to index
          %get3A_268 = arith.index_cast %mul3A_262 : i32 to index
          %get3A_269 = tpu.vector_load %arg8[%get3A_267, %get3A_268] {strides = array<i32>} : memref<64x128xf32, #tpu.memory_space<vmem>>, vector<1x16xf32>,
          %get3A_270 = vector.shape_cast %get3A_269 : vector<1x16xf32> to vector<16xf32>
          %add3A_271 = arith.addf %get3A_266, %get3A_270 : vector<16xf32>
          %get3A_272 = arith.index_cast %add3A_163 : i32 to index
          %get3A_273 = arith.index_cast %mul3A_262 : i32 to index
          %get3A_274 = tpu.vector_load %arg6[%get3A_272, %get3A_273] {strides = array<i32>} : memref<64x128xf32, #tpu.memory_space<vmem>>, vector<1x16xf32>,
          %get3A_275 = vector.shape_cast %get3A_274 : vector<1x16xf32> to vector<16xf32>
          %mul3A_276 = arith.constant 1.000000e-01 : f32
          %mul3A_277 = vector.broadcast %mul3A_276 : f32 to vector<16xf32>
          %mul3A_278 = arith.mulf %mul3A_277, %add3A_271 : vector<16xf32>
          %add3A_279 = arith.addf %get3A_275, %mul3A_278 : vector<16xf32>
          %mul3A_280 = arith.mulf %add3A_279, %broadcast_in_dim3A_166 : vector<16xf32>
          %swap3A = arith.index_cast %add3A_163 : i32 to index
          %swap3A_281 = arith.index_cast %mul3A_262 : i32 to index
          %swap3A_282 = tpu.vector_load %arg6[%swap3A, %swap3A_281] {strides = array<i32>} : memref<64x128xf32, #tpu.memory_space<vmem>>, vector<1x16xf32>,
          %swap3A_283 = vector.shape_cast %swap3A_282 : vector<1x16xf32> to vector<16xf32>
          %swap3A_284 = vector.shape_cast %mul3A_280 : vector<16xf32> to vector<1x16xf32>
          tpu.vector_store %arg6[%swap3A, %swap3A_281], %swap3A_284 {strides = array<i32>} : memref<64x128xf32, #tpu.memory_space<vmem>>, vector<1x16xf32>,
          %scan3A_285 = arith.constant 0 : i32
          scf.yield %scan3A_285 : i32
        }
        %scan3A_173 = arith.constant 8 : i32
        %mul3A_174 = arith.constant 16 : i32
        %mul3A_175 = arith.muli %scan3A_23, %mul3A_174 : i32
        %add3A_176 = arith.constant 10 : i32
        %add3A_177 = arith.addi %mul3A_175, %add3A_176 : i32
        %slice3A_178 = vector.extract_strided_slice %div3A_36 {offsets = [10], sizes = [1], strides = [1]} : vector<16xf32> to vector<1xf32>
        %squeeze3A_179 = vector.extract %slice3A_178[0] : f32 from vector<1xf32>
        %broadcast_in_dim3A_180 = vector.broadcast %squeeze3A_179 : f32 to vector<16xf32>
        %scan3A_181 = arith.constant 0 : i32
        %scan3A_182 = arith.constant 0 : i32
        %scan3A_183 = arith.constant 8 : i32
        %scan3A_184 = arith.addi %scan3A_182, %scan3A_183 : i32
        %scan3A_185 = arith.constant 1 : i32
        %scan3A_186 = scf.for %scan3A_259 = %scan3A_182 to %scan3A_184 step %scan3A_185 iter_args(%scan3A_260 = %scan3A_181) -> (i32)  : i32 {
          %mul3A_261 = arith.constant 16 : i32
          %mul3A_262 = arith.muli %scan3A_259, %mul3A_261 : i32
          %get3A_263 = arith.index_cast %add3A_177 : i32 to index
          %get3A_264 = arith.index_cast %mul3A_262 : i32 to index
          %get3A_265 = tpu.vector_load %arg7[%get3A_263, %get3A_264] {strides = array<i32>} : memref<64x128xf32, #tpu.memory_space<vmem>>, vector<1x16xf32>,
          %get3A_266 = vector.shape_cast %get3A_265 : vector<1x16xf32> to vector<16xf32>
          %get3A_267 = arith.index_cast %add3A_177 : i32 to index
          %get3A_268 = arith.index_cast %mul3A_262 : i32 to index
          %get3A_269 = tpu.vector_load %arg8[%get3A_267, %get3A_268] {strides = array<i32>} : memref<64x128xf32, #tpu.memory_space<vmem>>, vector<1x16xf32>,
          %get3A_270 = vector.shape_cast %get3A_269 : vector<1x16xf32> to vector<16xf32>
          %add3A_271 = arith.addf %get3A_266, %get3A_270 : vector<16xf32>
          %get3A_272 = arith.index_cast %add3A_177 : i32 to index
          %get3A_273 = arith.index_cast %mul3A_262 : i32 to index
          %get3A_274 = tpu.vector_load %arg6[%get3A_272, %get3A_273] {strides = array<i32>} : memref<64x128xf32, #tpu.memory_space<vmem>>, vector<1x16xf32>,
          %get3A_275 = vector.shape_cast %get3A_274 : vector<1x16xf32> to vector<16xf32>
          %mul3A_276 = arith.constant 1.000000e-01 : f32
          %mul3A_277 = vector.broadcast %mul3A_276 : f32 to vector<16xf32>
          %mul3A_278 = arith.mulf %mul3A_277, %add3A_271 : vector<16xf32>
          %add3A_279 = arith.addf %get3A_275, %mul3A_278 : vector<16xf32>
          %mul3A_280 = arith.mulf %add3A_279, %broadcast_in_dim3A_180 : vector<16xf32>
          %swap3A = arith.index_cast %add3A_177 : i32 to index
          %swap3A_281 = arith.index_cast %mul3A_262 : i32 to index
          %swap3A_282 = tpu.vector_load %arg6[%swap3A, %swap3A_281] {strides = array<i32>} : memref<64x128xf32, #tpu.memory_space<vmem>>, vector<1x16xf32>,
          %swap3A_283 = vector.shape_cast %swap3A_282 : vector<1x16xf32> to vector<16xf32>
          %swap3A_284 = vector.shape_cast %mul3A_280 : vector<16xf32> to vector<1x16xf32>
          tpu.vector_store %arg6[%swap3A, %swap3A_281], %swap3A_284 {strides = array<i32>} : memref<64x128xf32, #tpu.memory_space<vmem>>, vector<1x16xf32>,
          %scan3A_285 = arith.constant 0 : i32
          scf.yield %scan3A_285 : i32
        }
        %scan3A_187 = arith.constant 8 : i32
        %mul3A_188 = arith.constant 16 : i32
        %mul3A_189 = arith.muli %scan3A_23, %mul3A_188 : i32
        %add3A_190 = arith.constant 11 : i32
        %add3A_191 = arith.addi %mul3A_189, %add3A_190 : i32
        %slice3A_192 = vector.extract_strided_slice %div3A_36 {offsets = [11], sizes = [1], strides = [1]} : vector<16xf32> to vector<1xf32>
        %squeeze3A_193 = vector.extract %slice3A_192[0] : f32 from vector<1xf32>
        %broadcast_in_dim3A_194 = vector.broadcast %squeeze3A_193 : f32 to vector<16xf32>
        %scan3A_195 = arith.constant 0 : i32
        %scan3A_196 = arith.constant 0 : i32
        %scan3A_197 = arith.constant 8 : i32
        %scan3A_198 = arith.addi %scan3A_196, %scan3A_197 : i32
        %scan3A_199 = arith.constant 1 : i32
        %scan3A_200 = scf.for %scan3A_259 = %scan3A_196 to %scan3A_198 step %scan3A_199 iter_args(%scan3A_260 = %scan3A_195) -> (i32)  : i32 {
          %mul3A_261 = arith.constant 16 : i32
          %mul3A_262 = arith.muli %scan3A_259, %mul3A_261 : i32
          %get3A_263 = arith.index_cast %add3A_191 : i32 to index
          %get3A_264 = arith.index_cast %mul3A_262 : i32 to index
          %get3A_265 = tpu.vector_load %arg7[%get3A_263, %get3A_264] {strides = array<i32>} : memref<64x128xf32, #tpu.memory_space<vmem>>, vector<1x16xf32>,
          %get3A_266 = vector.shape_cast %get3A_265 : vector<1x16xf32> to vector<16xf32>
          %get3A_267 = arith.index_cast %add3A_191 : i32 to index
          %get3A_268 = arith.index_cast %mul3A_262 : i32 to index
          %get3A_269 = tpu.vector_load %arg8[%get3A_267, %get3A_268] {strides = array<i32>} : memref<64x128xf32, #tpu.memory_space<vmem>>, vector<1x16xf32>,
          %get3A_270 = vector.shape_cast %get3A_269 : vector<1x16xf32> to vector<16xf32>
          %add3A_271 = arith.addf %get3A_266, %get3A_270 : vector<16xf32>
          %get3A_272 = arith.index_cast %add3A_191 : i32 to index
          %get3A_273 = arith.index_cast %mul3A_262 : i32 to index
          %get3A_274 = tpu.vector_load %arg6[%get3A_272, %get3A_273] {strides = array<i32>} : memref<64x128xf32, #tpu.memory_space<vmem>>, vector<1x16xf32>,
          %get3A_275 = vector.shape_cast %get3A_274 : vector<1x16xf32> to vector<16xf32>
          %mul3A_276 = arith.constant 1.000000e-01 : f32
          %mul3A_277 = vector.broadcast %mul3A_276 : f32 to vector<16xf32>
          %mul3A_278 = arith.mulf %mul3A_277, %add3A_271 : vector<16xf32>
          %add3A_279 = arith.addf %get3A_275, %mul3A_278 : vector<16xf32>
          %mul3A_280 = arith.mulf %add3A_279, %broadcast_in_dim3A_194 : vector<16xf32>
          %swap3A = arith.index_cast %add3A_191 : i32 to index
          %swap3A_281 = arith.index_cast %mul3A_262 : i32 to index
          %swap3A_282 = tpu.vector_load %arg6[%swap3A, %swap3A_281] {strides = array<i32>} : memref<64x128xf32, #tpu.memory_space<vmem>>, vector<1x16xf32>,
          %swap3A_283 = vector.shape_cast %swap3A_282 : vector<1x16xf32> to vector<16xf32>
          %swap3A_284 = vector.shape_cast %mul3A_280 : vector<16xf32> to vector<1x16xf32>
          tpu.vector_store %arg6[%swap3A, %swap3A_281], %swap3A_284 {strides = array<i32>} : memref<64x128xf32, #tpu.memory_space<vmem>>, vector<1x16xf32>,
          %scan3A_285 = arith.constant 0 : i32
          scf.yield %scan3A_285 : i32
        }
        %scan3A_201 = arith.constant 8 : i32
        %mul3A_202 = arith.constant 16 : i32
        %mul3A_203 = arith.muli %scan3A_23, %mul3A_202 : i32
        %add3A_204 = arith.constant 12 : i32
        %add3A_205 = arith.addi %mul3A_203, %add3A_204 : i32
        %slice3A_206 = vector.extract_strided_slice %div3A_36 {offsets = [12], sizes = [1], strides = [1]} : vector<16xf32> to vector<1xf32>
        %squeeze3A_207 = vector.extract %slice3A_206[0] : f32 from vector<1xf32>
        %broadcast_in_dim3A_208 = vector.broadcast %squeeze3A_207 : f32 to vector<16xf32>
        %scan3A_209 = arith.constant 0 : i32
        %scan3A_210 = arith.constant 0 : i32
        %scan3A_211 = arith.constant 8 : i32
        %scan3A_212 = arith.addi %scan3A_210, %scan3A_211 : i32
        %scan3A_213 = arith.constant 1 : i32
        %scan3A_214 = scf.for %scan3A_259 = %scan3A_210 to %scan3A_212 step %scan3A_213 iter_args(%scan3A_260 = %scan3A_209) -> (i32)  : i32 {
          %mul3A_261 = arith.constant 16 : i32
          %mul3A_262 = arith.muli %scan3A_259, %mul3A_261 : i32
          %get3A_263 = arith.index_cast %add3A_205 : i32 to index
          %get3A_264 = arith.index_cast %mul3A_262 : i32 to index
          %get3A_265 = tpu.vector_load %arg7[%get3A_263, %get3A_264] {strides = array<i32>} : memref<64x128xf32, #tpu.memory_space<vmem>>, vector<1x16xf32>,
          %get3A_266 = vector.shape_cast %get3A_265 : vector<1x16xf32> to vector<16xf32>
          %get3A_267 = arith.index_cast %add3A_205 : i32 to index
          %get3A_268 = arith.index_cast %mul3A_262 : i32 to index
          %get3A_269 = tpu.vector_load %arg8[%get3A_267, %get3A_268] {strides = array<i32>} : memref<64x128xf32, #tpu.memory_space<vmem>>, vector<1x16xf32>,
          %get3A_270 = vector.shape_cast %get3A_269 : vector<1x16xf32> to vector<16xf32>
          %add3A_271 = arith.addf %get3A_266, %get3A_270 : vector<16xf32>
          %get3A_272 = arith.index_cast %add3A_205 : i32 to index
          %get3A_273 = arith.index_cast %mul3A_262 : i32 to index
          %get3A_274 = tpu.vector_load %arg6[%get3A_272, %get3A_273] {strides = array<i32>} : memref<64x128xf32, #tpu.memory_space<vmem>>, vector<1x16xf32>,
          %get3A_275 = vector.shape_cast %get3A_274 : vector<1x16xf32> to vector<16xf32>
          %mul3A_276 = arith.constant 1.000000e-01 : f32
          %mul3A_277 = vector.broadcast %mul3A_276 : f32 to vector<16xf32>
          %mul3A_278 = arith.mulf %mul3A_277, %add3A_271 : vector<16xf32>
          %add3A_279 = arith.addf %get3A_275, %mul3A_278 : vector<16xf32>
          %mul3A_280 = arith.mulf %add3A_279, %broadcast_in_dim3A_208 : vector<16xf32>
          %swap3A = arith.index_cast %add3A_205 : i32 to index
          %swap3A_281 = arith.index_cast %mul3A_262 : i32 to index
          %swap3A_282 = tpu.vector_load %arg6[%swap3A, %swap3A_281] {strides = array<i32>} : memref<64x128xf32, #tpu.memory_space<vmem>>, vector<1x16xf32>,
          %swap3A_283 = vector.shape_cast %swap3A_282 : vector<1x16xf32> to vector<16xf32>
          %swap3A_284 = vector.shape_cast %mul3A_280 : vector<16xf32> to vector<1x16xf32>
          tpu.vector_store %arg6[%swap3A, %swap3A_281], %swap3A_284 {strides = array<i32>} : memref<64x128xf32, #tpu.memory_space<vmem>>, vector<1x16xf32>,
          %scan3A_285 = arith.constant 0 : i32
          scf.yield %scan3A_285 : i32
        }
        %scan3A_215 = arith.constant 8 : i32
        %mul3A_216 = arith.constant 16 : i32
        %mul3A_217 = arith.muli %scan3A_23, %mul3A_216 : i32
        %add3A_218 = arith.constant 13 : i32
        %add3A_219 = arith.addi %mul3A_217, %add3A_218 : i32
        %slice3A_220 = vector.extract_strided_slice %div3A_36 {offsets = [13], sizes = [1], strides = [1]} : vector<16xf32> to vector<1xf32>
        %squeeze3A_221 = vector.extract %slice3A_220[0] : f32 from vector<1xf32>
        %broadcast_in_dim3A_222 = vector.broadcast %squeeze3A_221 : f32 to vector<16xf32>
        %scan3A_223 = arith.constant 0 : i32
        %scan3A_224 = arith.constant 0 : i32
        %scan3A_225 = arith.constant 8 : i32
        %scan3A_226 = arith.addi %scan3A_224, %scan3A_225 : i32
        %scan3A_227 = arith.constant 1 : i32
        %scan3A_228 = scf.for %scan3A_259 = %scan3A_224 to %scan3A_226 step %scan3A_227 iter_args(%scan3A_260 = %scan3A_223) -> (i32)  : i32 {
          %mul3A_261 = arith.constant 16 : i32
          %mul3A_262 = arith.muli %scan3A_259, %mul3A_261 : i32
          %get3A_263 = arith.index_cast %add3A_219 : i32 to index
          %get3A_264 = arith.index_cast %mul3A_262 : i32 to index
          %get3A_265 = tpu.vector_load %arg7[%get3A_263, %get3A_264] {strides = array<i32>} : memref<64x128xf32, #tpu.memory_space<vmem>>, vector<1x16xf32>,
          %get3A_266 = vector.shape_cast %get3A_265 : vector<1x16xf32> to vector<16xf32>
          %get3A_267 = arith.index_cast %add3A_219 : i32 to index
          %get3A_268 = arith.index_cast %mul3A_262 : i32 to index
          %get3A_269 = tpu.vector_load %arg8[%get3A_267, %get3A_268] {strides = array<i32>} : memref<64x128xf32, #tpu.memory_space<vmem>>, vector<1x16xf32>,
          %get3A_270 = vector.shape_cast %get3A_269 : vector<1x16xf32> to vector<16xf32>
          %add3A_271 = arith.addf %get3A_266, %get3A_270 : vector<16xf32>
          %get3A_272 = arith.index_cast %add3A_219 : i32 to index
          %get3A_273 = arith.index_cast %mul3A_262 : i32 to index
          %get3A_274 = tpu.vector_load %arg6[%get3A_272, %get3A_273] {strides = array<i32>} : memref<64x128xf32, #tpu.memory_space<vmem>>, vector<1x16xf32>,
          %get3A_275 = vector.shape_cast %get3A_274 : vector<1x16xf32> to vector<16xf32>
          %mul3A_276 = arith.constant 1.000000e-01 : f32
          %mul3A_277 = vector.broadcast %mul3A_276 : f32 to vector<16xf32>
          %mul3A_278 = arith.mulf %mul3A_277, %add3A_271 : vector<16xf32>
          %add3A_279 = arith.addf %get3A_275, %mul3A_278 : vector<16xf32>
          %mul3A_280 = arith.mulf %add3A_279, %broadcast_in_dim3A_222 : vector<16xf32>
          %swap3A = arith.index_cast %add3A_219 : i32 to index
          %swap3A_281 = arith.index_cast %mul3A_262 : i32 to index
          %swap3A_282 = tpu.vector_load %arg6[%swap3A, %swap3A_281] {strides = array<i32>} : memref<64x128xf32, #tpu.memory_space<vmem>>, vector<1x16xf32>,
          %swap3A_283 = vector.shape_cast %swap3A_282 : vector<1x16xf32> to vector<16xf32>
          %swap3A_284 = vector.shape_cast %mul3A_280 : vector<16xf32> to vector<1x16xf32>
          tpu.vector_store %arg6[%swap3A, %swap3A_281], %swap3A_284 {strides = array<i32>} : memref<64x128xf32, #tpu.memory_space<vmem>>, vector<1x16xf32>,
          %scan3A_285 = arith.constant 0 : i32
          scf.yield %scan3A_285 : i32
        }
        %scan3A_229 = arith.constant 8 : i32
        %mul3A_230 = arith.constant 16 : i32
        %mul3A_231 = arith.muli %scan3A_23, %mul3A_230 : i32
        %add3A_232 = arith.constant 14 : i32
        %add3A_233 = arith.addi %mul3A_231, %add3A_232 : i32
        %slice3A_234 = vector.extract_strided_slice %div3A_36 {offsets = [14], sizes = [1], strides = [1]} : vector<16xf32> to vector<1xf32>
        %squeeze3A_235 = vector.extract %slice3A_234[0] : f32 from vector<1xf32>
        %broadcast_in_dim3A_236 = vector.broadcast %squeeze3A_235 : f32 to vector<16xf32>
        %scan3A_237 = arith.constant 0 : i32
        %scan3A_238 = arith.constant 0 : i32
        %scan3A_239 = arith.constant 8 : i32
        %scan3A_240 = arith.addi %scan3A_238, %scan3A_239 : i32
        %scan3A_241 = arith.constant 1 : i32
        %scan3A_242 = scf.for %scan3A_259 = %scan3A_238 to %scan3A_240 step %scan3A_241 iter_args(%scan3A_260 = %scan3A_237) -> (i32)  : i32 {
          %mul3A_261 = arith.constant 16 : i32
          %mul3A_262 = arith.muli %scan3A_259, %mul3A_261 : i32
          %get3A_263 = arith.index_cast %add3A_233 : i32 to index
          %get3A_264 = arith.index_cast %mul3A_262 : i32 to index
          %get3A_265 = tpu.vector_load %arg7[%get3A_263, %get3A_264] {strides = array<i32>} : memref<64x128xf32, #tpu.memory_space<vmem>>, vector<1x16xf32>,
          %get3A_266 = vector.shape_cast %get3A_265 : vector<1x16xf32> to vector<16xf32>
          %get3A_267 = arith.index_cast %add3A_233 : i32 to index
          %get3A_268 = arith.index_cast %mul3A_262 : i32 to index
          %get3A_269 = tpu.vector_load %arg8[%get3A_267, %get3A_268] {strides = array<i32>} : memref<64x128xf32, #tpu.memory_space<vmem>>, vector<1x16xf32>,
          %get3A_270 = vector.shape_cast %get3A_269 : vector<1x16xf32> to vector<16xf32>
          %add3A_271 = arith.addf %get3A_266, %get3A_270 : vector<16xf32>
          %get3A_272 = arith.index_cast %add3A_233 : i32 to index
          %get3A_273 = arith.index_cast %mul3A_262 : i32 to index
          %get3A_274 = tpu.vector_load %arg6[%get3A_272, %get3A_273] {strides = array<i32>} : memref<64x128xf32, #tpu.memory_space<vmem>>, vector<1x16xf32>,
          %get3A_275 = vector.shape_cast %get3A_274 : vector<1x16xf32> to vector<16xf32>
          %mul3A_276 = arith.constant 1.000000e-01 : f32
          %mul3A_277 = vector.broadcast %mul3A_276 : f32 to vector<16xf32>
          %mul3A_278 = arith.mulf %mul3A_277, %add3A_271 : vector<16xf32>
          %add3A_279 = arith.addf %get3A_275, %mul3A_278 : vector<16xf32>
          %mul3A_280 = arith.mulf %add3A_279, %broadcast_in_dim3A_236 : vector<16xf32>
          %swap3A = arith.index_cast %add3A_233 : i32 to index
          %swap3A_281 = arith.index_cast %mul3A_262 : i32 to index
          %swap3A_282 = tpu.vector_load %arg6[%swap3A, %swap3A_281] {strides = array<i32>} : memref<64x128xf32, #tpu.memory_space<vmem>>, vector<1x16xf32>,
          %swap3A_283 = vector.shape_cast %swap3A_282 : vector<1x16xf32> to vector<16xf32>
          %swap3A_284 = vector.shape_cast %mul3A_280 : vector<16xf32> to vector<1x16xf32>
          tpu.vector_store %arg6[%swap3A, %swap3A_281], %swap3A_284 {strides = array<i32>} : memref<64x128xf32, #tpu.memory_space<vmem>>, vector<1x16xf32>,
          %scan3A_285 = arith.constant 0 : i32
          scf.yield %scan3A_285 : i32
        }
        %scan3A_243 = arith.constant 8 : i32
        %mul3A_244 = arith.constant 16 : i32
        %mul3A_245 = arith.muli %scan3A_23, %mul3A_244 : i32
        %add3A_246 = arith.constant 15 : i32
        %add3A_247 = arith.addi %mul3A_245, %add3A_246 : i32
        %slice3A_248 = vector.extract_strided_slice %div3A_36 {offsets = [15], sizes = [1], strides = [1]} : vector<16xf32> to vector<1xf32>
        %squeeze3A_249 = vector.extract %slice3A_248[0] : f32 from vector<1xf32>
        %broadcast_in_dim3A_250 = vector.broadcast %squeeze3A_249 : f32 to vector<16xf32>
        %scan3A_251 = arith.constant 0 : i32
        %scan3A_252 = arith.constant 0 : i32
        %scan3A_253 = arith.constant 8 : i32
        %scan3A_254 = arith.addi %scan3A_252, %scan3A_253 : i32
        %scan3A_255 = arith.constant 1 : i32
        %scan3A_256 = scf.for %scan3A_259 = %scan3A_252 to %scan3A_254 step %scan3A_255 iter_args(%scan3A_260 = %scan3A_251) -> (i32)  : i32 {
          %mul3A_261 = arith.constant 16 : i32
          %mul3A_262 = arith.muli %scan3A_259, %mul3A_261 : i32
          %get3A_263 = arith.index_cast %add3A_247 : i32 to index
          %get3A_264 = arith.index_cast %mul3A_262 : i32 to index
          %get3A_265 = tpu.vector_load %arg7[%get3A_263, %get3A_264] {strides = array<i32>} : memref<64x128xf32, #tpu.memory_space<vmem>>, vector<1x16xf32>,
          %get3A_266 = vector.shape_cast %get3A_265 : vector<1x16xf32> to vector<16xf32>
          %get3A_267 = arith.index_cast %add3A_247 : i32 to index
          %get3A_268 = arith.index_cast %mul3A_262 : i32 to index
          %get3A_269 = tpu.vector_load %arg8[%get3A_267, %get3A_268] {strides = array<i32>} : memref<64x128xf32, #tpu.memory_space<vmem>>, vector<1x16xf32>,
          %get3A_270 = vector.shape_cast %get3A_269 : vector<1x16xf32> to vector<16xf32>
          %add3A_271 = arith.addf %get3A_266, %get3A_270 : vector<16xf32>
          %get3A_272 = arith.index_cast %add3A_247 : i32 to index
          %get3A_273 = arith.index_cast %mul3A_262 : i32 to index
          %get3A_274 = tpu.vector_load %arg6[%get3A_272, %get3A_273] {strides = array<i32>} : memref<64x128xf32, #tpu.memory_space<vmem>>, vector<1x16xf32>,
          %get3A_275 = vector.shape_cast %get3A_274 : vector<1x16xf32> to vector<16xf32>
          %mul3A_276 = arith.constant 1.000000e-01 : f32
          %mul3A_277 = vector.broadcast %mul3A_276 : f32 to vector<16xf32>
          %mul3A_278 = arith.mulf %mul3A_277, %add3A_271 : vector<16xf32>
          %add3A_279 = arith.addf %get3A_275, %mul3A_278 : vector<16xf32>
          %mul3A_280 = arith.mulf %add3A_279, %broadcast_in_dim3A_250 : vector<16xf32>
          %swap3A = arith.index_cast %add3A_247 : i32 to index
          %swap3A_281 = arith.index_cast %mul3A_262 : i32 to index
          %swap3A_282 = tpu.vector_load %arg6[%swap3A, %swap3A_281] {strides = array<i32>} : memref<64x128xf32, #tpu.memory_space<vmem>>, vector<1x16xf32>,
          %swap3A_283 = vector.shape_cast %swap3A_282 : vector<1x16xf32> to vector<16xf32>
          %swap3A_284 = vector.shape_cast %mul3A_280 : vector<16xf32> to vector<1x16xf32>
          tpu.vector_store %arg6[%swap3A, %swap3A_281], %swap3A_284 {strides = array<i32>} : memref<64x128xf32, #tpu.memory_space<vmem>>, vector<1x16xf32>,
          %scan3A_285 = arith.constant 0 : i32
          scf.yield %scan3A_285 : i32
        }
        %scan3A_257 = arith.constant 8 : i32
        %scan3A_258 = arith.constant 0 : i32
        scf.yield %scan3A_258 : i32
      }
      %scan3A_21 = arith.constant 4 : i32
      "tpu.region"() ({
        %run_scoped3A_23 = tpu.sem_alloc : memref<!tpu.dma_semaphore, #tpu.memory_space<semaphore_mem>>
        %dma_start3A = arith.constant 0 : i32
        %dma_start3A_24 = tpu.memref_slice %arg5[%mul3A_13, %dma_start3A] : memref<10240x128xf32, #tpu.memory_space<hbm>> -> memref<64x128xf32, #tpu.memory_space<hbm>>
        %dma_start3A_25 = arith.constant 0 : i32
        %dma_start3A_26 = tpu.memref_slice %arg5[%mul3A_13, %dma_start3A_25] : memref<10240x128xf32, #tpu.memory_space<hbm>> -> memref<64x128xf32, #tpu.memory_space<hbm>>
        tpu.enqueue_dma source(%arg6 : memref<64x128xf32, #tpu.memory_space<vmem>>) target(%dma_start3A_26 : memref<64x128xf32, #tpu.memory_space<hbm>>) target_semaphore(%run_scoped3A_23 : memref<!tpu.dma_semaphore, #tpu.memory_space<semaphore_mem>>)
        %dma_wait3A = arith.constant 0 : i32
        %dma_wait3A_27 = tpu.memref_slice %arg5[%mul3A_13, %dma_wait3A] : memref<10240x128xf32, #tpu.memory_space<hbm>> -> memref<64x128xf32, #tpu.memory_space<hbm>>
        %dma_wait3A_28 = arith.constant 0 : i32
        %dma_wait3A_29 = tpu.memref_slice %arg5[%mul3A_13, %dma_wait3A_28] : memref<10240x128xf32, #tpu.memory_space<hbm>> -> memref<64x128xf32, #tpu.memory_space<hbm>>
        tpu.wait_dma2 semaphore(%run_scoped3A_23 : memref<!tpu.dma_semaphore, #tpu.memory_space<semaphore_mem>>) src(%arg6 : memref<64x128xf32, #tpu.memory_space<vmem>>) dst(%dma_wait3A_29 : memref<64x128xf32, #tpu.memory_space<hbm>>)
        tpu.yield
      }) : () -> ()
      %scan3A_22 = arith.constant 0 : i32
      scf.yield %scan3A_22 : i32
    }
    %scan3A_6 = arith.constant 5 : i32
    return
  }
}

#map = affine_map<(d0, d1) -> (0, 0)>
#map1 = affine_map<(d0, d1) -> (0, 0, 0)>
#map2 = affine_map<(d0, d1) -> (0)>
module attributes {stable_mosaic.version = 14 : i64} {
  func.func @combine(%arg0: i32, %arg1: i32, %arg2: memref<10240x128xf32, #tpu.memory_space<hbm>>, %arg3: memref<2x10240x128xf32, #tpu.memory_space<hbm>>, %arg4: memref<10240xf32, #tpu.memory_space<hbm>>, %arg5: memref<10240x128xf32, #tpu.memory_space<hbm>>, %arg6: memref<64x128xf32, #tpu.memory_space<vmem>>, %arg7: memref<64x128xf32, #tpu.memory_space<vmem>>, %arg8: memref<64x128xf32, #tpu.memory_space<vmem>>, %arg9: memref<64xf32, #tpu.memory_space<vmem>>) attributes {dimension_semantics = [#tpu.dimension_semantics<core_parallel>, #tpu.dimension_semantics<subcore_parallel>], iteration_bounds = array<i64: 2, 16>, scalar_prefetch = 0 : i64, scratch_operands = 4 : i64, tpu.core_type = #tpu.core_type<sc_vector_subcore>, window_params = [{transform_indices = #map}, {transform_indices = #map1}, {transform_indices = #map2}, {transform_indices = #map}]} {
    %mul3A = arith.constant 16 : i32
    %mul3A_0 = arith.muli %arg0, %mul3A : i32
    %add3A = arith.addi %mul3A_0, %arg1 : i32
    %scan3A = arith.constant 0 : i32
    %scan3A_1 = arith.constant 0 : i32
    %scan3A_2 = arith.constant 5 : i32
    %scan3A_3 = arith.addi %scan3A_1, %scan3A_2 : i32
    %scan3A_4 = arith.constant 1 : i32
    %scan3A_5 = scf.for %scan3A_7 = %scan3A_1 to %scan3A_3 step %scan3A_4 iter_args(%scan3A_8 = %scan3A) -> (i32)  : i32 {
      %mul3A_9 = arith.constant 5 : i32
      %mul3A_10 = arith.muli %add3A, %mul3A_9 : i32
      %add3A_11 = arith.addi %mul3A_10, %scan3A_7 : i32
      %mul3A_12 = arith.constant 64 : i32
      %mul3A_13 = arith.muli %add3A_11, %mul3A_12 : i32
      "tpu.region"() ({
        %run_scoped3A_23 = tpu.sem_alloc : memref<!tpu.dma_semaphore, #tpu.memory_space<semaphore_mem>>
        %dma_start3A = arith.constant 0 : i32
        %dma_start3A_24 = tpu.memref_slice %arg2[%mul3A_13, %dma_start3A] : memref<10240x128xf32, #tpu.memory_space<hbm>> -> memref<64x128xf32, #tpu.memory_space<hbm>>
        %dma_start3A_25 = arith.constant 0 : i32
        %dma_start3A_26 = tpu.memref_slice %arg2[%mul3A_13, %dma_start3A_25] : memref<10240x128xf32, #tpu.memory_space<hbm>> -> memref<64x128xf32, #tpu.memory_space<hbm>>
        tpu.enqueue_dma source(%dma_start3A_26 : memref<64x128xf32, #tpu.memory_space<hbm>>) target(%arg6 : memref<64x128xf32, #tpu.memory_space<vmem>>) target_semaphore(%run_scoped3A_23 : memref<!tpu.dma_semaphore, #tpu.memory_space<semaphore_mem>>)
        %dma_wait3A = arith.constant 0 : i32
        %dma_wait3A_27 = tpu.memref_slice %arg2[%mul3A_13, %dma_wait3A] : memref<10240x128xf32, #tpu.memory_space<hbm>> -> memref<64x128xf32, #tpu.memory_space<hbm>>
        %dma_wait3A_28 = arith.constant 0 : i32
        %dma_wait3A_29 = tpu.memref_slice %arg2[%mul3A_13, %dma_wait3A_28] : memref<10240x128xf32, #tpu.memory_space<hbm>> -> memref<64x128xf32, #tpu.memory_space<hbm>>
        tpu.wait_dma2 semaphore(%run_scoped3A_23 : memref<!tpu.dma_semaphore, #tpu.memory_space<semaphore_mem>>) src(%dma_wait3A_29 : memref<64x128xf32, #tpu.memory_space<hbm>>) dst(%arg6 : memref<64x128xf32, #tpu.memory_space<vmem>>)
        tpu.yield
      }) : () -> ()
      %run_scoped3A = arith.constant 0 : i32
      "tpu.region"() ({
        %run_scoped3A_23 = tpu.sem_alloc : memref<!tpu.dma_semaphore, #tpu.memory_space<semaphore_mem>>
        %dma_start3A = arith.constant 0 : i32
        %dma_start3A_24 = tpu.memref_slice %arg3[%run_scoped3A, %mul3A_13, %dma_start3A] : memref<2x10240x128xf32, #tpu.memory_space<hbm>> -> memref<1x64x128xf32, #tpu.memory_space<hbm>>
        %dma_start3A_25 = tpu.memref_squeeze %dma_start3A_24 : memref<1x64x128xf32, #tpu.memory_space<hbm>> -> memref<64x128xf32, #tpu.memory_space<hbm>>
        %dma_start3A_26 = arith.constant 0 : i32
        %dma_start3A_27 = tpu.memref_slice %arg3[%run_scoped3A, %mul3A_13, %dma_start3A_26] : memref<2x10240x128xf32, #tpu.memory_space<hbm>> -> memref<1x64x128xf32, #tpu.memory_space<hbm>>
        %dma_start3A_28 = tpu.memref_squeeze %dma_start3A_27 : memref<1x64x128xf32, #tpu.memory_space<hbm>> -> memref<64x128xf32, #tpu.memory_space<hbm>>
        tpu.enqueue_dma source(%dma_start3A_28 : memref<64x128xf32, #tpu.memory_space<hbm>>) target(%arg7 : memref<64x128xf32, #tpu.memory_space<vmem>>) target_semaphore(%run_scoped3A_23 : memref<!tpu.dma_semaphore, #tpu.memory_space<semaphore_mem>>)
        %dma_wait3A = arith.constant 0 : i32
        %dma_wait3A_29 = tpu.memref_slice %arg3[%run_scoped3A, %mul3A_13, %dma_wait3A] : memref<2x10240x128xf32, #tpu.memory_space<hbm>> -> memref<1x64x128xf32, #tpu.memory_space<hbm>>
        %dma_wait3A_30 = tpu.memref_squeeze %dma_wait3A_29 : memref<1x64x128xf32, #tpu.memory_space<hbm>> -> memref<64x128xf32, #tpu.memory_space<hbm>>
        %dma_wait3A_31 = arith.constant 0 : i32
        %dma_wait3A_32 = tpu.memref_slice %arg3[%run_scoped3A, %mul3A_13, %dma_wait3A_31] : memref<2x10240x128xf32, #tpu.memory_space<hbm>> -> memref<1x64x128xf32, #tpu.memory_space<hbm>>
        %dma_wait3A_33 = tpu.memref_squeeze %dma_wait3A_32 : memref<1x64x128xf32, #tpu.memory_space<hbm>> -> memref<64x128xf32, #tpu.memory_space<hbm>>
        tpu.wait_dma2 semaphore(%run_scoped3A_23 : memref<!tpu.dma_semaphore, #tpu.memory_space<semaphore_mem>>) src(%dma_wait3A_33 : memref<64x128xf32, #tpu.memory_space<hbm>>) dst(%arg7 : memref<64x128xf32, #tpu.memory_space<vmem>>)
        tpu.yield
      }) : () -> ()
      %run_scoped3A_14 = arith.constant 1 : i32
      "tpu.region"() ({
        %run_scoped3A_23 = tpu.sem_alloc : memref<!tpu.dma_semaphore, #tpu.memory_space<semaphore_mem>>
        %dma_start3A = arith.constant 0 : i32
        %dma_start3A_24 = tpu.memref_slice %arg3[%run_scoped3A_14, %mul3A_13, %dma_start3A] : memref<2x10240x128xf32, #tpu.memory_space<hbm>> -> memref<1x64x128xf32, #tpu.memory_space<hbm>>
        %dma_start3A_25 = tpu.memref_squeeze %dma_start3A_24 : memref<1x64x128xf32, #tpu.memory_space<hbm>> -> memref<64x128xf32, #tpu.memory_space<hbm>>
        %dma_start3A_26 = arith.constant 0 : i32
        %dma_start3A_27 = tpu.memref_slice %arg3[%run_scoped3A_14, %mul3A_13, %dma_start3A_26] : memref<2x10240x128xf32, #tpu.memory_space<hbm>> -> memref<1x64x128xf32, #tpu.memory_space<hbm>>
        %dma_start3A_28 = tpu.memref_squeeze %dma_start3A_27 : memref<1x64x128xf32, #tpu.memory_space<hbm>> -> memref<64x128xf32, #tpu.memory_space<hbm>>
        tpu.enqueue_dma source(%dma_start3A_28 : memref<64x128xf32, #tpu.memory_space<hbm>>) target(%arg8 : memref<64x128xf32, #tpu.memory_space<vmem>>) target_semaphore(%run_scoped3A_23 : memref<!tpu.dma_semaphore, #tpu.memory_space<semaphore_mem>>)
        %dma_wait3A = arith.constant 0 : i32
        %dma_wait3A_29 = tpu.memref_slice %arg3[%run_scoped3A_14, %mul3A_13, %dma_wait3A] : memref<2x10240x128xf32, #tpu.memory_space<hbm>> -> memref<1x64x128xf32, #tpu.memory_space<hbm>>
        %dma_wait3A_30 = tpu.memref_squeeze %dma_wait3A_29 : memref<1x64x128xf32, #tpu.memory_space<hbm>> -> memref<64x128xf32, #tpu.memory_space<hbm>>
        %dma_wait3A_31 = arith.constant 0 : i32
        %dma_wait3A_32 = tpu.memref_slice %arg3[%run_scoped3A_14, %mul3A_13, %dma_wait3A_31] : memref<2x10240x128xf32, #tpu.memory_space<hbm>> -> memref<1x64x128xf32, #tpu.memory_space<hbm>>
        %dma_wait3A_33 = tpu.memref_squeeze %dma_wait3A_32 : memref<1x64x128xf32, #tpu.memory_space<hbm>> -> memref<64x128xf32, #tpu.memory_space<hbm>>
        tpu.wait_dma2 semaphore(%run_scoped3A_23 : memref<!tpu.dma_semaphore, #tpu.memory_space<semaphore_mem>>) src(%dma_wait3A_33 : memref<64x128xf32, #tpu.memory_space<hbm>>) dst(%arg8 : memref<64x128xf32, #tpu.memory_space<vmem>>)
        tpu.yield
      }) : () -> ()
      "tpu.region"() ({
        %run_scoped3A_23 = tpu.sem_alloc : memref<!tpu.dma_semaphore, #tpu.memory_space<semaphore_mem>>
        %dma_start3A = tpu.memref_slice %arg4[%mul3A_13] : memref<10240xf32, #tpu.memory_space<hbm>> -> memref<64xf32, #tpu.memory_space<hbm>>
        %dma_start3A_24 = tpu.memref_slice %arg4[%mul3A_13] : memref<10240xf32, #tpu.memory_space<hbm>> -> memref<64xf32, #tpu.memory_space<hbm>>
        tpu.enqueue_dma source(%dma_start3A_24 : memref<64xf32, #tpu.memory_space<hbm>>) target(%arg9 : memref<64xf32, #tpu.memory_space<vmem>>) target_semaphore(%run_scoped3A_23 : memref<!tpu.dma_semaphore, #tpu.memory_space<semaphore_mem>>)
        %dma_wait3A = tpu.memref_slice %arg4[%mul3A_13] : memref<10240xf32, #tpu.memory_space<hbm>> -> memref<64xf32, #tpu.memory_space<hbm>>
        %dma_wait3A_25 = tpu.memref_slice %arg4[%mul3A_13] : memref<10240xf32, #tpu.memory_space<hbm>> -> memref<64xf32, #tpu.memory_space<hbm>>
        tpu.wait_dma2 semaphore(%run_scoped3A_23 : memref<!tpu.dma_semaphore, #tpu.memory_space<semaphore_mem>>) src(%dma_wait3A_25 : memref<64xf32, #tpu.memory_space<hbm>>) dst(%arg9 : memref<64xf32, #tpu.memory_space<vmem>>)
        tpu.yield
      }) : () -> ()
      %scan3A_15 = arith.constant 0 : i32
      %scan3A_16 = arith.constant 0 : i32
      %scan3A_17 = arith.constant 4 : i32
      %scan3A_18 = arith.addi %scan3A_16, %scan3A_17 : i32
      %scan3A_19 = arith.constant 1 : i32
      %scan3A_20 = scf.for %scan3A_23 = %scan3A_16 to %scan3A_18 step %scan3A_19 iter_args(%scan3A_24 = %scan3A_15) -> (i32)  : i32 {
        %mul3A_25 = arith.constant 16 : i32
        %mul3A_26 = arith.muli %scan3A_23, %mul3A_25 : i32
        %get3A = arith.index_cast %mul3A_26 : i32 to index
        %get3A_27 = tpu.vector_load %arg9[%get3A] {strides = array<i32>} : memref<64xf32, #tpu.memory_space<vmem>>, vector<16xf32>,
        %get3A_28 = vector.shape_cast %get3A_27 : vector<16xf32> to vector<16xf32>
        %mul3A_29 = arith.constant 1.000000e-01 : f32
        %mul3A_30 = vector.broadcast %mul3A_29 : f32 to vector<16xf32>
        %mul3A_31 = arith.mulf %mul3A_30, %get3A_28 : vector<16xf32>
        %add3A_32 = arith.constant 1.000000e+00 : f32
        %add3A_33 = vector.broadcast %add3A_32 : f32 to vector<16xf32>
        %add3A_34 = arith.addf %add3A_33, %mul3A_31 : vector<16xf32>
        %div3A = arith.constant 1.000000e+00 : f32
        %div3A_35 = vector.broadcast %div3A : f32 to vector<16xf32>
        %div3A_36 = arith.divf %div3A_35, %add3A_34 : vector<16xf32>
        %mul3A_37 = arith.constant 16 : i32
        %mul3A_38 = arith.muli %scan3A_23, %mul3A_37 : i32
        %add3A_39 = arith.constant 0 : i32
        %add3A_40 = arith.addi %mul3A_38, %add3A_39 : i32
        %slice3A = vector.extract_strided_slice %div3A_36 {offsets = [0], sizes = [1], strides = [1]} : vector<16xf32> to vector<1xf32>
        %squeeze3A = vector.extract %slice3A[0] : f32 from vector<1xf32>
        %broadcast_in_dim3A = vector.broadcast %squeeze3A : f32 to vector<16xf32>
        %scan3A_41 = arith.constant 0 : i32
        %scan3A_42 = arith.constant 0 : i32
        %scan3A_43 = arith.constant 8 : i32
        %scan3A_44 = arith.addi %scan3A_42, %scan3A_43 : i32
        %scan3A_45 = arith.constant 1 : i32
        %scan3A_46 = scf.for %scan3A_259 = %scan3A_42 to %scan3A_44 step %scan3A_45 iter_args(%scan3A_260 = %scan3A_41) -> (i32)  : i32 {
          %mul3A_261 = arith.constant 16 : i32
          %mul3A_262 = arith.muli %scan3A_259, %mul3A_261 : i32
          %get3A_263 = arith.index_cast %add3A_40 : i32 to index
          %get3A_264 = arith.index_cast %mul3A_262 : i32 to index
          %get3A_265 = tpu.vector_load %arg7[%get3A_263, %get3A_264] {strides = array<i32>} : memref<64x128xf32, #tpu.memory_space<vmem>>, vector<1x16xf32>,
          %get3A_266 = vector.shape_cast %get3A_265 : vector<1x16xf32> to vector<16xf32>
          %get3A_267 = arith.index_cast %add3A_40 : i32 to index
          %get3A_268 = arith.index_cast %mul3A_262 : i32 to index
          %get3A_269 = tpu.vector_load %arg8[%get3A_267, %get3A_268] {strides = array<i32>} : memref<64x128xf32, #tpu.memory_space<vmem>>, vector<1x16xf32>,
          %get3A_270 = vector.shape_cast %get3A_269 : vector<1x16xf32> to vector<16xf32>
          %add3A_271 = arith.addf %get3A_266, %get3A_270 : vector<16xf32>
          %get3A_272 = arith.index_cast %add3A_40 : i32 to index
          %get3A_273 = arith.index_cast %mul3A_262 : i32 to index
          %get3A_274 = tpu.vector_load %arg6[%get3A_272, %get3A_273] {strides = array<i32>} : memref<64x128xf32, #tpu.memory_space<vmem>>, vector<1x16xf32>,
          %get3A_275 = vector.shape_cast %get3A_274 : vector<1x16xf32> to vector<16xf32>
          %mul3A_276 = arith.constant 1.000000e-01 : f32
          %mul3A_277 = vector.broadcast %mul3A_276 : f32 to vector<16xf32>
          %mul3A_278 = arith.mulf %mul3A_277, %add3A_271 : vector<16xf32>
          %add3A_279 = arith.addf %get3A_275, %mul3A_278 : vector<16xf32>
          %mul3A_280 = arith.mulf %add3A_279, %broadcast_in_dim3A : vector<16xf32>
          %swap3A = arith.index_cast %add3A_40 : i32 to index
          %swap3A_281 = arith.index_cast %mul3A_262 : i32 to index
          %swap3A_282 = tpu.vector_load %arg6[%swap3A, %swap3A_281] {strides = array<i32>} : memref<64x128xf32, #tpu.memory_space<vmem>>, vector<1x16xf32>,
          %swap3A_283 = vector.shape_cast %swap3A_282 : vector<1x16xf32> to vector<16xf32>
          %swap3A_284 = vector.shape_cast %mul3A_280 : vector<16xf32> to vector<1x16xf32>
          tpu.vector_store %arg6[%swap3A, %swap3A_281], %swap3A_284 {strides = array<i32>} : memref<64x128xf32, #tpu.memory_space<vmem>>, vector<1x16xf32>,
          %scan3A_285 = arith.constant 0 : i32
          scf.yield %scan3A_285 : i32
        }
        %scan3A_47 = arith.constant 8 : i32
        %mul3A_48 = arith.constant 16 : i32
        %mul3A_49 = arith.muli %scan3A_23, %mul3A_48 : i32
        %add3A_50 = arith.constant 1 : i32
        %add3A_51 = arith.addi %mul3A_49, %add3A_50 : i32
        %slice3A_52 = vector.extract_strided_slice %div3A_36 {offsets = [1], sizes = [1], strides = [1]} : vector<16xf32> to vector<1xf32>
        %squeeze3A_53 = vector.extract %slice3A_52[0] : f32 from vector<1xf32>
        %broadcast_in_dim3A_54 = vector.broadcast %squeeze3A_53 : f32 to vector<16xf32>
        %scan3A_55 = arith.constant 0 : i32
        %scan3A_56 = arith.constant 0 : i32
        %scan3A_57 = arith.constant 8 : i32
        %scan3A_58 = arith.addi %scan3A_56, %scan3A_57 : i32
        %scan3A_59 = arith.constant 1 : i32
        %scan3A_60 = scf.for %scan3A_259 = %scan3A_56 to %scan3A_58 step %scan3A_59 iter_args(%scan3A_260 = %scan3A_55) -> (i32)  : i32 {
          %mul3A_261 = arith.constant 16 : i32
          %mul3A_262 = arith.muli %scan3A_259, %mul3A_261 : i32
          %get3A_263 = arith.index_cast %add3A_51 : i32 to index
          %get3A_264 = arith.index_cast %mul3A_262 : i32 to index
          %get3A_265 = tpu.vector_load %arg7[%get3A_263, %get3A_264] {strides = array<i32>} : memref<64x128xf32, #tpu.memory_space<vmem>>, vector<1x16xf32>,
          %get3A_266 = vector.shape_cast %get3A_265 : vector<1x16xf32> to vector<16xf32>
          %get3A_267 = arith.index_cast %add3A_51 : i32 to index
          %get3A_268 = arith.index_cast %mul3A_262 : i32 to index
          %get3A_269 = tpu.vector_load %arg8[%get3A_267, %get3A_268] {strides = array<i32>} : memref<64x128xf32, #tpu.memory_space<vmem>>, vector<1x16xf32>,
          %get3A_270 = vector.shape_cast %get3A_269 : vector<1x16xf32> to vector<16xf32>
          %add3A_271 = arith.addf %get3A_266, %get3A_270 : vector<16xf32>
          %get3A_272 = arith.index_cast %add3A_51 : i32 to index
          %get3A_273 = arith.index_cast %mul3A_262 : i32 to index
          %get3A_274 = tpu.vector_load %arg6[%get3A_272, %get3A_273] {strides = array<i32>} : memref<64x128xf32, #tpu.memory_space<vmem>>, vector<1x16xf32>,
          %get3A_275 = vector.shape_cast %get3A_274 : vector<1x16xf32> to vector<16xf32>
          %mul3A_276 = arith.constant 1.000000e-01 : f32
          %mul3A_277 = vector.broadcast %mul3A_276 : f32 to vector<16xf32>
          %mul3A_278 = arith.mulf %mul3A_277, %add3A_271 : vector<16xf32>
          %add3A_279 = arith.addf %get3A_275, %mul3A_278 : vector<16xf32>
          %mul3A_280 = arith.mulf %add3A_279, %broadcast_in_dim3A_54 : vector<16xf32>
          %swap3A = arith.index_cast %add3A_51 : i32 to index
          %swap3A_281 = arith.index_cast %mul3A_262 : i32 to index
          %swap3A_282 = tpu.vector_load %arg6[%swap3A, %swap3A_281] {strides = array<i32>} : memref<64x128xf32, #tpu.memory_space<vmem>>, vector<1x16xf32>,
          %swap3A_283 = vector.shape_cast %swap3A_282 : vector<1x16xf32> to vector<16xf32>
          %swap3A_284 = vector.shape_cast %mul3A_280 : vector<16xf32> to vector<1x16xf32>
          tpu.vector_store %arg6[%swap3A, %swap3A_281], %swap3A_284 {strides = array<i32>} : memref<64x128xf32, #tpu.memory_space<vmem>>, vector<1x16xf32>,
          %scan3A_285 = arith.constant 0 : i32
          scf.yield %scan3A_285 : i32
        }
        %scan3A_61 = arith.constant 8 : i32
        %mul3A_62 = arith.constant 16 : i32
        %mul3A_63 = arith.muli %scan3A_23, %mul3A_62 : i32
        %add3A_64 = arith.constant 2 : i32
        %add3A_65 = arith.addi %mul3A_63, %add3A_64 : i32
        %slice3A_66 = vector.extract_strided_slice %div3A_36 {offsets = [2], sizes = [1], strides = [1]} : vector<16xf32> to vector<1xf32>
        %squeeze3A_67 = vector.extract %slice3A_66[0] : f32 from vector<1xf32>
        %broadcast_in_dim3A_68 = vector.broadcast %squeeze3A_67 : f32 to vector<16xf32>
        %scan3A_69 = arith.constant 0 : i32
        %scan3A_70 = arith.constant 0 : i32
        %scan3A_71 = arith.constant 8 : i32
        %scan3A_72 = arith.addi %scan3A_70, %scan3A_71 : i32
        %scan3A_73 = arith.constant 1 : i32
        %scan3A_74 = scf.for %scan3A_259 = %scan3A_70 to %scan3A_72 step %scan3A_73 iter_args(%scan3A_260 = %scan3A_69) -> (i32)  : i32 {
          %mul3A_261 = arith.constant 16 : i32
          %mul3A_262 = arith.muli %scan3A_259, %mul3A_261 : i32
          %get3A_263 = arith.index_cast %add3A_65 : i32 to index
          %get3A_264 = arith.index_cast %mul3A_262 : i32 to index
          %get3A_265 = tpu.vector_load %arg7[%get3A_263, %get3A_264] {strides = array<i32>} : memref<64x128xf32, #tpu.memory_space<vmem>>, vector<1x16xf32>,
          %get3A_266 = vector.shape_cast %get3A_265 : vector<1x16xf32> to vector<16xf32>
          %get3A_267 = arith.index_cast %add3A_65 : i32 to index
          %get3A_268 = arith.index_cast %mul3A_262 : i32 to index
          %get3A_269 = tpu.vector_load %arg8[%get3A_267, %get3A_268] {strides = array<i32>} : memref<64x128xf32, #tpu.memory_space<vmem>>, vector<1x16xf32>,
          %get3A_270 = vector.shape_cast %get3A_269 : vector<1x16xf32> to vector<16xf32>
          %add3A_271 = arith.addf %get3A_266, %get3A_270 : vector<16xf32>
          %get3A_272 = arith.index_cast %add3A_65 : i32 to index
          %get3A_273 = arith.index_cast %mul3A_262 : i32 to index
          %get3A_274 = tpu.vector_load %arg6[%get3A_272, %get3A_273] {strides = array<i32>} : memref<64x128xf32, #tpu.memory_space<vmem>>, vector<1x16xf32>,
          %get3A_275 = vector.shape_cast %get3A_274 : vector<1x16xf32> to vector<16xf32>
          %mul3A_276 = arith.constant 1.000000e-01 : f32
          %mul3A_277 = vector.broadcast %mul3A_276 : f32 to vector<16xf32>
          %mul3A_278 = arith.mulf %mul3A_277, %add3A_271 : vector<16xf32>
          %add3A_279 = arith.addf %get3A_275, %mul3A_278 : vector<16xf32>
          %mul3A_280 = arith.mulf %add3A_279, %broadcast_in_dim3A_68 : vector<16xf32>
          %swap3A = arith.index_cast %add3A_65 : i32 to index
          %swap3A_281 = arith.index_cast %mul3A_262 : i32 to index
          %swap3A_282 = tpu.vector_load %arg6[%swap3A, %swap3A_281] {strides = array<i32>} : memref<64x128xf32, #tpu.memory_space<vmem>>, vector<1x16xf32>,
          %swap3A_283 = vector.shape_cast %swap3A_282 : vector<1x16xf32> to vector<16xf32>
          %swap3A_284 = vector.shape_cast %mul3A_280 : vector<16xf32> to vector<1x16xf32>
          tpu.vector_store %arg6[%swap3A, %swap3A_281], %swap3A_284 {strides = array<i32>} : memref<64x128xf32, #tpu.memory_space<vmem>>, vector<1x16xf32>,
          %scan3A_285 = arith.constant 0 : i32
          scf.yield %scan3A_285 : i32
        }
        %scan3A_75 = arith.constant 8 : i32
        %mul3A_76 = arith.constant 16 : i32
        %mul3A_77 = arith.muli %scan3A_23, %mul3A_76 : i32
        %add3A_78 = arith.constant 3 : i32
        %add3A_79 = arith.addi %mul3A_77, %add3A_78 : i32
        %slice3A_80 = vector.extract_strided_slice %div3A_36 {offsets = [3], sizes = [1], strides = [1]} : vector<16xf32> to vector<1xf32>
        %squeeze3A_81 = vector.extract %slice3A_80[0] : f32 from vector<1xf32>
        %broadcast_in_dim3A_82 = vector.broadcast %squeeze3A_81 : f32 to vector<16xf32>
        %scan3A_83 = arith.constant 0 : i32
        %scan3A_84 = arith.constant 0 : i32
        %scan3A_85 = arith.constant 8 : i32
        %scan3A_86 = arith.addi %scan3A_84, %scan3A_85 : i32
        %scan3A_87 = arith.constant 1 : i32
        %scan3A_88 = scf.for %scan3A_259 = %scan3A_84 to %scan3A_86 step %scan3A_87 iter_args(%scan3A_260 = %scan3A_83) -> (i32)  : i32 {
          %mul3A_261 = arith.constant 16 : i32
          %mul3A_262 = arith.muli %scan3A_259, %mul3A_261 : i32
          %get3A_263 = arith.index_cast %add3A_79 : i32 to index
          %get3A_264 = arith.index_cast %mul3A_262 : i32 to index
          %get3A_265 = tpu.vector_load %arg7[%get3A_263, %get3A_264] {strides = array<i32>} : memref<64x128xf32, #tpu.memory_space<vmem>>, vector<1x16xf32>,
          %get3A_266 = vector.shape_cast %get3A_265 : vector<1x16xf32> to vector<16xf32>
          %get3A_267 = arith.index_cast %add3A_79 : i32 to index
          %get3A_268 = arith.index_cast %mul3A_262 : i32 to index
          %get3A_269 = tpu.vector_load %arg8[%get3A_267, %get3A_268] {strides = array<i32>} : memref<64x128xf32, #tpu.memory_space<vmem>>, vector<1x16xf32>,
          %get3A_270 = vector.shape_cast %get3A_269 : vector<1x16xf32> to vector<16xf32>
          %add3A_271 = arith.addf %get3A_266, %get3A_270 : vector<16xf32>
          %get3A_272 = arith.index_cast %add3A_79 : i32 to index
          %get3A_273 = arith.index_cast %mul3A_262 : i32 to index
          %get3A_274 = tpu.vector_load %arg6[%get3A_272, %get3A_273] {strides = array<i32>} : memref<64x128xf32, #tpu.memory_space<vmem>>, vector<1x16xf32>,
          %get3A_275 = vector.shape_cast %get3A_274 : vector<1x16xf32> to vector<16xf32>
          %mul3A_276 = arith.constant 1.000000e-01 : f32
          %mul3A_277 = vector.broadcast %mul3A_276 : f32 to vector<16xf32>
          %mul3A_278 = arith.mulf %mul3A_277, %add3A_271 : vector<16xf32>
          %add3A_279 = arith.addf %get3A_275, %mul3A_278 : vector<16xf32>
          %mul3A_280 = arith.mulf %add3A_279, %broadcast_in_dim3A_82 : vector<16xf32>
          %swap3A = arith.index_cast %add3A_79 : i32 to index
          %swap3A_281 = arith.index_cast %mul3A_262 : i32 to index
          %swap3A_282 = tpu.vector_load %arg6[%swap3A, %swap3A_281] {strides = array<i32>} : memref<64x128xf32, #tpu.memory_space<vmem>>, vector<1x16xf32>,
          %swap3A_283 = vector.shape_cast %swap3A_282 : vector<1x16xf32> to vector<16xf32>
          %swap3A_284 = vector.shape_cast %mul3A_280 : vector<16xf32> to vector<1x16xf32>
          tpu.vector_store %arg6[%swap3A, %swap3A_281], %swap3A_284 {strides = array<i32>} : memref<64x128xf32, #tpu.memory_space<vmem>>, vector<1x16xf32>,
          %scan3A_285 = arith.constant 0 : i32
          scf.yield %scan3A_285 : i32
        }
        %scan3A_89 = arith.constant 8 : i32
        %mul3A_90 = arith.constant 16 : i32
        %mul3A_91 = arith.muli %scan3A_23, %mul3A_90 : i32
        %add3A_92 = arith.constant 4 : i32
        %add3A_93 = arith.addi %mul3A_91, %add3A_92 : i32
        %slice3A_94 = vector.extract_strided_slice %div3A_36 {offsets = [4], sizes = [1], strides = [1]} : vector<16xf32> to vector<1xf32>
        %squeeze3A_95 = vector.extract %slice3A_94[0] : f32 from vector<1xf32>
        %broadcast_in_dim3A_96 = vector.broadcast %squeeze3A_95 : f32 to vector<16xf32>
        %scan3A_97 = arith.constant 0 : i32
        %scan3A_98 = arith.constant 0 : i32
        %scan3A_99 = arith.constant 8 : i32
        %scan3A_100 = arith.addi %scan3A_98, %scan3A_99 : i32
        %scan3A_101 = arith.constant 1 : i32
        %scan3A_102 = scf.for %scan3A_259 = %scan3A_98 to %scan3A_100 step %scan3A_101 iter_args(%scan3A_260 = %scan3A_97) -> (i32)  : i32 {
          %mul3A_261 = arith.constant 16 : i32
          %mul3A_262 = arith.muli %scan3A_259, %mul3A_261 : i32
          %get3A_263 = arith.index_cast %add3A_93 : i32 to index
          %get3A_264 = arith.index_cast %mul3A_262 : i32 to index
          %get3A_265 = tpu.vector_load %arg7[%get3A_263, %get3A_264] {strides = array<i32>} : memref<64x128xf32, #tpu.memory_space<vmem>>, vector<1x16xf32>,
          %get3A_266 = vector.shape_cast %get3A_265 : vector<1x16xf32> to vector<16xf32>
          %get3A_267 = arith.index_cast %add3A_93 : i32 to index
          %get3A_268 = arith.index_cast %mul3A_262 : i32 to index
          %get3A_269 = tpu.vector_load %arg8[%get3A_267, %get3A_268] {strides = array<i32>} : memref<64x128xf32, #tpu.memory_space<vmem>>, vector<1x16xf32>,
          %get3A_270 = vector.shape_cast %get3A_269 : vector<1x16xf32> to vector<16xf32>
          %add3A_271 = arith.addf %get3A_266, %get3A_270 : vector<16xf32>
          %get3A_272 = arith.index_cast %add3A_93 : i32 to index
          %get3A_273 = arith.index_cast %mul3A_262 : i32 to index
          %get3A_274 = tpu.vector_load %arg6[%get3A_272, %get3A_273] {strides = array<i32>} : memref<64x128xf32, #tpu.memory_space<vmem>>, vector<1x16xf32>,
          %get3A_275 = vector.shape_cast %get3A_274 : vector<1x16xf32> to vector<16xf32>
          %mul3A_276 = arith.constant 1.000000e-01 : f32
          %mul3A_277 = vector.broadcast %mul3A_276 : f32 to vector<16xf32>
          %mul3A_278 = arith.mulf %mul3A_277, %add3A_271 : vector<16xf32>
          %add3A_279 = arith.addf %get3A_275, %mul3A_278 : vector<16xf32>
          %mul3A_280 = arith.mulf %add3A_279, %broadcast_in_dim3A_96 : vector<16xf32>
          %swap3A = arith.index_cast %add3A_93 : i32 to index
          %swap3A_281 = arith.index_cast %mul3A_262 : i32 to index
          %swap3A_282 = tpu.vector_load %arg6[%swap3A, %swap3A_281] {strides = array<i32>} : memref<64x128xf32, #tpu.memory_space<vmem>>, vector<1x16xf32>,
          %swap3A_283 = vector.shape_cast %swap3A_282 : vector<1x16xf32> to vector<16xf32>
          %swap3A_284 = vector.shape_cast %mul3A_280 : vector<16xf32> to vector<1x16xf32>
          tpu.vector_store %arg6[%swap3A, %swap3A_281], %swap3A_284 {strides = array<i32>} : memref<64x128xf32, #tpu.memory_space<vmem>>, vector<1x16xf32>,
          %scan3A_285 = arith.constant 0 : i32
          scf.yield %scan3A_285 : i32
        }
        %scan3A_103 = arith.constant 8 : i32
        %mul3A_104 = arith.constant 16 : i32
        %mul3A_105 = arith.muli %scan3A_23, %mul3A_104 : i32
        %add3A_106 = arith.constant 5 : i32
        %add3A_107 = arith.addi %mul3A_105, %add3A_106 : i32
        %slice3A_108 = vector.extract_strided_slice %div3A_36 {offsets = [5], sizes = [1], strides = [1]} : vector<16xf32> to vector<1xf32>
        %squeeze3A_109 = vector.extract %slice3A_108[0] : f32 from vector<1xf32>
        %broadcast_in_dim3A_110 = vector.broadcast %squeeze3A_109 : f32 to vector<16xf32>
        %scan3A_111 = arith.constant 0 : i32
        %scan3A_112 = arith.constant 0 : i32
        %scan3A_113 = arith.constant 8 : i32
        %scan3A_114 = arith.addi %scan3A_112, %scan3A_113 : i32
        %scan3A_115 = arith.constant 1 : i32
        %scan3A_116 = scf.for %scan3A_259 = %scan3A_112 to %scan3A_114 step %scan3A_115 iter_args(%scan3A_260 = %scan3A_111) -> (i32)  : i32 {
          %mul3A_261 = arith.constant 16 : i32
          %mul3A_262 = arith.muli %scan3A_259, %mul3A_261 : i32
          %get3A_263 = arith.index_cast %add3A_107 : i32 to index
          %get3A_264 = arith.index_cast %mul3A_262 : i32 to index
          %get3A_265 = tpu.vector_load %arg7[%get3A_263, %get3A_264] {strides = array<i32>} : memref<64x128xf32, #tpu.memory_space<vmem>>, vector<1x16xf32>,
          %get3A_266 = vector.shape_cast %get3A_265 : vector<1x16xf32> to vector<16xf32>
          %get3A_267 = arith.index_cast %add3A_107 : i32 to index
          %get3A_268 = arith.index_cast %mul3A_262 : i32 to index
          %get3A_269 = tpu.vector_load %arg8[%get3A_267, %get3A_268] {strides = array<i32>} : memref<64x128xf32, #tpu.memory_space<vmem>>, vector<1x16xf32>,
          %get3A_270 = vector.shape_cast %get3A_269 : vector<1x16xf32> to vector<16xf32>
          %add3A_271 = arith.addf %get3A_266, %get3A_270 : vector<16xf32>
          %get3A_272 = arith.index_cast %add3A_107 : i32 to index
          %get3A_273 = arith.index_cast %mul3A_262 : i32 to index
          %get3A_274 = tpu.vector_load %arg6[%get3A_272, %get3A_273] {strides = array<i32>} : memref<64x128xf32, #tpu.memory_space<vmem>>, vector<1x16xf32>,
          %get3A_275 = vector.shape_cast %get3A_274 : vector<1x16xf32> to vector<16xf32>
          %mul3A_276 = arith.constant 1.000000e-01 : f32
          %mul3A_277 = vector.broadcast %mul3A_276 : f32 to vector<16xf32>
          %mul3A_278 = arith.mulf %mul3A_277, %add3A_271 : vector<16xf32>
          %add3A_279 = arith.addf %get3A_275, %mul3A_278 : vector<16xf32>
          %mul3A_280 = arith.mulf %add3A_279, %broadcast_in_dim3A_110 : vector<16xf32>
          %swap3A = arith.index_cast %add3A_107 : i32 to index
          %swap3A_281 = arith.index_cast %mul3A_262 : i32 to index
          %swap3A_282 = tpu.vector_load %arg6[%swap3A, %swap3A_281] {strides = array<i32>} : memref<64x128xf32, #tpu.memory_space<vmem>>, vector<1x16xf32>,
          %swap3A_283 = vector.shape_cast %swap3A_282 : vector<1x16xf32> to vector<16xf32>
          %swap3A_284 = vector.shape_cast %mul3A_280 : vector<16xf32> to vector<1x16xf32>
          tpu.vector_store %arg6[%swap3A, %swap3A_281], %swap3A_284 {strides = array<i32>} : memref<64x128xf32, #tpu.memory_space<vmem>>, vector<1x16xf32>,
          %scan3A_285 = arith.constant 0 : i32
          scf.yield %scan3A_285 : i32
        }
        %scan3A_117 = arith.constant 8 : i32
        %mul3A_118 = arith.constant 16 : i32
        %mul3A_119 = arith.muli %scan3A_23, %mul3A_118 : i32
        %add3A_120 = arith.constant 6 : i32
        %add3A_121 = arith.addi %mul3A_119, %add3A_120 : i32
        %slice3A_122 = vector.extract_strided_slice %div3A_36 {offsets = [6], sizes = [1], strides = [1]} : vector<16xf32> to vector<1xf32>
        %squeeze3A_123 = vector.extract %slice3A_122[0] : f32 from vector<1xf32>
        %broadcast_in_dim3A_124 = vector.broadcast %squeeze3A_123 : f32 to vector<16xf32>
        %scan3A_125 = arith.constant 0 : i32
        %scan3A_126 = arith.constant 0 : i32
        %scan3A_127 = arith.constant 8 : i32
        %scan3A_128 = arith.addi %scan3A_126, %scan3A_127 : i32
        %scan3A_129 = arith.constant 1 : i32
        %scan3A_130 = scf.for %scan3A_259 = %scan3A_126 to %scan3A_128 step %scan3A_129 iter_args(%scan3A_260 = %scan3A_125) -> (i32)  : i32 {
          %mul3A_261 = arith.constant 16 : i32
          %mul3A_262 = arith.muli %scan3A_259, %mul3A_261 : i32
          %get3A_263 = arith.index_cast %add3A_121 : i32 to index
          %get3A_264 = arith.index_cast %mul3A_262 : i32 to index
          %get3A_265 = tpu.vector_load %arg7[%get3A_263, %get3A_264] {strides = array<i32>} : memref<64x128xf32, #tpu.memory_space<vmem>>, vector<1x16xf32>,
          %get3A_266 = vector.shape_cast %get3A_265 : vector<1x16xf32> to vector<16xf32>
          %get3A_267 = arith.index_cast %add3A_121 : i32 to index
          %get3A_268 = arith.index_cast %mul3A_262 : i32 to index
          %get3A_269 = tpu.vector_load %arg8[%get3A_267, %get3A_268] {strides = array<i32>} : memref<64x128xf32, #tpu.memory_space<vmem>>, vector<1x16xf32>,
          %get3A_270 = vector.shape_cast %get3A_269 : vector<1x16xf32> to vector<16xf32>
          %add3A_271 = arith.addf %get3A_266, %get3A_270 : vector<16xf32>
          %get3A_272 = arith.index_cast %add3A_121 : i32 to index
          %get3A_273 = arith.index_cast %mul3A_262 : i32 to index
          %get3A_274 = tpu.vector_load %arg6[%get3A_272, %get3A_273] {strides = array<i32>} : memref<64x128xf32, #tpu.memory_space<vmem>>, vector<1x16xf32>,
          %get3A_275 = vector.shape_cast %get3A_274 : vector<1x16xf32> to vector<16xf32>
          %mul3A_276 = arith.constant 1.000000e-01 : f32
          %mul3A_277 = vector.broadcast %mul3A_276 : f32 to vector<16xf32>
          %mul3A_278 = arith.mulf %mul3A_277, %add3A_271 : vector<16xf32>
          %add3A_279 = arith.addf %get3A_275, %mul3A_278 : vector<16xf32>
          %mul3A_280 = arith.mulf %add3A_279, %broadcast_in_dim3A_124 : vector<16xf32>
          %swap3A = arith.index_cast %add3A_121 : i32 to index
          %swap3A_281 = arith.index_cast %mul3A_262 : i32 to index
          %swap3A_282 = tpu.vector_load %arg6[%swap3A, %swap3A_281] {strides = array<i32>} : memref<64x128xf32, #tpu.memory_space<vmem>>, vector<1x16xf32>,
          %swap3A_283 = vector.shape_cast %swap3A_282 : vector<1x16xf32> to vector<16xf32>
          %swap3A_284 = vector.shape_cast %mul3A_280 : vector<16xf32> to vector<1x16xf32>
          tpu.vector_store %arg6[%swap3A, %swap3A_281], %swap3A_284 {strides = array<i32>} : memref<64x128xf32, #tpu.memory_space<vmem>>, vector<1x16xf32>,
          %scan3A_285 = arith.constant 0 : i32
          scf.yield %scan3A_285 : i32
        }
        %scan3A_131 = arith.constant 8 : i32
        %mul3A_132 = arith.constant 16 : i32
        %mul3A_133 = arith.muli %scan3A_23, %mul3A_132 : i32
        %add3A_134 = arith.constant 7 : i32
        %add3A_135 = arith.addi %mul3A_133, %add3A_134 : i32
        %slice3A_136 = vector.extract_strided_slice %div3A_36 {offsets = [7], sizes = [1], strides = [1]} : vector<16xf32> to vector<1xf32>
        %squeeze3A_137 = vector.extract %slice3A_136[0] : f32 from vector<1xf32>
        %broadcast_in_dim3A_138 = vector.broadcast %squeeze3A_137 : f32 to vector<16xf32>
        %scan3A_139 = arith.constant 0 : i32
        %scan3A_140 = arith.constant 0 : i32
        %scan3A_141 = arith.constant 8 : i32
        %scan3A_142 = arith.addi %scan3A_140, %scan3A_141 : i32
        %scan3A_143 = arith.constant 1 : i32
        %scan3A_144 = scf.for %scan3A_259 = %scan3A_140 to %scan3A_142 step %scan3A_143 iter_args(%scan3A_260 = %scan3A_139) -> (i32)  : i32 {
          %mul3A_261 = arith.constant 16 : i32
          %mul3A_262 = arith.muli %scan3A_259, %mul3A_261 : i32
          %get3A_263 = arith.index_cast %add3A_135 : i32 to index
          %get3A_264 = arith.index_cast %mul3A_262 : i32 to index
          %get3A_265 = tpu.vector_load %arg7[%get3A_263, %get3A_264] {strides = array<i32>} : memref<64x128xf32, #tpu.memory_space<vmem>>, vector<1x16xf32>,
          %get3A_266 = vector.shape_cast %get3A_265 : vector<1x16xf32> to vector<16xf32>
          %get3A_267 = arith.index_cast %add3A_135 : i32 to index
          %get3A_268 = arith.index_cast %mul3A_262 : i32 to index
          %get3A_269 = tpu.vector_load %arg8[%get3A_267, %get3A_268] {strides = array<i32>} : memref<64x128xf32, #tpu.memory_space<vmem>>, vector<1x16xf32>,
          %get3A_270 = vector.shape_cast %get3A_269 : vector<1x16xf32> to vector<16xf32>
          %add3A_271 = arith.addf %get3A_266, %get3A_270 : vector<16xf32>
          %get3A_272 = arith.index_cast %add3A_135 : i32 to index
          %get3A_273 = arith.index_cast %mul3A_262 : i32 to index
          %get3A_274 = tpu.vector_load %arg6[%get3A_272, %get3A_273] {strides = array<i32>} : memref<64x128xf32, #tpu.memory_space<vmem>>, vector<1x16xf32>,
          %get3A_275 = vector.shape_cast %get3A_274 : vector<1x16xf32> to vector<16xf32>
          %mul3A_276 = arith.constant 1.000000e-01 : f32
          %mul3A_277 = vector.broadcast %mul3A_276 : f32 to vector<16xf32>
          %mul3A_278 = arith.mulf %mul3A_277, %add3A_271 : vector<16xf32>
          %add3A_279 = arith.addf %get3A_275, %mul3A_278 : vector<16xf32>
          %mul3A_280 = arith.mulf %add3A_279, %broadcast_in_dim3A_138 : vector<16xf32>
          %swap3A = arith.index_cast %add3A_135 : i32 to index
          %swap3A_281 = arith.index_cast %mul3A_262 : i32 to index
          %swap3A_282 = tpu.vector_load %arg6[%swap3A, %swap3A_281] {strides = array<i32>} : memref<64x128xf32, #tpu.memory_space<vmem>>, vector<1x16xf32>,
          %swap3A_283 = vector.shape_cast %swap3A_282 : vector<1x16xf32> to vector<16xf32>
          %swap3A_284 = vector.shape_cast %mul3A_280 : vector<16xf32> to vector<1x16xf32>
          tpu.vector_store %arg6[%swap3A, %swap3A_281], %swap3A_284 {strides = array<i32>} : memref<64x128xf32, #tpu.memory_space<vmem>>, vector<1x16xf32>,
          %scan3A_285 = arith.constant 0 : i32
          scf.yield %scan3A_285 : i32
        }
        %scan3A_145 = arith.constant 8 : i32
        %mul3A_146 = arith.constant 16 : i32
        %mul3A_147 = arith.muli %scan3A_23, %mul3A_146 : i32
        %add3A_148 = arith.constant 8 : i32
        %add3A_149 = arith.addi %mul3A_147, %add3A_148 : i32
        %slice3A_150 = vector.extract_strided_slice %div3A_36 {offsets = [8], sizes = [1], strides = [1]} : vector<16xf32> to vector<1xf32>
        %squeeze3A_151 = vector.extract %slice3A_150[0] : f32 from vector<1xf32>
        %broadcast_in_dim3A_152 = vector.broadcast %squeeze3A_151 : f32 to vector<16xf32>
        %scan3A_153 = arith.constant 0 : i32
        %scan3A_154 = arith.constant 0 : i32
        %scan3A_155 = arith.constant 8 : i32
        %scan3A_156 = arith.addi %scan3A_154, %scan3A_155 : i32
        %scan3A_157 = arith.constant 1 : i32
        %scan3A_158 = scf.for %scan3A_259 = %scan3A_154 to %scan3A_156 step %scan3A_157 iter_args(%scan3A_260 = %scan3A_153) -> (i32)  : i32 {
          %mul3A_261 = arith.constant 16 : i32
          %mul3A_262 = arith.muli %scan3A_259, %mul3A_261 : i32
          %get3A_263 = arith.index_cast %add3A_149 : i32 to index
          %get3A_264 = arith.index_cast %mul3A_262 : i32 to index
          %get3A_265 = tpu.vector_load %arg7[%get3A_263, %get3A_264] {strides = array<i32>} : memref<64x128xf32, #tpu.memory_space<vmem>>, vector<1x16xf32>,
          %get3A_266 = vector.shape_cast %get3A_265 : vector<1x16xf32> to vector<16xf32>
          %get3A_267 = arith.index_cast %add3A_149 : i32 to index
          %get3A_268 = arith.index_cast %mul3A_262 : i32 to index
          %get3A_269 = tpu.vector_load %arg8[%get3A_267, %get3A_268] {strides = array<i32>} : memref<64x128xf32, #tpu.memory_space<vmem>>, vector<1x16xf32>,
          %get3A_270 = vector.shape_cast %get3A_269 : vector<1x16xf32> to vector<16xf32>
          %add3A_271 = arith.addf %get3A_266, %get3A_270 : vector<16xf32>
          %get3A_272 = arith.index_cast %add3A_149 : i32 to index
          %get3A_273 = arith.index_cast %mul3A_262 : i32 to index
          %get3A_274 = tpu.vector_load %arg6[%get3A_272, %get3A_273] {strides = array<i32>} : memref<64x128xf32, #tpu.memory_space<vmem>>, vector<1x16xf32>,
          %get3A_275 = vector.shape_cast %get3A_274 : vector<1x16xf32> to vector<16xf32>
          %mul3A_276 = arith.constant 1.000000e-01 : f32
          %mul3A_277 = vector.broadcast %mul3A_276 : f32 to vector<16xf32>
          %mul3A_278 = arith.mulf %mul3A_277, %add3A_271 : vector<16xf32>
          %add3A_279 = arith.addf %get3A_275, %mul3A_278 : vector<16xf32>
          %mul3A_280 = arith.mulf %add3A_279, %broadcast_in_dim3A_152 : vector<16xf32>
          %swap3A = arith.index_cast %add3A_149 : i32 to index
          %swap3A_281 = arith.index_cast %mul3A_262 : i32 to index
          %swap3A_282 = tpu.vector_load %arg6[%swap3A, %swap3A_281] {strides = array<i32>} : memref<64x128xf32, #tpu.memory_space<vmem>>, vector<1x16xf32>,
          %swap3A_283 = vector.shape_cast %swap3A_282 : vector<1x16xf32> to vector<16xf32>
          %swap3A_284 = vector.shape_cast %mul3A_280 : vector<16xf32> to vector<1x16xf32>
          tpu.vector_store %arg6[%swap3A, %swap3A_281], %swap3A_284 {strides = array<i32>} : memref<64x128xf32, #tpu.memory_space<vmem>>, vector<1x16xf32>,
          %scan3A_285 = arith.constant 0 : i32
          scf.yield %scan3A_285 : i32
        }
        %scan3A_159 = arith.constant 8 : i32
        %mul3A_160 = arith.constant 16 : i32
        %mul3A_161 = arith.muli %scan3A_23, %mul3A_160 : i32
        %add3A_162 = arith.constant 9 : i32
        %add3A_163 = arith.addi %mul3A_161, %add3A_162 : i32
        %slice3A_164 = vector.extract_strided_slice %div3A_36 {offsets = [9], sizes = [1], strides = [1]} : vector<16xf32> to vector<1xf32>
        %squeeze3A_165 = vector.extract %slice3A_164[0] : f32 from vector<1xf32>
        %broadcast_in_dim3A_166 = vector.broadcast %squeeze3A_165 : f32 to vector<16xf32>
        %scan3A_167 = arith.constant 0 : i32
        %scan3A_168 = arith.constant 0 : i32
        %scan3A_169 = arith.constant 8 : i32
        %scan3A_170 = arith.addi %scan3A_168, %scan3A_169 : i32
        %scan3A_171 = arith.constant 1 : i32
        %scan3A_172 = scf.for %scan3A_259 = %scan3A_168 to %scan3A_170 step %scan3A_171 iter_args(%scan3A_260 = %scan3A_167) -> (i32)  : i32 {
          %mul3A_261 = arith.constant 16 : i32
          %mul3A_262 = arith.muli %scan3A_259, %mul3A_261 : i32
          %get3A_263 = arith.index_cast %add3A_163 : i32 to index
          %get3A_264 = arith.index_cast %mul3A_262 : i32 to index
          %get3A_265 = tpu.vector_load %arg7[%get3A_263, %get3A_264] {strides = array<i32>} : memref<64x128xf32, #tpu.memory_space<vmem>>, vector<1x16xf32>,
          %get3A_266 = vector.shape_cast %get3A_265 : vector<1x16xf32> to vector<16xf32>
          %get3A_267 = arith.index_cast %add3A_163 : i32 to index
          %get3A_268 = arith.index_cast %mul3A_262 : i32 to index
          %get3A_269 = tpu.vector_load %arg8[%get3A_267, %get3A_268] {strides = array<i32>} : memref<64x128xf32, #tpu.memory_space<vmem>>, vector<1x16xf32>,
          %get3A_270 = vector.shape_cast %get3A_269 : vector<1x16xf32> to vector<16xf32>
          %add3A_271 = arith.addf %get3A_266, %get3A_270 : vector<16xf32>
          %get3A_272 = arith.index_cast %add3A_163 : i32 to index
          %get3A_273 = arith.index_cast %mul3A_262 : i32 to index
          %get3A_274 = tpu.vector_load %arg6[%get3A_272, %get3A_273] {strides = array<i32>} : memref<64x128xf32, #tpu.memory_space<vmem>>, vector<1x16xf32>,
          %get3A_275 = vector.shape_cast %get3A_274 : vector<1x16xf32> to vector<16xf32>
          %mul3A_276 = arith.constant 1.000000e-01 : f32
          %mul3A_277 = vector.broadcast %mul3A_276 : f32 to vector<16xf32>
          %mul3A_278 = arith.mulf %mul3A_277, %add3A_271 : vector<16xf32>
          %add3A_279 = arith.addf %get3A_275, %mul3A_278 : vector<16xf32>
          %mul3A_280 = arith.mulf %add3A_279, %broadcast_in_dim3A_166 : vector<16xf32>
          %swap3A = arith.index_cast %add3A_163 : i32 to index
          %swap3A_281 = arith.index_cast %mul3A_262 : i32 to index
          %swap3A_282 = tpu.vector_load %arg6[%swap3A, %swap3A_281] {strides = array<i32>} : memref<64x128xf32, #tpu.memory_space<vmem>>, vector<1x16xf32>,
          %swap3A_283 = vector.shape_cast %swap3A_282 : vector<1x16xf32> to vector<16xf32>
          %swap3A_284 = vector.shape_cast %mul3A_280 : vector<16xf32> to vector<1x16xf32>
          tpu.vector_store %arg6[%swap3A, %swap3A_281], %swap3A_284 {strides = array<i32>} : memref<64x128xf32, #tpu.memory_space<vmem>>, vector<1x16xf32>,
          %scan3A_285 = arith.constant 0 : i32
          scf.yield %scan3A_285 : i32
        }
        %scan3A_173 = arith.constant 8 : i32
        %mul3A_174 = arith.constant 16 : i32
        %mul3A_175 = arith.muli %scan3A_23, %mul3A_174 : i32
        %add3A_176 = arith.constant 10 : i32
        %add3A_177 = arith.addi %mul3A_175, %add3A_176 : i32
        %slice3A_178 = vector.extract_strided_slice %div3A_36 {offsets = [10], sizes = [1], strides = [1]} : vector<16xf32> to vector<1xf32>
        %squeeze3A_179 = vector.extract %slice3A_178[0] : f32 from vector<1xf32>
        %broadcast_in_dim3A_180 = vector.broadcast %squeeze3A_179 : f32 to vector<16xf32>
        %scan3A_181 = arith.constant 0 : i32
        %scan3A_182 = arith.constant 0 : i32
        %scan3A_183 = arith.constant 8 : i32
        %scan3A_184 = arith.addi %scan3A_182, %scan3A_183 : i32
        %scan3A_185 = arith.constant 1 : i32
        %scan3A_186 = scf.for %scan3A_259 = %scan3A_182 to %scan3A_184 step %scan3A_185 iter_args(%scan3A_260 = %scan3A_181) -> (i32)  : i32 {
          %mul3A_261 = arith.constant 16 : i32
          %mul3A_262 = arith.muli %scan3A_259, %mul3A_261 : i32
          %get3A_263 = arith.index_cast %add3A_177 : i32 to index
          %get3A_264 = arith.index_cast %mul3A_262 : i32 to index
          %get3A_265 = tpu.vector_load %arg7[%get3A_263, %get3A_264] {strides = array<i32>} : memref<64x128xf32, #tpu.memory_space<vmem>>, vector<1x16xf32>,
          %get3A_266 = vector.shape_cast %get3A_265 : vector<1x16xf32> to vector<16xf32>
          %get3A_267 = arith.index_cast %add3A_177 : i32 to index
          %get3A_268 = arith.index_cast %mul3A_262 : i32 to index
          %get3A_269 = tpu.vector_load %arg8[%get3A_267, %get3A_268] {strides = array<i32>} : memref<64x128xf32, #tpu.memory_space<vmem>>, vector<1x16xf32>,
          %get3A_270 = vector.shape_cast %get3A_269 : vector<1x16xf32> to vector<16xf32>
          %add3A_271 = arith.addf %get3A_266, %get3A_270 : vector<16xf32>
          %get3A_272 = arith.index_cast %add3A_177 : i32 to index
          %get3A_273 = arith.index_cast %mul3A_262 : i32 to index
          %get3A_274 = tpu.vector_load %arg6[%get3A_272, %get3A_273] {strides = array<i32>} : memref<64x128xf32, #tpu.memory_space<vmem>>, vector<1x16xf32>,
          %get3A_275 = vector.shape_cast %get3A_274 : vector<1x16xf32> to vector<16xf32>
          %mul3A_276 = arith.constant 1.000000e-01 : f32
          %mul3A_277 = vector.broadcast %mul3A_276 : f32 to vector<16xf32>
          %mul3A_278 = arith.mulf %mul3A_277, %add3A_271 : vector<16xf32>
          %add3A_279 = arith.addf %get3A_275, %mul3A_278 : vector<16xf32>
          %mul3A_280 = arith.mulf %add3A_279, %broadcast_in_dim3A_180 : vector<16xf32>
          %swap3A = arith.index_cast %add3A_177 : i32 to index
          %swap3A_281 = arith.index_cast %mul3A_262 : i32 to index
          %swap3A_282 = tpu.vector_load %arg6[%swap3A, %swap3A_281] {strides = array<i32>} : memref<64x128xf32, #tpu.memory_space<vmem>>, vector<1x16xf32>,
          %swap3A_283 = vector.shape_cast %swap3A_282 : vector<1x16xf32> to vector<16xf32>
          %swap3A_284 = vector.shape_cast %mul3A_280 : vector<16xf32> to vector<1x16xf32>
          tpu.vector_store %arg6[%swap3A, %swap3A_281], %swap3A_284 {strides = array<i32>} : memref<64x128xf32, #tpu.memory_space<vmem>>, vector<1x16xf32>,
          %scan3A_285 = arith.constant 0 : i32
          scf.yield %scan3A_285 : i32
        }
        %scan3A_187 = arith.constant 8 : i32
        %mul3A_188 = arith.constant 16 : i32
        %mul3A_189 = arith.muli %scan3A_23, %mul3A_188 : i32
        %add3A_190 = arith.constant 11 : i32
        %add3A_191 = arith.addi %mul3A_189, %add3A_190 : i32
        %slice3A_192 = vector.extract_strided_slice %div3A_36 {offsets = [11], sizes = [1], strides = [1]} : vector<16xf32> to vector<1xf32>
        %squeeze3A_193 = vector.extract %slice3A_192[0] : f32 from vector<1xf32>
        %broadcast_in_dim3A_194 = vector.broadcast %squeeze3A_193 : f32 to vector<16xf32>
        %scan3A_195 = arith.constant 0 : i32
        %scan3A_196 = arith.constant 0 : i32
        %scan3A_197 = arith.constant 8 : i32
        %scan3A_198 = arith.addi %scan3A_196, %scan3A_197 : i32
        %scan3A_199 = arith.constant 1 : i32
        %scan3A_200 = scf.for %scan3A_259 = %scan3A_196 to %scan3A_198 step %scan3A_199 iter_args(%scan3A_260 = %scan3A_195) -> (i32)  : i32 {
          %mul3A_261 = arith.constant 16 : i32
          %mul3A_262 = arith.muli %scan3A_259, %mul3A_261 : i32
          %get3A_263 = arith.index_cast %add3A_191 : i32 to index
          %get3A_264 = arith.index_cast %mul3A_262 : i32 to index
          %get3A_265 = tpu.vector_load %arg7[%get3A_263, %get3A_264] {strides = array<i32>} : memref<64x128xf32, #tpu.memory_space<vmem>>, vector<1x16xf32>,
          %get3A_266 = vector.shape_cast %get3A_265 : vector<1x16xf32> to vector<16xf32>
          %get3A_267 = arith.index_cast %add3A_191 : i32 to index
          %get3A_268 = arith.index_cast %mul3A_262 : i32 to index
          %get3A_269 = tpu.vector_load %arg8[%get3A_267, %get3A_268] {strides = array<i32>} : memref<64x128xf32, #tpu.memory_space<vmem>>, vector<1x16xf32>,
          %get3A_270 = vector.shape_cast %get3A_269 : vector<1x16xf32> to vector<16xf32>
          %add3A_271 = arith.addf %get3A_266, %get3A_270 : vector<16xf32>
          %get3A_272 = arith.index_cast %add3A_191 : i32 to index
          %get3A_273 = arith.index_cast %mul3A_262 : i32 to index
          %get3A_274 = tpu.vector_load %arg6[%get3A_272, %get3A_273] {strides = array<i32>} : memref<64x128xf32, #tpu.memory_space<vmem>>, vector<1x16xf32>,
          %get3A_275 = vector.shape_cast %get3A_274 : vector<1x16xf32> to vector<16xf32>
          %mul3A_276 = arith.constant 1.000000e-01 : f32
          %mul3A_277 = vector.broadcast %mul3A_276 : f32 to vector<16xf32>
          %mul3A_278 = arith.mulf %mul3A_277, %add3A_271 : vector<16xf32>
          %add3A_279 = arith.addf %get3A_275, %mul3A_278 : vector<16xf32>
          %mul3A_280 = arith.mulf %add3A_279, %broadcast_in_dim3A_194 : vector<16xf32>
          %swap3A = arith.index_cast %add3A_191 : i32 to index
          %swap3A_281 = arith.index_cast %mul3A_262 : i32 to index
          %swap3A_282 = tpu.vector_load %arg6[%swap3A, %swap3A_281] {strides = array<i32>} : memref<64x128xf32, #tpu.memory_space<vmem>>, vector<1x16xf32>,
          %swap3A_283 = vector.shape_cast %swap3A_282 : vector<1x16xf32> to vector<16xf32>
          %swap3A_284 = vector.shape_cast %mul3A_280 : vector<16xf32> to vector<1x16xf32>
          tpu.vector_store %arg6[%swap3A, %swap3A_281], %swap3A_284 {strides = array<i32>} : memref<64x128xf32, #tpu.memory_space<vmem>>, vector<1x16xf32>,
          %scan3A_285 = arith.constant 0 : i32
          scf.yield %scan3A_285 : i32
        }
        %scan3A_201 = arith.constant 8 : i32
        %mul3A_202 = arith.constant 16 : i32
        %mul3A_203 = arith.muli %scan3A_23, %mul3A_202 : i32
        %add3A_204 = arith.constant 12 : i32
        %add3A_205 = arith.addi %mul3A_203, %add3A_204 : i32
        %slice3A_206 = vector.extract_strided_slice %div3A_36 {offsets = [12], sizes = [1], strides = [1]} : vector<16xf32> to vector<1xf32>
        %squeeze3A_207 = vector.extract %slice3A_206[0] : f32 from vector<1xf32>
        %broadcast_in_dim3A_208 = vector.broadcast %squeeze3A_207 : f32 to vector<16xf32>
        %scan3A_209 = arith.constant 0 : i32
        %scan3A_210 = arith.constant 0 : i32
        %scan3A_211 = arith.constant 8 : i32
        %scan3A_212 = arith.addi %scan3A_210, %scan3A_211 : i32
        %scan3A_213 = arith.constant 1 : i32
        %scan3A_214 = scf.for %scan3A_259 = %scan3A_210 to %scan3A_212 step %scan3A_213 iter_args(%scan3A_260 = %scan3A_209) -> (i32)  : i32 {
          %mul3A_261 = arith.constant 16 : i32
          %mul3A_262 = arith.muli %scan3A_259, %mul3A_261 : i32
          %get3A_263 = arith.index_cast %add3A_205 : i32 to index
          %get3A_264 = arith.index_cast %mul3A_262 : i32 to index
          %get3A_265 = tpu.vector_load %arg7[%get3A_263, %get3A_264] {strides = array<i32>} : memref<64x128xf32, #tpu.memory_space<vmem>>, vector<1x16xf32>,
          %get3A_266 = vector.shape_cast %get3A_265 : vector<1x16xf32> to vector<16xf32>
          %get3A_267 = arith.index_cast %add3A_205 : i32 to index
          %get3A_268 = arith.index_cast %mul3A_262 : i32 to index
          %get3A_269 = tpu.vector_load %arg8[%get3A_267, %get3A_268] {strides = array<i32>} : memref<64x128xf32, #tpu.memory_space<vmem>>, vector<1x16xf32>,
          %get3A_270 = vector.shape_cast %get3A_269 : vector<1x16xf32> to vector<16xf32>
          %add3A_271 = arith.addf %get3A_266, %get3A_270 : vector<16xf32>
          %get3A_272 = arith.index_cast %add3A_205 : i32 to index
          %get3A_273 = arith.index_cast %mul3A_262 : i32 to index
          %get3A_274 = tpu.vector_load %arg6[%get3A_272, %get3A_273] {strides = array<i32>} : memref<64x128xf32, #tpu.memory_space<vmem>>, vector<1x16xf32>,
          %get3A_275 = vector.shape_cast %get3A_274 : vector<1x16xf32> to vector<16xf32>
          %mul3A_276 = arith.constant 1.000000e-01 : f32
          %mul3A_277 = vector.broadcast %mul3A_276 : f32 to vector<16xf32>
          %mul3A_278 = arith.mulf %mul3A_277, %add3A_271 : vector<16xf32>
          %add3A_279 = arith.addf %get3A_275, %mul3A_278 : vector<16xf32>
          %mul3A_280 = arith.mulf %add3A_279, %broadcast_in_dim3A_208 : vector<16xf32>
          %swap3A = arith.index_cast %add3A_205 : i32 to index
          %swap3A_281 = arith.index_cast %mul3A_262 : i32 to index
          %swap3A_282 = tpu.vector_load %arg6[%swap3A, %swap3A_281] {strides = array<i32>} : memref<64x128xf32, #tpu.memory_space<vmem>>, vector<1x16xf32>,
          %swap3A_283 = vector.shape_cast %swap3A_282 : vector<1x16xf32> to vector<16xf32>
          %swap3A_284 = vector.shape_cast %mul3A_280 : vector<16xf32> to vector<1x16xf32>
          tpu.vector_store %arg6[%swap3A, %swap3A_281], %swap3A_284 {strides = array<i32>} : memref<64x128xf32, #tpu.memory_space<vmem>>, vector<1x16xf32>,
          %scan3A_285 = arith.constant 0 : i32
          scf.yield %scan3A_285 : i32
        }
        %scan3A_215 = arith.constant 8 : i32
        %mul3A_216 = arith.constant 16 : i32
        %mul3A_217 = arith.muli %scan3A_23, %mul3A_216 : i32
        %add3A_218 = arith.constant 13 : i32
        %add3A_219 = arith.addi %mul3A_217, %add3A_218 : i32
        %slice3A_220 = vector.extract_strided_slice %div3A_36 {offsets = [13], sizes = [1], strides = [1]} : vector<16xf32> to vector<1xf32>
        %squeeze3A_221 = vector.extract %slice3A_220[0] : f32 from vector<1xf32>
        %broadcast_in_dim3A_222 = vector.broadcast %squeeze3A_221 : f32 to vector<16xf32>
        %scan3A_223 = arith.constant 0 : i32
        %scan3A_224 = arith.constant 0 : i32
        %scan3A_225 = arith.constant 8 : i32
        %scan3A_226 = arith.addi %scan3A_224, %scan3A_225 : i32
        %scan3A_227 = arith.constant 1 : i32
        %scan3A_228 = scf.for %scan3A_259 = %scan3A_224 to %scan3A_226 step %scan3A_227 iter_args(%scan3A_260 = %scan3A_223) -> (i32)  : i32 {
          %mul3A_261 = arith.constant 16 : i32
          %mul3A_262 = arith.muli %scan3A_259, %mul3A_261 : i32
          %get3A_263 = arith.index_cast %add3A_219 : i32 to index
          %get3A_264 = arith.index_cast %mul3A_262 : i32 to index
          %get3A_265 = tpu.vector_load %arg7[%get3A_263, %get3A_264] {strides = array<i32>} : memref<64x128xf32, #tpu.memory_space<vmem>>, vector<1x16xf32>,
          %get3A_266 = vector.shape_cast %get3A_265 : vector<1x16xf32> to vector<16xf32>
          %get3A_267 = arith.index_cast %add3A_219 : i32 to index
          %get3A_268 = arith.index_cast %mul3A_262 : i32 to index
          %get3A_269 = tpu.vector_load %arg8[%get3A_267, %get3A_268] {strides = array<i32>} : memref<64x128xf32, #tpu.memory_space<vmem>>, vector<1x16xf32>,
          %get3A_270 = vector.shape_cast %get3A_269 : vector<1x16xf32> to vector<16xf32>
          %add3A_271 = arith.addf %get3A_266, %get3A_270 : vector<16xf32>
          %get3A_272 = arith.index_cast %add3A_219 : i32 to index
          %get3A_273 = arith.index_cast %mul3A_262 : i32 to index
          %get3A_274 = tpu.vector_load %arg6[%get3A_272, %get3A_273] {strides = array<i32>} : memref<64x128xf32, #tpu.memory_space<vmem>>, vector<1x16xf32>,
          %get3A_275 = vector.shape_cast %get3A_274 : vector<1x16xf32> to vector<16xf32>
          %mul3A_276 = arith.constant 1.000000e-01 : f32
          %mul3A_277 = vector.broadcast %mul3A_276 : f32 to vector<16xf32>
          %mul3A_278 = arith.mulf %mul3A_277, %add3A_271 : vector<16xf32>
          %add3A_279 = arith.addf %get3A_275, %mul3A_278 : vector<16xf32>
          %mul3A_280 = arith.mulf %add3A_279, %broadcast_in_dim3A_222 : vector<16xf32>
          %swap3A = arith.index_cast %add3A_219 : i32 to index
          %swap3A_281 = arith.index_cast %mul3A_262 : i32 to index
          %swap3A_282 = tpu.vector_load %arg6[%swap3A, %swap3A_281] {strides = array<i32>} : memref<64x128xf32, #tpu.memory_space<vmem>>, vector<1x16xf32>,
          %swap3A_283 = vector.shape_cast %swap3A_282 : vector<1x16xf32> to vector<16xf32>
          %swap3A_284 = vector.shape_cast %mul3A_280 : vector<16xf32> to vector<1x16xf32>
          tpu.vector_store %arg6[%swap3A, %swap3A_281], %swap3A_284 {strides = array<i32>} : memref<64x128xf32, #tpu.memory_space<vmem>>, vector<1x16xf32>,
          %scan3A_285 = arith.constant 0 : i32
          scf.yield %scan3A_285 : i32
        }
        %scan3A_229 = arith.constant 8 : i32
        %mul3A_230 = arith.constant 16 : i32
        %mul3A_231 = arith.muli %scan3A_23, %mul3A_230 : i32
        %add3A_232 = arith.constant 14 : i32
        %add3A_233 = arith.addi %mul3A_231, %add3A_232 : i32
        %slice3A_234 = vector.extract_strided_slice %div3A_36 {offsets = [14], sizes = [1], strides = [1]} : vector<16xf32> to vector<1xf32>
        %squeeze3A_235 = vector.extract %slice3A_234[0] : f32 from vector<1xf32>
        %broadcast_in_dim3A_236 = vector.broadcast %squeeze3A_235 : f32 to vector<16xf32>
        %scan3A_237 = arith.constant 0 : i32
        %scan3A_238 = arith.constant 0 : i32
        %scan3A_239 = arith.constant 8 : i32
        %scan3A_240 = arith.addi %scan3A_238, %scan3A_239 : i32
        %scan3A_241 = arith.constant 1 : i32
        %scan3A_242 = scf.for %scan3A_259 = %scan3A_238 to %scan3A_240 step %scan3A_241 iter_args(%scan3A_260 = %scan3A_237) -> (i32)  : i32 {
          %mul3A_261 = arith.constant 16 : i32
          %mul3A_262 = arith.muli %scan3A_259, %mul3A_261 : i32
          %get3A_263 = arith.index_cast %add3A_233 : i32 to index
          %get3A_264 = arith.index_cast %mul3A_262 : i32 to index
          %get3A_265 = tpu.vector_load %arg7[%get3A_263, %get3A_264] {strides = array<i32>} : memref<64x128xf32, #tpu.memory_space<vmem>>, vector<1x16xf32>,
          %get3A_266 = vector.shape_cast %get3A_265 : vector<1x16xf32> to vector<16xf32>
          %get3A_267 = arith.index_cast %add3A_233 : i32 to index
          %get3A_268 = arith.index_cast %mul3A_262 : i32 to index
          %get3A_269 = tpu.vector_load %arg8[%get3A_267, %get3A_268] {strides = array<i32>} : memref<64x128xf32, #tpu.memory_space<vmem>>, vector<1x16xf32>,
          %get3A_270 = vector.shape_cast %get3A_269 : vector<1x16xf32> to vector<16xf32>
          %add3A_271 = arith.addf %get3A_266, %get3A_270 : vector<16xf32>
          %get3A_272 = arith.index_cast %add3A_233 : i32 to index
          %get3A_273 = arith.index_cast %mul3A_262 : i32 to index
          %get3A_274 = tpu.vector_load %arg6[%get3A_272, %get3A_273] {strides = array<i32>} : memref<64x128xf32, #tpu.memory_space<vmem>>, vector<1x16xf32>,
          %get3A_275 = vector.shape_cast %get3A_274 : vector<1x16xf32> to vector<16xf32>
          %mul3A_276 = arith.constant 1.000000e-01 : f32
          %mul3A_277 = vector.broadcast %mul3A_276 : f32 to vector<16xf32>
          %mul3A_278 = arith.mulf %mul3A_277, %add3A_271 : vector<16xf32>
          %add3A_279 = arith.addf %get3A_275, %mul3A_278 : vector<16xf32>
          %mul3A_280 = arith.mulf %add3A_279, %broadcast_in_dim3A_236 : vector<16xf32>
          %swap3A = arith.index_cast %add3A_233 : i32 to index
          %swap3A_281 = arith.index_cast %mul3A_262 : i32 to index
          %swap3A_282 = tpu.vector_load %arg6[%swap3A, %swap3A_281] {strides = array<i32>} : memref<64x128xf32, #tpu.memory_space<vmem>>, vector<1x16xf32>,
          %swap3A_283 = vector.shape_cast %swap3A_282 : vector<1x16xf32> to vector<16xf32>
          %swap3A_284 = vector.shape_cast %mul3A_280 : vector<16xf32> to vector<1x16xf32>
          tpu.vector_store %arg6[%swap3A, %swap3A_281], %swap3A_284 {strides = array<i32>} : memref<64x128xf32, #tpu.memory_space<vmem>>, vector<1x16xf32>,
          %scan3A_285 = arith.constant 0 : i32
          scf.yield %scan3A_285 : i32
        }
        %scan3A_243 = arith.constant 8 : i32
        %mul3A_244 = arith.constant 16 : i32
        %mul3A_245 = arith.muli %scan3A_23, %mul3A_244 : i32
        %add3A_246 = arith.constant 15 : i32
        %add3A_247 = arith.addi %mul3A_245, %add3A_246 : i32
        %slice3A_248 = vector.extract_strided_slice %div3A_36 {offsets = [15], sizes = [1], strides = [1]} : vector<16xf32> to vector<1xf32>
        %squeeze3A_249 = vector.extract %slice3A_248[0] : f32 from vector<1xf32>
        %broadcast_in_dim3A_250 = vector.broadcast %squeeze3A_249 : f32 to vector<16xf32>
        %scan3A_251 = arith.constant 0 : i32
        %scan3A_252 = arith.constant 0 : i32
        %scan3A_253 = arith.constant 8 : i32
        %scan3A_254 = arith.addi %scan3A_252, %scan3A_253 : i32
        %scan3A_255 = arith.constant 1 : i32
        %scan3A_256 = scf.for %scan3A_259 = %scan3A_252 to %scan3A_254 step %scan3A_255 iter_args(%scan3A_260 = %scan3A_251) -> (i32)  : i32 {
          %mul3A_261 = arith.constant 16 : i32
          %mul3A_262 = arith.muli %scan3A_259, %mul3A_261 : i32
          %get3A_263 = arith.index_cast %add3A_247 : i32 to index
          %get3A_264 = arith.index_cast %mul3A_262 : i32 to index
          %get3A_265 = tpu.vector_load %arg7[%get3A_263, %get3A_264] {strides = array<i32>} : memref<64x128xf32, #tpu.memory_space<vmem>>, vector<1x16xf32>,
          %get3A_266 = vector.shape_cast %get3A_265 : vector<1x16xf32> to vector<16xf32>
          %get3A_267 = arith.index_cast %add3A_247 : i32 to index
          %get3A_268 = arith.index_cast %mul3A_262 : i32 to index
          %get3A_269 = tpu.vector_load %arg8[%get3A_267, %get3A_268] {strides = array<i32>} : memref<64x128xf32, #tpu.memory_space<vmem>>, vector<1x16xf32>,
          %get3A_270 = vector.shape_cast %get3A_269 : vector<1x16xf32> to vector<16xf32>
          %add3A_271 = arith.addf %get3A_266, %get3A_270 : vector<16xf32>
          %get3A_272 = arith.index_cast %add3A_247 : i32 to index
          %get3A_273 = arith.index_cast %mul3A_262 : i32 to index
          %get3A_274 = tpu.vector_load %arg6[%get3A_272, %get3A_273] {strides = array<i32>} : memref<64x128xf32, #tpu.memory_space<vmem>>, vector<1x16xf32>,
          %get3A_275 = vector.shape_cast %get3A_274 : vector<1x16xf32> to vector<16xf32>
          %mul3A_276 = arith.constant 1.000000e-01 : f32
          %mul3A_277 = vector.broadcast %mul3A_276 : f32 to vector<16xf32>
          %mul3A_278 = arith.mulf %mul3A_277, %add3A_271 : vector<16xf32>
          %add3A_279 = arith.addf %get3A_275, %mul3A_278 : vector<16xf32>
          %mul3A_280 = arith.mulf %add3A_279, %broadcast_in_dim3A_250 : vector<16xf32>
          %swap3A = arith.index_cast %add3A_247 : i32 to index
          %swap3A_281 = arith.index_cast %mul3A_262 : i32 to index
          %swap3A_282 = tpu.vector_load %arg6[%swap3A, %swap3A_281] {strides = array<i32>} : memref<64x128xf32, #tpu.memory_space<vmem>>, vector<1x16xf32>,
          %swap3A_283 = vector.shape_cast %swap3A_282 : vector<1x16xf32> to vector<16xf32>
          %swap3A_284 = vector.shape_cast %mul3A_280 : vector<16xf32> to vector<1x16xf32>
          tpu.vector_store %arg6[%swap3A, %swap3A_281], %swap3A_284 {strides = array<i32>} : memref<64x128xf32, #tpu.memory_space<vmem>>, vector<1x16xf32>,
          %scan3A_285 = arith.constant 0 : i32
          scf.yield %scan3A_285 : i32
        }
        %scan3A_257 = arith.constant 8 : i32
        %scan3A_258 = arith.constant 0 : i32
        scf.yield %scan3A_258 : i32
      }
      %scan3A_21 = arith.constant 4 : i32
      "tpu.region"() ({
        %run_scoped3A_23 = tpu.sem_alloc : memref<!tpu.dma_semaphore, #tpu.memory_space<semaphore_mem>>
        %dma_start3A = arith.constant 0 : i32
        %dma_start3A_24 = tpu.memref_slice %arg5[%mul3A_13, %dma_start3A] : memref<10240x128xf32, #tpu.memory_space<hbm>> -> memref<64x128xf32, #tpu.memory_space<hbm>>
        %dma_start3A_25 = arith.constant 0 : i32
        %dma_start3A_26 = tpu.memref_slice %arg5[%mul3A_13, %dma_start3A_25] : memref<10240x128xf32, #tpu.memory_space<hbm>> -> memref<64x128xf32, #tpu.memory_space<hbm>>
        tpu.enqueue_dma source(%arg6 : memref<64x128xf32, #tpu.memory_space<vmem>>) target(%dma_start3A_26 : memref<64x128xf32, #tpu.memory_space<hbm>>) target_semaphore(%run_scoped3A_23 : memref<!tpu.dma_semaphore, #tpu.memory_space<semaphore_mem>>)
        %dma_wait3A = arith.constant 0 : i32
        %dma_wait3A_27 = tpu.memref_slice %arg5[%mul3A_13, %dma_wait3A] : memref<10240x128xf32, #tpu.memory_space<hbm>> -> memref<64x128xf32, #tpu.memory_space<hbm>>
        %dma_wait3A_28 = arith.constant 0 : i32
        %dma_wait3A_29 = tpu.memref_slice %arg5[%mul3A_13, %dma_wait3A_28] : memref<10240x128xf32, #tpu.memory_space<hbm>> -> memref<64x128xf32, #tpu.memory_space<hbm>>
        tpu.wait_dma2 semaphore(%run_scoped3A_23 : memref<!tpu.dma_semaphore, #tpu.memory_space<semaphore_mem>>) src(%arg6 : memref<64x128xf32, #tpu.memory_space<vmem>>) dst(%dma_wait3A_29 : memref<64x128xf32, #tpu.memory_space<hbm>>)
        tpu.yield
      }) : () -> ()
      %scan3A_22 = arith.constant 0 : i32
      scf.yield %scan3A_22 : i32
    }
    %scan3A_6 = arith.constant 5 : i32
    return
  }
}

#map = affine_map<(d0, d1) -> (0, 0)>
#map1 = affine_map<(d0, d1) -> (0)>
#map2 = affine_map<(d0, d1) -> (0, 0, 0)>
module attributes {stable_mosaic.version = 14 : i64} {
  func.func @accum(%arg0: i32, %arg1: i32, %arg2: memref<10240x128xf32, #tpu.memory_space<hbm>>, %arg3: memref<323584xi32, #tpu.memory_space<hbm>>, %arg4: memref<323584xi32, #tpu.memory_space<hbm>>, %arg5: memref<2x10240x128xf32, #tpu.memory_space<hbm>>, %arg6: memref<128xi32, #tpu.memory_space<vmem>>, %arg7: memref<128xi32, #tpu.memory_space<vmem>>, %arg8: memref<128x128xf32, #tpu.memory_space<vmem>>, %arg9: memref<64x128xf32, #tpu.memory_space<vmem>>, %arg10: memref<10240x128xf32, #tpu.memory_space<vmem_shared>>, %arg11: memref<!tpu.dma_semaphore, #tpu.memory_space<semaphore_mem>>) attributes {dimension_semantics = [#tpu.dimension_semantics<core_parallel>, #tpu.dimension_semantics<subcore_parallel>], iteration_bounds = array<i64: 2, 16>, scalar_prefetch = 0 : i64, scratch_operands = 6 : i64, tpu.core_type = #tpu.core_type<sc_vector_subcore>, window_params = [{transform_indices = #map}, {transform_indices = #map1}, {transform_indices = #map1}, {transform_indices = #map2}]} {
    %mul3A = arith.constant 16 : i32
    %mul3A_0 = arith.muli %arg0, %mul3A : i32
    %add3A = arith.addi %mul3A_0, %arg1 : i32
    %scan3A = arith.constant 0 : i32
    %scan3A_1 = arith.constant 0 : i32
    %scan3A_2 = arith.constant 512 : i32
    %scan3A_3 = arith.addi %scan3A_1, %scan3A_2 : i32
    %scan3A_4 = arith.constant 1 : i32
    %scan3A_5 = scf.for %scan3A_29 = %scan3A_1 to %scan3A_3 step %scan3A_4 iter_args(%scan3A_30 = %scan3A) -> (i32)  : i32 {
      %jit3A = arith.constant 8 : i32
      %div3A = arith.divsi %scan3A_29, %jit3A : i32
      %sign3A = arith.constant 0 : i32
      %sign3A_31 = arith.cmpi sgt, %scan3A_29, %sign3A : i32
      %sign3A_32 = arith.extui %sign3A_31 : i1 to i32
      %sign3A_33 = arith.constant 0 : i32
      %sign3A_34 = arith.cmpi slt, %scan3A_29, %sign3A_33 : i32
      %sign3A_35 = arith.extui %sign3A_34 : i1 to i32
      %sign3A_36 = arith.subi %sign3A_32, %sign3A_35 : i32
      %sign3A_37 = arith.constant 0 : i32
      %sign3A_38 = arith.cmpi sgt, %jit3A, %sign3A_37 : i32
      %sign3A_39 = arith.extui %sign3A_38 : i1 to i32
      %sign3A_40 = arith.constant 0 : i32
      %sign3A_41 = arith.cmpi slt, %jit3A, %sign3A_40 : i32
      %sign3A_42 = arith.extui %sign3A_41 : i1 to i32
      %sign3A_43 = arith.subi %sign3A_39, %sign3A_42 : i32
      %ne3A = arith.cmpi ne, %sign3A_36, %sign3A_43 : i32
      %rem3A = arith.remsi %scan3A_29, %jit3A : i32
      %ne3A_44 = arith.constant 0 : i32
      %ne3A_45 = arith.cmpi ne, %rem3A, %ne3A_44 : i32
      %and3A = arith.andi %ne3A, %ne3A_45 : i1
      %sub3A = arith.constant 1 : i32
      %sub3A_46 = arith.subi %div3A, %sub3A : i32
      %select_n3A = arith.select %and3A, %sub3A_46, %div3A : i32
      %jit3A_47 = arith.constant 8 : i32
      %eq3A = arith.constant 0 : i32
      %eq3A_48 = arith.cmpi eq, %jit3A_47, %eq3A : i32
      %jit3A_49 = arith.constant 1 : i32
      %select_n3A_50 = arith.select %eq3A_48, %jit3A_49, %jit3A_47 : i32
      %rem3A_51 = arith.remsi %scan3A_29, %select_n3A_50 : i32
      %ne3A_52 = arith.constant 0 : i32
      %ne3A_53 = arith.cmpi ne, %rem3A_51, %ne3A_52 : i32
      %lt3A = arith.constant 0 : i32
      %lt3A_54 = arith.cmpi slt, %rem3A_51, %lt3A : i32
      %lt3A_55 = arith.constant 0 : i32
      %lt3A_56 = arith.cmpi slt, %select_n3A_50, %lt3A_55 : i32
      %ne3A_57 = arith.xori %lt3A_54, %lt3A_56 : i1
      %and3A_58 = arith.andi %ne3A_57, %ne3A_53 : i1
      %add3A_59 = arith.addi %rem3A_51, %select_n3A_50 : i32
      %select_n3A_60 = arith.select %and3A_58, %add3A_59, %rem3A_51 : i32
      %broadcast_in_dim3A = arith.constant 0.000000e+00 : f32
      %broadcast_in_dim3A_61 = vector.broadcast %broadcast_in_dim3A : f32 to vector<16xf32>
      %mul3A_62 = arith.constant 16 : i32
      %mul3A_63 = arith.muli %select_n3A_60, %mul3A_62 : i32
      %swap3A = arith.index_cast %select_n3A : i32 to index
      %swap3A_64 = arith.index_cast %mul3A_63 : i32 to index
      %swap3A_65 = tpu.vector_load %arg9[%swap3A, %swap3A_64] {strides = array<i32>} : memref<64x128xf32, #tpu.memory_space<vmem>>, vector<1x16xf32>,
      %swap3A_66 = vector.shape_cast %swap3A_65 : vector<1x16xf32> to vector<16xf32>
      %swap3A_67 = vector.shape_cast %broadcast_in_dim3A_61 : vector<16xf32> to vector<1x16xf32>
      tpu.vector_store %arg9[%swap3A, %swap3A_64], %swap3A_67 {strides = array<i32>} : memref<64x128xf32, #tpu.memory_space<vmem>>, vector<1x16xf32>,
      %scan3A_68 = arith.constant 0 : i32
      scf.yield %scan3A_68 : i32
    }
    %scan3A_6 = arith.constant 512 : i32
    %scan3A_7 = arith.constant 0 : i32
    %scan3A_8 = arith.constant 0 : i32
    %scan3A_9 = arith.constant 10 : i32
    %scan3A_10 = arith.addi %scan3A_8, %scan3A_9 : i32
    %scan3A_11 = arith.constant 1 : i32
    %scan3A_12 = scf.for %scan3A_29 = %scan3A_8 to %scan3A_10 step %scan3A_11 iter_args(%scan3A_30 = %scan3A_7) -> (i32)  : i32 {
      %mul3A_31 = arith.constant 640 : i32
      %mul3A_32 = arith.muli %arg1, %mul3A_31 : i32
      %mul3A_33 = arith.constant 64 : i32
      %mul3A_34 = arith.muli %scan3A_29, %mul3A_33 : i32
      %add3A_35 = arith.addi %mul3A_32, %mul3A_34 : i32
      "tpu.region"() ({
        %run_scoped3A = tpu.sem_alloc : memref<!tpu.dma_semaphore, #tpu.memory_space<semaphore_mem>>
        %dma_start3A = arith.constant 0 : i32
        %dma_start3A_37 = tpu.memref_slice %arg10[%add3A_35, %dma_start3A] : memref<10240x128xf32, #tpu.memory_space<vmem_shared>> -> memref<64x128xf32, #tpu.memory_space<vmem_shared>>
        %dma_start3A_38 = arith.constant 0 : i32
        %dma_start3A_39 = tpu.memref_slice %arg10[%add3A_35, %dma_start3A_38] : memref<10240x128xf32, #tpu.memory_space<vmem_shared>> -> memref<64x128xf32, #tpu.memory_space<vmem_shared>>
        tpu.enqueue_dma source(%arg9 : memref<64x128xf32, #tpu.memory_space<vmem>>) target(%dma_start3A_39 : memref<64x128xf32, #tpu.memory_space<vmem_shared>>) target_semaphore(%run_scoped3A : memref<!tpu.dma_semaphore, #tpu.memory_space<semaphore_mem>>)
        %dma_wait3A = arith.constant 0 : i32
        %dma_wait3A_40 = tpu.memref_slice %arg10[%add3A_35, %dma_wait3A] : memref<10240x128xf32, #tpu.memory_space<vmem_shared>> -> memref<64x128xf32, #tpu.memory_space<vmem_shared>>
        %dma_wait3A_41 = arith.constant 0 : i32
        %dma_wait3A_42 = tpu.memref_slice %arg10[%add3A_35, %dma_wait3A_41] : memref<10240x128xf32, #tpu.memory_space<vmem_shared>> -> memref<64x128xf32, #tpu.memory_space<vmem_shared>>
        tpu.wait_dma2 semaphore(%run_scoped3A : memref<!tpu.dma_semaphore, #tpu.memory_space<semaphore_mem>>) src(%arg9 : memref<64x128xf32, #tpu.memory_space<vmem>>) dst(%dma_wait3A_42 : memref<64x128xf32, #tpu.memory_space<vmem_shared>>)
        tpu.yield
      }) : () -> ()
      %scan3A_36 = arith.constant 0 : i32
      scf.yield %scan3A_36 : i32
    }
    %scan3A_13 = arith.constant 10 : i32
    %barrier3A = arith.constant 0 : index
    tpu.barrier barrier_id(%barrier3A)
    %scan3A_14 = arith.constant 0 : i32
    %scan3A_15 = arith.constant 0 : i32
    %scan3A_16 = arith.constant 79 : i32
    %scan3A_17 = arith.addi %scan3A_15, %scan3A_16 : i32
    %scan3A_18 = arith.constant 1 : i32
    %scan3A_19 = scf.for %scan3A_29 = %scan3A_15 to %scan3A_17 step %scan3A_18 iter_args(%scan3A_30 = %scan3A_14) -> (i32)  : i32 {
      %mul3A_31 = arith.constant 10112 : i32
      %mul3A_32 = arith.muli %add3A, %mul3A_31 : i32
      %mul3A_33 = arith.constant 128 : i32
      %mul3A_34 = arith.muli %scan3A_29, %mul3A_33 : i32
      %add3A_35 = arith.addi %mul3A_32, %mul3A_34 : i32
      "tpu.region"() ({
        %run_scoped3A = tpu.sem_alloc : memref<!tpu.dma_semaphore, #tpu.memory_space<semaphore_mem>>
        %dma_start3A_41 = tpu.memref_slice %arg3[%add3A_35] : memref<323584xi32, #tpu.memory_space<hbm>> -> memref<128xi32, #tpu.memory_space<hbm>>
        %dma_start3A_42 = tpu.memref_slice %arg3[%add3A_35] : memref<323584xi32, #tpu.memory_space<hbm>> -> memref<128xi32, #tpu.memory_space<hbm>>
        tpu.enqueue_dma source(%dma_start3A_42 : memref<128xi32, #tpu.memory_space<hbm>>) target(%arg6 : memref<128xi32, #tpu.memory_space<vmem>>) target_semaphore(%run_scoped3A : memref<!tpu.dma_semaphore, #tpu.memory_space<semaphore_mem>>)
        %dma_wait3A_43 = tpu.memref_slice %arg3[%add3A_35] : memref<323584xi32, #tpu.memory_space<hbm>> -> memref<128xi32, #tpu.memory_space<hbm>>
        %dma_wait3A_44 = tpu.memref_slice %arg3[%add3A_35] : memref<323584xi32, #tpu.memory_space<hbm>> -> memref<128xi32, #tpu.memory_space<hbm>>
        tpu.wait_dma2 semaphore(%run_scoped3A : memref<!tpu.dma_semaphore, #tpu.memory_space<semaphore_mem>>) src(%dma_wait3A_44 : memref<128xi32, #tpu.memory_space<hbm>>) dst(%arg6 : memref<128xi32, #tpu.memory_space<vmem>>)
        tpu.yield
      }) : () -> ()
      "tpu.region"() ({
        %run_scoped3A = tpu.sem_alloc : memref<!tpu.dma_semaphore, #tpu.memory_space<semaphore_mem>>
        %dma_start3A_41 = tpu.memref_slice %arg4[%add3A_35] : memref<323584xi32, #tpu.memory_space<hbm>> -> memref<128xi32, #tpu.memory_space<hbm>>
        %dma_start3A_42 = tpu.memref_slice %arg4[%add3A_35] : memref<323584xi32, #tpu.memory_space<hbm>> -> memref<128xi32, #tpu.memory_space<hbm>>
        tpu.enqueue_dma source(%dma_start3A_42 : memref<128xi32, #tpu.memory_space<hbm>>) target(%arg7 : memref<128xi32, #tpu.memory_space<vmem>>) target_semaphore(%run_scoped3A : memref<!tpu.dma_semaphore, #tpu.memory_space<semaphore_mem>>)
        %dma_wait3A_43 = tpu.memref_slice %arg4[%add3A_35] : memref<323584xi32, #tpu.memory_space<hbm>> -> memref<128xi32, #tpu.memory_space<hbm>>
        %dma_wait3A_44 = tpu.memref_slice %arg4[%add3A_35] : memref<323584xi32, #tpu.memory_space<hbm>> -> memref<128xi32, #tpu.memory_space<hbm>>
        tpu.wait_dma2 semaphore(%run_scoped3A : memref<!tpu.dma_semaphore, #tpu.memory_space<semaphore_mem>>) src(%dma_wait3A_44 : memref<128xi32, #tpu.memory_space<hbm>>) dst(%arg7 : memref<128xi32, #tpu.memory_space<vmem>>)
        tpu.yield
      }) : () -> ()
      %dma_start3A = arith.constant 0 : i32
      %dma_start3A_36 = arith.constant 0 : i32
      %dma_start3A_37 = tpu.memref_slice %arg2[%dma_start3A, %dma_start3A_36] : memref<10240x128xf32, #tpu.memory_space<hbm>> -> memref<10240x128xf32, #tpu.memory_space<hbm>>
      tpu.enqueue_indirect_dma source(%dma_start3A_37 : memref<10240x128xf32, #tpu.memory_space<hbm>>) target(%arg8 : memref<128x128xf32, #tpu.memory_space<vmem>>) offsets(%arg6 : memref<128xi32, #tpu.memory_space<vmem>>) semaphore(%arg11 : memref<!tpu.dma_semaphore, #tpu.memory_space<semaphore_mem>>)
      %dma_wait3A = arith.constant 0 : i32
      %dma_wait3A_38 = arith.constant 0 : i32
      %dma_wait3A_39 = tpu.memref_slice %arg2[%dma_wait3A, %dma_wait3A_38] : memref<10240x128xf32, #tpu.memory_space<hbm>> -> memref<10240x128xf32, #tpu.memory_space<hbm>>
      tpu.wait_indirect_dma semaphore(%arg11 : memref<!tpu.dma_semaphore, #tpu.memory_space<semaphore_mem>>) src(%dma_wait3A_39 : memref<10240x128xf32, #tpu.memory_space<hbm>>) dst(%arg8 : memref<128x128xf32, #tpu.memory_space<vmem>>)
      "tpu.region"() ({
        %run_scoped3A = tpu.sem_alloc : memref<!tpu.dma_semaphore, #tpu.memory_space<semaphore_mem>>
        %dma_start3A_41 = arith.constant 0 : i32
        %dma_start3A_42 = arith.constant 0 : i32
        %dma_start3A_43 = tpu.memref_slice %arg10[%dma_start3A_41, %dma_start3A_42] : memref<10240x128xf32, #tpu.memory_space<vmem_shared>> -> memref<10240x128xf32, #tpu.memory_space<vmem_shared>>
        tpu.enqueue_indirect_dma source(%arg8 : memref<128x128xf32, #tpu.memory_space<vmem>>) target(%dma_start3A_43 : memref<10240x128xf32, #tpu.memory_space<vmem_shared>>) offsets(%arg7 : memref<128xi32, #tpu.memory_space<vmem>>) semaphore(%run_scoped3A : memref<!tpu.dma_semaphore, #tpu.memory_space<semaphore_mem>>) {add = true}
        %dma_wait3A_44 = arith.constant 0 : i32
        %dma_wait3A_45 = arith.constant 0 : i32
        %dma_wait3A_46 = tpu.memref_slice %arg10[%dma_wait3A_44, %dma_wait3A_45] : memref<10240x128xf32, #tpu.memory_space<vmem_shared>> -> memref<10240x128xf32, #tpu.memory_space<vmem_shared>>
        tpu.wait_indirect_dma semaphore(%run_scoped3A : memref<!tpu.dma_semaphore, #tpu.memory_space<semaphore_mem>>) src(%arg8 : memref<128x128xf32, #tpu.memory_space<vmem>>) dst(%dma_wait3A_46 : memref<10240x128xf32, #tpu.memory_space<vmem_shared>>)
        tpu.yield
      }) : () -> ()
      %scan3A_40 = arith.constant 0 : i32
      scf.yield %scan3A_40 : i32
    }
    %scan3A_20 = arith.constant 79 : i32
    %barrier3A_21 = arith.constant 0 : index
    tpu.barrier barrier_id(%barrier3A_21)
    %scan3A_22 = arith.constant 0 : i32
    %scan3A_23 = arith.constant 0 : i32
    %scan3A_24 = arith.constant 10 : i32
    %scan3A_25 = arith.addi %scan3A_23, %scan3A_24 : i32
    %scan3A_26 = arith.constant 1 : i32
    %scan3A_27 = scf.for %scan3A_29 = %scan3A_23 to %scan3A_25 step %scan3A_26 iter_args(%scan3A_30 = %scan3A_22) -> (i32)  : i32 {
      %mul3A_31 = arith.constant 640 : i32
      %mul3A_32 = arith.muli %arg1, %mul3A_31 : i32
      %mul3A_33 = arith.constant 64 : i32
      %mul3A_34 = arith.muli %scan3A_29, %mul3A_33 : i32
      %add3A_35 = arith.addi %mul3A_32, %mul3A_34 : i32
      "tpu.region"() ({
        %run_scoped3A = tpu.sem_alloc : memref<!tpu.dma_semaphore, #tpu.memory_space<semaphore_mem>>
        %dma_start3A = arith.constant 0 : i32
        %dma_start3A_37 = tpu.memref_slice %arg10[%add3A_35, %dma_start3A] : memref<10240x128xf32, #tpu.memory_space<vmem_shared>> -> memref<64x128xf32, #tpu.memory_space<vmem_shared>>
        %dma_start3A_38 = arith.constant 0 : i32
        %dma_start3A_39 = tpu.memref_slice %arg10[%add3A_35, %dma_start3A_38] : memref<10240x128xf32, #tpu.memory_space<vmem_shared>> -> memref<64x128xf32, #tpu.memory_space<vmem_shared>>
        tpu.enqueue_dma source(%dma_start3A_39 : memref<64x128xf32, #tpu.memory_space<vmem_shared>>) target(%arg9 : memref<64x128xf32, #tpu.memory_space<vmem>>) target_semaphore(%run_scoped3A : memref<!tpu.dma_semaphore, #tpu.memory_space<semaphore_mem>>)
        %dma_wait3A = arith.constant 0 : i32
        %dma_wait3A_40 = tpu.memref_slice %arg10[%add3A_35, %dma_wait3A] : memref<10240x128xf32, #tpu.memory_space<vmem_shared>> -> memref<64x128xf32, #tpu.memory_space<vmem_shared>>
        %dma_wait3A_41 = arith.constant 0 : i32
        %dma_wait3A_42 = tpu.memref_slice %arg10[%add3A_35, %dma_wait3A_41] : memref<10240x128xf32, #tpu.memory_space<vmem_shared>> -> memref<64x128xf32, #tpu.memory_space<vmem_shared>>
        tpu.wait_dma2 semaphore(%run_scoped3A : memref<!tpu.dma_semaphore, #tpu.memory_space<semaphore_mem>>) src(%dma_wait3A_42 : memref<64x128xf32, #tpu.memory_space<vmem_shared>>) dst(%arg9 : memref<64x128xf32, #tpu.memory_space<vmem>>)
        tpu.yield
      }) : () -> ()
      "tpu.region"() ({
        %run_scoped3A = tpu.sem_alloc : memref<!tpu.dma_semaphore, #tpu.memory_space<semaphore_mem>>
        %dma_start3A = arith.constant 0 : i32
        %dma_start3A_37 = tpu.memref_slice %arg5[%arg0, %add3A_35, %dma_start3A] : memref<2x10240x128xf32, #tpu.memory_space<hbm>> -> memref<1x64x128xf32, #tpu.memory_space<hbm>>
        %dma_start3A_38 = tpu.memref_squeeze %dma_start3A_37 : memref<1x64x128xf32, #tpu.memory_space<hbm>> -> memref<64x128xf32, #tpu.memory_space<hbm>>
        %dma_start3A_39 = arith.constant 0 : i32
        %dma_start3A_40 = tpu.memref_slice %arg5[%arg0, %add3A_35, %dma_start3A_39] : memref<2x10240x128xf32, #tpu.memory_space<hbm>> -> memref<1x64x128xf32, #tpu.memory_space<hbm>>
        %dma_start3A_41 = tpu.memref_squeeze %dma_start3A_40 : memref<1x64x128xf32, #tpu.memory_space<hbm>> -> memref<64x128xf32, #tpu.memory_space<hbm>>
        tpu.enqueue_dma source(%arg9 : memref<64x128xf32, #tpu.memory_space<vmem>>) target(%dma_start3A_41 : memref<64x128xf32, #tpu.memory_space<hbm>>) target_semaphore(%run_scoped3A : memref<!tpu.dma_semaphore, #tpu.memory_space<semaphore_mem>>)
        %dma_wait3A = arith.constant 0 : i32
        %dma_wait3A_42 = tpu.memref_slice %arg5[%arg0, %add3A_35, %dma_wait3A] : memref<2x10240x128xf32, #tpu.memory_space<hbm>> -> memref<1x64x128xf32, #tpu.memory_space<hbm>>
        %dma_wait3A_43 = tpu.memref_squeeze %dma_wait3A_42 : memref<1x64x128xf32, #tpu.memory_space<hbm>> -> memref<64x128xf32, #tpu.memory_space<hbm>>
        %dma_wait3A_44 = arith.constant 0 : i32
        %dma_wait3A_45 = tpu.memref_slice %arg5[%arg0, %add3A_35, %dma_wait3A_44] : memref<2x10240x128xf32, #tpu.memory_space<hbm>> -> memref<1x64x128xf32, #tpu.memory_space<hbm>>
        %dma_wait3A_46 = tpu.memref_squeeze %dma_wait3A_45 : memref<1x64x128xf32, #tpu.memory_space<hbm>> -> memref<64x128xf32, #tpu.memory_space<hbm>>
        tpu.wait_dma2 semaphore(%run_scoped3A : memref<!tpu.dma_semaphore, #tpu.memory_space<semaphore_mem>>) src(%arg9 : memref<64x128xf32, #tpu.memory_space<vmem>>) dst(%dma_wait3A_46 : memref<64x128xf32, #tpu.memory_space<hbm>>)
        tpu.yield
      }) : () -> ()
      %scan3A_36 = arith.constant 0 : i32
      scf.yield %scan3A_36 : i32
    }
    %scan3A_28 = arith.constant 10 : i32
    return
  }
}

</mosaic_0001>

<sc_bundles>
// kernel: kernel.12.cloned.1.call-start
scs
__scs_entry_jumppad:
0x0: {  	(pc) =	sbr.rel $0x88, $3  }
0x1: {  	(tag) =	ssettag $0x0;
	lr =	simm.s32 $0x1  }
0x2: {  	[smem:$0x3F9E] =	sst lr;
	_ =	strace $0xD0000000  }
0x3: {  	_ = 	snop  }
0x4: {  	_ = 	snop  }
0x5: {  	_ = 	snop  }
0x6: {  	_ = 	snop  }
0x7: {  	_ = 	snop  }
__scs_overlays_trampoline_lowered:
0x8: {  	[smem:$0x3FAD] =	sst s0  }
0x9: {  	[smem:$0x3FAE] =	sst s1  }
0xa: {  	[smem:$0x3FAF] =	sst s2  }
0xb: {  	[smem:$0x3FB0] =	sst s3  }
0xc: {  	[smem:$0x3FB1] =	sst s4  }
0xd: {  	[smem:$0x3FB2] =	sst s5  }
0xe: {  	[smem:$0x3FB3] =	sst s6  }
0xf: {  	[smem:$0x3FB4] =	sst s7  }
0x10: {  	[smem:$0x3FB5] =	sst s8  }
0x11: {  	[smem:$0x3FB6] =	sst s9;
	s0 =	simm.s32 @!p0 $0x0  }
0x12: {  	s1 =	sld [smem:$0x3F9C];
	s0 =	simm.s32 @p0 $0x1  }
0x13: {  	[smem:$0x3FB7] =	sst s0;
	s0 =	simm.s32 @!p1 $0x0  }
0x14: {  	s2 =	sld [smem:$0x3F9B];
	s0 =	simm.s32 @p1 $0x1  }
0x15: {  	[smem:$0x3FB8] =	sst s0;
	s0 =	simm.s32 @!p2 $0x0  }
0x16: {  	s3 =	sld [smem:$0x3FDB];
	s0 =	simm.s32 @p2 $0x1  }
0x17: {  	s4 =	simm.s32 $0x1BF5;
	[smem:$0x3FBA] =	sst s0  }
0x18: {  	s0 =	sld [smem:$0x3F9D];
	_ =	swait.ge [sflag:s4], $0x0  }
0x19: {  	s7 =	sld [smem:$0x3F9E]  }
0x1a: {  	s8 =	sadd.s32 $0xFFFFE003, lr  }
0x1b: {  	s9 =	sadd.s32 $0xFFFFFEF7, lr;
	s5 =	simm.s32 $0xFFFFFFFF;
	p2 =	slt.u32 s8, $0xFFFFF086  }
0x1c: {  	p1 =	slt.u32 s9, $0xF7A;
	s5 =	simm.s32 @!p2 $0x0  }
0x1d: {  	s5 =	simm.s32 @p1 $0x1;
	p0 =	seq.s32 s7, s2  }
0x1e: {  	s7 =	smul.u32 @!p0 $0xF7A, s2;
	p2 =	seq.s32 @!p0 s5, $0x0  }
0x1f: {  	s9 =	smul.u32 $0xF7A, s1;
	s8 =	simm.s32 @!p0 $0x1BF5;
	p2 =	por !p2, p0  }
0x20: {  	[sflag:s8] =	ssyncset.s32 @!p0 $0xFFFFF086;
	s6 =	sadd.s32 @!p0 s3, s7;
	s7 =	simm.s32 @!p0 $0x108  }
0x21: {  	s3 =	sadd.s32 s3, s9;
	s6 =	sadd.s32 @!p0 $0x88, s6;
	s7 =	simm.s32 @p2 $0x1082  }
0x22: {  	[simem:s7], [sflag:s8] =	dma.local @!p0 [hbm:s6], $0xF7A  }
0x23: {  	s9 =	sor.u32 $0xD0000000, s2;
	s6 =	simm.s32 $0x108;
	_ =	swait.ge @!p0 [sflag:s8], $0x0  }
0x24: {  	s3 =	sadd.s32 $0x88, s3;
	s6 =	simm.s32 @!p1 $0x1082;
	[sflag:s4] =	ssyncset.s32 $0xFFFFF086  }
0x25: {  	[simem:s6], [sflag:s4] =	dma.local [hbm:s3], $0xF7A  }
0x26: {  	[smem:$0x3F9E] =	sst s1;
	(tag) =	ssettag s2;
	_ =	strace s9  }
0x27: {  	s1 =	sld [smem:$0x3FAE]  }
0x28: {  	s2 =	sld [smem:$0x3FAF]  }
0x29: {  	s4 =	sld [smem:$0x3FB1]  }
0x2a: {  	p0 =	seq.s32 s5, $0x0;
	s5 =	sld [smem:$0x3FB2]  }
0x2b: {  	s6 =	sld [smem:$0x3FB3]  }
0x2c: {  	s7 =	sld [smem:$0x3FB4]  }
0x2d: {  	s3 =	simm.s32 $0x108;
	s8 =	sld [smem:$0x3FB5]  }
0x2e: {  	s3 =	simm.s32 @!p0 $0x1082;
	s9 =	sld [smem:$0x3FB6]  }
0x2f: {  	lr =	sadd.s32 s0, s3;
	s0 =	sld [smem:$0x3FAD]  }
0x30: {  	s3 =	sld [smem:$0x3FB0]  }
0x31: {  	[smem:$0x3FB9] =	sst s10  }
0x32: {  	s10 =	sld [smem:$0x3FB7];
	_ =	sdelay $0x3  }
0x33: {  	p0 =	seq.s32 s10, $0x1;
	s10 =	sld [smem:$0x3FB9];
	_ =	sdelay $0x3  }
0x34: {  	[smem:$0x3FB9] =	sst s10  }
0x35: {  	s10 =	sld [smem:$0x3FB8];
	_ =	sdelay $0x3  }
0x36: {  	p1 =	seq.s32 s10, $0x1;
	s10 =	sld [smem:$0x3FB9];
	_ =	sdelay $0x3  }
0x37: {  	[smem:$0x3FB9] =	sst s10  }
0x38: {  	s10 =	sld [smem:$0x3FBA]  }
0x39: {  	_ = 	snop;
	(pc) =	sbr.ind lr, $3  }
0x3a: {  	_ = 	snop  }
0x3b: {  	_ = 	snop  }
0x3c: {  	p2 =	seq.s32 s10, $0x1;
	s10 =	sld [smem:$0x3FB9]  }
0x3d: {  	_ =	shalt  }
0x3e: {  	_ =	shalt  }
0x3f: {  	_ =	shalt  }
0x40: {  	_ =	shalt  }
0x41: {  	_ =	shalt  }
0x42: {  	_ =	shalt  }
0x43: {  	_ =	shalt  }
0x44: {  	_ =	shalt  }
0x45: {  	_ =	shalt  }
0x46: {  	_ =	shalt  }
0x47: {  	_ =	shalt  }
0x48: {  	_ =	shalt  }
0x49: {  	_ =	shalt  }
0x4a: {  	_ =	shalt  }
0x4b: {  	_ =	shalt  }
0x4c: {  	_ =	shalt  }
0x4d: {  	_ =	shalt  }
0x4e: {  	_ =	shalt  }
0x4f: {  	_ =	shalt  }
0x50: {  	_ =	shalt  }
0x51: {  	_ =	shalt  }
0x52: {  	_ =	shalt  }
0x53: {  	_ =	shalt  }
0x54: {  	_ =	shalt  }
0x55: {  	_ =	shalt  }
0x56: {  	_ =	shalt  }
0x57: {  	_ =	shalt  }
0x58: {  	_ =	shalt  }
0x59: {  	_ =	shalt  }
0x5a: {  	_ =	shalt  }
0x5b: {  	_ =	shalt  }
0x5c: {  	_ =	shalt  }
0x5d: {  	_ =	shalt  }
0x5e: {  	_ =	shalt  }
0x5f: {  	_ =	shalt  }
0x60: {  	_ =	shalt  }
0x61: {  	_ =	shalt  }
0x62: {  	_ =	shalt  }
0x63: {  	_ =	shalt  }
0x64: {  	_ =	shalt  }
0x65: {  	_ =	shalt  }
0x66: {  	_ =	shalt  }
0x67: {  	_ =	shalt  }
0x68: {  	_ =	shalt  }
0x69: {  	_ =	shalt  }
0x6a: {  	_ =	shalt  }
0x6b: {  	_ =	shalt  }
0x6c: {  	_ =	shalt  }
0x6d: {  	_ =	shalt  }
0x6e: {  	_ =	shalt  }
0x6f: {  	_ =	shalt  }
0x70: {  	_ =	shalt  }
0x71: {  	_ =	shalt  }
0x72: {  	_ =	shalt  }
0x73: {  	_ =	shalt  }
0x74: {  	_ =	shalt  }
0x75: {  	_ =	shalt  }
0x76: {  	_ =	shalt  }
0x77: {  	_ =	shalt  }
0x78: {  	_ =	shalt  }
0x79: {  	_ =	shalt  }
0x7a: {  	_ =	shalt  }
0x7b: {  	_ =	shalt  }
0x7c: {  	_ =	shalt  }
0x7d: {  	_ =	shalt  }
0x7e: {  	_ =	shalt  }
0x7f: {  	_ =	shalt  }
0x80: {  	_ =	shalt  }
0x81: {  	_ =	shalt  }
0x82: {  	_ =	shalt  }
0x83: {  	_ =	shalt  }
0x84: {  	_ =	shalt  }
0x85: {  	_ =	shalt  }
0x86: {  	_ =	shalt  }
0x87: {  	_ =	shalt  }
.Lfunc_end0:
.L_simem_size_0:
called_computation.2_lowered:
.L_overlay_start_0:
0x88: {  	s2 =	sld [smem:$0x3FD9]  }
0x89: {  	s3 =	sld [smem:$0x3FFE];
	_ =	sdelay $0x1  }
0x8a: {  	s1 =	srdreg.scid  }
0x8b: {  	s0 =	sand.u32 $0x1, s1  }
0x8c: {  	s17 =	sshll.u32 s0, $0xA;
	s2 =	sadd.s32 s3, s2  }
0x8d: {  	s2 =	sadd.s32 s2, s17  }
0x8e: {  	[smem:$0x3FC5] =	sst s2  }
0x8f: {  	_ = 	snop  }
0x90: {  	s2 =	sld [smem:$0x3FD0];
	(tm) =	ssettm $0x1  }
0x91: {  	s18 =	sld [smem:$0x3FFB];
	_ =	sdelay $0x3  }
0x92: {  	_ =	strace s18  }
0x93: {  	s3 =	sld [smem:$0x3FFC];
	_ =	sdelay $0x3  }
0x94: {  	_ =	strace s3  }
0x95: {  	s3 =	sld [smem:$0x3FFD];
	_ =	sdelay $0x3  }
0x96: {  	_ =	strace s3  }
0x97: {  	_ =	strace $0x8FFFFFFF  }
0x98: {  	s19 =	sld [smem:$0x3FDB];
	_ =	sdelay $0x1  }
0x99: {  	s4 =	simm.s32 $_scs_section_size  }
0x9a: {  	s5 =	simm.s32 $_size__tile_overlayer_lowered;
	s6 =	simm.s32 $_tile_overlayer_lowered  }
0x9b: {  	s22 =	simm.s32 $0x1BFF;
	s21 =	sshll.u32 s6, $0x1;
	s3 =	sadd.s32 s4, s19  }
0x9c: {  	s7 =	simm.s32 $0x0;
	s20 =	sshll.u32 s5, $0x1;
	s5 =	sadd.s32 s21, s3  }
0x9d: {  	[timem:s7], [sflag:s22] =	dma.local [hbm:s5], s20  }
0x9e: {  	_ =	swait.ge [sflag:s22], s20  }
0x9f: {  	s4 =	ssub.s32 $0x0, s20;
	[sflag:s22] =	ssyncset.done $0x0  }
0xa0: {  	[sflag:s22] =	ssyncadd.s32 s4;
	_ =	sdelay $0x1  }
0xa1: {  	s23 =	simm.s32 $0x1B8B  }
0xa2: {  	_ =	swait.ge [sflag:s23], $0x1  }
0xa3: {  	[sflag:s23] =	ssyncset.done $0x0  }
0xa4: {  	s25 =	simm.s32 $0x1B8E;
	s24 =	sld [smem:$0x3FFE];
	[sflag:s23] =	ssyncadd.s32 $0xFFFFFFFF  }
0xa5: {  	s26 =	simm.s32 $execute0_lowered;
	[smem:$0x3FD2] =	sst s25  }
0xa6: {  	s5 =	sshll.u32 s26, $0x1;
	_ =	strace $0x8000004C;
	[dreg:$0x1] =	wrdreg $0xFFFFFFFF  }
0xa7: {  	s28 =	simm.s32 $_size_execute0_lowered;
	s3 =	sadd.s32 s3, s5;
	[dreg:$0x0] =	wrdreg $0x0  }
0xa8: {  	s5 =	sshll.u32 s28, $0x1;
	[dreg:$0x2] =	wrdreg s3  }
0xa9: {  	[dreg:$0x3] =	wrdreg s5  }
0xaa: {  	[dreg:$0x4] =	wrdreg $0xC0  }
0xab: {  	_ =	task [dreg:s7], $0x5FFFF  }
0xac: {  	[dreg:$0x1] =	wrdreg $0xFFFFFFFF  }
0xad: {  	[dreg:$0x0] =	wrdreg $0x60  }
0xae: {  	[dreg:$0x2] =	wrdreg s24  }
0xaf: {  	[dreg:$0x3] =	wrdreg s2  }
0xb0: {  	[dreg:$0x4] =	wrdreg $0x61000  }
0xb1: {  	[dreg:$0x5] =	wrdreg $0x9  }
0xb2: {  	_ =	task.clear_ibuf [dreg:s7], $0x6FFFF;
	_ =	strace $0x9000004C  }
0xb3: {  	s29 =	simm.s32 $0x9;
	_ =	strace $0x8000004E  }
0xb4: {  	_ =	swait.ge [sflag:s29], $0x1  }
0xb5: {  	[sflag:s29] =	ssyncadd.s32 $0xFFFFFFFF  }
0xb6: {  	_ =	strace $0x9000004E  }
0xb7: {  	_ =	sfence  }
0xb8: {  	s30 =	sld [smem:$0x0];
	_ =	sdelay $0x2  }
0xb9: {  	s31 =	sshll.u32 s1, $0xD;
	s1 =	sshrl.u32 s1, $0x2  }
0xba: {  	s3 =	sand.u32 $0x4000, s31;
	s1 =	sadd.s32 s1, s30  }
0xbb: {  	s0 =	sor.u32 s3, s0;
	s1 =	sshll.u32 s1, $0x11  }
0xbc: {  	s0 =	sor.u32 s1, s0  }
0xbd: {  	s0 =	sadd.s32 $0x8F2B, s0  }
0xbe: {  	[sflag:s0] =	ssyncadd.remote.s32 $0x1  }
0xbf: {  	_ =	sfence.sel $0xFFFF  }
0xc0: {  	[dreg:$0x0] =	wrdreg $0xFFFFFFFF;
	(pc) =	sbr.abs _section_cstart, $3  }
0xc1: {  	[dreg:$0x1] =	wrdreg $0xFFFFFFFF  }
0xc2: {  	_ =	task.clear_ibuf [dreg:s7], $0x2FFFF;
	_ =	strace $0x9FFFFFFF  }
0xc3: {  	(tm) =	ssettm $0x7FFFFFFF  }
tec
execute0_lowered:
.L_overlay_start_1:
0x0: {  	(tag) =	ssettag $0x1  }
0x1: {  	s0 =	srdreg.scid;
	s2 =	rddreg [dreg:$0x0]  }
0x2: {  	s16 =	stileid.u32;
	s4 =	rddreg [dreg:$0x1]  }
0x3: {  	s1 =	simm.s32 $0x0;
	s0 =	sand.u32 $0x1, s0;
	s5 =	smul.u32 $0x14000, s16  }
0x4: {  	[smem:$0x7FF] =	sst s1;
	s3 =	smul.u32 $0x140000, s0  }
0x5: {  	s9 =	sadd.s32 $0xAA00, s2;
	s6 =	ssub.s32 $0x2, s0;
	s0 =	smul.u32 $0x4F00, s0  }
0x6: {  	s7 =	sshrl.u32 s6, $0x1;
	s12 =	sadd.s32 $0x6000, s5;
	s17 =	sadd.s32 $0xC000, s5  }
0x7: {  	s18 =	sadd.s32 $0xE000, s5;
	s8 =	sadd.s32 s3, s5;
	s6 =	ssub.s32 s6, s7  }
0x8: {  	s13 =	sadd.s32 s3, s12;
	s15 =	sadd.s32 s3, s17;
	s25 =	sadd.s32 s3, s18  }
0x9: {  	s4 =	sadd.s32 s0, s4;
	s0 =	sadd.s32 s0, s2;
	s19 =	sshrl.u32 s8, $0x3  }
0xa: {  	s8 =	sadd.s32 $0x4000, s5;
	s21 =	sshrl.u32 s13, $0x3;
	s24 =	sshrl.u32 s15, $0x3  }
0xb: {  	s15 =	smul.u32 $0x4F0, s16;
	s7 =	sadd.s32 s9, s19;
	s11 =	sadd.s32 s3, s8  }
0xc: {  	s19 =	sadd.s32 $0x10000, s5;
	[dreg:$0x4] =	wrdreg s7;
	s7 =	sor.u32 $0x2000, s5  }
0xd: {  	s11 =	sshrl.u32 s11, $0x3;
	s26 =	sadd.s32 s3, s19;
	s0 =	sadd.s32 s15, s0  }
0xe: {  	s10 =	sadd.s32 s3, s7;
	s20 =	sadd.s32 s9, s11;
	s11 =	sadd.s32 $0xA000, s5  }
0xf: {  	s28 =	sadd.s32 $0xC00, s0;
	s10 =	sshrl.u32 s10, $0x3;
	[dreg:$0x6] =	wrdreg s20  }
0x10: {  	s14 =	sadd.s32 s3, s11;
	s20 =	smul.u32 $0x50000, s16;
	s10 =	sadd.s32 s9, s10  }
0x11: {  	s14 =	sshrl.u32 s14, $0x3;
	[dreg:$0x5] =	wrdreg s10;
	s10 =	sadd.s32 s9, s21  }
0x12: {  	s23 =	sadd.s32 s9, s14;
	[dreg:$0x7] =	wrdreg s10;
	s10 =	sadd.s32 $0x8000, s5  }
0x13: {  	s14 =	sshrl.u32 s26, $0x3;
	[dreg:$0x9] =	wrdreg s23;
	s22 =	sadd.s32 s3, s10  }
0x14: {  	s5 =	sadd.s32 $0x12000, s5;
	s14 =	sadd.s32 s9, s14;
	s13 =	sshrl.u32 s22, $0x3  }
0x15: {  	s3 =	sadd.s32 s3, s5;
	[dreg:$0xc] =	wrdreg s14;
	s13 =	sadd.s32 s9, s13  }
0x16: {  	s3 =	sshrl.u32 s3, $0x3;
	[dreg:$0x8] =	wrdreg s13;
	s13 =	sadd.s32 s9, s24  }
0x17: {  	s3 =	sadd.s32 s9, s3;
	[dreg:$0xa] =	wrdreg s13;
	s13 =	sshrl.u32 s25, $0x3  }
0x18: {  	s21 =	sshrl.u32 s20, $0x2;
	[dreg:$0xd] =	wrdreg s3;
	s13 =	sadd.s32 s9, s13  }
0x19: {  	s14 =	sadd.s32 s15, s4;
	s15 =	sadd.s32 $0x83000, s2;
	[dreg:$0xb] =	wrdreg s13  }
0x1a: {  	s22 =	smax.u32 s6, $0x1;
	s6 =	simm.s32 $0x4100;
	s13 =	rddreg [dreg:$0x2]  }
0x1b: {  	s9 =	simm.s32 $0x100;
	_ =	strace $0x8000004D;
	s16 =	sadd.s32 s21, s13  }
0x1c: {  	[dreg:$0xe] =	wrdreg s22;
	s23 =	sadd.s32 s7, s13;
	s24 =	sadd.s32 s8, s13  }
0x1d: {  	s25 =	sadd.s32 s12, s13;
	s26 =	sadd.s32 s10, s13;
	[dreg:$0xf] =	wrdreg s23  }
0x1e: {  	s22 =	sadd.s32 s11, s13;
	s7 =	simm.s32 $0x2;
	[dreg:$0x10] =	wrdreg s24  }
0x1f: {  	s8 =	simm.s32 $0x80;
	s10 =	simm.s32 $0x1;
	[dreg:$0x11] =	wrdreg s25  }
0x20: {  	s11 =	simm.s32 $0x0;
	[dreg:$0x12] =	wrdreg s26;
	s23 =	sadd.s32 s17, s13  }
0x21: {  	s24 =	sadd.s32 s18, s13;
	s25 =	sadd.s32 s19, s13;
	s26 =	sadd.s32 s5, s13  }
0x22: {  	s29 =	sadd.s32 $0x2000, s16;
	s30 =	sadd.s32 $0x4000, s16;
	s31 =	sadd.s32 $0x6000, s16  }
0x23: {  	s12 =	sadd.s32 $0x8000, s16;
	s0 =	sadd.s32 $0xA000, s16;
	s2 =	sadd.s32 $0xC000, s16  }
0x24: {  	v0 =	vimm.f32 $0.0e+00;
	s3 =	sadd.s32 $0xE000, s16;
	s4 =	sadd.s32 $0x10000, s16;
	s5 =	sadd.s32 $0x12000, s16  }
.LBB2_1:
0x25: {  	s17 =	sand.u32 $0x7E00, s1  }
0x26: {  	s18 =	sand.u32 $0x70, s1;
	s19 =	sshrl.u32 s17, $0x2  }
0x27: {  	s17 =	simm.s32 $0x40;
	s19 =	sor.u32 s18, s19;
	s18 =	simm.s32 $0x0  }
.LBB2_2:
0x28: {  	p0 =	sne.s32 s17, $0x7FC0  }
0x29: {  	[tilespmem:s19+$0x4100] =	vst v0;
	s18 =	sadd.s32 $0x10, s18;
	s19 =	smov.u32 s17;
	s17 =	sadd.s32 $0x40, s17  }
.Ltmp0:
0x2a: {  	(pc) =	sbr.rel @p0 .LBB2_2-.Ltmp0, $4  }
0x2b: {  	_ = 	snop  }
0x2c: {  	s19 =	sand.u32 $0x7E00, s19  }
0x2d: {  	s20 =	sand.u32 $0x70, s18;
	s19 =	sshrl.u32 s19, $0x2  }
0x2e: {  	s19 =	sor.u32 s20, s19  }
0x2f: {  	[tilespmem:s19+$0x4100] =	vst v0  }
0x30: {  	[spmem:s16] =	stream.linear.scatter [tilespmem:s6], [sflag:$0x2], $0x2000, $0x38;
	[tilespmem:$0x1A100] =	vst v63  }
0x31: {  	_ =	swait.ge [sflag:s7], $0x2000  }
0x32: {  	[sflag:s7] =	ssyncset.done $0x0  }
0x33: {  	[sflag:s7] =	ssyncadd.s32 $0xFFFFE000  }
0x34: {  	[spmem:s29] =	stream.linear.scatter [tilespmem:s6], [sflag:$0x2], $0x2000, $0x38;
	[tilespmem:$0x1A100] =	vst v63  }
0x35: {  	_ =	swait.ge [sflag:s7], $0x2000  }
0x36: {  	[sflag:s7] =	ssyncset.done $0x0  }
0x37: {  	[sflag:s7] =	ssyncadd.s32 $0xFFFFE000  }
0x38: {  	[spmem:s30] =	stream.linear.scatter [tilespmem:s6], [sflag:$0x2], $0x2000, $0x38;
	[tilespmem:$0x1A100] =	vst v63  }
0x39: {  	_ =	swait.ge [sflag:s7], $0x2000  }
0x3a: {  	[sflag:s7] =	ssyncset.done $0x0  }
0x3b: {  	[sflag:s7] =	ssyncadd.s32 $0xFFFFE000  }
0x3c: {  	[spmem:s31] =	stream.linear.scatter [tilespmem:s6], [sflag:$0x2], $0x2000, $0x38;
	[tilespmem:$0x1A100] =	vst v63  }
0x3d: {  	_ =	swait.ge [sflag:s7], $0x2000  }
0x3e: {  	[sflag:s7] =	ssyncset.done $0x0  }
0x3f: {  	[sflag:s7] =	ssyncadd.s32 $0xFFFFE000  }
0x40: {  	[spmem:s12] =	stream.linear.scatter [tilespmem:s6], [sflag:$0x2], $0x2000, $0x38;
	[tilespmem:$0x1A100] =	vst v63  }
0x41: {  	_ =	swait.ge [sflag:s7], $0x2000  }
0x42: {  	[sflag:s7] =	ssyncset.done $0x0  }
0x43: {  	[sflag:s7] =	ssyncadd.s32 $0xFFFFE000  }
0x44: {  	[spmem:s0] =	stream.linear.scatter [tilespmem:s6], [sflag:$0x2], $0x2000, $0x38;
	[tilespmem:$0x1A100] =	vst v63  }
0x45: {  	_ =	swait.ge [sflag:s7], $0x2000  }
0x46: {  	[sflag:s7] =	ssyncset.done $0x0  }
0x47: {  	[sflag:s7] =	ssyncadd.s32 $0xFFFFE000  }
0x48: {  	[spmem:s2] =	stream.linear.scatter [tilespmem:s6], [sflag:$0x2], $0x2000, $0x38;
	[tilespmem:$0x1A100] =	vst v63  }
0x49: {  	_ =	swait.ge [sflag:s7], $0x2000  }
0x4a: {  	[sflag:s7] =	ssyncset.done $0x0  }
0x4b: {  	[sflag:s7] =	ssyncadd.s32 $0xFFFFE000  }
0x4c: {  	[spmem:s3] =	stream.linear.scatter [tilespmem:s6], [sflag:$0x2], $0x2000, $0x38;
	[tilespmem:$0x1A100] =	vst v63  }
0x4d: {  	_ =	swait.ge [sflag:s7], $0x2000  }
0x4e: {  	[sflag:s7] =	ssyncset.done $0x0  }
0x4f: {  	[sflag:s7] =	ssyncadd.s32 $0xFFFFE000  }
0x50: {  	[spmem:s4] =	stream.linear.scatter [tilespmem:s6], [sflag:$0x2], $0x2000, $0x38;
	[tilespmem:$0x1A100] =	vst v63  }
0x51: {  	_ =	swait.ge [sflag:s7], $0x2000  }
0x52: {  	[sflag:s7] =	ssyncset.done $0x0  }
0x53: {  	[sflag:s7] =	ssyncadd.s32 $0xFFFFE000  }
0x54: {  	[spmem:s5] =	stream.linear.scatter [tilespmem:s6], [sflag:$0x2], $0x2000, $0x38;
	[tilespmem:$0x1A100] =	vst v63  }
0x55: {  	_ =	swait.ge [sflag:s7], $0x2000  }
0x56: {  	[sflag:s7] =	ssyncset.done $0x0  }
0x57: {  	[sflag:s7] =	ssyncadd.s32 $0xFFFFE000  }
0x58: {  	s17 =	sadd.s32 $0x0, s14;
	[bflag:$0x0] =	sbarrier.arrive $0xFFFF  }
0x59: {  	[tilespmem:s1], [sflag:$0x2] =	stream.linear.gather [hbm4b:s17+s1], $0x80, $0x38;
	[tilespmem:$0x1A100] =	vst v63  }
0x5a: {  	_ =	swait.ge [sflag:s7], $0x80  }
0x5b: {  	[sflag:s7] =	ssyncset.done $0x0  }
0x5c: {  	s21 =	sadd.s32 $0x0, s28;
	[sflag:s7] =	ssyncadd.s32 $0xFFFFFF80  }
0x5d: {  	[tilespmem:s8], [sflag:$0x2] =	stream.linear.gather [hbm4b:s21+s1], $0x80, $0x38;
	[tilespmem:$0x1A100] =	vst v63  }
0x5e: {  	_ =	swait.ge [sflag:s7], $0x80  }
0x5f: {  	[sflag:s7] =	ssyncset.done $0x0  }
0x60: {  	[sflag:s7] =	ssyncadd.s32 $0xFFFFFF80  }
0x61: {  	[tilespmem:s9], [sflag:$0x1] =	stream.indirect.gather [hbm4b:s15+s8], $0x80, s1, s8, $0xb8;
	[tilespmem:$0x1A100] =	vst v63  }
0x62: {  	_ =	swait.ge [sflag:s10], $0x4000  }
0x63: {  	[sflag:s10] =	ssyncset.done $0x0  }
0x64: {  	[sflag:s10] =	ssyncadd.s32 $0xFFFFC000  }
0x65: {  	[spmem:s13] =	stream.indirect.scatter.add.f32 [tilespmem:s9], [sflag:$0x2], $0x80, s8, s8, $0xb8;
	[tilespmem:$0x1A100] =	vst v63  }
0x66: {  	_ =	swait.ge [sflag:s7], $0x4000  }
0x67: {  	s18 =	simm.s32 $0x20;
	s17 =	simm.s32 $0x10;
	[sflag:s7] =	ssyncset.done $0x0  }
.LBB2_4:
0x68: {  	s19 =	sadd.s32 s17, s14  }
0x69: {  	[sflag:s7] =	ssyncadd.s32 $0xFFFFC000;
	s20 =	smov.u32 s18;
	s21 =	sadd.s32 $0x10, s18  }
0x6a: {  	[tilespmem:s1], [sflag:$0x2] =	stream.linear.gather [hbm4b:s19+s1], $0x80, $0x38;
	[tilespmem:$0x1A100] =	vst v63  }
0x6b: {  	p0 =	sne.s32 s18, $0x4E0;
	_ =	swait.ge [sflag:s7], $0x80  }
0x6c: {  	[sflag:s7] =	ssyncset.done $0x0  }
0x6d: {  	s18 =	sadd.s32 s17, s28;
	s17 =	smov.u32 s20;
	[sflag:s7] =	ssyncadd.s32 $0xFFFFFF80  }
0x6e: {  	[tilespmem:s8], [sflag:$0x2] =	stream.linear.gather [hbm4b:s18+s1], $0x80, $0x38;
	[tilespmem:$0x1A100] =	vst v63  }
0x6f: {  	_ =	swait.ge [sflag:s7], $0x80  }
0x70: {  	[sflag:s7] =	ssyncset.done $0x0  }
0x71: {  	[sflag:s7] =	ssyncadd.s32 $0xFFFFFF80  }
0x72: {  	[tilespmem:s9], [sflag:$0x1] =	stream.indirect.gather [hbm4b:s15+s8], $0x80, s1, s8, $0xb8;
	[tilespmem:$0x1A100] =	vst v63  }
0x73: {  	_ =	swait.ge [sflag:s10], $0x4000  }
.Ltmp1:
0x74: {  	[sflag:s10] =	ssyncset.done $0x0;
	(pc) =	sbr.rel @p0 .LBB2_4-.Ltmp1, $4  }
0x75: {  	[sflag:s10] =	ssyncadd.s32 $0xFFFFC000  }
0x76: {  	[spmem:s13] =	stream.indirect.scatter.add.f32 [tilespmem:s9], [sflag:$0x2], $0x80, s8, s8, $0xb8;
	[tilespmem:$0x1A100] =	vst v63  }
0x77: {  	_ =	swait.ge [sflag:s7], $0x4000  }
0x78: {  	s18 =	smov.u32 s21;
	[sflag:s7] =	ssyncset.done $0x0  }
0x79: {  	s18 =	sadd.s32 s17, s14;
	[sflag:s7] =	ssyncadd.s32 $0xFFFFC000  }
0x7a: {  	[tilespmem:s1], [sflag:$0x2] =	stream.linear.gather [hbm4b:s18+s1], $0x80, $0x38;
	[tilespmem:$0x1A100] =	vst v63  }
0x7b: {  	_ =	swait.ge [sflag:s7], $0x80  }
0x7c: {  	[sflag:s7] =	ssyncset.done $0x0  }
0x7d: {  	s18 =	sadd.s32 s17, s28;
	[sflag:s7] =	ssyncadd.s32 $0xFFFFFF80  }
0x7e: {  	[tilespmem:s8], [sflag:$0x2] =	stream.linear.gather [hbm4b:s18+s1], $0x80, $0x38;
	[tilespmem:$0x1A100] =	vst v63  }
0x7f: {  	_ =	swait.ge [sflag:s7], $0x80  }
0x80: {  	[sflag:s7] =	ssyncset.done $0x0  }
0x81: {  	[sflag:s7] =	ssyncadd.s32 $0xFFFFFF80  }
0x82: {  	[tilespmem:s9], [sflag:$0x1] =	stream.indirect.gather [hbm4b:s15+s8], $0x80, s1, s8, $0xb8;
	[tilespmem:$0x1A100] =	vst v63  }
0x83: {  	_ =	swait.ge [sflag:s10], $0x4000  }
0x84: {  	[sflag:s10] =	ssyncset.done $0x0  }
0x85: {  	[sflag:s10] =	ssyncadd.s32 $0xFFFFC000  }
0x86: {  	[spmem:s13] =	stream.indirect.scatter.add.f32 [tilespmem:s9], [sflag:$0x2], $0x80, s8, s8, $0xb8;
	[tilespmem:$0x1A100] =	vst v63  }
0x87: {  	_ =	swait.ge [sflag:s7], $0x4000  }
0x88: {  	[sflag:s7] =	ssyncset.done $0x0  }
0x89: {  	[sflag:s7] =	ssyncadd.s32 $0xFFFFC000  }
0x8a: {  	[bflag:$0x0] =	sbarrier.arrive $0xFFFF  }
0x8b: {  	[tilespmem:s6], [sflag:$0x2] =	stream.linear.gather [spmem:s16], $0x2000, $0x38;
	[tilespmem:$0x1A100] =	vst v63  }
0x8c: {  	_ =	swait.ge [sflag:s7], $0x2000  }
0x8d: {  	[sflag:s7] =	ssyncset.done $0x0  }
0x8e: {  	s19 =	rddreg [dreg:$0x4];
	[sflag:s7] =	ssyncadd.s32 $0xFFFFE000  }
0x8f: {  	[hbm4b:s19+s1] =	stream.linear.scatter [tilespmem:s6], [sflag:$0x2], $0x2000, $0x38;
	[tilespmem:$0x1A100] =	vst v63  }
0x90: {  	_ =	swait.ge [sflag:s7], $0x2000  }
0x91: {  	[sflag:s7] =	ssyncset.done $0x0  }
0x92: {  	s20 =	rddreg [dreg:$0xf];
	[sflag:s7] =	ssyncadd.s32 $0xFFFFE000  }
0x93: {  	[tilespmem:s6], [sflag:$0x2] =	stream.linear.gather [spmem:s20], $0x2000, $0x38;
	[tilespmem:$0x1A100] =	vst v63  }
0x94: {  	_ =	swait.ge [sflag:s7], $0x2000  }
0x95: {  	[sflag:s7] =	ssyncset.done $0x0  }
0x96: {  	s21 =	rddreg [dreg:$0x5];
	[sflag:s7] =	ssyncadd.s32 $0xFFFFE000  }
0x97: {  	[hbm4b:s21+s1] =	stream.linear.scatter [tilespmem:s6], [sflag:$0x2], $0x2000, $0x38;
	[tilespmem:$0x1A100] =	vst v63  }
0x98: {  	_ =	swait.ge [sflag:s7], $0x2000  }
0x99: {  	[sflag:s7] =	ssyncset.done $0x0  }
0x9a: {  	s18 =	rddreg [dreg:$0x10];
	[sflag:s7] =	ssyncadd.s32 $0xFFFFE000  }
0x9b: {  	[tilespmem:s6], [sflag:$0x2] =	stream.linear.gather [spmem:s18], $0x2000, $0x38;
	[tilespmem:$0x1A100] =	vst v63  }
0x9c: {  	_ =	swait.ge [sflag:s7], $0x2000  }
0x9d: {  	[sflag:s7] =	ssyncset.done $0x0  }
0x9e: {  	s19 =	rddreg [dreg:$0x6];
	[sflag:s7] =	ssyncadd.s32 $0xFFFFE000  }
0x9f: {  	[hbm4b:s19+s1] =	stream.linear.scatter [tilespmem:s6], [sflag:$0x2], $0x2000, $0x38;
	[tilespmem:$0x1A100] =	vst v63  }
0xa0: {  	_ =	swait.ge [sflag:s7], $0x2000  }
0xa1: {  	[sflag:s7] =	ssyncset.done $0x0  }
0xa2: {  	s20 =	rddreg [dreg:$0x11];
	[sflag:s7] =	ssyncadd.s32 $0xFFFFE000  }
0xa3: {  	[tilespmem:s6], [sflag:$0x2] =	stream.linear.gather [spmem:s20], $0x2000, $0x38;
	[tilespmem:$0x1A100] =	vst v63  }
0xa4: {  	_ =	swait.ge [sflag:s7], $0x2000  }
0xa5: {  	[sflag:s7] =	ssyncset.done $0x0  }
0xa6: {  	s21 =	rddreg [dreg:$0x7];
	[sflag:s7] =	ssyncadd.s32 $0xFFFFE000  }
0xa7: {  	[hbm4b:s21+s1] =	stream.linear.scatter [tilespmem:s6], [sflag:$0x2], $0x2000, $0x38;
	[tilespmem:$0x1A100] =	vst v63  }
0xa8: {  	_ =	swait.ge [sflag:s7], $0x2000  }
0xa9: {  	[sflag:s7] =	ssyncset.done $0x0  }
0xaa: {  	s18 =	rddreg [dreg:$0x12];
	[sflag:s7] =	ssyncadd.s32 $0xFFFFE000  }
0xab: {  	[tilespmem:s6], [sflag:$0x2] =	stream.linear.gather [spmem:s18], $0x2000, $0x38;
	[tilespmem:$0x1A100] =	vst v63  }
0xac: {  	_ =	swait.ge [sflag:s7], $0x2000  }
0xad: {  	[sflag:s7] =	ssyncset.done $0x0  }
0xae: {  	s19 =	rddreg [dreg:$0x8];
	[sflag:s7] =	ssyncadd.s32 $0xFFFFE000  }
0xaf: {  	[hbm4b:s19+s1] =	stream.linear.scatter [tilespmem:s6], [sflag:$0x2], $0x2000, $0x38;
	[tilespmem:$0x1A100] =	vst v63  }
0xb0: {  	_ =	swait.ge [sflag:s7], $0x2000  }
0xb1: {  	[sflag:s7] =	ssyncset.done $0x0  }
0xb2: {  	[sflag:s7] =	ssyncadd.s32 $0xFFFFE000  }
0xb3: {  	[tilespmem:s6], [sflag:$0x2] =	stream.linear.gather [spmem:s22], $0x2000, $0x38;
	[tilespmem:$0x1A100] =	vst v63  }
0xb4: {  	_ =	swait.ge [sflag:s7], $0x2000  }
0xb5: {  	[sflag:s7] =	ssyncset.done $0x0  }
0xb6: {  	s20 =	rddreg [dreg:$0x9];
	[sflag:s7] =	ssyncadd.s32 $0xFFFFE000  }
0xb7: {  	[hbm4b:s20+s1] =	stream.linear.scatter [tilespmem:s6], [sflag:$0x2], $0x2000, $0x38;
	[tilespmem:$0x1A100] =	vst v63  }
0xb8: {  	_ =	swait.ge [sflag:s7], $0x2000  }
0xb9: {  	[sflag:s7] =	ssyncset.done $0x0  }
0xba: {  	[sflag:s7] =	ssyncadd.s32 $0xFFFFE000  }
0xbb: {  	[tilespmem:s6], [sflag:$0x2] =	stream.linear.gather [spmem:s23], $0x2000, $0x38;
	[tilespmem:$0x1A100] =	vst v63  }
0xbc: {  	_ =	swait.ge [sflag:s7], $0x2000  }
0xbd: {  	[sflag:s7] =	ssyncset.done $0x0  }
0xbe: {  	s21 =	rddreg [dreg:$0xa];
	[sflag:s7] =	ssyncadd.s32 $0xFFFFE000  }
0xbf: {  	[hbm4b:s21+s1] =	stream.linear.scatter [tilespmem:s6], [sflag:$0x2], $0x2000, $0x38;
	[tilespmem:$0x1A100] =	vst v63  }
0xc0: {  	_ =	swait.ge [sflag:s7], $0x2000  }
0xc1: {  	[sflag:s7] =	ssyncset.done $0x0  }
0xc2: {  	[sflag:s7] =	ssyncadd.s32 $0xFFFFE000  }
0xc3: {  	[tilespmem:s6], [sflag:$0x2] =	stream.linear.gather [spmem:s24], $0x2000, $0x38;
	[tilespmem:$0x1A100] =	vst v63  }
0xc4: {  	_ =	swait.ge [sflag:s7], $0x2000  }
0xc5: {  	[sflag:s7] =	ssyncset.done $0x0  }
0xc6: {  	s18 =	rddreg [dreg:$0xb];
	[sflag:s7] =	ssyncadd.s32 $0xFFFFE000  }
0xc7: {  	[hbm4b:s18+s1] =	stream.linear.scatter [tilespmem:s6], [sflag:$0x2], $0x2000, $0x38;
	[tilespmem:$0x1A100] =	vst v63  }
0xc8: {  	_ =	swait.ge [sflag:s7], $0x2000  }
0xc9: {  	[sflag:s7] =	ssyncset.done $0x0  }
0xca: {  	[sflag:s7] =	ssyncadd.s32 $0xFFFFE000  }
0xcb: {  	[tilespmem:s6], [sflag:$0x2] =	stream.linear.gather [spmem:s25], $0x2000, $0x38;
	[tilespmem:$0x1A100] =	vst v63  }
0xcc: {  	_ =	swait.ge [sflag:s7], $0x2000  }
0xcd: {  	[sflag:s7] =	ssyncset.done $0x0  }
0xce: {  	s19 =	rddreg [dreg:$0xc];
	[sflag:s7] =	ssyncadd.s32 $0xFFFFE000  }
0xcf: {  	[hbm4b:s19+s1] =	stream.linear.scatter [tilespmem:s6], [sflag:$0x2], $0x2000, $0x38;
	[tilespmem:$0x1A100] =	vst v63  }
0xd0: {  	_ =	swait.ge [sflag:s7], $0x2000  }
0xd1: {  	[sflag:s7] =	ssyncset.done $0x0  }
0xd2: {  	[sflag:s7] =	ssyncadd.s32 $0xFFFFE000  }
0xd3: {  	[tilespmem:s6], [sflag:$0x2] =	stream.linear.gather [spmem:s26], $0x2000, $0x38;
	[tilespmem:$0x1A100] =	vst v63  }
0xd4: {  	_ =	swait.ge [sflag:s7], $0x2000  }
0xd5: {  	[sflag:s7] =	ssyncset.done $0x0  }
0xd6: {  	s20 =	rddreg [dreg:$0xd];
	[sflag:s7] =	ssyncadd.s32 $0xFFFFE000  }
0xd7: {  	[hbm4b:s20+s1] =	stream.linear.scatter [tilespmem:s6], [sflag:$0x2], $0x2000, $0x38;
	[tilespmem:$0x1A100] =	vst v63  }
0xd8: {  	_ =	swait.ge [sflag:s7], $0x2000  }
0xd9: {  	s11 =	sadd.s32 $0x1, s11;
	s21 =	rddreg [dreg:$0xe]  }
0xda: {  	p0 =	sne.s32 s11, s21  }
.Ltmp2:
0xdb: {  	_ = 	snop;
	(pc) =	sbr.rel @p0 .LBB2_1-.Ltmp2, $3  }
0xdc: {  	_ =	sdelay $0x1  }
0xdd: {  	[sflag:s7] =	ssyncset.done $0x0  }
0xde: {  	[sflag:s7] =	ssyncadd.s32 $0xFFFFE000  }
0xdf: {  	_ =	sfence.sel $0x180000  }
0xe0: {  	[bflag:$0x0] =	sbarrier.arrive $0xFFFF  }
0xe1: {  	_ =	strace $0x9000004D  }
0xe2: {  	s0 =	stileid.u32;
	[bflag:$0x2] =	sbarrier.arrive $0xFFFF  }
0xe3: {  	p0 =	sne.s32 s0, $0x0;
	s0 =	rddreg [dreg:$0x3]  }
0xe4: {  	s0 =	sadd.s32 @!p0 $0x100000, s0  }
0xe5: {  	[sflag:s0] =	ssyncadd.tile.s32 @!p0 $0x1;
	_ =	shalt  }
.Lfunc_end2:
_tile_overlayer_lowered:
.L_overlay_start_2:
0xe6: {  	(tag) =	ssettag $0x2  }
0xe7: {  	s0 =	rddreg [dreg:$0x0];
	s2 =	stileid.u32  }
0xe8: {  	s1 =	rddreg [dreg:$0x1];
	p0 =	sne.s32 s2, $0x0  }
0xe9: {  	s3 =	rddreg [dreg:$0x2];
	[bflag:$0x3] =	sbarrier.arrive $0xFFFF;
	s2 =	simm.s32 @!p0 $0x1C02  }
0xea: {  	[timem:s3], [sflag:s2] =	dma.local @!p0 [hbm:s0], s1  }
0xeb: {  	s0 =	simm.s32 @!p0 $0x2  }
0xec: {  	_ =	swait.ge @!p0 [sflag:s0], s1  }
0xed: {  	s1 =	ssub.s32 @!p0 $0x0, s1;
	[sflag:s0] =	ssyncset.done @!p0 $0x0  }
0xee: {  	[sflag:s0] =	ssyncadd.s32 @!p0 s1  }
0xef: {  	[bflag:$0x3] =	sbarrier.arrive $0xFFFF  }
0xf0: {  	_ =	shalt  }

// kernel: kernel.15.cloned.1.call-start
scs
__scs_entry_jumppad:
0x0: {  	(pc) =	sbr.rel $0x88, $3  }
0x1: {  	(tag) =	ssettag $0x0;
	lr =	simm.s32 $0x1  }
0x2: {  	[smem:$0x3F9E] =	sst lr;
	_ =	strace $0xD0000000  }
0x3: {  	_ = 	snop  }
0x4: {  	_ = 	snop  }
0x5: {  	_ = 	snop  }
0x6: {  	_ = 	snop  }
0x7: {  	_ = 	snop  }
__scs_overlays_trampoline_lowered:
0x8: {  	[smem:$0x3FAD] =	sst s0  }
0x9: {  	[smem:$0x3FAE] =	sst s1  }
0xa: {  	[smem:$0x3FAF] =	sst s2  }
0xb: {  	[smem:$0x3FB0] =	sst s3  }
0xc: {  	[smem:$0x3FB1] =	sst s4  }
0xd: {  	[smem:$0x3FB2] =	sst s5  }
0xe: {  	[smem:$0x3FB3] =	sst s6  }
0xf: {  	[smem:$0x3FB4] =	sst s7  }
0x10: {  	[smem:$0x3FB5] =	sst s8  }
0x11: {  	[smem:$0x3FB6] =	sst s9;
	s0 =	simm.s32 @!p0 $0x0  }
0x12: {  	s1 =	sld [smem:$0x3F9C];
	s0 =	simm.s32 @p0 $0x1  }
0x13: {  	[smem:$0x3FB7] =	sst s0;
	s0 =	simm.s32 @!p1 $0x0  }
0x14: {  	s2 =	sld [smem:$0x3F9B];
	s0 =	simm.s32 @p1 $0x1  }
0x15: {  	[smem:$0x3FB8] =	sst s0;
	s0 =	simm.s32 @!p2 $0x0  }
0x16: {  	s3 =	sld [smem:$0x3FDB];
	s0 =	simm.s32 @p2 $0x1  }
0x17: {  	s4 =	simm.s32 $0x1BF5;
	[smem:$0x3FBA] =	sst s0  }
0x18: {  	s0 =	sld [smem:$0x3F9D];
	_ =	swait.ge [sflag:s4], $0x0  }
0x19: {  	s7 =	sld [smem:$0x3F9E]  }
0x1a: {  	s8 =	sadd.s32 $0xFFFFE003, lr  }
0x1b: {  	s9 =	sadd.s32 $0xFFFFFEF7, lr;
	s5 =	simm.s32 $0xFFFFFFFF;
	p2 =	slt.u32 s8, $0xFFFFF086  }
0x1c: {  	p1 =	slt.u32 s9, $0xF7A;
	s5 =	simm.s32 @!p2 $0x0  }
0x1d: {  	s5 =	simm.s32 @p1 $0x1;
	p0 =	seq.s32 s7, s2  }
0x1e: {  	s7 =	smul.u32 @!p0 $0xF7A, s2;
	p2 =	seq.s32 @!p0 s5, $0x0  }
0x1f: {  	s9 =	smul.u32 $0xF7A, s1;
	s8 =	simm.s32 @!p0 $0x1BF5;
	p2 =	por !p2, p0  }
0x20: {  	[sflag:s8] =	ssyncset.s32 @!p0 $0xFFFFF086;
	s6 =	sadd.s32 @!p0 s3, s7;
	s7 =	simm.s32 @!p0 $0x108  }
0x21: {  	s3 =	sadd.s32 s3, s9;
	s6 =	sadd.s32 @!p0 $0x88, s6;
	s7 =	simm.s32 @p2 $0x1082  }
0x22: {  	[simem:s7], [sflag:s8] =	dma.local @!p0 [hbm:s6], $0xF7A  }
0x23: {  	s9 =	sor.u32 $0xD0000000, s2;
	s6 =	simm.s32 $0x108;
	_ =	swait.ge @!p0 [sflag:s8], $0x0  }
0x24: {  	s3 =	sadd.s32 $0x88, s3;
	s6 =	simm.s32 @!p1 $0x1082;
	[sflag:s4] =	ssyncset.s32 $0xFFFFF086  }
0x25: {  	[simem:s6], [sflag:s4] =	dma.local [hbm:s3], $0xF7A  }
0x26: {  	[smem:$0x3F9E] =	sst s1;
	(tag) =	ssettag s2;
	_ =	strace s9  }
0x27: {  	s1 =	sld [smem:$0x3FAE]  }
0x28: {  	s2 =	sld [smem:$0x3FAF]  }
0x29: {  	s4 =	sld [smem:$0x3FB1]  }
0x2a: {  	p0 =	seq.s32 s5, $0x0;
	s5 =	sld [smem:$0x3FB2]  }
0x2b: {  	s6 =	sld [smem:$0x3FB3]  }
0x2c: {  	s7 =	sld [smem:$0x3FB4]  }
0x2d: {  	s3 =	simm.s32 $0x108;
	s8 =	sld [smem:$0x3FB5]  }
0x2e: {  	s3 =	simm.s32 @!p0 $0x1082;
	s9 =	sld [smem:$0x3FB6]  }
0x2f: {  	lr =	sadd.s32 s0, s3;
	s0 =	sld [smem:$0x3FAD]  }
0x30: {  	s3 =	sld [smem:$0x3FB0]  }
0x31: {  	[smem:$0x3FB9] =	sst s10  }
0x32: {  	s10 =	sld [smem:$0x3FB7];
	_ =	sdelay $0x3  }
0x33: {  	p0 =	seq.s32 s10, $0x1;
	s10 =	sld [smem:$0x3FB9];
	_ =	sdelay $0x3  }
0x34: {  	[smem:$0x3FB9] =	sst s10  }
0x35: {  	s10 =	sld [smem:$0x3FB8];
	_ =	sdelay $0x3  }
0x36: {  	p1 =	seq.s32 s10, $0x1;
	s10 =	sld [smem:$0x3FB9];
	_ =	sdelay $0x3  }
0x37: {  	[smem:$0x3FB9] =	sst s10  }
0x38: {  	s10 =	sld [smem:$0x3FBA]  }
0x39: {  	_ = 	snop;
	(pc) =	sbr.ind lr, $3  }
0x3a: {  	_ = 	snop  }
0x3b: {  	_ = 	snop  }
0x3c: {  	p2 =	seq.s32 s10, $0x1;
	s10 =	sld [smem:$0x3FB9]  }
0x3d: {  	_ =	shalt  }
0x3e: {  	_ =	shalt  }
0x3f: {  	_ =	shalt  }
0x40: {  	_ =	shalt  }
0x41: {  	_ =	shalt  }
0x42: {  	_ =	shalt  }
0x43: {  	_ =	shalt  }
0x44: {  	_ =	shalt  }
0x45: {  	_ =	shalt  }
0x46: {  	_ =	shalt  }
0x47: {  	_ =	shalt  }
0x48: {  	_ =	shalt  }
0x49: {  	_ =	shalt  }
0x4a: {  	_ =	shalt  }
0x4b: {  	_ =	shalt  }
0x4c: {  	_ =	shalt  }
0x4d: {  	_ =	shalt  }
0x4e: {  	_ =	shalt  }
0x4f: {  	_ =	shalt  }
0x50: {  	_ =	shalt  }
0x51: {  	_ =	shalt  }
0x52: {  	_ =	shalt  }
0x53: {  	_ =	shalt  }
0x54: {  	_ =	shalt  }
0x55: {  	_ =	shalt  }
0x56: {  	_ =	shalt  }
0x57: {  	_ =	shalt  }
0x58: {  	_ =	shalt  }
0x59: {  	_ =	shalt  }
0x5a: {  	_ =	shalt  }
0x5b: {  	_ =	shalt  }
0x5c: {  	_ =	shalt  }
0x5d: {  	_ =	shalt  }
0x5e: {  	_ =	shalt  }
0x5f: {  	_ =	shalt  }
0x60: {  	_ =	shalt  }
0x61: {  	_ =	shalt  }
0x62: {  	_ =	shalt  }
0x63: {  	_ =	shalt  }
0x64: {  	_ =	shalt  }
0x65: {  	_ =	shalt  }
0x66: {  	_ =	shalt  }
0x67: {  	_ =	shalt  }
0x68: {  	_ =	shalt  }
0x69: {  	_ =	shalt  }
0x6a: {  	_ =	shalt  }
0x6b: {  	_ =	shalt  }
0x6c: {  	_ =	shalt  }
0x6d: {  	_ =	shalt  }
0x6e: {  	_ =	shalt  }
0x6f: {  	_ =	shalt  }
0x70: {  	_ =	shalt  }
0x71: {  	_ =	shalt  }
0x72: {  	_ =	shalt  }
0x73: {  	_ =	shalt  }
0x74: {  	_ =	shalt  }
0x75: {  	_ =	shalt  }
0x76: {  	_ =	shalt  }
0x77: {  	_ =	shalt  }
0x78: {  	_ =	shalt  }
0x79: {  	_ =	shalt  }
0x7a: {  	_ =	shalt  }
0x7b: {  	_ =	shalt  }
0x7c: {  	_ =	shalt  }
0x7d: {  	_ =	shalt  }
0x7e: {  	_ =	shalt  }
0x7f: {  	_ =	shalt  }
0x80: {  	_ =	shalt  }
0x81: {  	_ =	shalt  }
0x82: {  	_ =	shalt  }
0x83: {  	_ =	shalt  }
0x84: {  	_ =	shalt  }
0x85: {  	_ =	shalt  }
0x86: {  	_ =	shalt  }
0x87: {  	_ =	shalt  }
.Lfunc_end0:
.L_simem_size_0:
called_computation.3_lowered:
.L_overlay_start_0:
0x88: {  	s2 =	sld [smem:$0x3FD9]  }
0x89: {  	s3 =	sld [smem:$0x3FFE];
	_ =	sdelay $0x1  }
0x8a: {  	s1 =	srdreg.scid  }
0x8b: {  	s0 =	sand.u32 $0x1, s1  }
0x8c: {  	s16 =	sshll.u32 s0, $0xA;
	s2 =	sadd.s32 s3, s2  }
0x8d: {  	s2 =	sadd.s32 s2, s16  }
0x8e: {  	[smem:$0x3FC5] =	sst s2  }
0x8f: {  	_ = 	snop  }
0x90: {  	(tm) =	ssettm $0x1  }
0x91: {  	s17 =	sld [smem:$0x3FFB];
	_ =	sdelay $0x3  }
0x92: {  	_ =	strace s17  }
0x93: {  	s2 =	sld [smem:$0x3FFC];
	_ =	sdelay $0x3  }
0x94: {  	_ =	strace s2  }
0x95: {  	s2 =	sld [smem:$0x3FFD];
	_ =	sdelay $0x3  }
0x96: {  	_ =	strace s2  }
0x97: {  	_ =	strace $0x8FFFFFFF  }
0x98: {  	s18 =	sld [smem:$0x3FDB];
	_ =	sdelay $0x1  }
0x99: {  	s19 =	simm.s32 $_scs_section_size  }
0x9a: {  	s4 =	simm.s32 $_size__tile_overlayer_lowered;
	s5 =	simm.s32 $_tile_overlayer_lowered  }
0x9b: {  	s22 =	simm.s32 $0x1BFF;
	s21 =	sshll.u32 s5, $0x1;
	s2 =	sadd.s32 s19, s18  }
0x9c: {  	s6 =	simm.s32 $0x0;
	s20 =	sshll.u32 s4, $0x1;
	s4 =	sadd.s32 s21, s2  }
0x9d: {  	[timem:s6], [sflag:s22] =	dma.local [hbm:s4], s20  }
0x9e: {  	_ =	swait.ge [sflag:s22], s20  }
0x9f: {  	s3 =	ssub.s32 $0x0, s20;
	[sflag:s22] =	ssyncset.done $0x0  }
0xa0: {  	[sflag:s22] =	ssyncadd.s32 s3;
	_ =	sdelay $0x1  }
0xa1: {  	s23 =	simm.s32 $0x1B8B  }
0xa2: {  	_ =	swait.ge [sflag:s23], $0x1  }
0xa3: {  	[sflag:s23] =	ssyncset.done $0x0  }
0xa4: {  	s25 =	simm.s32 $0x1B8E;
	s24 =	sld [smem:$0x3FFE];
	[sflag:s23] =	ssyncadd.s32 $0xFFFFFFFF  }
0xa5: {  	s26 =	simm.s32 $execute0_lowered;
	[smem:$0x3FD2] =	sst s25  }
0xa6: {  	s4 =	sshll.u32 s26, $0x1;
	_ =	strace $0x8000004F;
	[dreg:$0x1] =	wrdreg $0xFFFFFFFF  }
0xa7: {  	s28 =	simm.s32 $_size_execute0_lowered;
	s2 =	sadd.s32 s2, s4;
	[dreg:$0x0] =	wrdreg $0x0  }
0xa8: {  	s4 =	sshll.u32 s28, $0x1;
	[dreg:$0x2] =	wrdreg s2  }
0xa9: {  	[dreg:$0x3] =	wrdreg s4  }
0xaa: {  	[dreg:$0x4] =	wrdreg $0xC0  }
0xab: {  	_ =	task [dreg:s6], $0x5FFFF  }
0xac: {  	[dreg:$0x1] =	wrdreg $0xFFFFFFFF  }
0xad: {  	[dreg:$0x0] =	wrdreg $0x60  }
0xae: {  	[dreg:$0x2] =	wrdreg s24  }
0xaf: {  	[dreg:$0x3] =	wrdreg $0x9  }
0xb0: {  	_ =	task.clear_ibuf [dreg:s6], $0x4FFFF;
	_ =	strace $0x9000004F  }
0xb1: {  	s29 =	simm.s32 $0x9;
	_ =	strace $0x80000051  }
0xb2: {  	_ =	swait.ge [sflag:s29], $0x1  }
0xb3: {  	[sflag:s29] =	ssyncadd.s32 $0xFFFFFFFF  }
0xb4: {  	_ =	strace $0x90000051  }
0xb5: {  	_ =	sfence  }
0xb6: {  	s30 =	sld [smem:$0x0];
	_ =	sdelay $0x2  }
0xb7: {  	s31 =	sshll.u32 s1, $0xD;
	s1 =	sshrl.u32 s1, $0x2  }
0xb8: {  	s3 =	sand.u32 $0x4000, s31;
	s1 =	sadd.s32 s1, s30  }
0xb9: {  	s0 =	sor.u32 s3, s0;
	s1 =	sshll.u32 s1, $0x11  }
0xba: {  	s0 =	sor.u32 s1, s0  }
0xbb: {  	s0 =	sadd.s32 $0x8F2B, s0  }
0xbc: {  	[sflag:s0] =	ssyncadd.remote.s32 $0x1  }
0xbd: {  	_ =	sfence.sel $0xFFFF  }
0xbe: {  	[dreg:$0x0] =	wrdreg $0xFFFFFFFF;
	(pc) =	sbr.abs _section_cstart, $3  }
0xbf: {  	[dreg:$0x1] =	wrdreg $0xFFFFFFFF  }
0xc0: {  	_ =	task.clear_ibuf [dreg:s6], $0x2FFFF;
	_ =	strace $0x9FFFFFFF  }
0xc1: {  	(tm) =	ssettm $0x7FFFFFFF  }
tec
execute0_lowered:
.L_overlay_start_1:
0x0: {  	(tag) =	ssettag $0x1  }
0x1: {  	s8 =	rddreg [dreg:$0x0]  }
0x2: {  	s0 =	rddreg [dreg:$0x1];
	s1 =	simm.s32 $0x0;
	s3 =	srdreg.scid  }
0x3: {  	s11 =	simm.s32 $0x2000;
	s12 =	simm.s32 $0x4000;
	s13 =	simm.s32 $0x6000  }
0x4: {  	s14 =	simm.s32 $0x0;
	[smem:$0x7FF] =	sst s1;
	s2 =	sadd.s32 $0x83000, s8  }
0x5: {  	s4 =	sadd.s32 $0xAA00, s8;
	s5 =	sadd.s32 $0x82A00, s8;
	s6 =	sand.u32 $0x1, s3  }
0x6: {  	s3 =	stileid.u32;
	_ =	strace $0x80000050;
	s7 =	ssub.s32 $0x2, s6  }
0x7: {  	s9 =	sshll.u32 s6, $0x4;
	s6 =	sadd.s32 $0x5AA00, s8;
	s10 =	sshrl.u32 s7, $0x1  }
0x8: {  	s8 =	sadd.s32 $0x32A00, s8;
	s9 =	sor.u32 s3, s9;
	s10 =	ssub.s32 s7, s10  }
0x9: {  	s7 =	smul.u32 $0x5, s9;
	s9 =	smax.u32 s10, $0x1;
	s10 =	simm.s32 $0x1  }
.LBB2_1:
0xa: {  	s15 =	simm.s32 $0x0  }
.LBB2_2:
0xb: {  	s18 =	sadd.s32 s7, s15  }
0xc: {  	s16 =	sshll.u32 s18, $0xA  }
0xd: {  	s17 =	simm.s32 $0x0;
	s19 =	sadd.s32 s2, s16  }
0xe: {  	[tilespmem:s17], [sflag:$0x1] =	stream.linear.gather [hbm4b:s19+s17], $0x2000, $0x38;
	[tilespmem:$0x6080] =	vst v63  }
0xf: {  	_ =	swait.ge [sflag:s10], $0x2000  }
0x10: {  	[sflag:s10] =	ssyncset.done $0x0  }
0x11: {  	s30 =	sadd.s32 s4, s16;
	[sflag:s10] =	ssyncadd.s32 $0xFFFFE000  }
0x12: {  	[tilespmem:s11], [sflag:$0x1] =	stream.linear.gather [hbm4b:s30+s17], $0x2000, $0x38;
	[tilespmem:$0x6080] =	vst v63  }
0x13: {  	_ =	swait.ge [sflag:s10], $0x2000  }
0x14: {  	[sflag:s10] =	ssyncset.done $0x0  }
0x15: {  	s31 =	sadd.s32 s16, s8;
	[sflag:s10] =	ssyncadd.s32 $0xFFFFE000  }
0x16: {  	[tilespmem:s12], [sflag:$0x1] =	stream.linear.gather [hbm4b:s31+s17], $0x2000, $0x38;
	[tilespmem:$0x6080] =	vst v63  }
0x17: {  	_ =	swait.ge [sflag:s10], $0x2000  }
0x18: {  	s18 =	sshll.u32 s18, $0x3;
	[sflag:s10] =	ssyncset.done $0x0  }
0x19: {  	s18 =	sadd.s32 s5, s18;
	[sflag:s10] =	ssyncadd.s32 $0xFFFFE000  }
0x1a: {  	[tilespmem:s13], [sflag:$0x1] =	stream.linear.gather [hbm4b:s18+s17], $0x40, $0x38;
	[tilespmem:$0x6080] =	vst v63  }
0x1b: {  	_ =	swait.ge [sflag:s10], $0x40  }
0x1c: {  	[sflag:s10] =	ssyncset.done $0x0  }
0x1d: {  	[sflag:s10] =	ssyncadd.s32 $0xFFFFFFC0  }
.LBB2_3:
0x1e: {  	s31 =	sshll.u32 s17, $0xB  }
0x1f: {  	v60 =	vld [tilespmem:s31+$0x170];
	_ =	sdelay $0x4  }
0x20: {  	[tilespmem:$0x1F1F0] =	vst v60;
	v60 =	vld [tilespmem:s31+$0x41A0];
	_ =	sdelay $0x4  }
0x21: {  	[tilespmem:$0x1F230] =	vst v60;
	v60 =	vld [tilespmem:s31+$0x41B0];
	_ =	sdelay $0x4  }
0x22: {  	[tilespmem:$0x1F250] =	vst v60;
	v60 =	vld [tilespmem:s31+$0x41C0];
	_ =	sdelay $0x4  }
0x23: {  	[tilespmem:$0x1F270] =	vst v60;
	v60 =	vld [tilespmem:s31+$0x1D0];
	_ =	sdelay $0x4  }
0x24: {  	[tilespmem:$0x1F2E0] =	vst v60;
	v60 =	vld [tilespmem:s31+$0x1E0];
	_ =	sdelay $0x4  }
0x25: {  	[tilespmem:$0x1F2F0] =	vst v60;
	v60 =	vld [tilespmem:s31+$0x21F0];
	_ =	sdelay $0x4  }
0x26: {  	[tilespmem:$0x1F2A0] =	vst v60;
	v60 =	vld [tilespmem:s31+$0x1F0];
	_ =	sdelay $0x4  }
0x27: {  	[tilespmem:$0x1F320] =	vst v60;
	v60 =	vld [tilespmem:s31+$0x2200];
	_ =	sdelay $0x4  }
0x28: {  	[tilespmem:$0x1F300] =	vst v60;
	v60 =	vld [tilespmem:s31+$0x4200];
	_ =	sdelay $0x4  }
0x29: {  	[tilespmem:$0x1F310] =	vst v60;
	v60 =	vld [tilespmem:s31+$0x200];
	_ =	sdelay $0x4  }
0x2a: {  	[tilespmem:$0x1F3D0] =	vst v60;
	v60 =	vld [tilespmem:s31+$0x2210];
	_ =	sdelay $0x4  }
0x2b: {  	[tilespmem:$0x1F330] =	vst v60;
	v60 =	vld [tilespmem:s31+$0x4210];
	_ =	sdelay $0x4  }
0x2c: {  	[tilespmem:$0x1F340] =	vst v60;
	v60 =	vld [tilespmem:s31+$0x210];
	_ =	sdelay $0x4  }
0x2d: {  	[tilespmem:$0x1F3E0] =	vst v60;
	v60 =	vld [tilespmem:s31+$0x2220];
	_ =	sdelay $0x4  }
0x2e: {  	[tilespmem:$0x1F350] =	vst v60;
	v60 =	vld [tilespmem:s31+$0x4220];
	_ =	sdelay $0x4  }
0x2f: {  	[tilespmem:$0x1F360] =	vst v60;
	v60 =	vld [tilespmem:s31+$0x220];
	_ =	sdelay $0x4  }
0x30: {  	[tilespmem:$0x1F3F0] =	vst v60;
	v60 =	vld [tilespmem:s31+$0x2230];
	_ =	sdelay $0x4  }
0x31: {  	[tilespmem:$0x1F370] =	vst v60;
	v60 =	vld [tilespmem:s31+$0x4230];
	_ =	sdelay $0x4  }
0x32: {  	[tilespmem:$0x1F380] =	vst v60;
	v60 =	vld [tilespmem:s31+$0x230];
	_ =	sdelay $0x4  }
0x33: {  	[tilespmem:$0x1F400] =	vst v60;
	v60 =	vld [tilespmem:s31+$0x2240];
	_ =	sdelay $0x4  }
0x34: {  	[tilespmem:$0x1F390] =	vst v60;
	v60 =	vld [tilespmem:s31+$0x4240];
	_ =	sdelay $0x4  }
0x35: {  	[tilespmem:$0x1F3A0] =	vst v60;
	v60 =	vld [tilespmem:s31+$0x240];
	_ =	sdelay $0x4  }
0x36: {  	[tilespmem:$0x1F410] =	vst v60;
	v60 =	vld [tilespmem:s31+$0x2250];
	_ =	sdelay $0x4  }
0x37: {  	[tilespmem:$0x1F3B0] =	vst v60;
	v60 =	vld [tilespmem:s31+$0x4250];
	_ =	sdelay $0x4  }
0x38: {  	[tilespmem:$0x1F3C0] =	vst v60;
	v60 =	vld [tilespmem:s31+$0x250];
	_ =	sdelay $0x4  }
0x39: {  	[tilespmem:$0x1F420] =	vst v60;
	v60 =	vld [tilespmem:s31+$0x2260];
	_ =	sdelay $0x4  }
0x3a: {  	[tilespmem:$0x1F430] =	vst v60;
	v60 =	vld [tilespmem:s31+$0x4260];
	_ =	sdelay $0x4  }
0x3b: {  	[tilespmem:$0x1F440] =	vst v60;
	v60 =	vld [tilespmem:s31+$0x260];
	_ =	sdelay $0x4  }
0x3c: {  	[tilespmem:$0x1F4F0] =	vst v60;
	v60 =	vld [tilespmem:s31+$0x2270];
	_ =	sdelay $0x4  }
0x3d: {  	[tilespmem:$0x1F450] =	vst v60;
	v60 =	vld [tilespmem:s31+$0x4270];
	_ =	sdelay $0x4  }
0x3e: {  	[tilespmem:$0x1F460] =	vst v60;
	v60 =	vld [tilespmem:s31+$0x270];
	_ =	sdelay $0x4  }
0x3f: {  	[tilespmem:$0x1F500] =	vst v60;
	v60 =	vld [tilespmem:s31+$0x2280];
	_ =	sdelay $0x4  }
0x40: {  	[tilespmem:$0x1F470] =	vst v60;
	v60 =	vld [tilespmem:s31+$0x4280];
	_ =	sdelay $0x4  }
0x41: {  	[tilespmem:$0x1F480] =	vst v60;
	v60 =	vld [tilespmem:s31+$0x280];
	_ =	sdelay $0x4  }
0x42: {  	[tilespmem:$0x1F510] =	vst v60;
	v60 =	vld [tilespmem:s31+$0x2290];
	_ =	sdelay $0x4  }
0x43: {  	[tilespmem:$0x1F490] =	vst v60;
	v60 =	vld [tilespmem:s31+$0x4290];
	_ =	sdelay $0x4  }
0x44: {  	[tilespmem:$0x1F4A0] =	vst v60;
	v60 =	vld [tilespmem:s31+$0x290];
	_ =	sdelay $0x4  }
0x45: {  	[tilespmem:$0x1F520] =	vst v60;
	v60 =	vld [tilespmem:s31+$0x22A0];
	_ =	sdelay $0x4  }
0x46: {  	[tilespmem:$0x1F4B0] =	vst v60;
	v60 =	vld [tilespmem:s31+$0x42A0];
	_ =	sdelay $0x4  }
0x47: {  	[tilespmem:$0x1F4C0] =	vst v60;
	v60 =	vld [tilespmem:s31+$0x2A0];
	_ =	sdelay $0x4  }
0x48: {  	[tilespmem:$0x1F530] =	vst v60;
	v60 =	vld [tilespmem:s31+$0x22B0];
	_ =	sdelay $0x4  }
0x49: {  	[tilespmem:$0x1F4D0] =	vst v60;
	v60 =	vld [tilespmem:s31+$0x42B0];
	_ =	sdelay $0x4  }
0x4a: {  	[tilespmem:$0x1F4E0] =	vst v60;
	v60 =	vld [tilespmem:s31+$0x2B0];
	_ =	sdelay $0x4  }
0x4b: {  	[tilespmem:$0x1F560] =	vst v60;
	v60 =	vld [tilespmem:s31+$0x22C0];
	_ =	sdelay $0x4  }
0x4c: {  	[tilespmem:$0x1F540] =	vst v60;
	v60 =	vld [tilespmem:s31+$0x42C0];
	_ =	sdelay $0x4  }
0x4d: {  	[tilespmem:$0x1F550] =	vst v60;
	v60 =	vld [tilespmem:s31+$0x2C0];
	_ =	sdelay $0x4  }
0x4e: {  	[tilespmem:$0x1F610] =	vst v60;
	v60 =	vld [tilespmem:s31+$0x22D0];
	_ =	sdelay $0x4  }
0x4f: {  	[tilespmem:$0x1F570] =	vst v60;
	v60 =	vld [tilespmem:s31+$0x42D0];
	_ =	sdelay $0x4  }
0x50: {  	[tilespmem:$0x1F580] =	vst v60;
	v60 =	vld [tilespmem:s31+$0x2D0];
	_ =	sdelay $0x4  }
0x51: {  	[tilespmem:$0x1F620] =	vst v60;
	v60 =	vld [tilespmem:s31+$0x22E0];
	_ =	sdelay $0x4  }
0x52: {  	[tilespmem:$0x1F590] =	vst v60;
	v60 =	vld [tilespmem:s31+$0x42E0];
	_ =	sdelay $0x4  }
0x53: {  	[tilespmem:$0x1F5A0] =	vst v60;
	v60 =	vld [tilespmem:s31+$0x2E0];
	_ =	sdelay $0x4  }
0x54: {  	[tilespmem:$0x1F630] =	vst v60;
	v60 =	vld [tilespmem:s31+$0x22F0];
	_ =	sdelay $0x4  }
0x55: {  	[tilespmem:$0x1F5B0] =	vst v60;
	v60 =	vld [tilespmem:s31+$0x42F0];
	_ =	sdelay $0x4  }
0x56: {  	[tilespmem:$0x1F5C0] =	vst v60;
	v60 =	vld [tilespmem:s31+$0x2F0];
	_ =	sdelay $0x4  }
0x57: {  	[tilespmem:$0x1F640] =	vst v60;
	v60 =	vld [tilespmem:s31+$0x2300];
	_ =	sdelay $0x4  }
0x58: {  	[tilespmem:$0x1F5D0] =	vst v60;
	v60 =	vld [tilespmem:s31+$0x4300];
	_ =	sdelay $0x4  }
0x59: {  	[tilespmem:$0x1F5E0] =	vst v60;
	v60 =	vld [tilespmem:s31+$0x300];
	_ =	sdelay $0x4  }
0x5a: {  	[tilespmem:$0x1F650] =	vst v60;
	v60 =	vld [tilespmem:s31+$0x2310];
	_ =	sdelay $0x4  }
0x5b: {  	[tilespmem:$0x1F5F0] =	vst v60;
	v60 =	vld [tilespmem:s31+$0x4310];
	_ =	sdelay $0x4  }
0x5c: {  	[tilespmem:$0x1F600] =	vst v60;
	v60 =	vld [tilespmem:s31+$0x310];
	_ =	sdelay $0x4  }
0x5d: {  	[tilespmem:$0x1F660] =	vst v60;
	v60 =	vld [tilespmem:s31+$0x2320];
	_ =	sdelay $0x4  }
0x5e: {  	[tilespmem:$0x1F670] =	vst v60;
	v60 =	vld [tilespmem:s31+$0x4320];
	_ =	sdelay $0x4  }
0x5f: {  	[tilespmem:$0x1F680] =	vst v60;
	v60 =	vld [tilespmem:s31+$0x320];
	_ =	sdelay $0x4  }
0x60: {  	[tilespmem:$0x1F710] =	vst v60;
	v60 =	vld [tilespmem:s31+$0x2330];
	_ =	sdelay $0x4  }
0x61: {  	[tilespmem:$0x1F690] =	vst v60;
	v60 =	vld [tilespmem:s31+$0x4330];
	_ =	sdelay $0x4  }
0x62: {  	[tilespmem:$0x1F6A0] =	vst v60;
	v60 =	vld [tilespmem:s31+$0x330];
	_ =	sdelay $0x4  }
0x63: {  	[tilespmem:$0x1F720] =	vst v60;
	v60 =	vld [tilespmem:s31+$0x2340];
	_ =	sdelay $0x4  }
0x64: {  	[tilespmem:$0x1F6B0] =	vst v60;
	v60 =	vld [tilespmem:s31+$0x4340];
	_ =	sdelay $0x4  }
0x65: {  	[tilespmem:$0x1F6C0] =	vst v60;
	v60 =	vld [tilespmem:s31+$0x340];
	_ =	sdelay $0x4  }
0x66: {  	[tilespmem:$0x1F730] =	vst v60;
	v60 =	vld [tilespmem:s31+$0x2350];
	_ =	sdelay $0x4  }
0x67: {  	[tilespmem:$0x1F6D0] =	vst v60;
	v60 =	vld [tilespmem:s31+$0x4350];
	_ =	sdelay $0x3  }
0x68: {  	s18 =	sshll.u32 s17, $0x4  }
0x69: {  	s18 =	sand.u32 $0x3FFFFFF0, s18;
	[tilespmem:$0x1F6E0] =	vst v60;
	v60 =	vld [tilespmem:s31+$0x350]  }
0x6a: {  	v0 =	vld [tilespmem:s18+$0x6000];
	_ =	sdelay $0x3  }
0x6b: {  	[tilespmem:$0x1F740] =	vst v60;
	v60 =	vld [tilespmem:s31+$0x2360]  }
0x6c: {  	v0 =	vmul.f32 $1.000000010e-01, v0;
	_ =	sdelay $0x1  }
0x6d: {  	v0 =	vadd.f32 $1.000000000e+00, v0  }
0x6e: {  	v1 =	vld [tilespmem:s31+$0x2000]  }
0x6f: {  	(erf) = vrcp.f32 v0;
	[tilespmem:$0x1F6F0] =	vst v60;
	v60 =	vld [tilespmem:s31+$0x4360]  }
0x70: {  	v2 =	vld [tilespmem:s31+$0x4000];
	_ =	sdelay $0x2  }
0x71: {  	v6 =	vld [tilespmem:s31+$0x0]  }
0x72: {  	[tilespmem:$0x1F700] =	vst v60;
	v60 =	vld [tilespmem:s31+$0x360]  }
0x73: {  	v1 =	vadd.f32 v2, v1  }
0x74: {  	v43 =	vld [tilespmem:s31+$0x2010]  }
0x75: {  	v3 =	vld [tilespmem:s31+$0x4010];
	v8 =	vmul.f32 $1.000000010e-01, v1  }
0x76: {  	v4 =	vld [tilespmem:s31+$0x2020];
	v16 =	vpop (erf)  }
0x77: {  	v45 =	vadd.f32 v8, v6;
	v1 =	vbroadcast v16, $0x0;
	[tilespmem:$0x1F750] =	vst v60;
	v60 =	vld [tilespmem:s31+$0x2370]  }
0x78: {  	v5 =	vld [tilespmem:s31+$0x4020]  }
0x79: {  	v46 =	vmul.f32 v45, v1  }
0x7a: {  	v44 =	vld [tilespmem:s31+$0x10]  }
0x7b: {  	v7 =	vld [tilespmem:s31+$0x20];
	[tilespmem:s31+$0x0] =	vst v46  }
0x7c: {  	v3 =	vadd.f32 v3, v43;
	[tilespmem:$0x1F760] =	vst v60;
	v60 =	vld [tilespmem:s31+$0x4370]  }
0x7d: {  	v4 =	vadd.f32 v5, v4  }
0x7e: {  	v3 =	vmul.f32 $1.000000010e-01, v3  }
0x7f: {  	v4 =	vmul.f32 $1.000000010e-01, v4  }
0x80: {  	v2 =	vadd.f32 v3, v44  }
0x81: {  	v4 =	vadd.f32 v4, v7;
	[tilespmem:$0x1F770] =	vst v60;
	v60 =	vld [tilespmem:s31+$0x370]  }
0x82: {  	v2 =	vmul.f32 v2, v1  }
0x83: {  	v47 =	vmul.f32 v4, v1  }
0x84: {  	[tilespmem:s31+$0x10] =	vst v2  }
0x85: {  	[tilespmem:s31+$0x20] =	vst v47  }
0x86: {  	[tilespmem:$0x1F800] =	vst v60;
	v60 =	vld [tilespmem:s31+$0x2380];
	_ =	sdelay $0x4  }
0x87: {  	[tilespmem:$0x1F780] =	vst v60;
	v60 =	vld [tilespmem:s31+$0x4380];
	_ =	sdelay $0x4  }
0x88: {  	[tilespmem:$0x1F790] =	vst v60;
	v60 =	vld [tilespmem:s31+$0x380];
	_ =	sdelay $0x4  }
0x89: {  	[tilespmem:$0x1F810] =	vst v60;
	v60 =	vld [tilespmem:s31+$0x2390];
	_ =	sdelay $0x4  }
0x8a: {  	[tilespmem:$0x1F7A0] =	vst v60;
	v60 =	vld [tilespmem:s31+$0x4390];
	_ =	sdelay $0x4  }
0x8b: {  	[tilespmem:$0x1F7B0] =	vst v60;
	v60 =	vld [tilespmem:s31+$0x390];
	_ =	sdelay $0x4  }
0x8c: {  	[tilespmem:$0x1F820] =	vst v60;
	v60 =	vld [tilespmem:s31+$0x23A0];
	_ =	sdelay $0x4  }
0x8d: {  	[tilespmem:$0x1F7C0] =	vst v60;
	v60 =	vld [tilespmem:s31+$0x43A0];
	_ =	sdelay $0x4  }
0x8e: {  	[tilespmem:$0x1F7D0] =	vst v60;
	v60 =	vld [tilespmem:s31+$0x3A0];
	_ =	sdelay $0x4  }
0x8f: {  	[tilespmem:$0x1F830] =	vst v60;
	v60 =	vld [tilespmem:s31+$0x23B0];
	_ =	sdelay $0x4  }
0x90: {  	[tilespmem:$0x1F7E0] =	vst v60;
	v60 =	vld [tilespmem:s31+$0x43B0];
	_ =	sdelay $0x4  }
0x91: {  	[tilespmem:$0x1F7F0] =	vst v60;
	v60 =	vld [tilespmem:s31+$0x3B0];
	_ =	sdelay $0x4  }
0x92: {  	[tilespmem:$0x1F840] =	vst v60;
	v60 =	vld [tilespmem:s31+$0x23C0];
	_ =	sdelay $0x4  }
0x93: {  	[tilespmem:$0x1F850] =	vst v60;
	v60 =	vld [tilespmem:s31+$0x43C0];
	_ =	sdelay $0x4  }
0x94: {  	[tilespmem:$0x1F860] =	vst v60;
	v60 =	vld [tilespmem:s31+$0x3C0];
	_ =	sdelay $0x4  }
0x95: {  	[tilespmem:$0x1F8F0] =	vst v60;
	v60 =	vld [tilespmem:s31+$0x23D0];
	_ =	sdelay $0x4  }
0x96: {  	[tilespmem:$0x1F870] =	vst v60;
	v60 =	vld [tilespmem:s31+$0x43D0];
	_ =	sdelay $0x4  }
0x97: {  	[tilespmem:$0x1F880] =	vst v60;
	v60 =	vld [tilespmem:s31+$0x3D0];
	_ =	sdelay $0x4  }
0x98: {  	[tilespmem:$0x1F900] =	vst v60;
	v60 =	vld [tilespmem:s31+$0x23E0];
	_ =	sdelay $0x4  }
0x99: {  	[tilespmem:$0x1F890] =	vst v60;
	v60 =	vld [tilespmem:s31+$0x43E0];
	_ =	sdelay $0x4  }
0x9a: {  	[tilespmem:$0x1F8A0] =	vst v60;
	v60 =	vld [tilespmem:s31+$0x3E0];
	_ =	sdelay $0x2  }
0x9b: {  	v12 =	vld [tilespmem:s31+$0x2030]  }
0x9c: {  	v11 =	vld [tilespmem:s31+$0x4030]  }
0x9d: {  	[tilespmem:$0x1F910] =	vst v60;
	v60 =	vld [tilespmem:s31+$0x23F0]  }
0x9e: {  	v34 =	vld [tilespmem:s31+$0x30]  }
0x9f: {  	v9 =	vld [tilespmem:s31+$0x2040]  }
0xa0: {  	v35 =	vld [tilespmem:s31+$0x40]  }
0xa1: {  	v26 =	vld [tilespmem:s31+$0x50]  }
0xa2: {  	[tilespmem:$0x1F8B0] =	vst v60;
	v60 =	vld [tilespmem:s31+$0x43F0]  }
0xa3: {  	v27 =	vld [tilespmem:s31+$0x60]  }
0xa4: {  	v29 =	vld [tilespmem:s31+$0x70]  }
0xa5: {  	v23 =	vld [tilespmem:s31+$0x2080]  }
0xa6: {  	v50 =	vld [tilespmem:s31+$0x80]  }
0xa7: {  	[tilespmem:$0x1F8C0] =	vst v60;
	v60 =	vld [tilespmem:s31+$0x3F0]  }
0xa8: {  	v22 =	vld [tilespmem:s31+$0x2090]  }
0xa9: {  	v21 =	vld [tilespmem:s31+$0x4090]  }
0xaa: {  	v52 =	vld [tilespmem:s31+$0x90]  }
0xab: {  	v20 =	vld [tilespmem:s31+$0x20A0]  }
0xac: {  	[tilespmem:$0x1F920] =	vst v60;
	v60 =	vld [tilespmem:s31+$0x2400]  }
0xad: {  	v19 =	vld [tilespmem:s31+$0x40A0]  }
0xae: {  	v54 =	vld [tilespmem:s31+$0xA0]  }
0xaf: {  	v18 =	vld [tilespmem:s31+$0x20B0]  }
0xb0: {  	v14 =	vld [tilespmem:s31+$0x40B0]  }
0xb1: {  	[tilespmem:$0x1F8D0] =	vst v60;
	v60 =	vld [tilespmem:s31+$0x4400]  }
0xb2: {  	v17 =	vld [tilespmem:s31+$0x20C0]  }
0xb3: {  	v15 =	vld [tilespmem:s31+$0x40C0]  }
0xb4: {  	v13 =	vld [tilespmem:s31+$0x20D0]  }
0xb5: {  	v10 =	vld [tilespmem:s31+$0x40D0]  }
0xb6: {  	[tilespmem:$0x1F8E0] =	vst v60;
	v60 =	vld [tilespmem:s31+$0x400]  }
0xb7: {  	v41 =	vld [tilespmem:s31+$0xD0]  }
0xb8: {  	v42 =	vld [tilespmem:s31+$0x20E0]  }
0xb9: {  	v39 =	vld [tilespmem:s31+$0x40E0]  }
0xba: {  	v24 =	vld [tilespmem:s31+$0xE0]  }
0xbb: {  	[tilespmem:$0x1F930] =	vst v60;
	v60 =	vld [tilespmem:s31+$0x2410]  }
0xbc: {  	v38 =	vld [tilespmem:s31+$0x20F0]  }
0xbd: {  	v36 =	vld [tilespmem:s31+$0x40F0]  }
0xbe: {  	v48 =	vld [tilespmem:s31+$0xF0]  }
0xbf: {  	v37 =	vld [tilespmem:s31+$0x2100]  }
0xc0: {  	[tilespmem:$0x1F940] =	vst v60;
	v60 =	vld [tilespmem:s31+$0x4410]  }
0xc1: {  	v33 =	vld [tilespmem:s31+$0x4100]  }
0xc2: {  	v49 =	vld [tilespmem:s31+$0x100]  }
0xc3: {  	v31 =	vld [tilespmem:s31+$0x2110]  }
0xc4: {  	v28 =	vld [tilespmem:s31+$0x4110]  }
0xc5: {  	[tilespmem:$0x1F950] =	vst v60;
	v60 =	vld [tilespmem:s31+$0x410]  }
0xc6: {  	v62 =	vld [tilespmem:s31+$0x110]  }
0xc7: {  	v30 =	vld [tilespmem:s31+$0x2120]  }
0xc8: {  	v25 =	vld [tilespmem:s31+$0x120]  }
0xc9: {  	v32 =	vld [tilespmem:s31+$0x2130]  }
0xca: {  	[tilespmem:$0x1F9E0] =	vst v60;
	v60 =	vld [tilespmem:s31+$0x2420]  }
0xcb: {  	v40 =	vld [tilespmem:s31+$0x130]  }
0xcc: {  	v58 =	vld [tilespmem:s31+$0x2140]  }
0xcd: {  	v55 =	vld [tilespmem:s31+$0x4140]  }
0xce: {  	v51 =	vld [tilespmem:s31+$0x140]  }
0xcf: {  	[tilespmem:$0x1F960] =	vst v60;
	v60 =	vld [tilespmem:s31+$0x4420]  }
0xd0: {  	v57 =	vld [tilespmem:s31+$0x2150]  }
0xd1: {  	v56 =	vld [tilespmem:s31+$0x4150]  }
0xd2: {  	v53 =	vld [tilespmem:s31+$0x150]  }
0xd3: {  	v59 =	vld [tilespmem:s31+$0x160]  }
0xd4: {  	[tilespmem:$0x1F970] =	vst v60;
	v60 =	vld [tilespmem:s31+$0x420]  }
0xd5: {  	v61 =	vld [tilespmem:s31+$0x180]  }
0xd6: {  	v63 =	vld [tilespmem:s31+$0x21A0]  }
0xd7: {  	v5 =	vld [tilespmem:s31+$0x4050]  }
0xd8: {  	[tilespmem:$0x1F170] =	vst v24;
	v24 =	vld [tilespmem:s31+$0x4120]  }
0xd9: {  	[tilespmem:$0x1F9F0] =	vst v60;
	v60 =	vld [tilespmem:s31+$0x2430]  }
0xda: {  	[tilespmem:$0x1F1A0] =	vst v25;
	v25 =	vld [tilespmem:s31+$0x4130]  }
0xdb: {  	[tilespmem:$0x1F1D0] =	vst v53;
	v53 =	vld [tilespmem:s31+$0x2160]  }
0xdc: {  	[tilespmem:$0x1F1C0] =	vst v51;
	v51 =	vld [tilespmem:s31+$0x4160]  }
0xdd: {  	[tilespmem:$0x1F180] =	vst v48;
	v48 =	vld [tilespmem:s31+$0x2170]  }
0xde: {  	[tilespmem:$0x1F980] =	vst v60;
	v60 =	vld [tilespmem:s31+$0x4430]  }
0xdf: {  	[tilespmem:$0x1F190] =	vst v49;
	v49 =	vld [tilespmem:s31+$0x2180]  }
0xe0: {  	v43 =	vld [tilespmem:s31+$0x2190]  }
0xe1: {  	[tilespmem:$0x1F1B0] =	vst v40;
	v40 =	vld [tilespmem:s31+$0x4190]  }
0xe2: {  	[tilespmem:$0x1F1E0] =	vst v59;
	v59 =	vld [tilespmem:s31+$0x190]  }
0xe3: {  	[tilespmem:$0x1F990] =	vst v60;
	v60 =	vld [tilespmem:s31+$0x430]  }
0xe4: {  	[tilespmem:$0x1F200] =	vst v61;
	v61 =	vld [tilespmem:s31+$0x1A0]  }
0xe5: {  	[tilespmem:$0x1F220] =	vst v63;
	v63 =	vld [tilespmem:s31+$0x21B0]  }
0xe6: {  	v11 =	vadd.f32 v11, v12;
	v12 =	vld [tilespmem:s31+$0x450]  }
0xe7: {  	v8 =	vld [tilespmem:s31+$0x4040]  }
0xe8: {  	[tilespmem:$0x1FA00] =	vst v60;
	v60 =	vld [tilespmem:s31+$0x2440]  }
0xe9: {  	v7 =	vld [tilespmem:s31+$0x2050]  }
0xea: {  	v6 =	vld [tilespmem:s31+$0x2060]  }
0xeb: {  	[tilespmem:$0x1F240] =	vst v63;
	v63 =	vld [tilespmem:s31+$0x21C0]  }
0xec: {  	[tilespmem:$0x1F2B0] =	vst v61;
	v61 =	vld [tilespmem:s31+$0x1B0]  }
0xed: {  	[tilespmem:$0x1F9A0] =	vst v60;
	v60 =	vld [tilespmem:s31+$0x4440]  }
0xee: {  	v3 =	vld [tilespmem:s31+$0x4070]  }
0xef: {  	v44 =	vld [tilespmem:s31+$0xC0]  }
0xf0: {  	[tilespmem:$0x1F260] =	vst v63;
	v63 =	vld [tilespmem:s31+$0x21D0]  }
0xf1: {  	[tilespmem:$0x1F2C0] =	vst v61;
	v61 =	vld [tilespmem:s31+$0x1C0]  }
0xf2: {  	[tilespmem:$0x1F9B0] =	vst v60;
	v60 =	vld [tilespmem:s31+$0x440]  }
0xf3: {  	v0 =	vld [tilespmem:s31+$0x4080]  }
0xf4: {  	[tilespmem:$0x1F210] =	vst v59;
	v59 =	vld [tilespmem:s31+$0x41E0]  }
0xf5: {  	[tilespmem:$0x1F280] =	vst v63;
	v63 =	vld [tilespmem:s31+$0x41D0]  }
0xf6: {  	[tilespmem:$0x1F2D0] =	vst v61;
	v61 =	vld [tilespmem:s31+$0x21E0]  }
0xf7: {  	[tilespmem:$0x1FA10] =	vst v60;
	v60 =	vld [tilespmem:s31+$0x2450]  }
0xf8: {  	v53 =	vadd.f32 v51, v53;
	v51 =	vld [tilespmem:$0x1F280]  }
0xf9: {  	v4 =	vld [tilespmem:s31+$0x2070]  }
0xfa: {  	v45 =	vld [tilespmem:s31+$0x4170]  }
0xfb: {  	v2 =	vld [tilespmem:s31+$0x4060]  }
0xfc: {  	[tilespmem:$0x1F9C0] =	vst v60;
	v60 =	vld [tilespmem:s31+$0x4450]  }
0xfd: {  	v8 =	vadd.f32 v8, v9;
	v9 =	vld [tilespmem:s31+$0x2460]  }
0xfe: {  	[tilespmem:$0x1FA20] =	vst v12;
	v12 =	vld [tilespmem:s31+$0x4460]  }
0xff: {  	v47 =	vld [tilespmem:s31+$0xB0]  }
0x100: {  	v46 =	vld [tilespmem:s31+$0x4180];
	[tilespmem:$0x1F290] =	vst v61  }
0x101: {  	v61 =	vld [tilespmem:s31+$0x41F0];
	[tilespmem:$0x1F9D0] =	vst v60;
	v60 =	vmul.f32 $1.000000010e-01, v11;
	v11 =	vmul.f32 $1.000000010e-01, v8  }
0x102: {  	v5 =	vadd.f32 v5, v7;
	[tilespmem:$0x1FA30] =	vst v9;
	v9 =	vld [tilespmem:s31+$0x460]  }
0x103: {  	v2 =	vadd.f32 v2, v6;
	[tilespmem:$0x1FA40] =	vst v12;
	v12 =	vadd.f32 v11, v35;
	v11 =	vld [tilespmem:s31+$0x2470]  }
0x104: {  	v5 =	vmul.f32 $1.000000010e-01, v5;
	v3 =	vadd.f32 v3, v4;
	v35 =	vld [tilespmem:s31+$0x470]  }
0x105: {  	v4 =	vadd.f32 v60, v34;
	v60 =	vmul.f32 $1.000000010e-01, v2;
	v34 =	vadd.f32 v21, v22;
	v21 =	vld [tilespmem:s31+$0x4480]  }
0x106: {  	v22 =	vld [tilespmem:s31+$0x480]  }
0x107: {  	[tilespmem:$0x1FAD0] =	vst v9;
	v2 =	vadd.f32 v5, v26;
	v9 =	vadd.f32 v60, v27;
	v27 =	vld [tilespmem:s31+$0x4470]  }
0x108: {  	v26 =	vadd.f32 v0, v23;
	v60 =	vadd.f32 v19, v20;
	v19 =	vld [tilespmem:s31+$0x2480]  }
0x109: {  	v3 =	vmul.f32 $1.000000010e-01, v3;
	v20 =	vadd.f32 v15, v17;
	v17 =	vld [tilespmem:s31+$0x24A0]  }
0x10a: {  	v5 =	vmul.f32 $1.000000010e-01, v26;
	v26 =	vld [tilespmem:$0x1F170]  }
0x10b: {  	v0 =	vadd.f32 v3, v29;
	v3 =	vmul.f32 $1.000000010e-01, v34;
	v15 =	vadd.f32 v63, v51;
	v51 =	vld [tilespmem:s31+$0x510]  }
0x10c: {  	v5 =	vadd.f32 v5, v50;
	v50 =	vld [tilespmem:s31+$0x4490]  }
0x10d: {  	v8 =	vadd.f32 v3, v52;
	v52 =	vld [tilespmem:s31+$0x490]  }
0x10e: {  	v23 =	vmul.f32 $1.000000010e-01, v20;
	v20 =	vld [tilespmem:s31+$0x44A0]  }
0x10f: {  	v6 =	vmul.f32 $1.000000010e-01, v60;
	v60 =	vadd.f32 v36, v38;
	v36 =	vld [tilespmem:$0x1F190]  }
0x110: {  	v38 =	vld [tilespmem:s31+$0x4B0]  }
0x111: {  	[tilespmem:$0x1FAE0] =	vst v35;
	v35 =	vld [tilespmem:s31+$0x2490]  }
0x112: {  	v10 =	vadd.f32 v10, v13;
	[tilespmem:$0x1FAF0] =	vst v22;
	v22 =	vld [tilespmem:s31+$0x4A0]  }
0x113: {  	v3 =	vadd.f32 v23, v44;
	v23 =	vadd.f32 v25, v32;
	v25 =	vld [tilespmem:s31+$0x24B0]  }
0x114: {  	v10 =	vmul.f32 $1.000000010e-01, v10;
	v34 =	vadd.f32 v6, v54;
	v54 =	vadd.f32 v39, v42;
	v39 =	vld [tilespmem:$0x1F1A0]  }
0x115: {  	v18 =	vadd.f32 v14, v18;
	v42 =	vld [tilespmem:s31+$0x24C0]  }
0x116: {  	v6 =	vadd.f32 v10, v41;
	v41 =	vadd.f32 v55, v58;
	v55 =	vld [tilespmem:s31+$0x4C0]  }
0x117: {  	v58 =	vld [tilespmem:s31+$0x24D0]  }
0x118: {  	v7 =	vmul.f32 $1.000000010e-01, v18;
	v10 =	vmul.f32 $1.000000010e-01, v60;
	v60 =	vld [tilespmem:$0x1F1C0]  }
0x119: {  	[tilespmem:$0x1FA70] =	vst v19;
	v19 =	vadd.f32 v28, v31;
	v28 =	vld [tilespmem:$0x1F180]  }
0x11a: {  	[tilespmem:$0x1FA60] =	vst v27;
	v27 =	vadd.f32 v7, v47;
	v47 =	vld [tilespmem:$0x1F1B0]  }
0x11b: {  	v18 =	vadd.f32 v33, v37;
	v7 =	vmul.f32 $1.000000010e-01, v54;
	v54 =	vadd.f32 v45, v48;
	v45 =	vld [tilespmem:$0x1F240]  }
0x11c: {  	v48 =	vld [tilespmem:$0x1F260]  }
0x11d: {  	[tilespmem:$0x1FA50] =	vst v11;
	v11 =	vmul.f32 $1.000000010e-01, v18;
	v37 =	vmul.f32 $1.000000010e-01, v23;
	v23 =	vld [tilespmem:$0x1F300]  }
0x11e: {  	[tilespmem:$0x1FB00] =	vst v52;
	v52 =	vld [tilespmem:s31+$0x44C0]  }
0x11f: {  	v13 =	vadd.f32 v11, v36;
	v36 =	vld [tilespmem:$0x1F1E0]  }
0x120: {  	[tilespmem:$0x1FBC0] =	vst v38;
	v38 =	vld [tilespmem:s31+$0x24E0]  }
0x121: {  	[tilespmem:$0x1FAA0] =	vst v50;
	v50 =	vadd.f32 v56, v57;
	v57 =	vadd.f32 v40, v43;
	v40 =	vld [tilespmem:$0x1F210]  }
0x122: {  	v43 =	vld [tilespmem:$0x1F230]  }
0x123: {  	v56 =	vadd.f32 v46, v49;
	v46 =	vld [tilespmem:$0x1F250]  }
0x124: {  	v49 =	vld [tilespmem:$0x1F270]  }
0x125: {  	[tilespmem:$0x1FA80] =	vst v21;
	v21 =	vadd.f32 v24, v30;
	v24 =	vmul.f32 $1.000000010e-01, v19;
	v19 =	vld [tilespmem:$0x1F2F0]  }
0x126: {  	[tilespmem:$0x1FA90] =	vst v35;
	v35 =	vld [tilespmem:s31+$0x44B0]  }
0x127: {  	v29 =	vmul.f32 $1.000000010e-01, v21;
	v31 =	vadd.f32 v7, v26;
	v7 =	vmul.f32 $1.000000010e-01, v41;
	v41 =	vld [tilespmem:s31+$0x44E0]  }
0x128: {  	[tilespmem:$0x1FB20] =	vst v25;
	v25 =	vld [tilespmem:s31+$0x44D0]  }
0x129: {  	[tilespmem:$0x1FB10] =	vst v22;
	v22 =	vadd.f32 v29, v39;
	v39 =	vld [tilespmem:$0x1F200]  }
0x12a: {  	[tilespmem:$0x1FB40] =	vst v42;
	v42 =	vld [tilespmem:$0x1F220]  }
0x12b: {  	v32 =	vadd.f32 v24, v62;
	v62 =	vmul.f32 $1.000000010e-01, v53;
	v53 =	vld [tilespmem:$0x1F290]  }
0x12c: {  	v24 =	vmul.f32 $1.000000010e-01, v54;
	v54 =	vld [tilespmem:s31+$0x44F0]  }
0x12d: {  	[tilespmem:$0x1FBD0] =	vst v55;
	v55 =	vld [tilespmem:$0x1F2A0]  }
0x12e: {  	v29 =	vmul.f32 $1.000000010e-01, v56;
	v56 =	vld [tilespmem:s31+$0x4F0]  }
0x12f: {  	v30 =	vmul.f32 $1.000000010e-01, v57;
	v57 =	vld [tilespmem:$0x1F2B0]  }
0x130: {  	[tilespmem:$0x1FB60] =	vst v58;
	v58 =	vld [tilespmem:$0x1F2C0]  }
0x131: {  	v44 =	vadd.f32 v10, v28;
	v28 =	vld [tilespmem:$0x1F1D0]  }
0x132: {  	v14 =	vadd.f32 v37, v47;
	v37 =	vld [tilespmem:$0x1F1F0]  }
0x133: {  	v47 =	vld [tilespmem:s31+$0x4E0]  }
0x134: {  	v26 =	vadd.f32 v7, v60;
	v60 =	vld [tilespmem:s31+$0x2500]  }
0x135: {  	[tilespmem:$0x1FB50] =	vst v52;
	v52 =	vld [tilespmem:s31+$0x24F0]  }
0x136: {  	v21 =	vadd.f32 v62, v36;
	v62 =	vld [tilespmem:$0x1F2E0]  }
0x137: {  	v10 =	vmul.f32 $1.000000010e-01, v50;
	v50 =	vadd.f32 v30, v40;
	v30 =	vld [tilespmem:$0x1F320]  }
0x138: {  	v36 =	vld [tilespmem:$0x1F340]  }
0x139: {  	[tilespmem:$0x1FB80] =	vst v38;
	v38 =	vld [tilespmem:$0x1F350]  }
0x13a: {  	v40 =	vld [tilespmem:$0x1F370]  }
0x13b: {  	v11 =	vadd.f32 v49, v48;
	v48 =	vld [tilespmem:$0x1F3C0]  }
0x13c: {  	[tilespmem:$0x1FB30] =	vst v35;
	v35 =	vld [tilespmem:s31+$0x4D0]  }
0x13d: {  	[tilespmem:$0x1FB90] =	vst v41;
	v41 =	vld [tilespmem:$0x1F380]  }
0x13e: {  	v18 =	vadd.f32 v61, v55;
	v61 =	vld [tilespmem:$0x1F2D0]  }
0x13f: {  	[tilespmem:$0x1FB70] =	vst v25;
	v25 =	vadd.f32 v29, v39;
	v29 =	vld [tilespmem:s31+$0x500]  }
0x140: {  	v39 =	vld [tilespmem:$0x1F360]  }
0x141: {  	v7 =	vadd.f32 v43, v42;
	v42 =	vld [tilespmem:s31+$0x4510]  }
0x142: {  	v43 =	vld [tilespmem:$0x1F390]  }
0x143: {  	[tilespmem:$0x1FAC0] =	vst v20;
	v20 =	vadd.f32 v10, v28;
	v28 =	vld [tilespmem:$0x1F310]  }
0x144: {  	[tilespmem:$0x1FAB0] =	vst v17;
	v33 =	vadd.f32 v24, v37;
	v37 =	vld [tilespmem:s31+$0x2510]  }
0x145: {  	[tilespmem:$0x1FCF0] =	vst v51;
	v10 =	vadd.f32 v46, v45;
	v45 =	vld [tilespmem:$0x1F3A0]  }
0x146: {  	v17 =	vadd.f32 v59, v53;
	[tilespmem:$0x1FBB0] =	vst v54;
	v46 =	vld [tilespmem:$0x1F3B0]  }
0x147: {  	[tilespmem:$0x1FC10] =	vst v56;
	v63 =	vmul.f32 $1.000000010e-01, v18;
	v18 =	vld [tilespmem:s31+$0x4500]  }
0x148: {  	v59 =	vmul.f32 $1.000000010e-01, v17;
	[tilespmem:$0x1FBA0] =	vst v52;
	v52 =	vld [tilespmem:$0x1F3D0]  }
0x149: {  	[tilespmem:$0x1FBF0] =	vst v35;
	v35 =	vld [tilespmem:$0x1F330]  }
0x14a: {  	v11 =	vmul.f32 $1.000000010e-01, v11;
	[tilespmem:$0x1FC00] =	vst v47;
	v24 =	vadd.f32 v59, v19;
	v59 =	vld [tilespmem:s31+$0x2520]  }
0x14b: {  	v15 =	vmul.f32 $1.000000010e-01, v15;
	[tilespmem:$0x1FC20] =	vst v60;
	v60 =	vadd.f32 v63, v30;
	v30 =	vld [tilespmem:s31+$0x520]  }
0x14c: {  	v10 =	vmul.f32 $1.000000010e-01, v10;
	v49 =	vadd.f32 v11, v61;
	[tilespmem:$0x1FCE0] =	vst v29;
	v61 =	vld [tilespmem:$0x1F3E0]  }
0x14d: {  	v54 =	vadd.f32 v15, v62;
	v15 =	vadd.f32 v39, v38;
	[tilespmem:$0x1FC60] =	vst v42;
	v38 =	vld [tilespmem:s31+$0x2530]  }
0x14e: {  	v47 =	vadd.f32 v10, v58;
	v10 =	vadd.f32 v28, v23;
	[tilespmem:$0x1FC50] =	vst v37;
	v23 =	vld [tilespmem:s31+$0x4520]  }
0x14f: {  	v29 =	vld [tilespmem:$0x1F400];
	[tilespmem:$0x1FC30] =	vst v18  }
0x150: {  	v39 =	vld [tilespmem:$0x1F430];
	[tilespmem:$0x1FC80] =	vst v59  }
0x151: {  	v28 =	vld [tilespmem:$0x1F3F0];
	[tilespmem:$0x1FD00] =	vst v30  }
0x152: {  	v37 =	vld [tilespmem:$0x1F420];
	[tilespmem:$0x1FCA0] =	vst v38  }
0x153: {  	v11 =	vadd.f32 v36, v35;
	v36 =	vld [tilespmem:$0x1F410];
	[tilespmem:$0x1FC90] =	vst v23  }
0x154: {  	v17 =	vadd.f32 v41, v40;
	v41 =	vld [tilespmem:$0x1F440]  }
0x155: {  	v42 =	vld [tilespmem:$0x1F450]  }
0x156: {  	v18 =	vadd.f32 v45, v43;
	v43 =	vld [tilespmem:$0x1F460]  }
0x157: {  	v45 =	vld [tilespmem:s31+$0x4530]  }
0x158: {  	v19 =	vadd.f32 v48, v46;
	v10 =	vmul.f32 $1.000000010e-01, v10;
	v46 =	vld [tilespmem:$0x1F470]  }
0x159: {  	v7 =	vmul.f32 $1.000000010e-01, v7;
	v53 =	vmul.f32 $1.000000010e-01, v15;
	v51 =	vld [tilespmem:$0x1F480]  }
0x15a: {  	v35 =	vadd.f32 v10, v52;
	v52 =	vld [tilespmem:$0x1F490]  }
0x15b: {  	v7 =	vadd.f32 v7, v57;
	v57 =	vadd.f32 v53, v28;
	v53 =	vld [tilespmem:$0x1F4A0]  }
0x15c: {  	v56 =	vld [tilespmem:$0x1F4B0]  }
0x15d: {  	v63 =	vmul.f32 $1.000000010e-01, v19;
	v58 =	vld [tilespmem:$0x1F4C0]  }
0x15e: {  	v59 =	vld [tilespmem:s31+$0x2540]  }
0x15f: {  	v40 =	vadd.f32 v63, v37;
	v37 =	vld [tilespmem:$0x1F4F0]  }
0x160: {  	v4 =	vmul.f32 v4, v1;
	v38 =	vld [tilespmem:$0x1F500]  }
0x161: {  	v12 =	vmul.f32 v12, v1;
	v30 =	vld [tilespmem:$0x1F570]  }
0x162: {  	v55 =	vmul.f32 $1.000000010e-01, v17;
	v11 =	vmul.f32 $1.000000010e-01, v11;
	[tilespmem:s31+$0x30] =	vst v4;
	v4 =	vld [tilespmem:s31+$0x25A0]  }
0x163: {  	[tilespmem:s31+$0x40] =	vst v12;
	v12 =	vld [tilespmem:s31+$0x45B0]  }
0x164: {  	v48 =	vadd.f32 v11, v61;
	v11 =	vadd.f32 v55, v29;
	v55 =	vld [tilespmem:s31+$0x530]  }
0x165: {  	v62 =	vmul.f32 $1.000000010e-01, v18;
	v61 =	vld [tilespmem:$0x1F4D0]  }
0x166: {  	v29 =	vld [tilespmem:$0x1F560]  }
0x167: {  	v28 =	vadd.f32 v62, v36;
	v62 =	vld [tilespmem:$0x1F4E0]  }
0x168: {  	v36 =	vld [tilespmem:s31+$0x4540]  }
0x169: {  	v15 =	vadd.f32 v43, v42;
	v42 =	vld [tilespmem:s31+$0x540]  }
0x16a: {  	v43 =	vld [tilespmem:$0x1F510]  }
0x16b: {  	[tilespmem:$0x1FCB0] =	vst v45;
	v45 =	vld [tilespmem:$0x1F520]  }
0x16c: {  	v19 =	vadd.f32 v58, v56;
	v58 =	vld [tilespmem:s31+$0x2550]  }
0x16d: {  	[tilespmem:$0x1FCC0] =	vst v59;
	v59 =	vld [tilespmem:$0x1F530]  }
0x16e: {  	v18 =	vadd.f32 v53, v52;
	v52 =	vld [tilespmem:$0x1F5E0]  }
0x16f: {  	v53 =	vld [tilespmem:$0x1F5F0]  }
0x170: {  	v56 =	vld [tilespmem:$0x1F600]  }
0x171: {  	v10 =	vadd.f32 v41, v39;
	[tilespmem:$0x1FE50] =	vst v12;
	v12 =	vld [tilespmem:$0x1F840]  }
0x172: {  	v23 =	vadd.f32 v62, v61;
	v61 =	vld [tilespmem:$0x1F540]  }
0x173: {  	v17 =	vadd.f32 v51, v46;
	v10 =	vmul.f32 $1.000000010e-01, v10;
	[tilespmem:$0x1FCD0] =	vst v36;
	v36 =	vld [tilespmem:$0x1F580]  }
0x174: {  	v15 =	vmul.f32 $1.000000010e-01, v15;
	v51 =	vmul.f32 $1.000000010e-01, v23;
	v23 =	vld [tilespmem:s31+$0x4550]  }
0x175: {  	v63 =	vmul.f32 $1.000000010e-01, v17;
	v17 =	vadd.f32 v10, v37;
	v37 =	vld [tilespmem:s31+$0x550]  }
0x176: {  	v39 =	vmul.f32 $1.000000010e-01, v19;
	v41 =	vadd.f32 v15, v38;
	v38 =	vld [tilespmem:$0x1F590]  }
0x177: {  	v46 =	vadd.f32 v63, v43;
	v63 =	vld [tilespmem:$0x1F550]  }
0x178: {  	[tilespmem:$0x1FD10] =	vst v55;
	v55 =	vadd.f32 v39, v59;
	v39 =	vld [tilespmem:$0x1F5A0]  }
0x179: {  	v18 =	vmul.f32 $1.000000010e-01, v18;
	[tilespmem:$0x1FD20] =	vst v42;
	v42 =	vld [tilespmem:$0x1F5B0]  }
0x17a: {  	v43 =	vld [tilespmem:$0x1F5C0]  }
0x17b: {  	v62 =	vadd.f32 v18, v45;
	v45 =	vld [tilespmem:s31+$0x2560]  }
0x17c: {  	[tilespmem:$0x1FD30] =	vst v58;
	v58 =	vld [tilespmem:s31+$0x4560]  }
0x17d: {  	v59 =	vld [tilespmem:$0x1F610]  }
0x17e: {  	v15 =	vadd.f32 v36, v30;
	v30 =	vadd.f32 v56, v53;
	v53 =	vld [tilespmem:$0x1F640]  }
0x17f: {  	v56 =	vld [tilespmem:s31+$0x4570]  }
0x180: {  	v36 =	vld [tilespmem:$0x1F6B0]  }
0x181: {  	[tilespmem:$0x1FDD0] =	vst v37;
	v37 =	vld [tilespmem:$0x1F6C0]  }
0x182: {  	v10 =	vadd.f32 v63, v61;
	v61 =	vadd.f32 v51, v29;
	v51 =	vld [tilespmem:$0x1F5D0]  }
0x183: {  	v18 =	vadd.f32 v39, v38;
	v38 =	vld [tilespmem:s31+$0x560]  }
0x184: {  	v19 =	vadd.f32 v43, v42;
	v42 =	vld [tilespmem:$0x1F620]  }
0x185: {  	[tilespmem:$0x1FD60] =	vst v58;
	v58 =	vld [tilespmem:$0x1F650]  }
0x186: {  	[tilespmem:$0x1FD50] =	vst v45;
	v45 =	vmul.f32 $1.000000010e-01, v30;
	v30 =	vld [tilespmem:s31+$0x2580]  }
0x187: {  	v63 =	vmul.f32 $1.000000010e-01, v18;
	v18 =	vld [tilespmem:$0x1F670]  }
0x188: {  	v10 =	vmul.f32 $1.000000010e-01, v10;
	v29 =	vmul.f32 $1.000000010e-01, v19;
	v19 =	vld [tilespmem:$0x1F680]  }
0x189: {  	[tilespmem:$0x1FD80] =	vst v56;
	v56 =	vld [tilespmem:s31+$0x2590]  }
0x18a: {  	v39 =	vadd.f32 v10, v59;
	v10 =	vadd.f32 v29, v53;
	v29 =	vld [tilespmem:$0x1F6A0]  }
0x18b: {  	v53 =	vld [tilespmem:$0x1F700]  }
0x18c: {  	[tilespmem:$0x1FD40] =	vst v23;
	v15 =	vmul.f32 $1.000000010e-01, v15;
	v23 =	vadd.f32 v52, v51;
	v51 =	vld [tilespmem:s31+$0x2570]  }
0x18d: {  	v52 =	vld [tilespmem:$0x1F630]  }
0x18e: {  	[tilespmem:$0x1FDE0] =	vst v38;
	v38 =	vadd.f32 v15, v42;
	v15 =	vld [tilespmem:s31+$0x570]  }
0x18f: {  	v42 =	vld [tilespmem:s31+$0x4580]  }
0x190: {  	[tilespmem:$0x1FD90] =	vst v30;
	v30 =	vld [tilespmem:s31+$0x4590];
	v43 =	vmul.f32 $1.000000010e-01, v23  }
0x191: {  	v23 =	vld [tilespmem:$0x1F690]  }
0x192: {  	[tilespmem:$0x1FBE0] =	vst v10;
	v10 =	vadd.f32 v43, v58;
	v43 =	vld [tilespmem:$0x1F6D0]  }
0x193: {  	v58 =	vld [tilespmem:$0x1F710]  }
0x194: {  	v59 =	vadd.f32 v63, v52;
	v63 =	vld [tilespmem:$0x1F660]  }
0x195: {  	v52 =	vld [tilespmem:$0x1F6F0]  }
0x196: {  	[tilespmem:$0x1FDA0] =	vst v42;
	v42 =	vld [tilespmem:s31+$0x590]  }
0x197: {  	[tilespmem:$0x1FD70] =	vst v51;
	v51 =	vld [tilespmem:s31+$0x580]  }
0x198: {  	[tilespmem:$0x1FDC0] =	vst v30;
	v30 =	vld [tilespmem:$0x1F790]  }
0x199: {  	[tilespmem:$0x1FC40] =	vst v10;
	v10 =	vadd.f32 v45, v63;
	v45 =	vld [tilespmem:$0x1F6E0]  }
0x19a: {  	[tilespmem:$0x1FDF0] =	vst v15;
	v15 =	vadd.f32 v29, v23;
	v23 =	vadd.f32 v53, v52;
	v52 =	vld [tilespmem:s31+$0x25B0]  }
0x19b: {  	[tilespmem:$0x1FE10] =	vst v42;
	v42 =	vld [tilespmem:$0x1F7B0]  }
0x19c: {  	[tilespmem:$0x1FC70] =	vst v10;
	v10 =	vadd.f32 v19, v18;
	v18 =	vadd.f32 v37, v36;
	v36 =	vld [tilespmem:$0x1F720]  }
0x19d: {  	v37 =	vmul.f32 $1.000000010e-01, v23;
	v23 =	vld [tilespmem:s31+$0x45A0]  }
0x19e: {  	v10 =	vmul.f32 $1.000000010e-01, v10;
	v63 =	vmul.f32 $1.000000010e-01, v18;
	v18 =	vld [tilespmem:$0x1F760]  }
0x19f: {  	[tilespmem:$0x1FE40] =	vst v52;
	v52 =	vld [tilespmem:s31+$0x45C0]  }
0x1a0: {  	v19 =	vadd.f32 v45, v43;
	v45 =	vadd.f32 v10, v58;
	v58 =	vld [tilespmem:$0x1F730]  }
0x1a1: {  	v15 =	vmul.f32 $1.000000010e-01, v15;
	v10 =	vld [tilespmem:$0x1F750]  }
0x1a2: {  	v29 =	vmul.f32 $1.000000010e-01, v19;
	v19 =	vld [tilespmem:$0x1F770]  }
0x1a3: {  	[tilespmem:$0x1FE00] =	vst v51;
	v51 =	vadd.f32 v15, v36;
	v36 =	vld [tilespmem:s31+$0x5A0]  }
0x1a4: {  	v2 =	vmul.f32 v2, v1;
	[tilespmem:$0x1FE60] =	vst v52;
	v52 =	vld [tilespmem:$0x1F890]  }
0x1a5: {  	v9 =	vmul.f32 v9, v1;
	v43 =	vmul.f32 v0, v1;
	v1 =	vadd.f32 v63, v58;
	v63 =	vld [tilespmem:$0x1F740]  }
0x1a6: {  	v15 =	vbroadcast v16, $0x1;
	v53 =	vadd.f32 v37, v10;
	v37 =	vld [tilespmem:$0x1F7A0]  }
0x1a7: {  	v58 =	vld [tilespmem:$0x1F7C0]  }
0x1a8: {  	[tilespmem:$0x1FE20] =	vst v4;
	v3 =	vmul.f32 v3, v15;
	v10 =	vld [tilespmem:s31+$0x25C0]  }
0x1a9: {  	[tilespmem:$0x1FE30] =	vst v23;
	v4 =	vadd.f32 v19, v18;
	v18 =	vld [tilespmem:$0x1F7E0]  }
0x1aa: {  	v23 =	vmul.f32 v31, v15;
	[tilespmem:s31+$0xC0] =	vst v3;
	v3 =	vbroadcast v16, $0x2;
	v19 =	vld [tilespmem:$0x1F7F0]  }
0x1ab: {  	[tilespmem:$0x1FEB0] =	vst v36;
	v36 =	vld [tilespmem:$0x1F810]  }
0x1ac: {  	[tilespmem:s31+$0xE0] =	vst v23;
	v23 =	vmul.f32 v13, v3;
	v13 =	vld [tilespmem:$0x1F910]  }
0x1ad: {  	[tilespmem:$0x1FDB0] =	vst v56;
	v56 =	vadd.f32 v29, v63;
	v29 =	vld [tilespmem:$0x1F780]  }
0x1ae: {  	[tilespmem:s31+$0x100] =	vst v23;
	v23 =	vld [tilespmem:$0x1F8C0]  }
0x1af: {  	[tilespmem:s31+$0x60] =	vst v9;
	v5 =	vmul.f32 v5, v15;
	v63 =	vld [tilespmem:$0x1F7D0];
	v9 =	vadd.f32 v19, v18  }
0x1b0: {  	v18 =	vld [tilespmem:$0x1F860]  }
0x1b1: {  	[tilespmem:s31+$0x80] =	vst v5;
	v5 =	vadd.f32 v42, v37;
	v37 =	vmul.f32 $1.000000010e-01, v9;
	v9 =	vld [tilespmem:s31+$0x5C0]  }
0x1b2: {  	[tilespmem:s31+$0x50] =	vst v2;
	v8 =	vmul.f32 v8, v15;
	v2 =	vadd.f32 v30, v29;
	v29 =	vld [tilespmem:s31+$0x5B0]  }
0x1b3: {  	[tilespmem:s31+$0x70] =	vst v43;
	v30 =	vld [tilespmem:$0x1F800]  }
0x1b4: {  	v34 =	vmul.f32 v34, v15;
	v43 =	vmul.f32 v27, v15;
	[tilespmem:s31+$0x90] =	vst v8;
	v8 =	vadd.f32 v63, v58;
	v63 =	vld [tilespmem:$0x1F820]  }
0x1b5: {  	v6 =	vmul.f32 v6, v15;
	v58 =	vmul.f32 v44, v15;
	v15 =	vld [tilespmem:$0x1F850]  }
0x1b6: {  	v44 =	vld [tilespmem:s31+$0x45D0]  }
0x1b7: {  	[tilespmem:s31+$0xB0] =	vst v43;
	v43 =	vadd.f32 v37, v12;
	v37 =	vmul.f32 v22, v3;
	v22 =	vld [tilespmem:$0x1F8B0]  }
0x1b8: {  	v12 =	vmul.f32 v26, v3;
	v26 =	vmul.f32 v20, v3;
	v20 =	vld [tilespmem:s31+$0x45F0]  }
0x1b9: {  	[tilespmem:s31+$0xA0] =	vst v34;
	v34 =	vmul.f32 $1.000000010e-01, v8;
	v8 =	vld [tilespmem:$0x1F830]  }
0x1ba: {  	[tilespmem:s31+$0xF0] =	vst v58;
	v58 =	vld [tilespmem:$0x1F8A0]  }
0x1bb: {  	[tilespmem:s31+$0x120] =	vst v37;
	v37 =	vld [tilespmem:s31+$0x45E0]  }
0x1bc: {  	v4 =	vmul.f32 $1.000000010e-01, v4;
	[tilespmem:s31+$0x140] =	vst v12;
	v12 =	vld [tilespmem:s31+$0x25F0]  }
0x1bd: {  	v31 =	vmul.f32 $1.000000010e-01, v5;
	[tilespmem:$0x1FEC0] =	vst v29;
	v29 =	vld [tilespmem:s31+$0x25D0]  }
0x1be: {  	v2 =	vmul.f32 $1.000000010e-01, v2;
	v27 =	vadd.f32 v4, v30;
	v30 =	vld [tilespmem:$0x1F870]  }
0x1bf: {  	v19 =	vadd.f32 v31, v63;
	v31 =	vld [tilespmem:$0x1F880]  }
0x1c0: {  	v36 =	vadd.f32 v2, v36;
	v2 =	vadd.f32 v18, v15;
	v18 =	vld [tilespmem:s31+$0x5D0]  }
0x1c1: {  	[tilespmem:$0x1FE80] =	vst v44;
	v44 =	vld [tilespmem:$0x1F8F0]  }
0x1c2: {  	v15 =	vld [tilespmem:$0x1F920]  }
0x1c3: {  	[tilespmem:s31+$0xD0] =	vst v6;
	v6 =	vadd.f32 v23, v22;
	v22 =	vld [tilespmem:$0x1F940]  }
0x1c4: {  	v23 =	vld [tilespmem:$0x1F950]  }
0x1c5: {  	v63 =	vmul.f32 v14, v3;
	v14 =	vld [tilespmem:$0x1FA30]  }
0x1c6: {  	v42 =	vadd.f32 v34, v8;
	v34 =	vmul.f32 v32, v3;
	v32 =	vld [tilespmem:$0x1F8E0]  }
0x1c7: {  	[tilespmem:s31+$0x130] =	vst v63;
	v63 =	vld [tilespmem:s31+$0x5E0]  }
0x1c8: {  	v4 =	vadd.f32 v58, v52;
	v58 =	vmul.f32 $1.000000010e-01, v6;
	v6 =	vld [tilespmem:$0x1F900]  }
0x1c9: {  	[tilespmem:$0x1FF00] =	vst v12;
	v12 =	vld [tilespmem:$0x1FA20]  }
0x1ca: {  	[tilespmem:s31+$0x110] =	vst v34;
	v34 =	vmul.f32 v21, v3;
	v21 =	vld [tilespmem:$0x1F930]  }
0x1cb: {  	v3 =	vmul.f32 v33, v3;
	v33 =	vld [tilespmem:$0x1F970]  }
0x1cc: {  	v2 =	vmul.f32 $1.000000010e-01, v2;
	v5 =	vadd.f32 v31, v30;
	v30 =	vld [tilespmem:s31+$0x25E0]  }
0x1cd: {  	v31 =	vld [tilespmem:$0x1F8D0]  }
0x1ce: {  	[tilespmem:$0x1FE70] =	vst v29;
	v29 =	vadd.f32 v2, v44;
	v44 =	vld [tilespmem:s31+$0x2600]  }
0x1cf: {  	[tilespmem:$0x1FEA0] =	vst v37;
	v37 =	vadd.f32 v58, v15;
	v58 =	vld [tilespmem:$0x1F990]  }
0x1d0: {  	v2 =	vadd.f32 v23, v22;
	v22 =	vld [tilespmem:$0x1F9A0]  }
0x1d1: {  	v23 =	vld [tilespmem:$0x1F9B0]  }
0x1d2: {  	[tilespmem:s31+$0x150] =	vst v26;
	v15 =	vld [tilespmem:$0x1FA40];
	v5 =	vmul.f32 $1.000000010e-01, v5  }
0x1d3: {  	[tilespmem:$0x1FE90] =	vst v30;
	v30 =	vld [tilespmem:s31+$0x5F0]  }
0x1d4: {  	[tilespmem:$0x1FEE0] =	vst v18;
	v18 =	vadd.f32 v5, v6;
	v6 =	vbroadcast v16, $0x3;
	v8 =	vadd.f32 v32, v31;
	v32 =	vld [tilespmem:$0x1F960]  }
0x1d5: {  	[tilespmem:$0x1FF20] =	vst v44;
	v44 =	vld [tilespmem:$0x1F9E0]  }
0x1d6: {  	[tilespmem:s31+$0x160] =	vst v34;
	v34 =	vmul.f32 v50, v6;
	v50 =	vld [tilespmem:$0x1F980]  }
0x1d7: {  	[tilespmem:$0x1FED0] =	vst v9;
	v26 =	vmul.f32 v25, v6;
	v25 =	vmul.f32 v54, v6;
	v54 =	vld [tilespmem:$0x1F9F0]  }
0x1d8: {  	[tilespmem:$0x1FEF0] =	vst v63;
	v9 =	vmul.f32 $1.000000010e-01, v8;
	v8 =	vld [tilespmem:$0x1FA10]  }
0x1d9: {  	v63 =	vmul.f32 v47, v6;
	[tilespmem:s31+$0x180] =	vst v26;
	v26 =	vld [tilespmem:s31+$0x600]  }
0x1da: {  	[tilespmem:s31+$0x190] =	vst v34;
	v34 =	vld [tilespmem:s31+$0x2610]  }
0x1db: {  	v52 =	vmul.f32 $1.000000010e-01, v4;
	[tilespmem:s31+$0x1B0] =	vst v63;
	v63 =	vld [tilespmem:s31+$0x610]  }
0x1dc: {  	[tilespmem:s31+$0x1D0] =	vst v25;
	v25 =	vld [tilespmem:$0x1FA60]  }
0x1dd: {  	v31 =	vadd.f32 v52, v13;
	v52 =	vadd.f32 v9, v21;
	v21 =	vld [tilespmem:s31+$0x4600]  }
0x1de: {  	[tilespmem:$0x1FF70] =	vst v30;
	v30 =	vld [tilespmem:$0x1F9C0]  }
0x1df: {  	[tilespmem:s31+$0x170] =	vst v3;
	v2 =	vmul.f32 $1.000000010e-01, v2;
	v3 =	vadd.f32 v33, v32;
	v32 =	vld [tilespmem:$0x1F9D0]  }
0x1e0: {  	v7 =	vmul.f32 v7, v6;
	v33 =	vmul.f32 v24, v6;
	v24 =	vld [tilespmem:$0x1FA50]  }
0x1e1: {  	v5 =	vadd.f32 v23, v22;
	v9 =	vmul.f32 v49, v6;
	v6 =	vmul.f32 v60, v6;
	v60 =	vld [tilespmem:$0x1FAC0]  }
0x1e2: {  	v22 =	vadd.f32 v2, v44;
	v2 =	vadd.f32 v15, v14;
	v14 =	vld [tilespmem:$0x1FB50]  }
0x1e3: {  	v49 =	vmul.f32 $1.000000010e-01, v5;
	v5 =	vbroadcast v16, $0x4;
	v4 =	vadd.f32 v58, v50;
	v50 =	vld [tilespmem:s31+$0x4610]  }
0x1e4: {  	[tilespmem:s31+$0x1C0] =	vst v9;
	v9 =	vld [tilespmem:s31+$0x2620]  }
0x1e5: {  	v23 =	vmul.f32 v35, v5;
	v35 =	vld [tilespmem:$0x1FA80]  }
0x1e6: {  	v44 =	vmul.f32 v11, v5;
	v11 =	vld [tilespmem:$0x1FB40]  }
0x1e7: {  	[tilespmem:$0x1FF10] =	vst v20;
	v20 =	vadd.f32 v49, v8;
	v49 =	vld [tilespmem:$0x1FAA0]  }
0x1e8: {  	v8 =	vld [tilespmem:$0x1FB30]  }
0x1e9: {  	[tilespmem:$0x1FF90] =	vst v63;
	v63 =	vld [tilespmem:s31+$0x4620]  }
0x1ea: {  	[tilespmem:$0x1FF40] =	vst v34;
	v34 =	vld [tilespmem:$0x1FA70]  }
0x1eb: {  	v3 =	vmul.f32 $1.000000010e-01, v3;
	[tilespmem:$0x1FF80] =	vst v26;
	v26 =	vmul.f32 v48, v5;
	v48 =	vld [tilespmem:$0x1FA90]  }
0x1ec: {  	[tilespmem:s31+$0x230] =	vst v44;
	v44 =	vld [tilespmem:$0x1FAE0]  }
0x1ed: {  	[tilespmem:$0x1FF30] =	vst v21;
	v21 =	vadd.f32 v3, v54;
	v54 =	vld [tilespmem:$0x1FAB0]  }
0x1ee: {  	[tilespmem:s31+$0x1A0] =	vst v7;
	v7 =	vadd.f32 v32, v30;
	v32 =	vld [tilespmem:s31+$0x620]  }
0x1ef: {  	v30 =	vmul.f32 v57, v5;
	v57 =	vld [tilespmem:s31+$0x4630]  }
0x1f0: {  	v47 =	vmul.f32 $1.000000010e-01, v4;
	v4 =	vadd.f32 v25, v24;
	v24 =	vld [tilespmem:$0x1FAD0]  }
0x1f1: {  	[tilespmem:$0x1FF60] =	vst v9;
	v9 =	vmul.f32 v17, v5;
	v17 =	vld [tilespmem:s31+$0x630]  }
0x1f2: {  	[tilespmem:$0x1FF50] =	vst v50;
	v50 =	vmul.f32 v40, v5;
	v40 =	vld [tilespmem:s31+$0x2640]  }
0x1f3: {  	v58 =	vmul.f32 $1.000000010e-01, v7;
	v7 =	vld [tilespmem:$0x1FA00]  }
0x1f4: {  	[tilespmem:s31+$0x1F0] =	vst v6;
	v6 =	vadd.f32 v49, v48;
	v48 =	vld [tilespmem:$0x1FAF0]  }
0x1f5: {  	v49 =	vld [tilespmem:$0x1FB00]  }
0x1f6: {  	v4 =	vmul.f32 $1.000000010e-01, v4;
	[tilespmem:s31+$0x250] =	vst v50;
	v50 =	vld [tilespmem:s31+$0x640]  }
0x1f7: {  	[tilespmem:s31+$0x1E0] =	vst v33;
	v33 =	vadd.f32 v58, v12;
	v58 =	vld [tilespmem:s31+$0x2630]  }
0x1f8: {  	[tilespmem:s31+$0x220] =	vst v30;
	v30 =	vadd.f32 v4, v44;
	v4 =	vadd.f32 v14, v11;
	v14 =	vld [tilespmem:$0x1FC10]  }
0x1f9: {  	[tilespmem:s31+$0x210] =	vst v26;
	v44 =	vld [tilespmem:$0x1FC50]  }
0x1fa: {  	v26 =	vmul.f32 $1.000000010e-01, v6;
	[tilespmem:$0x1FFC0] =	vst v40;
	v40 =	vld [tilespmem:$0x1FBC0]  }
0x1fb: {  	v6 =	vbroadcast v16, $0x5;
	v13 =	vadd.f32 v47, v7;
	v7 =	vadd.f32 v60, v54;
	v60 =	vld [tilespmem:s31+$0x4640]  }
0x1fc: {  	v3 =	vadd.f32 v35, v34;
	v54 =	vld [tilespmem:$0x1FB10]  }
0x1fd: {  	[tilespmem:$0x1FFB0] =	vst v17;
	v17 =	vmul.f32 v55, v6;
	v55 =	vld [tilespmem:s31+$0x4650]  }
0x1fe: {  	v25 =	vmul.f32 $1.000000010e-01, v3;
	v15 =	vmul.f32 v62, v6;
	v62 =	vld [tilespmem:s31+$0x650]  }
0x1ff: {  	[tilespmem:s31+$0x260] =	vst v9;
	v9 =	vmul.f32 v46, v6;
	v46 =	vld [tilespmem:s31+$0x2670]  }
0x200: {  	[tilespmem:$0x1FFA0] =	vst v32;
	v32 =	vadd.f32 v25, v48;
	v25 =	vld [tilespmem:$0x1FB60]  }
0x201: {  	v35 =	vadd.f32 v26, v49;
	v26 =	vld [tilespmem:$0x1FB70]  }
0x202: {  	v47 =	vmul.f32 v28, v5;
	v49 =	vld [tilespmem:s31+$0x2660]  }
0x203: {  	[tilespmem:$0x1FFD0] =	vst v50;
	v50 =	vld [tilespmem:s31+$0x660]  }
0x204: {  	[tilespmem:s31+$0x240] =	vst v47;
	v47 =	vmul.f32 $1.000000010e-01, v7;
	v7 =	vld [tilespmem:$0x1FB20]  }
0x205: {  	[tilespmem:s31+$0x280] =	vst v9;
	v9 =	vld [tilespmem:$0x1FB90]  }
0x206: {  	v28 =	vmul.f32 v61, v6;
	v61 =	vmul.f32 v39, v6;
	[tilespmem:s31+$0x290] =	vst v15;
	v15 =	vld [tilespmem:$0x1FBA0]  }
0x207: {  	v11 =	vmul.f32 v38, v6;
	[tilespmem:s31+$0x2A0] =	vst v17;
	v17 =	vld [tilespmem:$0x1FBB0]  }
0x208: {  	[tilespmem:s31+$0x2C0] =	vst v61;
	v61 =	vld [tilespmem:$0x1FBD0]  }
0x209: {  	[tilespmem:s31+$0x2D0] =	vst v11;
	v11 =	vld [tilespmem:$0x1FC00]  }
0x20a: {  	v34 =	vadd.f32 v47, v54;
	v54 =	vld [tilespmem:s31+$0x2650]  }
0x20b: {  	v47 =	vld [tilespmem:s31+$0x4660]  }
0x20c: {  	v2 =	vmul.f32 $1.000000010e-01, v2;
	v3 =	vadd.f32 v26, v25;
	v25 =	vld [tilespmem:$0x1FC30]  }
0x20d: {  	v26 =	vld [tilespmem:$0x1FC40]  }
0x20e: {  	v12 =	vadd.f32 v2, v24;
	[tilespmem:$0x1FFF0] =	vst v50;
	v50 =	vld [tilespmem:s31+$0x670]  }
0x20f: {  	v4 =	vmul.f32 $1.000000010e-01, v4;
	v5 =	vmul.f32 v41, v5;
	v2 =	vadd.f32 v8, v7;
	v8 =	vld [tilespmem:$0x1FB80]  }
0x210: {  	[tilespmem:s31+$0x200] =	vst v23;
	v24 =	vadd.f32 v17, v15;
	v7 =	vld [tilespmem:$0x1FBE0]  }
0x211: {  	[tilespmem:s31+$0x270] =	vst v5;
	v15 =	vadd.f32 v4, v61;
	v61 =	vld [tilespmem:$0x1FC70]  }
0x212: {  	[tilespmem:$0x1FFE0] =	vst v62;
	v2 =	vmul.f32 $1.000000010e-01, v2;
	v62 =	vmul.f32 $1.000000010e-01, v24;
	v24 =	vld [tilespmem:$0x1FC20]  }
0x213: {  	v23 =	vbroadcast v16, $0x6;
	v59 =	vmul.f32 v59, v6;
	v47 =	vadd.f32 v47, v49;
	v49 =	vld [tilespmem:s31+$0x2730]  }
0x214: {  	[tilespmem:s31+$0x2B0] =	vst v28;
	v28 =	vadd.f32 v2, v40;
	v40 =	vld [tilespmem:s31+$0x4670]  }
0x215: {  	[tilespmem:s31+$0x2E0] =	vst v59;
	v59 =	vadd.f32 v62, v14;
	v14 =	vmul.f32 v51, v23;
	v51 =	vld [tilespmem:s31+$0x4680]  }
0x216: {  	v38 =	vmul.f32 v26, v23;
	v26 =	vld [tilespmem:s31+$0x26A0]  }
0x217: {  	v5 =	vadd.f32 v9, v8;
	v9 =	vld [tilespmem:$0x1FBF0]  }
0x218: {  	v62 =	vmul.f32 v61, v23;
	v61 =	vld [tilespmem:$0x1FD00]  }
0x219: {  	v8 =	vmul.f32 v7, v6;
	v7 =	vld [tilespmem:$0x1FD40]  }
0x21a: {  	[tilespmem:s31+$0x300] =	vst v38;
	v38 =	vld [tilespmem:$0x1FCC0]  }
0x21b: {  	v2 =	vadd.f32 v25, v24;
	v24 =	vld [tilespmem:$0x1FCA0]  }
0x21c: {  	v25 =	vld [tilespmem:$0x1FCB0]  }
0x21d: {  	v48 =	vmul.f32 $1.000000010e-01, v5;
	v5 =	vmul.f32 v56, v23;
	v56 =	vld [tilespmem:s31+$0x680]  }
0x21e: {  	v6 =	vmul.f32 v53, v23;
	[tilespmem:s31+$0x310] =	vst v62;
	v62 =	vld [tilespmem:s31+$0x2690]  }
0x21f: {  	[tilespmem:s31+$0x2F0] =	vst v8;
	v8 =	vmul.f32 v45, v23;
	v45 =	vld [tilespmem:s31+$0x4690]  }
0x220: {  	[tilespmem:s31+$0x360] =	vst v6;
	v6 =	vld [tilespmem:$0x1FD30]  }
0x221: {  	v39 =	vadd.f32 v48, v11;
	v48 =	vld [tilespmem:$0x1FC60]  }
0x222: {  	v41 =	vmul.f32 $1.000000010e-01, v3;
	v11 =	vld [tilespmem:$0x1FC90]  }
0x223: {  	[tilespmem:s31+$0x350] =	vst v5;
	v5 =	vld [tilespmem:$0x1FD20]  }
0x224: {  	v17 =	vadd.f32 v41, v9;
	v9 =	vld [tilespmem:$0x1FC80]  }
0x225: {  	v40 =	vadd.f32 v40, v46;
	v46 =	vld [tilespmem:s31+$0x730]  }
0x226: {  	v41 =	vld [tilespmem:s31+$0x2680]  }
0x227: {  	v6 =	vadd.f32 v7, v6;
	v7 =	vld [tilespmem:$0x1FD70]  }
0x228: {  	v0 =	vadd.f32 v25, v24;
	v4 =	vadd.f32 v48, v44;
	v44 =	vld [tilespmem:$0x1FCD0]  }
0x229: {  	v3 =	vadd.f32 v11, v9;
	v11 =	vld [tilespmem:$0x1FCE0]  }
0x22a: {  	[tilespmem:s31+$0x330] =	vst v14;
	v25 =	vld [tilespmem:s31+$0x26B0];
	v14 =	vmul.f32 $1.000000010e-01, v0;
	v0 =	vbroadcast v16, $0x7  }
0x22b: {  	v24 =	vld [tilespmem:$0x1FD90]  }
0x22c: {  	v2 =	vmul.f32 $1.000000010e-01, v2;
	v41 =	vadd.f32 v51, v41;
	v51 =	vld [tilespmem:s31+$0x4740];
	v42 =	vmul.f32 v42, v0  }
0x22d: {  	v48 =	vadd.f32 v44, v38;
	v38 =	vld [tilespmem:$0x1FCF0]  }
0x22e: {  	v1 =	vmul.f32 v1, v23;
	[tilespmem:s31+$0x3A0] =	vst v42;
	v42 =	vld [tilespmem:$0x1FDC0];
	v53 =	vadd.f32 v2, v11;
	v2 =	vmul.f32 $1.000000010e-01, v3  }
0x22f: {  	v3 =	vmul.f32 v18, v0;
	v18 =	vld [tilespmem:s31+$0x46B0];
	v44 =	vmul.f32 $1.000000010e-01, v48  }
0x230: {  	v27 =	vmul.f32 v27, v23;
	v4 =	vmul.f32 $1.000000010e-01, v4;
	v23 =	vadd.f32 v2, v61;
	v61 =	vld [tilespmem:$0x1FD60]  }
0x231: {  	[tilespmem:s31+$0x320] =	vst v8;
	v8 =	vadd.f32 v44, v5;
	v44 =	vld [tilespmem:$0x1FD50]  }
0x232: {  	v11 =	vadd.f32 v4, v38;
	v4 =	vld [tilespmem:$0x1FD10]  }
0x233: {  	v48 =	vld [tilespmem:s31+$0x690]  }
0x234: {  	v5 =	vld [tilespmem:$0x1FDD0]  }
0x235: {  	v38 =	vld [tilespmem:$0x1FDB0]  }
0x236: {  	[tilespmem:s31+$0x370] =	vst v27;
	v18 =	vadd.f32 v18, v25;
	v25 =	vld [tilespmem:s31+$0x750];
	v27 =	vadd.f32 v61, v44  }
0x237: {  	v61 =	vmul.f32 v29, v0;
	v29 =	vld [tilespmem:$0x1FDA0];
	v9 =	vadd.f32 v14, v4;
	v14 =	vmul.f32 v36, v0  }
0x238: {  	v36 =	vld [tilespmem:s31+$0x46A0]  }
0x239: {  	[tilespmem:s31+$0x380] =	vst v14;
	v14 =	vld [tilespmem:$0x1FD80]  }
0x23a: {  	v19 =	vmul.f32 v19, v0;
	v44 =	vld [tilespmem:s31+$0x6A0]  }
0x23b: {  	v6 =	vmul.f32 $1.000000010e-01, v6;
	v43 =	vmul.f32 v43, v0;
	v4 =	vld [tilespmem:$0x1FE20]  }
0x23c: {  	[tilespmem:s31+$0x390] =	vst v19;
	v19 =	vadd.f32 v29, v24;
	v24 =	vld [tilespmem:s31+$0x6C0]  }
0x23d: {  	[tilespmem:s31+$0x3B0] =	vst v43;
	v43 =	vadd.f32 v6, v5;
	v26 =	vadd.f32 v36, v26;
	v36 =	vld [tilespmem:s31+$0x4750]  }
0x23e: {  	[tilespmem:s31+$0x340] =	vst v1;
	v6 =	vmul.f32 $1.000000010e-01, v19;
	v19 =	vld [tilespmem:s31+$0x26C0];
	v1 =	vadd.f32 v14, v7;
	v14 =	vadd.f32 v42, v38  }
0x23f: {  	v7 =	vld [tilespmem:$0x1FDE0]  }
0x240: {  	v29 =	vmul.f32 $1.000000010e-01, v14;
	v14 =	vmul.f32 v37, v0;
	v37 =	vld [tilespmem:$0x1FE00]  }
0x241: {  	v42 =	vmul.f32 v31, v0;
	v38 =	vld [tilespmem:s31+$0x6B0]  }
0x242: {  	v27 =	vmul.f32 $1.000000010e-01, v27;
	v31 =	vld [tilespmem:$0x1FDF0]  }
0x243: {  	v2 =	vmul.f32 $1.000000010e-01, v1;
	v1 =	vbroadcast v16, $0x8;
	[tilespmem:s31+$0x3E0] =	vst v42;
	v42 =	vld [tilespmem:$0x1FE10]  }
0x244: {  	[tilespmem:s31+$0x3F0] =	vst v14;
	v14 =	vld [tilespmem:$0x1FE40]  }
0x245: {  	[tilespmem:s31+$0x3C0] =	vst v61;
	v21 =	vmul.f32 v21, v1;
	v61 =	vadd.f32 v27, v7;
	v7 =	vadd.f32 v6, v37;
	v6 =	vld [tilespmem:$0x1FE30]  }
0x246: {  	v27 =	vld [tilespmem:s31+$0x46C0]  }
0x247: {  	v5 =	vadd.f32 v2, v31;
	v31 =	vmul.f32 v52, v1;
	v52 =	vmul.f32 v22, v1;
	[tilespmem:s31+$0x420] =	vst v21;
	v21 =	vld [tilespmem:$0x1FE90]  }
0x248: {  	v37 =	vld [tilespmem:$0x1FE50]  }
0x249: {  	[tilespmem:s31+$0x410] =	vst v52;
	v52 =	vld [tilespmem:$0x1FEA0]  }
0x24a: {  	v13 =	vmul.f32 v13, v1;
	v6 =	vadd.f32 v6, v4;
	v4 =	vld [tilespmem:$0x1FE60]  }
0x24b: {  	v12 =	vmul.f32 v12, v1;
	v22 =	vld [tilespmem:s31+$0x46D0]  }
0x24c: {  	[tilespmem:s31+$0x430] =	vst v13;
	v13 =	vld [tilespmem:$0x1FEB0]  }
0x24d: {  	[tilespmem:s31+$0x460] =	vst v12;
	v12 =	vld [tilespmem:$0x1FEF0]  }
0x24e: {  	[tilespmem:s31+$0x3D0] =	vst v3;
	v3 =	vadd.f32 v37, v14;
	v14 =	vld [tilespmem:$0x1FE80]  }
0x24f: {  	[tilespmem:s31+$0x400] =	vst v31;
	v21 =	vadd.f32 v52, v21;
	v31 =	vadd.f32 v4, v10;
	v10 =	vld [tilespmem:$0x1FE70];
	v4 =	vmul.f32 v33, v1  }
0x250: {  	v30 =	vmul.f32 v30, v1;
	v52 =	vld [tilespmem:$0x1FEC0]  }
0x251: {  	v6 =	vmul.f32 $1.000000010e-01, v6;
	v21 =	vmul.f32 $1.000000010e-01, v21;
	[tilespmem:s31+$0x450] =	vst v4;
	v4 =	vld [tilespmem:$0x1FED0]  }
0x252: {  	v2 =	vmul.f32 v20, v1;
	v20 =	vld [tilespmem:s31+$0x6D0]  }
0x253: {  	v0 =	vbroadcast v16, $0x9;
	[tilespmem:s31+$0x470] =	vst v30;
	v30 =	vld [tilespmem:$0x1FF30];
	v13 =	vadd.f32 v6, v13;
	v12 =	vadd.f32 v21, v12  }
0x254: {  	v21 =	vld [tilespmem:$0x1FF10];
	v6 =	vmul.f32 $1.000000010e-01, v31;
	v37 =	vadd.f32 v14, v10;
	v10 =	vmul.f32 $1.000000010e-01, v3  }
0x255: {  	v1 =	vld [tilespmem:$0x1FF00]  }
0x256: {  	v34 =	vmul.f32 v34, v0;
	[tilespmem:s31+$0x440] =	vst v2;
	v2 =	vadd.f32 v10, v52;
	v52 =	vadd.f32 v6, v4;
	v6 =	vld [tilespmem:$0x1FEE0]  }
0x257: {  	v42 =	vadd.f32 v29, v42;
	v29 =	vld [tilespmem:s31+$0x26D0]  }
0x258: {  	[tilespmem:s31+$0x4A0] =	vst v34;
	v34 =	vadd.f32 v57, v58;
	v57 =	vld [tilespmem:s31+$0x2710]  }
0x259: {  	v58 =	vld [tilespmem:$0x1FF70];
	v31 =	vmul.f32 $1.000000010e-01, v37  }
0x25a: {  	v19 =	vadd.f32 v27, v19;
	v27 =	vld [tilespmem:s31+$0x2760]  }
0x25b: {  	v31 =	vadd.f32 v31, v6;
	v6 =	vadd.f32 v21, v1;
	v1 =	vld [tilespmem:$0x1FF20]  }
0x25c: {  	v22 =	vadd.f32 v22, v29;
	v29 =	vld [tilespmem:s31+$0x760];
	v21 =	vmul.f32 v32, v0  }
0x25d: {  	v33 =	vld [tilespmem:s31+$0x26E0];
	v32 =	vmul.f32 v35, v0  }
0x25e: {  	[tilespmem:s31+$0x480] =	vst v21;
	v21 =	vld [tilespmem:$0x1FF50]  }
0x25f: {  	[tilespmem:s31+$0x490] =	vst v32;
	v32 =	vld [tilespmem:$0x1FF60]  }
0x260: {  	v30 =	vadd.f32 v30, v1;
	v1 =	vld [tilespmem:$0x1FF40]  }
0x261: {  	v14 =	vld [tilespmem:s31+$0x46E0]  }
0x262: {  	v28 =	vmul.f32 v28, v0;
	v15 =	vmul.f32 v15, v0;
	v3 =	vld [tilespmem:s31+$0x46F0]  }
0x263: {  	v17 =	vmul.f32 v17, v0;
	v39 =	vmul.f32 v39, v0;
	v37 =	vld [tilespmem:s31+$0x6E0]  }
0x264: {  	v0 =	vmul.f32 v59, v0;
	v59 =	vld [tilespmem:$0x1FF90];
	v32 =	vadd.f32 v63, v32;
	v63 =	vmul.f32 $1.000000010e-01, v6  }
0x265: {  	v10 =	vld [tilespmem:s31+$0x26F0];
	v21 =	vadd.f32 v21, v1  }
0x266: {  	[tilespmem:s31+$0x4B0] =	vst v28;
	v28 =	vadd.f32 v63, v58;
	v63 =	vld [tilespmem:$0x1FF80]  }
0x267: {  	v4 =	vld [tilespmem:s31+$0x6F0];
	v21 =	vmul.f32 $1.000000010e-01, v21  }
0x268: {  	v35 =	vld [tilespmem:s31+$0x2700]  }
0x269: {  	[tilespmem:s31+$0x4D0] =	vst v17;
	v30 =	vmul.f32 $1.000000010e-01, v30;
	v17 =	vadd.f32 v21, v59;
	v59 =	vld [tilespmem:$0x1FFA0]  }
0x26a: {  	v3 =	vadd.f32 v3, v10;
	v10 =	vld [tilespmem:s31+$0x2780]  }
0x26b: {  	[tilespmem:s31+$0x4C0] =	vst v15;
	v1 =	vld [tilespmem:s31+$0x4700];
	v15 =	vadd.f32 v30, v63;
	v30 =	vmul.f32 $1.000000010e-01, v34;
	v34 =	vbroadcast v16, $0xA  }
0x26c: {  	v6 =	vld [tilespmem:s31+$0x700];
	v32 =	vmul.f32 $1.000000010e-01, v32  }
0x26d: {  	[tilespmem:s31+$0x4E0] =	vst v39;
	v58 =	vld [tilespmem:s31+$0x4710];
	v53 =	vmul.f32 v53, v34  }
0x26e: {  	v40 =	vmul.f32 $1.000000010e-01, v40;
	[tilespmem:s31+$0x4F0] =	vst v0;
	v11 =	vmul.f32 v11, v34;
	v21 =	vadd.f32 v32, v59;
	v59 =	vld [tilespmem:$0x1FFB0]  }
0x26f: {  	v41 =	vmul.f32 $1.000000010e-01, v41;
	v63 =	vld [tilespmem:s31+$0x710];
	v23 =	vmul.f32 v23, v34;
	[tilespmem:s31+$0x500] =	vst v53  }
0x270: {  	v18 =	vmul.f32 $1.000000010e-01, v18;
	v1 =	vadd.f32 v1, v35;
	v35 =	vld [tilespmem:s31+$0x27A0];
	v9 =	vmul.f32 v9, v34;
	[tilespmem:s31+$0x510] =	vst v11  }
0x271: {  	v8 =	vmul.f32 v8, v34;
	v11 =	vmul.f32 v43, v34;
	v43 =	vld [tilespmem:s31+$0x4730];
	[tilespmem:s31+$0x520] =	vst v23  }
0x272: {  	v5 =	vmul.f32 v5, v34;
	v23 =	vmul.f32 v61, v34;
	[tilespmem:s31+$0x530] =	vst v9;
	v61 =	vld [tilespmem:$0x1FFE0]  }
0x273: {  	v19 =	vmul.f32 $1.000000010e-01, v19;
	[tilespmem:s31+$0x540] =	vst v8;
	v8 =	vbroadcast v16, $0xB;
	v30 =	vadd.f32 v30, v59;
	v59 =	vld [tilespmem:$0x1FFC0]  }
0x274: {  	v22 =	vmul.f32 $1.000000010e-01, v22;
	v3 =	vmul.f32 $1.000000010e-01, v3;
	v53 =	vld [tilespmem:$0x1FFF0];
	[tilespmem:s31+$0x570] =	vst v5  }
0x275: {  	v34 =	vadd.f32 v40, v50;
	v40 =	vmul.f32 $1.000000010e-01, v26;
	v26 =	vld [tilespmem:s31+$0x4760];
	[tilespmem:s31+$0x550] =	vst v11;
	v13 =	vmul.f32 v13, v8  }
0x276: {  	v50 =	vadd.f32 v19, v24;
	v19 =	vld [tilespmem:s31+$0x4770];
	[tilespmem:s31+$0x560] =	vst v23;
	v23 =	vadd.f32 v41, v56;
	v7 =	vmul.f32 v7, v8  }
0x277: {  	v24 =	vld [tilespmem:s31+$0x2790];
	v56 =	vmul.f32 v42, v8;
	v42 =	vbroadcast v16, $0xC;
	[tilespmem:s31+$0x5A0] =	vst v13;
	v13 =	vadd.f32 v40, v44  }
0x278: {  	v2 =	vmul.f32 v2, v8;
	[tilespmem:s31+$0x580] =	vst v7;
	v40 =	vld [tilespmem:s31+$0x47A0];
	v39 =	vadd.f32 v60, v59;
	v60 =	vadd.f32 v55, v54  }
0x279: {  	v14 =	vadd.f32 v14, v33;
	v32 =	vld [tilespmem:s31+$0x2720];
	v12 =	vmul.f32 v12, v8;
	[tilespmem:s31+$0x590] =	vst v56;
	v15 =	vmul.f32 v15, v42  }
0x27a: {  	v3 =	vadd.f32 v3, v4;
	v41 =	vld [tilespmem:s31+$0x2750];
	[tilespmem:s31+$0x5B0] =	vst v2;
	v0 =	vmul.f32 $1.000000010e-01, v60;
	v60 =	vmul.f32 $1.000000010e-01, v47  }
0x27b: {  	v1 =	vmul.f32 $1.000000010e-01, v1;
	[tilespmem:s31+$0x5E0] =	vst v12;
	v12 =	vadd.f32 v22, v20;
	v33 =	vmul.f32 v34, v42;
	v55 =	vld [tilespmem:$0x1FFD0]  }
0x27c: {  	v20 =	vld [tilespmem:s31+$0x770];
	v56 =	vmul.f32 $1.000000010e-01, v14;
	[tilespmem:s31+$0x600] =	vst v15;
	v11 =	vadd.f32 v60, v53;
	v60 =	vmul.f32 v52, v8  }
0x27d: {  	[tilespmem:s31+$0x670] =	vst v33;
	v33 =	vadd.f32 v40, v35;
	v59 =	vld [tilespmem:s31+$0x4720];
	v0 =	vadd.f32 v0, v61;
	v61 =	vmul.f32 v31, v8  }
0x27e: {  	v1 =	vadd.f32 v1, v6;
	v39 =	vmul.f32 $1.000000010e-01, v39;
	v47 =	vld [tilespmem:s31+$0x2740];
	v52 =	vmul.f32 v17, v42;
	[tilespmem:s31+$0x5C0] =	vst v60  }
0x27f: {  	v22 =	vld [tilespmem:s31+$0x780];
	v5 =	vadd.f32 v56, v37;
	v6 =	vmul.f32 $1.000000010e-01, v33;
	v53 =	vmul.f32 v21, v42;
	[tilespmem:s31+$0x5D0] =	vst v61  }
0x280: {  	v15 =	vld [tilespmem:s31+$0x4790];
	v9 =	vadd.f32 v39, v55;
	v55 =	vadd.f32 v45, v62;
	v45 =	vmul.f32 v28, v8;
	[tilespmem:s31+$0x610] =	vst v52  }
0x281: {  	v54 =	vld [tilespmem:s31+$0x720];
	v0 =	vmul.f32 v0, v42;
	v60 =	vadd.f32 v58, v57;
	[tilespmem:s31+$0x620] =	vst v53;
	v11 =	vmul.f32 v11, v42  }
0x282: {  	v31 =	vld [tilespmem:s31+$0x2770];
	v61 =	vadd.f32 v59, v32;
	v59 =	vbroadcast v16, $0xE;
	v62 =	vmul.f32 $1.000000010e-01, v55;
	[tilespmem:s31+$0x5F0] =	vst v45  }
0x283: {  	v21 =	vld [tilespmem:s31+$0x4780];
	v55 =	vmul.f32 v30, v42;
	v9 =	vmul.f32 v9, v42;
	v44 =	vadd.f32 v51, v47;
	[tilespmem:s31+$0x650] =	vst v0  }
0x284: {  	v17 =	vld [tilespmem:s31+$0x790];
	v14 =	vmul.f32 $1.000000010e-01, v60;
	[tilespmem:s31+$0x660] =	vst v11;
	v2 =	vadd.f32 v62, v48;
	v62 =	vbroadcast v16, $0xD  }
0x285: {  	v39 =	vld [tilespmem:s31+$0x740];
	v47 =	vadd.f32 v36, v41;
	v32 =	vmul.f32 $1.000000010e-01, v61;
	v1 =	vmul.f32 v1, v59;
	[tilespmem:s31+$0x630] =	vst v55  }
0x286: {  	v28 =	vld [tilespmem:s31+$0x7A0];
	v48 =	vadd.f32 v18, v38;
	[tilespmem:s31+$0x640] =	vst v9;
	v38 =	vadd.f32 v43, v49;
	v37 =	vmul.f32 v23, v62  }
0x287: {  	v57 =	vld [tilespmem:s31+$0x27C0];
	v53 =	vmul.f32 $1.000000010e-01, v47;
	v19 =	vadd.f32 v19, v31;
	[tilespmem:s31+$0x700] =	vst v1;
	v42 =	vmul.f32 v2, v62  }
0x288: {  	v51 =	vld [tilespmem:s31+$0x47B0];
	v34 =	vadd.f32 v14, v63;
	v43 =	vmul.f32 v13, v62;
	v8 =	vmul.f32 v48, v62;
	[tilespmem:s31+$0x680] =	vst v37  }
0x289: {  	v41 =	vld [tilespmem:s31+$0x27F0];
	v4 =	vadd.f32 v32, v54;
	v45 =	vmul.f32 $1.000000010e-01, v38;
	v49 =	vmul.f32 v50, v62;
	[tilespmem:s31+$0x690] =	vst v42  }
0x28a: {  	v60 =	vld [tilespmem:s31+$0x47C0];
	v63 =	vadd.f32 v21, v10;
	v13 =	vmul.f32 $1.000000010e-01, v44;
	v52 =	vmul.f32 v12, v62;
	[tilespmem:s31+$0x6A0] =	vst v43  }
0x28b: {  	v31 =	vld [tilespmem:s31+$0x47D0];
	v50 =	vadd.f32 v26, v27;
	v5 =	vmul.f32 v5, v62;
	v61 =	vmul.f32 v3, v62;
	[tilespmem:s31+$0x6B0] =	vst v8  }
0x28c: {  	v54 =	vld [tilespmem:s31+$0x7B0];
	v58 =	vadd.f32 v53, v25;
	v27 =	vmul.f32 $1.000000010e-01, v19;
	v32 =	vmul.f32 v34, v59;
	[tilespmem:s31+$0x6C0] =	vst v49  }
0x28d: {  	v48 =	vld [tilespmem:s31+$0x27B0];
	v4 =	vmul.f32 v4, v59;
	v36 =	vmul.f32 $1.000000010e-01, v63;
	v11 =	vadd.f32 v45, v46;
	[tilespmem:s31+$0x6D0] =	vst v52  }
0x28e: {  	v38 =	vld [tilespmem:s31+$0x47E0];
	v55 =	vadd.f32 v13, v39;
	v56 =	vmul.f32 $1.000000010e-01, v50;
	[tilespmem:s31+$0x6E0] =	vst v5;
	v35 =	vadd.f32 v27, v20  }
0x28f: {  	v34 =	vld [tilespmem:s31+$0x27E0];
	[tilespmem:s31+$0x6F0] =	vst v61;
	v0 =	vmul.f32 v58, v59;
	v46 =	vadd.f32 v6, v28;
	v50 =	vadd.f32 v60, v57  }
0x290: {  	v45 =	vld [tilespmem:s31+$0x47F0];
	v49 =	vbroadcast v16, $0xF;
	[tilespmem:s31+$0x710] =	vst v32;
	v42 =	vadd.f32 v36, v22;
	v62 =	vadd.f32 v56, v29  }
0x291: {  	v21 =	vld [tilespmem:s31+$0x27D0];
	[tilespmem:s31+$0x720] =	vst v4;
	v29 =	vadd.f32 v15, v24;
	v39 =	vmul.f32 v11, v59;
	v43 =	vmul.f32 v55, v59  }
0x292: {  	[tilespmem:s31+$0x750] =	vst v0;
	v52 =	vmul.f32 v35, v59;
	v57 =	vmul.f32 $1.000000010e-01, v50;
	v40 =	vadd.f32 v51, v48;
	v48 =	vld [tilespmem:s31+$0x7C0]  }
0x293: {  	v55 =	vld [tilespmem:s31+$0x7E0];
	v2 =	vmul.f32 v46, v49;
	v37 =	vmul.f32 $1.000000010e-01, v29;
	[tilespmem:s31+$0x730] =	vst v39  }
0x294: {  	v58 =	vld [tilespmem:s31+$0x7F0];
	v56 =	vmul.f32 v42, v49;
	[tilespmem:s31+$0x740] =	vst v43;
	v7 =	vadd.f32 v38, v34;
	v47 =	vmul.f32 $1.000000010e-01, v40  }
0x295: {  	v51 =	vld [tilespmem:s31+$0x7D0];
	v3 =	vmul.f32 v62, v59;
	[tilespmem:s31+$0x770] =	vst v52;
	v59 =	vadd.f32 v45, v41;
	v44 =	vadd.f32 v37, v17  }
0x296: {  	[tilespmem:s31+$0x7A0] =	vst v2;
	v61 =	vmul.f32 $1.000000010e-01, v7;
	v53 =	vadd.f32 v47, v54;
	v54 =	vadd.f32 v31, v21  }
0x297: {  	[tilespmem:s31+$0x780] =	vst v56;
	v0 =	vmul.f32 $1.000000010e-01, v59;
	v8 =	vmul.f32 v44, v49;
	v60 =	vadd.f32 v57, v48  }
0x298: {  	[tilespmem:s31+$0x760] =	vst v3;
	v62 =	vadd.f32 v61, v55;
	v6 =	vmul.f32 $1.000000010e-01, v54;
	v1 =	vmul.f32 v53, v49  }
0x299: {  	p0 =	sne.s32 s17, $0x3;
	v0 =	vadd.f32 v0, v58;
	[tilespmem:s31+$0x790] =	vst v8;
	v3 =	vmul.f32 v60, v49  }
.Ltmp0:
0x29a: {  	v2 =	vmul.f32 v62, v49;
	v6 =	vadd.f32 v6, v51;
	[tilespmem:s31+$0x7B0] =	vst v1;
	(pc) =	sbr.rel @p0 .LBB2_3-.Ltmp0, $4  }
0x29b: {  	v0 =	vmul.f32 v0, v49;
	[tilespmem:s31+$0x7C0] =	vst v3  }
0x29c: {  	[tilespmem:s31+$0x7E0] =	vst v2;
	v63 =	vmul.f32 v6, v49  }
0x29d: {  	[tilespmem:s31+$0x7F0] =	vst v0  }
0x29e: {  	s17 =	sadd.s32 $0x1, s17;
	[tilespmem:s31+$0x7D0] =	vst v63  }
0x29f: {  	s15 =	sadd.s32 $0x1, s15  }
0x2a0: {  	p0 =	sne.s32 s15, $0x5  }
.Ltmp1:
0x2a1: {  	s16 =	sadd.s32 s6, s16;
	(pc) =	sbr.rel @p0 .LBB2_2-.Ltmp1, $4  }
0x2a2: {  	[hbm4b:s16+s1] =	stream.linear.scatter [tilespmem:s1], [sflag:$0x1], $0x2000, $0x38;
	[tilespmem:$0x6080] =	vst v63  }
0x2a3: {  	_ =	swait.ge [sflag:s10], $0x2000  }
0x2a4: {  	[sflag:s10] =	ssyncset.done $0x0  }
0x2a5: {  	[sflag:s10] =	ssyncadd.s32 $0xFFFFE000  }
0x2a6: {  	s14 =	sadd.s32 $0x1, s14  }
0x2a7: {  	p0 =	sne.s32 s14, s9  }
.Ltmp2:
0x2a8: {  	_ = 	snop;
	(pc) =	sbr.rel @p0 .LBB2_1-.Ltmp2, $1  }
0x2a9: {  	_ =	sdelay $0x3  }
0x2aa: {  	_ =	sfence.sel $0x180000  }
0x2ab: {  	[bflag:$0x0] =	sbarrier.arrive $0xFFFF  }
0x2ac: {  	p0 =	sne.s32 s3, $0x0;
	_ =	strace $0x90000050  }
0x2ad: {  	s0 =	sadd.s32 @!p0 $0x100000, s0;
	[bflag:$0x2] =	sbarrier.arrive $0xFFFF  }
0x2ae: {  	[sflag:s0] =	ssyncadd.tile.s32 @!p0 $0x1;
	_ =	shalt  }
.Lfunc_end2:
_tile_overlayer_lowered:
.L_overlay_start_2:
0x2af: {  	(tag) =	ssettag $0x2  }
0x2b0: {  	s0 =	rddreg [dreg:$0x0];
	s2 =	stileid.u32  }
0x2b1: {  	s1 =	rddreg [dreg:$0x1];
	p0 =	sne.s32 s2, $0x0  }
0x2b2: {  	s3 =	rddreg [dreg:$0x2];
	[bflag:$0x3] =	sbarrier.arrive $0xFFFF;
	s2 =	simm.s32 @!p0 $0x1C01  }
0x2b3: {  	[timem:s3], [sflag:s2] =	dma.local @!p0 [hbm:s0], s1  }
0x2b4: {  	s0 =	simm.s32 @!p0 $0x1  }
0x2b5: {  	_ =	swait.ge @!p0 [sflag:s0], s1  }
0x2b6: {  	s1 =	ssub.s32 @!p0 $0x0, s1;
	[sflag:s0] =	ssyncset.done @!p0 $0x0  }
0x2b7: {  	[sflag:s0] =	ssyncadd.s32 @!p0 s1  }
0x2b8: {  	[bflag:$0x3] =	sbarrier.arrive $0xFFFF  }
0x2b9: {  	_ =	shalt  }

// kernel: kernel.6.cloned.1.call-start
scs
__scs_entry_jumppad:
0x0: {  	(pc) =	sbr.rel $0x88, $3  }
0x1: {  	(tag) =	ssettag $0x0;
	lr =	simm.s32 $0x1  }
0x2: {  	[smem:$0x3F9E] =	sst lr;
	_ =	strace $0xD0000000  }
0x3: {  	_ = 	snop  }
0x4: {  	_ = 	snop  }
0x5: {  	_ = 	snop  }
0x6: {  	_ = 	snop  }
0x7: {  	_ = 	snop  }
__scs_overlays_trampoline_lowered:
0x8: {  	[smem:$0x3FAD] =	sst s0  }
0x9: {  	[smem:$0x3FAE] =	sst s1  }
0xa: {  	[smem:$0x3FAF] =	sst s2  }
0xb: {  	[smem:$0x3FB0] =	sst s3  }
0xc: {  	[smem:$0x3FB1] =	sst s4  }
0xd: {  	[smem:$0x3FB2] =	sst s5  }
0xe: {  	[smem:$0x3FB3] =	sst s6  }
0xf: {  	[smem:$0x3FB4] =	sst s7  }
0x10: {  	[smem:$0x3FB5] =	sst s8  }
0x11: {  	[smem:$0x3FB6] =	sst s9;
	s0 =	simm.s32 @!p0 $0x0  }
0x12: {  	s1 =	sld [smem:$0x3F9C];
	s0 =	simm.s32 @p0 $0x1  }
0x13: {  	[smem:$0x3FB7] =	sst s0;
	s0 =	simm.s32 @!p1 $0x0  }
0x14: {  	s2 =	sld [smem:$0x3F9B];
	s0 =	simm.s32 @p1 $0x1  }
0x15: {  	[smem:$0x3FB8] =	sst s0;
	s0 =	simm.s32 @!p2 $0x0  }
0x16: {  	s3 =	sld [smem:$0x3FDB];
	s0 =	simm.s32 @p2 $0x1  }
0x17: {  	s4 =	simm.s32 $0x1BF5;
	[smem:$0x3FBA] =	sst s0  }
0x18: {  	s0 =	sld [smem:$0x3F9D];
	_ =	swait.ge [sflag:s4], $0x0  }
0x19: {  	s7 =	sld [smem:$0x3F9E]  }
0x1a: {  	s8 =	sadd.s32 $0xFFFFE003, lr  }
0x1b: {  	s9 =	sadd.s32 $0xFFFFFEF7, lr;
	s5 =	simm.s32 $0xFFFFFFFF;
	p2 =	slt.u32 s8, $0xFFFFF086  }
0x1c: {  	p1 =	slt.u32 s9, $0xF7A;
	s5 =	simm.s32 @!p2 $0x0  }
0x1d: {  	s5 =	simm.s32 @p1 $0x1;
	p0 =	seq.s32 s7, s2  }
0x1e: {  	s7 =	smul.u32 @!p0 $0xF7A, s2;
	p2 =	seq.s32 @!p0 s5, $0x0  }
0x1f: {  	s9 =	smul.u32 $0xF7A, s1;
	s8 =	simm.s32 @!p0 $0x1BF5;
	p2 =	por !p2, p0  }
0x20: {  	[sflag:s8] =	ssyncset.s32 @!p0 $0xFFFFF086;
	s6 =	sadd.s32 @!p0 s3, s7;
	s7 =	simm.s32 @!p0 $0x108  }
0x21: {  	s3 =	sadd.s32 s3, s9;
	s6 =	sadd.s32 @!p0 $0x88, s6;
	s7 =	simm.s32 @p2 $0x1082  }
0x22: {  	[simem:s7], [sflag:s8] =	dma.local @!p0 [hbm:s6], $0xF7A  }
0x23: {  	s9 =	sor.u32 $0xD0000000, s2;
	s6 =	simm.s32 $0x108;
	_ =	swait.ge @!p0 [sflag:s8], $0x0  }
0x24: {  	s3 =	sadd.s32 $0x88, s3;
	s6 =	simm.s32 @!p1 $0x1082;
	[sflag:s4] =	ssyncset.s32 $0xFFFFF086  }
0x25: {  	[simem:s6], [sflag:s4] =	dma.local [hbm:s3], $0xF7A  }
0x26: {  	[smem:$0x3F9E] =	sst s1;
	(tag) =	ssettag s2;
	_ =	strace s9  }
0x27: {  	s1 =	sld [smem:$0x3FAE]  }
0x28: {  	s2 =	sld [smem:$0x3FAF]  }
0x29: {  	s4 =	sld [smem:$0x3FB1]  }
0x2a: {  	p0 =	seq.s32 s5, $0x0;
	s5 =	sld [smem:$0x3FB2]  }
0x2b: {  	s6 =	sld [smem:$0x3FB3]  }
0x2c: {  	s7 =	sld [smem:$0x3FB4]  }
0x2d: {  	s3 =	simm.s32 $0x108;
	s8 =	sld [smem:$0x3FB5]  }
0x2e: {  	s3 =	simm.s32 @!p0 $0x1082;
	s9 =	sld [smem:$0x3FB6]  }
0x2f: {  	lr =	sadd.s32 s0, s3;
	s0 =	sld [smem:$0x3FAD]  }
0x30: {  	s3 =	sld [smem:$0x3FB0]  }
0x31: {  	[smem:$0x3FB9] =	sst s10  }
0x32: {  	s10 =	sld [smem:$0x3FB7];
	_ =	sdelay $0x3  }
0x33: {  	p0 =	seq.s32 s10, $0x1;
	s10 =	sld [smem:$0x3FB9];
	_ =	sdelay $0x3  }
0x34: {  	[smem:$0x3FB9] =	sst s10  }
0x35: {  	s10 =	sld [smem:$0x3FB8];
	_ =	sdelay $0x3  }
0x36: {  	p1 =	seq.s32 s10, $0x1;
	s10 =	sld [smem:$0x3FB9];
	_ =	sdelay $0x3  }
0x37: {  	[smem:$0x3FB9] =	sst s10  }
0x38: {  	s10 =	sld [smem:$0x3FBA]  }
0x39: {  	_ = 	snop;
	(pc) =	sbr.ind lr, $3  }
0x3a: {  	_ = 	snop  }
0x3b: {  	_ = 	snop  }
0x3c: {  	p2 =	seq.s32 s10, $0x1;
	s10 =	sld [smem:$0x3FB9]  }
0x3d: {  	_ =	shalt  }
0x3e: {  	_ =	shalt  }
0x3f: {  	_ =	shalt  }
0x40: {  	_ =	shalt  }
0x41: {  	_ =	shalt  }
0x42: {  	_ =	shalt  }
0x43: {  	_ =	shalt  }
0x44: {  	_ =	shalt  }
0x45: {  	_ =	shalt  }
0x46: {  	_ =	shalt  }
0x47: {  	_ =	shalt  }
0x48: {  	_ =	shalt  }
0x49: {  	_ =	shalt  }
0x4a: {  	_ =	shalt  }
0x4b: {  	_ =	shalt  }
0x4c: {  	_ =	shalt  }
0x4d: {  	_ =	shalt  }
0x4e: {  	_ =	shalt  }
0x4f: {  	_ =	shalt  }
0x50: {  	_ =	shalt  }
0x51: {  	_ =	shalt  }
0x52: {  	_ =	shalt  }
0x53: {  	_ =	shalt  }
0x54: {  	_ =	shalt  }
0x55: {  	_ =	shalt  }
0x56: {  	_ =	shalt  }
0x57: {  	_ =	shalt  }
0x58: {  	_ =	shalt  }
0x59: {  	_ =	shalt  }
0x5a: {  	_ =	shalt  }
0x5b: {  	_ =	shalt  }
0x5c: {  	_ =	shalt  }
0x5d: {  	_ =	shalt  }
0x5e: {  	_ =	shalt  }
0x5f: {  	_ =	shalt  }
0x60: {  	_ =	shalt  }
0x61: {  	_ =	shalt  }
0x62: {  	_ =	shalt  }
0x63: {  	_ =	shalt  }
0x64: {  	_ =	shalt  }
0x65: {  	_ =	shalt  }
0x66: {  	_ =	shalt  }
0x67: {  	_ =	shalt  }
0x68: {  	_ =	shalt  }
0x69: {  	_ =	shalt  }
0x6a: {  	_ =	shalt  }
0x6b: {  	_ =	shalt  }
0x6c: {  	_ =	shalt  }
0x6d: {  	_ =	shalt  }
0x6e: {  	_ =	shalt  }
0x6f: {  	_ =	shalt  }
0x70: {  	_ =	shalt  }
0x71: {  	_ =	shalt  }
0x72: {  	_ =	shalt  }
0x73: {  	_ =	shalt  }
0x74: {  	_ =	shalt  }
0x75: {  	_ =	shalt  }
0x76: {  	_ =	shalt  }
0x77: {  	_ =	shalt  }
0x78: {  	_ =	shalt  }
0x79: {  	_ =	shalt  }
0x7a: {  	_ =	shalt  }
0x7b: {  	_ =	shalt  }
0x7c: {  	_ =	shalt  }
0x7d: {  	_ =	shalt  }
0x7e: {  	_ =	shalt  }
0x7f: {  	_ =	shalt  }
0x80: {  	_ =	shalt  }
0x81: {  	_ =	shalt  }
0x82: {  	_ =	shalt  }
0x83: {  	_ =	shalt  }
0x84: {  	_ =	shalt  }
0x85: {  	_ =	shalt  }
0x86: {  	_ =	shalt  }
0x87: {  	_ =	shalt  }
.Lfunc_end0:
.L_simem_size_0:
called_computation_lowered:
.L_overlay_start_0:
0x88: {  	s2 =	sld [smem:$0x3FD9]  }
0x89: {  	s3 =	sld [smem:$0x3FFE];
	_ =	sdelay $0x1  }
0x8a: {  	s1 =	srdreg.scid  }
0x8b: {  	s0 =	sand.u32 $0x1, s1  }
0x8c: {  	s17 =	sshll.u32 s0, $0xA;
	s2 =	sadd.s32 s3, s2  }
0x8d: {  	s2 =	sadd.s32 s2, s17  }
0x8e: {  	[smem:$0x3FC5] =	sst s2  }
0x8f: {  	_ = 	snop  }
0x90: {  	s2 =	sld [smem:$0x3FD0];
	(tm) =	ssettm $0x1  }
0x91: {  	s18 =	sld [smem:$0x3FFB];
	_ =	sdelay $0x3  }
0x92: {  	_ =	strace s18  }
0x93: {  	s3 =	sld [smem:$0x3FFC];
	_ =	sdelay $0x3  }
0x94: {  	_ =	strace s3  }
0x95: {  	s3 =	sld [smem:$0x3FFD];
	_ =	sdelay $0x3  }
0x96: {  	_ =	strace s3  }
0x97: {  	_ =	strace $0x8FFFFFFF  }
0x98: {  	s19 =	sld [smem:$0x3FDB];
	_ =	sdelay $0x1  }
0x99: {  	s4 =	simm.s32 $_scs_section_size  }
0x9a: {  	s5 =	simm.s32 $_size__tile_overlayer_lowered;
	s6 =	simm.s32 $_tile_overlayer_lowered  }
0x9b: {  	s22 =	simm.s32 $0x1BFF;
	s21 =	sshll.u32 s6, $0x1;
	s3 =	sadd.s32 s4, s19  }
0x9c: {  	s7 =	simm.s32 $0x0;
	s20 =	sshll.u32 s5, $0x1;
	s5 =	sadd.s32 s21, s3  }
0x9d: {  	[timem:s7], [sflag:s22] =	dma.local [hbm:s5], s20  }
0x9e: {  	_ =	swait.ge [sflag:s22], s20  }
0x9f: {  	s4 =	ssub.s32 $0x0, s20;
	[sflag:s22] =	ssyncset.done $0x0  }
0xa0: {  	[sflag:s22] =	ssyncadd.s32 s4;
	_ =	sdelay $0x1  }
0xa1: {  	s23 =	simm.s32 $0x1B8B  }
0xa2: {  	_ =	swait.ge [sflag:s23], $0x1  }
0xa3: {  	[sflag:s23] =	ssyncset.done $0x0  }
0xa4: {  	s25 =	simm.s32 $0x1B8E;
	s24 =	sld [smem:$0x3FFE];
	[sflag:s23] =	ssyncadd.s32 $0xFFFFFFFF  }
0xa5: {  	s26 =	simm.s32 $execute0_lowered;
	[smem:$0x3FD2] =	sst s25  }
0xa6: {  	s5 =	sshll.u32 s26, $0x1;
	_ =	strace $0x80000046;
	[dreg:$0x1] =	wrdreg $0xFFFFFFFF  }
0xa7: {  	s28 =	simm.s32 $_size_execute0_lowered;
	s3 =	sadd.s32 s3, s5;
	[dreg:$0x0] =	wrdreg $0x0  }
0xa8: {  	s5 =	sshll.u32 s28, $0x1;
	[dreg:$0x2] =	wrdreg s3  }
0xa9: {  	[dreg:$0x3] =	wrdreg s5  }
0xaa: {  	[dreg:$0x4] =	wrdreg $0xC0  }
0xab: {  	_ =	task [dreg:s7], $0x5FFFF  }
0xac: {  	[dreg:$0x1] =	wrdreg $0xFFFFFFFF  }
0xad: {  	[dreg:$0x0] =	wrdreg $0x60  }
0xae: {  	[dreg:$0x2] =	wrdreg s24  }
0xaf: {  	[dreg:$0x3] =	wrdreg s2  }
0xb0: {  	[dreg:$0x4] =	wrdreg $0x61000  }
0xb1: {  	[dreg:$0x5] =	wrdreg $0x9  }
0xb2: {  	_ =	task.clear_ibuf [dreg:s7], $0x6FFFF;
	_ =	strace $0x90000046  }
0xb3: {  	s29 =	simm.s32 $0x9;
	_ =	strace $0x80000048  }
0xb4: {  	_ =	swait.ge [sflag:s29], $0x1  }
0xb5: {  	[sflag:s29] =	ssyncadd.s32 $0xFFFFFFFF  }
0xb6: {  	_ =	strace $0x90000048  }
0xb7: {  	_ =	sfence  }
0xb8: {  	s30 =	sld [smem:$0x0];
	_ =	sdelay $0x2  }
0xb9: {  	s31 =	sshll.u32 s1, $0xD;
	s1 =	sshrl.u32 s1, $0x2  }
0xba: {  	s3 =	sand.u32 $0x4000, s31;
	s1 =	sadd.s32 s1, s30  }
0xbb: {  	s0 =	sor.u32 s3, s0;
	s1 =	sshll.u32 s1, $0x11  }
0xbc: {  	s0 =	sor.u32 s1, s0  }
0xbd: {  	s0 =	sadd.s32 $0x8F2B, s0  }
0xbe: {  	[sflag:s0] =	ssyncadd.remote.s32 $0x1  }
0xbf: {  	_ =	sfence.sel $0xFFFF  }
0xc0: {  	[dreg:$0x0] =	wrdreg $0xFFFFFFFF;
	(pc) =	sbr.abs _section_cstart, $3  }
0xc1: {  	[dreg:$0x1] =	wrdreg $0xFFFFFFFF  }
0xc2: {  	_ =	task.clear_ibuf [dreg:s7], $0x2FFFF;
	_ =	strace $0x9FFFFFFF  }
0xc3: {  	(tm) =	ssettm $0x7FFFFFFF  }
tec
execute0_lowered:
.L_overlay_start_1:
0x0: {  	(tag) =	ssettag $0x1  }
0x1: {  	s0 =	srdreg.scid;
	s2 =	rddreg [dreg:$0x0]  }
0x2: {  	s16 =	stileid.u32;
	s4 =	rddreg [dreg:$0x1]  }
0x3: {  	s1 =	simm.s32 $0x0;
	s0 =	sand.u32 $0x1, s0;
	s5 =	smul.u32 $0x14000, s16  }
0x4: {  	[smem:$0x7FF] =	sst s1;
	s3 =	smul.u32 $0x140000, s0  }
0x5: {  	s9 =	sadd.s32 $0x32A00, s2;
	s6 =	ssub.s32 $0x2, s0;
	s0 =	smul.u32 $0x4F00, s0  }
0x6: {  	s7 =	sshrl.u32 s6, $0x1;
	s12 =	sadd.s32 $0x6000, s5;
	s17 =	sadd.s32 $0xC000, s5  }
0x7: {  	s18 =	sadd.s32 $0xE000, s5;
	s8 =	sadd.s32 s3, s5;
	s6 =	ssub.s32 s6, s7  }
0x8: {  	s13 =	sadd.s32 s3, s12;
	s15 =	sadd.s32 s3, s17;
	s25 =	sadd.s32 s3, s18  }
0x9: {  	s4 =	sadd.s32 s0, s4;
	s0 =	sadd.s32 s0, s2;
	s19 =	sshrl.u32 s8, $0x3  }
0xa: {  	s8 =	sadd.s32 $0x4000, s5;
	s21 =	sshrl.u32 s13, $0x3;
	s24 =	sshrl.u32 s15, $0x3  }
0xb: {  	s15 =	smul.u32 $0x4F0, s16;
	s7 =	sadd.s32 s9, s19;
	s11 =	sadd.s32 s3, s8  }
0xc: {  	s19 =	sadd.s32 $0x10000, s5;
	[dreg:$0x4] =	wrdreg s7;
	s7 =	sor.u32 $0x2000, s5  }
0xd: {  	s11 =	sshrl.u32 s11, $0x3;
	s26 =	sadd.s32 s3, s19;
	s0 =	sadd.s32 s15, s0  }
0xe: {  	s10 =	sadd.s32 s3, s7;
	s20 =	sadd.s32 s9, s11;
	s11 =	sadd.s32 $0xA000, s5  }
0xf: {  	s28 =	sadd.s32 $0xC00, s0;
	s10 =	sshrl.u32 s10, $0x3;
	[dreg:$0x6] =	wrdreg s20  }
0x10: {  	s14 =	sadd.s32 s3, s11;
	s20 =	smul.u32 $0x50000, s16;
	s10 =	sadd.s32 s9, s10  }
0x11: {  	s14 =	sshrl.u32 s14, $0x3;
	[dreg:$0x5] =	wrdreg s10;
	s10 =	sadd.s32 s9, s21  }
0x12: {  	s23 =	sadd.s32 s9, s14;
	[dreg:$0x7] =	wrdreg s10;
	s10 =	sadd.s32 $0x8000, s5  }
0x13: {  	s14 =	sshrl.u32 s26, $0x3;
	[dreg:$0x9] =	wrdreg s23;
	s22 =	sadd.s32 s3, s10  }
0x14: {  	s5 =	sadd.s32 $0x12000, s5;
	s14 =	sadd.s32 s9, s14;
	s13 =	sshrl.u32 s22, $0x3  }
0x15: {  	s3 =	sadd.s32 s3, s5;
	[dreg:$0xc] =	wrdreg s14;
	s13 =	sadd.s32 s9, s13  }
0x16: {  	s3 =	sshrl.u32 s3, $0x3;
	[dreg:$0x8] =	wrdreg s13;
	s13 =	sadd.s32 s9, s24  }
0x17: {  	s3 =	sadd.s32 s9, s3;
	[dreg:$0xa] =	wrdreg s13;
	s13 =	sshrl.u32 s25, $0x3  }
0x18: {  	s21 =	sshrl.u32 s20, $0x2;
	[dreg:$0xd] =	wrdreg s3;
	s13 =	sadd.s32 s9, s13  }
0x19: {  	s14 =	sadd.s32 s15, s4;
	s15 =	sadd.s32 $0xAA00, s2;
	[dreg:$0xb] =	wrdreg s13  }
0x1a: {  	s22 =	smax.u32 s6, $0x1;
	s6 =	simm.s32 $0x4100;
	s13 =	rddreg [dreg:$0x2]  }
0x1b: {  	s9 =	simm.s32 $0x100;
	_ =	strace $0x80000047;
	s16 =	sadd.s32 s21, s13  }
0x1c: {  	[dreg:$0xe] =	wrdreg s22;
	s23 =	sadd.s32 s7, s13;
	s24 =	sadd.s32 s8, s13  }
0x1d: {  	s25 =	sadd.s32 s12, s13;
	s26 =	sadd.s32 s10, s13;
	[dreg:$0xf] =	wrdreg s23  }
0x1e: {  	s22 =	sadd.s32 s11, s13;
	s7 =	simm.s32 $0x2;
	[dreg:$0x10] =	wrdreg s24  }
0x1f: {  	s8 =	simm.s32 $0x80;
	s10 =	simm.s32 $0x1;
	[dreg:$0x11] =	wrdreg s25  }
0x20: {  	s11 =	simm.s32 $0x0;
	[dreg:$0x12] =	wrdreg s26;
	s23 =	sadd.s32 s17, s13  }
0x21: {  	s24 =	sadd.s32 s18, s13;
	s25 =	sadd.s32 s19, s13;
	s26 =	sadd.s32 s5, s13  }
0x22: {  	s29 =	sadd.s32 $0x2000, s16;
	s30 =	sadd.s32 $0x4000, s16;
	s31 =	sadd.s32 $0x6000, s16  }
0x23: {  	s12 =	sadd.s32 $0x8000, s16;
	s0 =	sadd.s32 $0xA000, s16;
	s2 =	sadd.s32 $0xC000, s16  }
0x24: {  	v0 =	vimm.f32 $0.0e+00;
	s3 =	sadd.s32 $0xE000, s16;
	s4 =	sadd.s32 $0x10000, s16;
	s5 =	sadd.s32 $0x12000, s16  }
.LBB2_1:
0x25: {  	s17 =	sand.u32 $0x7E00, s1  }
0x26: {  	s18 =	sand.u32 $0x70, s1;
	s19 =	sshrl.u32 s17, $0x2  }
0x27: {  	s17 =	simm.s32 $0x40;
	s19 =	sor.u32 s18, s19;
	s18 =	simm.s32 $0x0  }
.LBB2_2:
0x28: {  	p0 =	sne.s32 s17, $0x7FC0  }
0x29: {  	[tilespmem:s19+$0x4100] =	vst v0;
	s18 =	sadd.s32 $0x10, s18;
	s19 =	smov.u32 s17;
	s17 =	sadd.s32 $0x40, s17  }
.Ltmp0:
0x2a: {  	(pc) =	sbr.rel @p0 .LBB2_2-.Ltmp0, $4  }
0x2b: {  	_ = 	snop  }
0x2c: {  	s19 =	sand.u32 $0x7E00, s19  }
0x2d: {  	s20 =	sand.u32 $0x70, s18;
	s19 =	sshrl.u32 s19, $0x2  }
0x2e: {  	s19 =	sor.u32 s20, s19  }
0x2f: {  	[tilespmem:s19+$0x4100] =	vst v0  }
0x30: {  	[spmem:s16] =	stream.linear.scatter [tilespmem:s6], [sflag:$0x2], $0x2000, $0x38;
	[tilespmem:$0x1A100] =	vst v63  }
0x31: {  	_ =	swait.ge [sflag:s7], $0x2000  }
0x32: {  	[sflag:s7] =	ssyncset.done $0x0  }
0x33: {  	[sflag:s7] =	ssyncadd.s32 $0xFFFFE000  }
0x34: {  	[spmem:s29] =	stream.linear.scatter [tilespmem:s6], [sflag:$0x2], $0x2000, $0x38;
	[tilespmem:$0x1A100] =	vst v63  }
0x35: {  	_ =	swait.ge [sflag:s7], $0x2000  }
0x36: {  	[sflag:s7] =	ssyncset.done $0x0  }
0x37: {  	[sflag:s7] =	ssyncadd.s32 $0xFFFFE000  }
0x38: {  	[spmem:s30] =	stream.linear.scatter [tilespmem:s6], [sflag:$0x2], $0x2000, $0x38;
	[tilespmem:$0x1A100] =	vst v63  }
0x39: {  	_ =	swait.ge [sflag:s7], $0x2000  }
0x3a: {  	[sflag:s7] =	ssyncset.done $0x0  }
0x3b: {  	[sflag:s7] =	ssyncadd.s32 $0xFFFFE000  }
0x3c: {  	[spmem:s31] =	stream.linear.scatter [tilespmem:s6], [sflag:$0x2], $0x2000, $0x38;
	[tilespmem:$0x1A100] =	vst v63  }
0x3d: {  	_ =	swait.ge [sflag:s7], $0x2000  }
0x3e: {  	[sflag:s7] =	ssyncset.done $0x0  }
0x3f: {  	[sflag:s7] =	ssyncadd.s32 $0xFFFFE000  }
0x40: {  	[spmem:s12] =	stream.linear.scatter [tilespmem:s6], [sflag:$0x2], $0x2000, $0x38;
	[tilespmem:$0x1A100] =	vst v63  }
0x41: {  	_ =	swait.ge [sflag:s7], $0x2000  }
0x42: {  	[sflag:s7] =	ssyncset.done $0x0  }
0x43: {  	[sflag:s7] =	ssyncadd.s32 $0xFFFFE000  }
0x44: {  	[spmem:s0] =	stream.linear.scatter [tilespmem:s6], [sflag:$0x2], $0x2000, $0x38;
	[tilespmem:$0x1A100] =	vst v63  }
0x45: {  	_ =	swait.ge [sflag:s7], $0x2000  }
0x46: {  	[sflag:s7] =	ssyncset.done $0x0  }
0x47: {  	[sflag:s7] =	ssyncadd.s32 $0xFFFFE000  }
0x48: {  	[spmem:s2] =	stream.linear.scatter [tilespmem:s6], [sflag:$0x2], $0x2000, $0x38;
	[tilespmem:$0x1A100] =	vst v63  }
0x49: {  	_ =	swait.ge [sflag:s7], $0x2000  }
0x4a: {  	[sflag:s7] =	ssyncset.done $0x0  }
0x4b: {  	[sflag:s7] =	ssyncadd.s32 $0xFFFFE000  }
0x4c: {  	[spmem:s3] =	stream.linear.scatter [tilespmem:s6], [sflag:$0x2], $0x2000, $0x38;
	[tilespmem:$0x1A100] =	vst v63  }
0x4d: {  	_ =	swait.ge [sflag:s7], $0x2000  }
0x4e: {  	[sflag:s7] =	ssyncset.done $0x0  }
0x4f: {  	[sflag:s7] =	ssyncadd.s32 $0xFFFFE000  }
0x50: {  	[spmem:s4] =	stream.linear.scatter [tilespmem:s6], [sflag:$0x2], $0x2000, $0x38;
	[tilespmem:$0x1A100] =	vst v63  }
0x51: {  	_ =	swait.ge [sflag:s7], $0x2000  }
0x52: {  	[sflag:s7] =	ssyncset.done $0x0  }
0x53: {  	[sflag:s7] =	ssyncadd.s32 $0xFFFFE000  }
0x54: {  	[spmem:s5] =	stream.linear.scatter [tilespmem:s6], [sflag:$0x2], $0x2000, $0x38;
	[tilespmem:$0x1A100] =	vst v63  }
0x55: {  	_ =	swait.ge [sflag:s7], $0x2000  }
0x56: {  	[sflag:s7] =	ssyncset.done $0x0  }
0x57: {  	[sflag:s7] =	ssyncadd.s32 $0xFFFFE000  }
0x58: {  	s17 =	sadd.s32 $0x0, s14;
	[bflag:$0x0] =	sbarrier.arrive $0xFFFF  }
0x59: {  	[tilespmem:s1], [sflag:$0x2] =	stream.linear.gather [hbm4b:s17+s1], $0x80, $0x38;
	[tilespmem:$0x1A100] =	vst v63  }
0x5a: {  	_ =	swait.ge [sflag:s7], $0x80  }
0x5b: {  	[sflag:s7] =	ssyncset.done $0x0  }
0x5c: {  	s21 =	sadd.s32 $0x0, s28;
	[sflag:s7] =	ssyncadd.s32 $0xFFFFFF80  }
0x5d: {  	[tilespmem:s8], [sflag:$0x2] =	stream.linear.gather [hbm4b:s21+s1], $0x80, $0x38;
	[tilespmem:$0x1A100] =	vst v63  }
0x5e: {  	_ =	swait.ge [sflag:s7], $0x80  }
0x5f: {  	[sflag:s7] =	ssyncset.done $0x0  }
0x60: {  	[sflag:s7] =	ssyncadd.s32 $0xFFFFFF80  }
0x61: {  	[tilespmem:s9], [sflag:$0x1] =	stream.indirect.gather [hbm4b:s15+s8], $0x80, s1, s8, $0xb8;
	[tilespmem:$0x1A100] =	vst v63  }
0x62: {  	_ =	swait.ge [sflag:s10], $0x4000  }
0x63: {  	[sflag:s10] =	ssyncset.done $0x0  }
0x64: {  	[sflag:s10] =	ssyncadd.s32 $0xFFFFC000  }
0x65: {  	[spmem:s13] =	stream.indirect.scatter.add.f32 [tilespmem:s9], [sflag:$0x2], $0x80, s8, s8, $0xb8;
	[tilespmem:$0x1A100] =	vst v63  }
0x66: {  	_ =	swait.ge [sflag:s7], $0x4000  }
0x67: {  	s18 =	simm.s32 $0x20;
	s17 =	simm.s32 $0x10;
	[sflag:s7] =	ssyncset.done $0x0  }
.LBB2_4:
0x68: {  	s19 =	sadd.s32 s17, s14  }
0x69: {  	[sflag:s7] =	ssyncadd.s32 $0xFFFFC000;
	s20 =	smov.u32 s18;
	s21 =	sadd.s32 $0x10, s18  }
0x6a: {  	[tilespmem:s1], [sflag:$0x2] =	stream.linear.gather [hbm4b:s19+s1], $0x80, $0x38;
	[tilespmem:$0x1A100] =	vst v63  }
0x6b: {  	p0 =	sne.s32 s18, $0x4E0;
	_ =	swait.ge [sflag:s7], $0x80  }
0x6c: {  	[sflag:s7] =	ssyncset.done $0x0  }
0x6d: {  	s18 =	sadd.s32 s17, s28;
	s17 =	smov.u32 s20;
	[sflag:s7] =	ssyncadd.s32 $0xFFFFFF80  }
0x6e: {  	[tilespmem:s8], [sflag:$0x2] =	stream.linear.gather [hbm4b:s18+s1], $0x80, $0x38;
	[tilespmem:$0x1A100] =	vst v63  }
0x6f: {  	_ =	swait.ge [sflag:s7], $0x80  }
0x70: {  	[sflag:s7] =	ssyncset.done $0x0  }
0x71: {  	[sflag:s7] =	ssyncadd.s32 $0xFFFFFF80  }
0x72: {  	[tilespmem:s9], [sflag:$0x1] =	stream.indirect.gather [hbm4b:s15+s8], $0x80, s1, s8, $0xb8;
	[tilespmem:$0x1A100] =	vst v63  }
0x73: {  	_ =	swait.ge [sflag:s10], $0x4000  }
.Ltmp1:
0x74: {  	[sflag:s10] =	ssyncset.done $0x0;
	(pc) =	sbr.rel @p0 .LBB2_4-.Ltmp1, $4  }
0x75: {  	[sflag:s10] =	ssyncadd.s32 $0xFFFFC000  }
0x76: {  	[spmem:s13] =	stream.indirect.scatter.add.f32 [tilespmem:s9], [sflag:$0x2], $0x80, s8, s8, $0xb8;
	[tilespmem:$0x1A100] =	vst v63  }
0x77: {  	_ =	swait.ge [sflag:s7], $0x4000  }
0x78: {  	s18 =	smov.u32 s21;
	[sflag:s7] =	ssyncset.done $0x0  }
0x79: {  	s18 =	sadd.s32 s17, s14;
	[sflag:s7] =	ssyncadd.s32 $0xFFFFC000  }
0x7a: {  	[tilespmem:s1], [sflag:$0x2] =	stream.linear.gather [hbm4b:s18+s1], $0x80, $0x38;
	[tilespmem:$0x1A100] =	vst v63  }
0x7b: {  	_ =	swait.ge [sflag:s7], $0x80  }
0x7c: {  	[sflag:s7] =	ssyncset.done $0x0  }
0x7d: {  	s18 =	sadd.s32 s17, s28;
	[sflag:s7] =	ssyncadd.s32 $0xFFFFFF80  }
0x7e: {  	[tilespmem:s8], [sflag:$0x2] =	stream.linear.gather [hbm4b:s18+s1], $0x80, $0x38;
	[tilespmem:$0x1A100] =	vst v63  }
0x7f: {  	_ =	swait.ge [sflag:s7], $0x80  }
0x80: {  	[sflag:s7] =	ssyncset.done $0x0  }
0x81: {  	[sflag:s7] =	ssyncadd.s32 $0xFFFFFF80  }
0x82: {  	[tilespmem:s9], [sflag:$0x1] =	stream.indirect.gather [hbm4b:s15+s8], $0x80, s1, s8, $0xb8;
	[tilespmem:$0x1A100] =	vst v63  }
0x83: {  	_ =	swait.ge [sflag:s10], $0x4000  }
0x84: {  	[sflag:s10] =	ssyncset.done $0x0  }
0x85: {  	[sflag:s10] =	ssyncadd.s32 $0xFFFFC000  }
0x86: {  	[spmem:s13] =	stream.indirect.scatter.add.f32 [tilespmem:s9], [sflag:$0x2], $0x80, s8, s8, $0xb8;
	[tilespmem:$0x1A100] =	vst v63  }
0x87: {  	_ =	swait.ge [sflag:s7], $0x4000  }
0x88: {  	[sflag:s7] =	ssyncset.done $0x0  }
0x89: {  	[sflag:s7] =	ssyncadd.s32 $0xFFFFC000  }
0x8a: {  	[bflag:$0x0] =	sbarrier.arrive $0xFFFF  }
0x8b: {  	[tilespmem:s6], [sflag:$0x2] =	stream.linear.gather [spmem:s16], $0x2000, $0x38;
	[tilespmem:$0x1A100] =	vst v63  }
0x8c: {  	_ =	swait.ge [sflag:s7], $0x2000  }
0x8d: {  	[sflag:s7] =	ssyncset.done $0x0  }
0x8e: {  	s19 =	rddreg [dreg:$0x4];
	[sflag:s7] =	ssyncadd.s32 $0xFFFFE000  }
0x8f: {  	[hbm4b:s19+s1] =	stream.linear.scatter [tilespmem:s6], [sflag:$0x2], $0x2000, $0x38;
	[tilespmem:$0x1A100] =	vst v63  }
0x90: {  	_ =	swait.ge [sflag:s7], $0x2000  }
0x91: {  	[sflag:s7] =	ssyncset.done $0x0  }
0x92: {  	s20 =	rddreg [dreg:$0xf];
	[sflag:s7] =	ssyncadd.s32 $0xFFFFE000  }
0x93: {  	[tilespmem:s6], [sflag:$0x2] =	stream.linear.gather [spmem:s20], $0x2000, $0x38;
	[tilespmem:$0x1A100] =	vst v63  }
0x94: {  	_ =	swait.ge [sflag:s7], $0x2000  }
0x95: {  	[sflag:s7] =	ssyncset.done $0x0  }
0x96: {  	s21 =	rddreg [dreg:$0x5];
	[sflag:s7] =	ssyncadd.s32 $0xFFFFE000  }
0x97: {  	[hbm4b:s21+s1] =	stream.linear.scatter [tilespmem:s6], [sflag:$0x2], $0x2000, $0x38;
	[tilespmem:$0x1A100] =	vst v63  }
0x98: {  	_ =	swait.ge [sflag:s7], $0x2000  }
0x99: {  	[sflag:s7] =	ssyncset.done $0x0  }
0x9a: {  	s18 =	rddreg [dreg:$0x10];
	[sflag:s7] =	ssyncadd.s32 $0xFFFFE000  }
0x9b: {  	[tilespmem:s6], [sflag:$0x2] =	stream.linear.gather [spmem:s18], $0x2000, $0x38;
	[tilespmem:$0x1A100] =	vst v63  }
0x9c: {  	_ =	swait.ge [sflag:s7], $0x2000  }
0x9d: {  	[sflag:s7] =	ssyncset.done $0x0  }
0x9e: {  	s19 =	rddreg [dreg:$0x6];
	[sflag:s7] =	ssyncadd.s32 $0xFFFFE000  }
0x9f: {  	[hbm4b:s19+s1] =	stream.linear.scatter [tilespmem:s6], [sflag:$0x2], $0x2000, $0x38;
	[tilespmem:$0x1A100] =	vst v63  }
0xa0: {  	_ =	swait.ge [sflag:s7], $0x2000  }
0xa1: {  	[sflag:s7] =	ssyncset.done $0x0  }
0xa2: {  	s20 =	rddreg [dreg:$0x11];
	[sflag:s7] =	ssyncadd.s32 $0xFFFFE000  }
0xa3: {  	[tilespmem:s6], [sflag:$0x2] =	stream.linear.gather [spmem:s20], $0x2000, $0x38;
	[tilespmem:$0x1A100] =	vst v63  }
0xa4: {  	_ =	swait.ge [sflag:s7], $0x2000  }
0xa5: {  	[sflag:s7] =	ssyncset.done $0x0  }
0xa6: {  	s21 =	rddreg [dreg:$0x7];
	[sflag:s7] =	ssyncadd.s32 $0xFFFFE000  }
0xa7: {  	[hbm4b:s21+s1] =	stream.linear.scatter [tilespmem:s6], [sflag:$0x2], $0x2000, $0x38;
	[tilespmem:$0x1A100] =	vst v63  }
0xa8: {  	_ =	swait.ge [sflag:s7], $0x2000  }
0xa9: {  	[sflag:s7] =	ssyncset.done $0x0  }
0xaa: {  	s18 =	rddreg [dreg:$0x12];
	[sflag:s7] =	ssyncadd.s32 $0xFFFFE000  }
0xab: {  	[tilespmem:s6], [sflag:$0x2] =	stream.linear.gather [spmem:s18], $0x2000, $0x38;
	[tilespmem:$0x1A100] =	vst v63  }
0xac: {  	_ =	swait.ge [sflag:s7], $0x2000  }
0xad: {  	[sflag:s7] =	ssyncset.done $0x0  }
0xae: {  	s19 =	rddreg [dreg:$0x8];
	[sflag:s7] =	ssyncadd.s32 $0xFFFFE000  }
0xaf: {  	[hbm4b:s19+s1] =	stream.linear.scatter [tilespmem:s6], [sflag:$0x2], $0x2000, $0x38;
	[tilespmem:$0x1A100] =	vst v63  }
0xb0: {  	_ =	swait.ge [sflag:s7], $0x2000  }
0xb1: {  	[sflag:s7] =	ssyncset.done $0x0  }
0xb2: {  	[sflag:s7] =	ssyncadd.s32 $0xFFFFE000  }
0xb3: {  	[tilespmem:s6], [sflag:$0x2] =	stream.linear.gather [spmem:s22], $0x2000, $0x38;
	[tilespmem:$0x1A100] =	vst v63  }
0xb4: {  	_ =	swait.ge [sflag:s7], $0x2000  }
0xb5: {  	[sflag:s7] =	ssyncset.done $0x0  }
0xb6: {  	s20 =	rddreg [dreg:$0x9];
	[sflag:s7] =	ssyncadd.s32 $0xFFFFE000  }
0xb7: {  	[hbm4b:s20+s1] =	stream.linear.scatter [tilespmem:s6], [sflag:$0x2], $0x2000, $0x38;
	[tilespmem:$0x1A100] =	vst v63  }
0xb8: {  	_ =	swait.ge [sflag:s7], $0x2000  }
0xb9: {  	[sflag:s7] =	ssyncset.done $0x0  }
0xba: {  	[sflag:s7] =	ssyncadd.s32 $0xFFFFE000  }
0xbb: {  	[tilespmem:s6], [sflag:$0x2] =	stream.linear.gather [spmem:s23], $0x2000, $0x38;
	[tilespmem:$0x1A100] =	vst v63  }
0xbc: {  	_ =	swait.ge [sflag:s7], $0x2000  }
0xbd: {  	[sflag:s7] =	ssyncset.done $0x0  }
0xbe: {  	s21 =	rddreg [dreg:$0xa];
	[sflag:s7] =	ssyncadd.s32 $0xFFFFE000  }
0xbf: {  	[hbm4b:s21+s1] =	stream.linear.scatter [tilespmem:s6], [sflag:$0x2], $0x2000, $0x38;
	[tilespmem:$0x1A100] =	vst v63  }
0xc0: {  	_ =	swait.ge [sflag:s7], $0x2000  }
0xc1: {  	[sflag:s7] =	ssyncset.done $0x0  }
0xc2: {  	[sflag:s7] =	ssyncadd.s32 $0xFFFFE000  }
0xc3: {  	[tilespmem:s6], [sflag:$0x2] =	stream.linear.gather [spmem:s24], $0x2000, $0x38;
	[tilespmem:$0x1A100] =	vst v63  }
0xc4: {  	_ =	swait.ge [sflag:s7], $0x2000  }
0xc5: {  	[sflag:s7] =	ssyncset.done $0x0  }
0xc6: {  	s18 =	rddreg [dreg:$0xb];
	[sflag:s7] =	ssyncadd.s32 $0xFFFFE000  }
0xc7: {  	[hbm4b:s18+s1] =	stream.linear.scatter [tilespmem:s6], [sflag:$0x2], $0x2000, $0x38;
	[tilespmem:$0x1A100] =	vst v63  }
0xc8: {  	_ =	swait.ge [sflag:s7], $0x2000  }
0xc9: {  	[sflag:s7] =	ssyncset.done $0x0  }
0xca: {  	[sflag:s7] =	ssyncadd.s32 $0xFFFFE000  }
0xcb: {  	[tilespmem:s6], [sflag:$0x2] =	stream.linear.gather [spmem:s25], $0x2000, $0x38;
	[tilespmem:$0x1A100] =	vst v63  }
0xcc: {  	_ =	swait.ge [sflag:s7], $0x2000  }
0xcd: {  	[sflag:s7] =	ssyncset.done $0x0  }
0xce: {  	s19 =	rddreg [dreg:$0xc];
	[sflag:s7] =	ssyncadd.s32 $0xFFFFE000  }
0xcf: {  	[hbm4b:s19+s1] =	stream.linear.scatter [tilespmem:s6], [sflag:$0x2], $0x2000, $0x38;
	[tilespmem:$0x1A100] =	vst v63  }
0xd0: {  	_ =	swait.ge [sflag:s7], $0x2000  }
0xd1: {  	[sflag:s7] =	ssyncset.done $0x0  }
0xd2: {  	[sflag:s7] =	ssyncadd.s32 $0xFFFFE000  }
0xd3: {  	[tilespmem:s6], [sflag:$0x2] =	stream.linear.gather [spmem:s26], $0x2000, $0x38;
	[tilespmem:$0x1A100] =	vst v63  }
0xd4: {  	_ =	swait.ge [sflag:s7], $0x2000  }
0xd5: {  	[sflag:s7] =	ssyncset.done $0x0  }
0xd6: {  	s20 =	rddreg [dreg:$0xd];
	[sflag:s7] =	ssyncadd.s32 $0xFFFFE000  }
0xd7: {  	[hbm4b:s20+s1] =	stream.linear.scatter [tilespmem:s6], [sflag:$0x2], $0x2000, $0x38;
	[tilespmem:$0x1A100] =	vst v63  }
0xd8: {  	_ =	swait.ge [sflag:s7], $0x2000  }
0xd9: {  	s11 =	sadd.s32 $0x1, s11;
	s21 =	rddreg [dreg:$0xe]  }
0xda: {  	p0 =	sne.s32 s11, s21  }
.Ltmp2:
0xdb: {  	_ = 	snop;
	(pc) =	sbr.rel @p0 .LBB2_1-.Ltmp2, $3  }
0xdc: {  	_ =	sdelay $0x1  }
0xdd: {  	[sflag:s7] =	ssyncset.done $0x0  }
0xde: {  	[sflag:s7] =	ssyncadd.s32 $0xFFFFE000  }
0xdf: {  	_ =	sfence.sel $0x180000  }
0xe0: {  	[bflag:$0x0] =	sbarrier.arrive $0xFFFF  }
0xe1: {  	_ =	strace $0x90000047  }
0xe2: {  	s0 =	stileid.u32;
	[bflag:$0x2] =	sbarrier.arrive $0xFFFF  }
0xe3: {  	p0 =	sne.s32 s0, $0x0;
	s0 =	rddreg [dreg:$0x3]  }
0xe4: {  	s0 =	sadd.s32 @!p0 $0x100000, s0  }
0xe5: {  	[sflag:s0] =	ssyncadd.tile.s32 @!p0 $0x1;
	_ =	shalt  }
.Lfunc_end2:
_tile_overlayer_lowered:
.L_overlay_start_2:
0xe6: {  	(tag) =	ssettag $0x2  }
0xe7: {  	s0 =	rddreg [dreg:$0x0];
	s2 =	stileid.u32  }
0xe8: {  	s1 =	rddreg [dreg:$0x1];
	p0 =	sne.s32 s2, $0x0  }
0xe9: {  	s3 =	rddreg [dreg:$0x2];
	[bflag:$0x3] =	sbarrier.arrive $0xFFFF;
	s2 =	simm.s32 @!p0 $0x1C02  }
0xea: {  	[timem:s3], [sflag:s2] =	dma.local @!p0 [hbm:s0], s1  }
0xeb: {  	s0 =	simm.s32 @!p0 $0x2  }
0xec: {  	_ =	swait.ge @!p0 [sflag:s0], s1  }
0xed: {  	s1 =	ssub.s32 @!p0 $0x0, s1;
	[sflag:s0] =	ssyncset.done @!p0 $0x0  }
0xee: {  	[sflag:s0] =	ssyncadd.s32 @!p0 s1  }
0xef: {  	[bflag:$0x3] =	sbarrier.arrive $0xFFFF  }
0xf0: {  	_ =	shalt  }

// kernel: kernel.9.cloned.1.call-start
scs
__scs_entry_jumppad:
0x0: {  	(pc) =	sbr.rel $0x88, $3  }
0x1: {  	(tag) =	ssettag $0x0;
	lr =	simm.s32 $0x1  }
0x2: {  	[smem:$0x3F9E] =	sst lr;
	_ =	strace $0xD0000000  }
0x3: {  	_ = 	snop  }
0x4: {  	_ = 	snop  }
0x5: {  	_ = 	snop  }
0x6: {  	_ = 	snop  }
0x7: {  	_ = 	snop  }
__scs_overlays_trampoline_lowered:
0x8: {  	[smem:$0x3FAD] =	sst s0  }
0x9: {  	[smem:$0x3FAE] =	sst s1  }
0xa: {  	[smem:$0x3FAF] =	sst s2  }
0xb: {  	[smem:$0x3FB0] =	sst s3  }
0xc: {  	[smem:$0x3FB1] =	sst s4  }
0xd: {  	[smem:$0x3FB2] =	sst s5  }
0xe: {  	[smem:$0x3FB3] =	sst s6  }
0xf: {  	[smem:$0x3FB4] =	sst s7  }
0x10: {  	[smem:$0x3FB5] =	sst s8  }
0x11: {  	[smem:$0x3FB6] =	sst s9;
	s0 =	simm.s32 @!p0 $0x0  }
0x12: {  	s1 =	sld [smem:$0x3F9C];
	s0 =	simm.s32 @p0 $0x1  }
0x13: {  	[smem:$0x3FB7] =	sst s0;
	s0 =	simm.s32 @!p1 $0x0  }
0x14: {  	s2 =	sld [smem:$0x3F9B];
	s0 =	simm.s32 @p1 $0x1  }
0x15: {  	[smem:$0x3FB8] =	sst s0;
	s0 =	simm.s32 @!p2 $0x0  }
0x16: {  	s3 =	sld [smem:$0x3FDB];
	s0 =	simm.s32 @p2 $0x1  }
0x17: {  	s4 =	simm.s32 $0x1BF5;
	[smem:$0x3FBA] =	sst s0  }
0x18: {  	s0 =	sld [smem:$0x3F9D];
	_ =	swait.ge [sflag:s4], $0x0  }
0x19: {  	s7 =	sld [smem:$0x3F9E]  }
0x1a: {  	s8 =	sadd.s32 $0xFFFFE003, lr  }
0x1b: {  	s9 =	sadd.s32 $0xFFFFFEF7, lr;
	s5 =	simm.s32 $0xFFFFFFFF;
	p2 =	slt.u32 s8, $0xFFFFF086  }
0x1c: {  	p1 =	slt.u32 s9, $0xF7A;
	s5 =	simm.s32 @!p2 $0x0  }
0x1d: {  	s5 =	simm.s32 @p1 $0x1;
	p0 =	seq.s32 s7, s2  }
0x1e: {  	s7 =	smul.u32 @!p0 $0xF7A, s2;
	p2 =	seq.s32 @!p0 s5, $0x0  }
0x1f: {  	s9 =	smul.u32 $0xF7A, s1;
	s8 =	simm.s32 @!p0 $0x1BF5;
	p2 =	por !p2, p0  }
0x20: {  	[sflag:s8] =	ssyncset.s32 @!p0 $0xFFFFF086;
	s6 =	sadd.s32 @!p0 s3, s7;
	s7 =	simm.s32 @!p0 $0x108  }
0x21: {  	s3 =	sadd.s32 s3, s9;
	s6 =	sadd.s32 @!p0 $0x88, s6;
	s7 =	simm.s32 @p2 $0x1082  }
0x22: {  	[simem:s7], [sflag:s8] =	dma.local @!p0 [hbm:s6], $0xF7A  }
0x23: {  	s9 =	sor.u32 $0xD0000000, s2;
	s6 =	simm.s32 $0x108;
	_ =	swait.ge @!p0 [sflag:s8], $0x0  }
0x24: {  	s3 =	sadd.s32 $0x88, s3;
	s6 =	simm.s32 @!p1 $0x1082;
	[sflag:s4] =	ssyncset.s32 $0xFFFFF086  }
0x25: {  	[simem:s6], [sflag:s4] =	dma.local [hbm:s3], $0xF7A  }
0x26: {  	[smem:$0x3F9E] =	sst s1;
	(tag) =	ssettag s2;
	_ =	strace s9  }
0x27: {  	s1 =	sld [smem:$0x3FAE]  }
0x28: {  	s2 =	sld [smem:$0x3FAF]  }
0x29: {  	s4 =	sld [smem:$0x3FB1]  }
0x2a: {  	p0 =	seq.s32 s5, $0x0;
	s5 =	sld [smem:$0x3FB2]  }
0x2b: {  	s6 =	sld [smem:$0x3FB3]  }
0x2c: {  	s7 =	sld [smem:$0x3FB4]  }
0x2d: {  	s3 =	simm.s32 $0x108;
	s8 =	sld [smem:$0x3FB5]  }
0x2e: {  	s3 =	simm.s32 @!p0 $0x1082;
	s9 =	sld [smem:$0x3FB6]  }
0x2f: {  	lr =	sadd.s32 s0, s3;
	s0 =	sld [smem:$0x3FAD]  }
0x30: {  	s3 =	sld [smem:$0x3FB0]  }
0x31: {  	[smem:$0x3FB9] =	sst s10  }
0x32: {  	s10 =	sld [smem:$0x3FB7];
	_ =	sdelay $0x3  }
0x33: {  	p0 =	seq.s32 s10, $0x1;
	s10 =	sld [smem:$0x3FB9];
	_ =	sdelay $0x3  }
0x34: {  	[smem:$0x3FB9] =	sst s10  }
0x35: {  	s10 =	sld [smem:$0x3FB8];
	_ =	sdelay $0x3  }
0x36: {  	p1 =	seq.s32 s10, $0x1;
	s10 =	sld [smem:$0x3FB9];
	_ =	sdelay $0x3  }
0x37: {  	[smem:$0x3FB9] =	sst s10  }
0x38: {  	s10 =	sld [smem:$0x3FBA]  }
0x39: {  	_ = 	snop;
	(pc) =	sbr.ind lr, $3  }
0x3a: {  	_ = 	snop  }
0x3b: {  	_ = 	snop  }
0x3c: {  	p2 =	seq.s32 s10, $0x1;
	s10 =	sld [smem:$0x3FB9]  }
0x3d: {  	_ =	shalt  }
0x3e: {  	_ =	shalt  }
0x3f: {  	_ =	shalt  }
0x40: {  	_ =	shalt  }
0x41: {  	_ =	shalt  }
0x42: {  	_ =	shalt  }
0x43: {  	_ =	shalt  }
0x44: {  	_ =	shalt  }
0x45: {  	_ =	shalt  }
0x46: {  	_ =	shalt  }
0x47: {  	_ =	shalt  }
0x48: {  	_ =	shalt  }
0x49: {  	_ =	shalt  }
0x4a: {  	_ =	shalt  }
0x4b: {  	_ =	shalt  }
0x4c: {  	_ =	shalt  }
0x4d: {  	_ =	shalt  }
0x4e: {  	_ =	shalt  }
0x4f: {  	_ =	shalt  }
0x50: {  	_ =	shalt  }
0x51: {  	_ =	shalt  }
0x52: {  	_ =	shalt  }
0x53: {  	_ =	shalt  }
0x54: {  	_ =	shalt  }
0x55: {  	_ =	shalt  }
0x56: {  	_ =	shalt  }
0x57: {  	_ =	shalt  }
0x58: {  	_ =	shalt  }
0x59: {  	_ =	shalt  }
0x5a: {  	_ =	shalt  }
0x5b: {  	_ =	shalt  }
0x5c: {  	_ =	shalt  }
0x5d: {  	_ =	shalt  }
0x5e: {  	_ =	shalt  }
0x5f: {  	_ =	shalt  }
0x60: {  	_ =	shalt  }
0x61: {  	_ =	shalt  }
0x62: {  	_ =	shalt  }
0x63: {  	_ =	shalt  }
0x64: {  	_ =	shalt  }
0x65: {  	_ =	shalt  }
0x66: {  	_ =	shalt  }
0x67: {  	_ =	shalt  }
0x68: {  	_ =	shalt  }
0x69: {  	_ =	shalt  }
0x6a: {  	_ =	shalt  }
0x6b: {  	_ =	shalt  }
0x6c: {  	_ =	shalt  }
0x6d: {  	_ =	shalt  }
0x6e: {  	_ =	shalt  }
0x6f: {  	_ =	shalt  }
0x70: {  	_ =	shalt  }
0x71: {  	_ =	shalt  }
0x72: {  	_ =	shalt  }
0x73: {  	_ =	shalt  }
0x74: {  	_ =	shalt  }
0x75: {  	_ =	shalt  }
0x76: {  	_ =	shalt  }
0x77: {  	_ =	shalt  }
0x78: {  	_ =	shalt  }
0x79: {  	_ =	shalt  }
0x7a: {  	_ =	shalt  }
0x7b: {  	_ =	shalt  }
0x7c: {  	_ =	shalt  }
0x7d: {  	_ =	shalt  }
0x7e: {  	_ =	shalt  }
0x7f: {  	_ =	shalt  }
0x80: {  	_ =	shalt  }
0x81: {  	_ =	shalt  }
0x82: {  	_ =	shalt  }
0x83: {  	_ =	shalt  }
0x84: {  	_ =	shalt  }
0x85: {  	_ =	shalt  }
0x86: {  	_ =	shalt  }
0x87: {  	_ =	shalt  }
.Lfunc_end0:
.L_simem_size_0:
called_computation.1_lowered:
.L_overlay_start_0:
0x88: {  	s2 =	sld [smem:$0x3FD9]  }
0x89: {  	s3 =	sld [smem:$0x3FFE];
	_ =	sdelay $0x1  }
0x8a: {  	s1 =	srdreg.scid  }
0x8b: {  	s0 =	sand.u32 $0x1, s1  }
0x8c: {  	s16 =	sshll.u32 s0, $0xA;
	s2 =	sadd.s32 s3, s2  }
0x8d: {  	s2 =	sadd.s32 s2, s16  }
0x8e: {  	[smem:$0x3FC5] =	sst s2  }
0x8f: {  	_ = 	snop  }
0x90: {  	(tm) =	ssettm $0x1  }
0x91: {  	s17 =	sld [smem:$0x3FFB];
	_ =	sdelay $0x3  }
0x92: {  	_ =	strace s17  }
0x93: {  	s2 =	sld [smem:$0x3FFC];
	_ =	sdelay $0x3  }
0x94: {  	_ =	strace s2  }
0x95: {  	s2 =	sld [smem:$0x3FFD];
	_ =	sdelay $0x3  }
0x96: {  	_ =	strace s2  }
0x97: {  	_ =	strace $0x8FFFFFFF  }
0x98: {  	s18 =	sld [smem:$0x3FDB];
	_ =	sdelay $0x1  }
0x99: {  	s19 =	simm.s32 $_scs_section_size  }
0x9a: {  	s4 =	simm.s32 $_size__tile_overlayer_lowered;
	s5 =	simm.s32 $_tile_overlayer_lowered  }
0x9b: {  	s22 =	simm.s32 $0x1BFF;
	s21 =	sshll.u32 s5, $0x1;
	s2 =	sadd.s32 s19, s18  }
0x9c: {  	s6 =	simm.s32 $0x0;
	s20 =	sshll.u32 s4, $0x1;
	s4 =	sadd.s32 s21, s2  }
0x9d: {  	[timem:s6], [sflag:s22] =	dma.local [hbm:s4], s20  }
0x9e: {  	_ =	swait.ge [sflag:s22], s20  }
0x9f: {  	s3 =	ssub.s32 $0x0, s20;
	[sflag:s22] =	ssyncset.done $0x0  }
0xa0: {  	[sflag:s22] =	ssyncadd.s32 s3;
	_ =	sdelay $0x1  }
0xa1: {  	s23 =	simm.s32 $0x1B8B  }
0xa2: {  	_ =	swait.ge [sflag:s23], $0x1  }
0xa3: {  	[sflag:s23] =	ssyncset.done $0x0  }
0xa4: {  	s25 =	simm.s32 $0x1B8E;
	s24 =	sld [smem:$0x3FFE];
	[sflag:s23] =	ssyncadd.s32 $0xFFFFFFFF  }
0xa5: {  	s26 =	simm.s32 $execute0_lowered;
	[smem:$0x3FD2] =	sst s25  }
0xa6: {  	s4 =	sshll.u32 s26, $0x1;
	_ =	strace $0x80000049;
	[dreg:$0x1] =	wrdreg $0xFFFFFFFF  }
0xa7: {  	s28 =	simm.s32 $_size_execute0_lowered;
	s2 =	sadd.s32 s2, s4;
	[dreg:$0x0] =	wrdreg $0x0  }
0xa8: {  	s4 =	sshll.u32 s28, $0x1;
	[dreg:$0x2] =	wrdreg s2  }
0xa9: {  	[dreg:$0x3] =	wrdreg s4  }
0xaa: {  	[dreg:$0x4] =	wrdreg $0xC0  }
0xab: {  	_ =	task [dreg:s6], $0x5FFFF  }
0xac: {  	[dreg:$0x1] =	wrdreg $0xFFFFFFFF  }
0xad: {  	[dreg:$0x0] =	wrdreg $0x60  }
0xae: {  	[dreg:$0x2] =	wrdreg s24  }
0xaf: {  	[dreg:$0x3] =	wrdreg $0x9  }
0xb0: {  	_ =	task.clear_ibuf [dreg:s6], $0x4FFFF;
	_ =	strace $0x90000049  }
0xb1: {  	s29 =	simm.s32 $0x9;
	_ =	strace $0x8000004B  }
0xb2: {  	_ =	swait.ge [sflag:s29], $0x1  }
0xb3: {  	[sflag:s29] =	ssyncadd.s32 $0xFFFFFFFF  }
0xb4: {  	_ =	strace $0x9000004B  }
0xb5: {  	_ =	sfence  }
0xb6: {  	s30 =	sld [smem:$0x0];
	_ =	sdelay $0x2  }
0xb7: {  	s31 =	sshll.u32 s1, $0xD;
	s1 =	sshrl.u32 s1, $0x2  }
0xb8: {  	s3 =	sand.u32 $0x4000, s31;
	s1 =	sadd.s32 s1, s30  }
0xb9: {  	s0 =	sor.u32 s3, s0;
	s1 =	sshll.u32 s1, $0x11  }
0xba: {  	s0 =	sor.u32 s1, s0  }
0xbb: {  	s0 =	sadd.s32 $0x8F2B, s0  }
0xbc: {  	[sflag:s0] =	ssyncadd.remote.s32 $0x1  }
0xbd: {  	_ =	sfence.sel $0xFFFF  }
0xbe: {  	[dreg:$0x0] =	wrdreg $0xFFFFFFFF;
	(pc) =	sbr.abs _section_cstart, $3  }
0xbf: {  	[dreg:$0x1] =	wrdreg $0xFFFFFFFF  }
0xc0: {  	_ =	task.clear_ibuf [dreg:s6], $0x2FFFF;
	_ =	strace $0x9FFFFFFF  }
0xc1: {  	(tm) =	ssettm $0x7FFFFFFF  }
tec
execute0_lowered:
.L_overlay_start_1:
0x0: {  	(tag) =	ssettag $0x1  }
0x1: {  	s8 =	rddreg [dreg:$0x0]  }
0x2: {  	s0 =	rddreg [dreg:$0x1];
	s1 =	simm.s32 $0x0;
	s3 =	srdreg.scid  }
0x3: {  	s11 =	simm.s32 $0x2000;
	s12 =	simm.s32 $0x4000;
	s13 =	simm.s32 $0x6000  }
0x4: {  	s14 =	simm.s32 $0x0;
	[smem:$0x7FF] =	sst s1;
	s2 =	sadd.s32 $0xAA00, s8  }
0x5: {  	s4 =	sadd.s32 $0x32A00, s8;
	s5 =	sadd.s32 $0x82A00, s8;
	s6 =	sand.u32 $0x1, s3  }
0x6: {  	s3 =	stileid.u32;
	_ =	strace $0x8000004A;
	s7 =	ssub.s32 $0x2, s6  }
0x7: {  	s9 =	sshll.u32 s6, $0x4;
	s6 =	sadd.s32 $0x83000, s8;
	s10 =	sshrl.u32 s7, $0x1  }
0x8: {  	s8 =	sadd.s32 $0x5AA00, s8;
	s9 =	sor.u32 s3, s9;
	s10 =	ssub.s32 s7, s10  }
0x9: {  	s7 =	smul.u32 $0x5, s9;
	s9 =	smax.u32 s10, $0x1;
	s10 =	simm.s32 $0x1  }
.LBB2_1:
0xa: {  	s15 =	simm.s32 $0x0  }
.LBB2_2:
0xb: {  	s18 =	sadd.s32 s7, s15  }
0xc: {  	s16 =	sshll.u32 s18, $0xA  }
0xd: {  	s17 =	simm.s32 $0x0;
	s19 =	sadd.s32 s2, s16  }
0xe: {  	[tilespmem:s17], [sflag:$0x1] =	stream.linear.gather [hbm4b:s19+s17], $0x2000, $0x38;
	[tilespmem:$0x6080] =	vst v63  }
0xf: {  	_ =	swait.ge [sflag:s10], $0x2000  }
0x10: {  	[sflag:s10] =	ssyncset.done $0x0  }
0x11: {  	s30 =	sadd.s32 s4, s16;
	[sflag:s10] =	ssyncadd.s32 $0xFFFFE000  }
0x12: {  	[tilespmem:s11], [sflag:$0x1] =	stream.linear.gather [hbm4b:s30+s17], $0x2000, $0x38;
	[tilespmem:$0x6080] =	vst v63  }
0x13: {  	_ =	swait.ge [sflag:s10], $0x2000  }
0x14: {  	[sflag:s10] =	ssyncset.done $0x0  }
0x15: {  	s31 =	sadd.s32 s16, s8;
	[sflag:s10] =	ssyncadd.s32 $0xFFFFE000  }
0x16: {  	[tilespmem:s12], [sflag:$0x1] =	stream.linear.gather [hbm4b:s31+s17], $0x2000, $0x38;
	[tilespmem:$0x6080] =	vst v63  }
0x17: {  	_ =	swait.ge [sflag:s10], $0x2000  }
0x18: {  	s18 =	sshll.u32 s18, $0x3;
	[sflag:s10] =	ssyncset.done $0x0  }
0x19: {  	s18 =	sadd.s32 s5, s18;
	[sflag:s10] =	ssyncadd.s32 $0xFFFFE000  }
0x1a: {  	[tilespmem:s13], [sflag:$0x1] =	stream.linear.gather [hbm4b:s18+s17], $0x40, $0x38;
	[tilespmem:$0x6080] =	vst v63  }
0x1b: {  	_ =	swait.ge [sflag:s10], $0x40  }
0x1c: {  	[sflag:s10] =	ssyncset.done $0x0  }
0x1d: {  	[sflag:s10] =	ssyncadd.s32 $0xFFFFFFC0  }
.LBB2_3:
0x1e: {  	s31 =	sshll.u32 s17, $0xB  }
0x1f: {  	v60 =	vld [tilespmem:s31+$0x170];
	_ =	sdelay $0x4  }
0x20: {  	[tilespmem:$0x1F1F0] =	vst v60;
	v60 =	vld [tilespmem:s31+$0x41A0];
	_ =	sdelay $0x4  }
0x21: {  	[tilespmem:$0x1F230] =	vst v60;
	v60 =	vld [tilespmem:s31+$0x41B0];
	_ =	sdelay $0x4  }
0x22: {  	[tilespmem:$0x1F250] =	vst v60;
	v60 =	vld [tilespmem:s31+$0x41C0];
	_ =	sdelay $0x4  }
0x23: {  	[tilespmem:$0x1F270] =	vst v60;
	v60 =	vld [tilespmem:s31+$0x1D0];
	_ =	sdelay $0x4  }
0x24: {  	[tilespmem:$0x1F2E0] =	vst v60;
	v60 =	vld [tilespmem:s31+$0x1E0];
	_ =	sdelay $0x4  }
0x25: {  	[tilespmem:$0x1F2F0] =	vst v60;
	v60 =	vld [tilespmem:s31+$0x21F0];
	_ =	sdelay $0x4  }
0x26: {  	[tilespmem:$0x1F2A0] =	vst v60;
	v60 =	vld [tilespmem:s31+$0x1F0];
	_ =	sdelay $0x4  }
0x27: {  	[tilespmem:$0x1F320] =	vst v60;
	v60 =	vld [tilespmem:s31+$0x2200];
	_ =	sdelay $0x4  }
0x28: {  	[tilespmem:$0x1F300] =	vst v60;
	v60 =	vld [tilespmem:s31+$0x4200];
	_ =	sdelay $0x4  }
0x29: {  	[tilespmem:$0x1F310] =	vst v60;
	v60 =	vld [tilespmem:s31+$0x200];
	_ =	sdelay $0x4  }
0x2a: {  	[tilespmem:$0x1F3D0] =	vst v60;
	v60 =	vld [tilespmem:s31+$0x2210];
	_ =	sdelay $0x4  }
0x2b: {  	[tilespmem:$0x1F330] =	vst v60;
	v60 =	vld [tilespmem:s31+$0x4210];
	_ =	sdelay $0x4  }
0x2c: {  	[tilespmem:$0x1F340] =	vst v60;
	v60 =	vld [tilespmem:s31+$0x210];
	_ =	sdelay $0x4  }
0x2d: {  	[tilespmem:$0x1F3E0] =	vst v60;
	v60 =	vld [tilespmem:s31+$0x2220];
	_ =	sdelay $0x4  }
0x2e: {  	[tilespmem:$0x1F350] =	vst v60;
	v60 =	vld [tilespmem:s31+$0x4220];
	_ =	sdelay $0x4  }
0x2f: {  	[tilespmem:$0x1F360] =	vst v60;
	v60 =	vld [tilespmem:s31+$0x220];
	_ =	sdelay $0x4  }
0x30: {  	[tilespmem:$0x1F3F0] =	vst v60;
	v60 =	vld [tilespmem:s31+$0x2230];
	_ =	sdelay $0x4  }
0x31: {  	[tilespmem:$0x1F370] =	vst v60;
	v60 =	vld [tilespmem:s31+$0x4230];
	_ =	sdelay $0x4  }
0x32: {  	[tilespmem:$0x1F380] =	vst v60;
	v60 =	vld [tilespmem:s31+$0x230];
	_ =	sdelay $0x4  }
0x33: {  	[tilespmem:$0x1F400] =	vst v60;
	v60 =	vld [tilespmem:s31+$0x2240];
	_ =	sdelay $0x4  }
0x34: {  	[tilespmem:$0x1F390] =	vst v60;
	v60 =	vld [tilespmem:s31+$0x4240];
	_ =	sdelay $0x4  }
0x35: {  	[tilespmem:$0x1F3A0] =	vst v60;
	v60 =	vld [tilespmem:s31+$0x240];
	_ =	sdelay $0x4  }
0x36: {  	[tilespmem:$0x1F410] =	vst v60;
	v60 =	vld [tilespmem:s31+$0x2250];
	_ =	sdelay $0x4  }
0x37: {  	[tilespmem:$0x1F3B0] =	vst v60;
	v60 =	vld [tilespmem:s31+$0x4250];
	_ =	sdelay $0x4  }
0x38: {  	[tilespmem:$0x1F3C0] =	vst v60;
	v60 =	vld [tilespmem:s31+$0x250];
	_ =	sdelay $0x4  }
0x39: {  	[tilespmem:$0x1F420] =	vst v60;
	v60 =	vld [tilespmem:s31+$0x2260];
	_ =	sdelay $0x4  }
0x3a: {  	[tilespmem:$0x1F430] =	vst v60;
	v60 =	vld [tilespmem:s31+$0x4260];
	_ =	sdelay $0x4  }
0x3b: {  	[tilespmem:$0x1F440] =	vst v60;
	v60 =	vld [tilespmem:s31+$0x260];
	_ =	sdelay $0x4  }
0x3c: {  	[tilespmem:$0x1F4F0] =	vst v60;
	v60 =	vld [tilespmem:s31+$0x2270];
	_ =	sdelay $0x4  }
0x3d: {  	[tilespmem:$0x1F450] =	vst v60;
	v60 =	vld [tilespmem:s31+$0x4270];
	_ =	sdelay $0x4  }
0x3e: {  	[tilespmem:$0x1F460] =	vst v60;
	v60 =	vld [tilespmem:s31+$0x270];
	_ =	sdelay $0x4  }
0x3f: {  	[tilespmem:$0x1F500] =	vst v60;
	v60 =	vld [tilespmem:s31+$0x2280];
	_ =	sdelay $0x4  }
0x40: {  	[tilespmem:$0x1F470] =	vst v60;
	v60 =	vld [tilespmem:s31+$0x4280];
	_ =	sdelay $0x4  }
0x41: {  	[tilespmem:$0x1F480] =	vst v60;
	v60 =	vld [tilespmem:s31+$0x280];
	_ =	sdelay $0x4  }
0x42: {  	[tilespmem:$0x1F510] =	vst v60;
	v60 =	vld [tilespmem:s31+$0x2290];
	_ =	sdelay $0x4  }
0x43: {  	[tilespmem:$0x1F490] =	vst v60;
	v60 =	vld [tilespmem:s31+$0x4290];
	_ =	sdelay $0x4  }
0x44: {  	[tilespmem:$0x1F4A0] =	vst v60;
	v60 =	vld [tilespmem:s31+$0x290];
	_ =	sdelay $0x4  }
0x45: {  	[tilespmem:$0x1F520] =	vst v60;
	v60 =	vld [tilespmem:s31+$0x22A0];
	_ =	sdelay $0x4  }
0x46: {  	[tilespmem:$0x1F4B0] =	vst v60;
	v60 =	vld [tilespmem:s31+$0x42A0];
	_ =	sdelay $0x4  }
0x47: {  	[tilespmem:$0x1F4C0] =	vst v60;
	v60 =	vld [tilespmem:s31+$0x2A0];
	_ =	sdelay $0x4  }
0x48: {  	[tilespmem:$0x1F530] =	vst v60;
	v60 =	vld [tilespmem:s31+$0x22B0];
	_ =	sdelay $0x4  }
0x49: {  	[tilespmem:$0x1F4D0] =	vst v60;
	v60 =	vld [tilespmem:s31+$0x42B0];
	_ =	sdelay $0x4  }
0x4a: {  	[tilespmem:$0x1F4E0] =	vst v60;
	v60 =	vld [tilespmem:s31+$0x2B0];
	_ =	sdelay $0x4  }
0x4b: {  	[tilespmem:$0x1F560] =	vst v60;
	v60 =	vld [tilespmem:s31+$0x22C0];
	_ =	sdelay $0x4  }
0x4c: {  	[tilespmem:$0x1F540] =	vst v60;
	v60 =	vld [tilespmem:s31+$0x42C0];
	_ =	sdelay $0x4  }
0x4d: {  	[tilespmem:$0x1F550] =	vst v60;
	v60 =	vld [tilespmem:s31+$0x2C0];
	_ =	sdelay $0x4  }
0x4e: {  	[tilespmem:$0x1F610] =	vst v60;
	v60 =	vld [tilespmem:s31+$0x22D0];
	_ =	sdelay $0x4  }
0x4f: {  	[tilespmem:$0x1F570] =	vst v60;
	v60 =	vld [tilespmem:s31+$0x42D0];
	_ =	sdelay $0x4  }
0x50: {  	[tilespmem:$0x1F580] =	vst v60;
	v60 =	vld [tilespmem:s31+$0x2D0];
	_ =	sdelay $0x4  }
0x51: {  	[tilespmem:$0x1F620] =	vst v60;
	v60 =	vld [tilespmem:s31+$0x22E0];
	_ =	sdelay $0x4  }
0x52: {  	[tilespmem:$0x1F590] =	vst v60;
	v60 =	vld [tilespmem:s31+$0x42E0];
	_ =	sdelay $0x4  }
0x53: {  	[tilespmem:$0x1F5A0] =	vst v60;
	v60 =	vld [tilespmem:s31+$0x2E0];
	_ =	sdelay $0x4  }
0x54: {  	[tilespmem:$0x1F630] =	vst v60;
	v60 =	vld [tilespmem:s31+$0x22F0];
	_ =	sdelay $0x4  }
0x55: {  	[tilespmem:$0x1F5B0] =	vst v60;
	v60 =	vld [tilespmem:s31+$0x42F0];
	_ =	sdelay $0x4  }
0x56: {  	[tilespmem:$0x1F5C0] =	vst v60;
	v60 =	vld [tilespmem:s31+$0x2F0];
	_ =	sdelay $0x4  }
0x57: {  	[tilespmem:$0x1F640] =	vst v60;
	v60 =	vld [tilespmem:s31+$0x2300];
	_ =	sdelay $0x4  }
0x58: {  	[tilespmem:$0x1F5D0] =	vst v60;
	v60 =	vld [tilespmem:s31+$0x4300];
	_ =	sdelay $0x4  }
0x59: {  	[tilespmem:$0x1F5E0] =	vst v60;
	v60 =	vld [tilespmem:s31+$0x300];
	_ =	sdelay $0x4  }
0x5a: {  	[tilespmem:$0x1F650] =	vst v60;
	v60 =	vld [tilespmem:s31+$0x2310];
	_ =	sdelay $0x4  }
0x5b: {  	[tilespmem:$0x1F5F0] =	vst v60;
	v60 =	vld [tilespmem:s31+$0x4310];
	_ =	sdelay $0x4  }
0x5c: {  	[tilespmem:$0x1F600] =	vst v60;
	v60 =	vld [tilespmem:s31+$0x310];
	_ =	sdelay $0x4  }
0x5d: {  	[tilespmem:$0x1F660] =	vst v60;
	v60 =	vld [tilespmem:s31+$0x2320];
	_ =	sdelay $0x4  }
0x5e: {  	[tilespmem:$0x1F670] =	vst v60;
	v60 =	vld [tilespmem:s31+$0x4320];
	_ =	sdelay $0x4  }
0x5f: {  	[tilespmem:$0x1F680] =	vst v60;
	v60 =	vld [tilespmem:s31+$0x320];
	_ =	sdelay $0x4  }
0x60: {  	[tilespmem:$0x1F710] =	vst v60;
	v60 =	vld [tilespmem:s31+$0x2330];
	_ =	sdelay $0x4  }
0x61: {  	[tilespmem:$0x1F690] =	vst v60;
	v60 =	vld [tilespmem:s31+$0x4330];
	_ =	sdelay $0x4  }
0x62: {  	[tilespmem:$0x1F6A0] =	vst v60;
	v60 =	vld [tilespmem:s31+$0x330];
	_ =	sdelay $0x4  }
0x63: {  	[tilespmem:$0x1F720] =	vst v60;
	v60 =	vld [tilespmem:s31+$0x2340];
	_ =	sdelay $0x4  }
0x64: {  	[tilespmem:$0x1F6B0] =	vst v60;
	v60 =	vld [tilespmem:s31+$0x4340];
	_ =	sdelay $0x4  }
0x65: {  	[tilespmem:$0x1F6C0] =	vst v60;
	v60 =	vld [tilespmem:s31+$0x340];
	_ =	sdelay $0x4  }
0x66: {  	[tilespmem:$0x1F730] =	vst v60;
	v60 =	vld [tilespmem:s31+$0x2350];
	_ =	sdelay $0x4  }
0x67: {  	[tilespmem:$0x1F6D0] =	vst v60;
	v60 =	vld [tilespmem:s31+$0x4350];
	_ =	sdelay $0x3  }
0x68: {  	s18 =	sshll.u32 s17, $0x4  }
0x69: {  	s18 =	sand.u32 $0x3FFFFFF0, s18;
	[tilespmem:$0x1F6E0] =	vst v60;
	v60 =	vld [tilespmem:s31+$0x350]  }
0x6a: {  	v0 =	vld [tilespmem:s18+$0x6000];
	_ =	sdelay $0x3  }
0x6b: {  	[tilespmem:$0x1F740] =	vst v60;
	v60 =	vld [tilespmem:s31+$0x2360]  }
0x6c: {  	v0 =	vmul.f32 $1.000000010e-01, v0;
	_ =	sdelay $0x1  }
0x6d: {  	v0 =	vadd.f32 $1.000000000e+00, v0  }
0x6e: {  	v1 =	vld [tilespmem:s31+$0x2000]  }
0x6f: {  	(erf) = vrcp.f32 v0;
	[tilespmem:$0x1F6F0] =	vst v60;
	v60 =	vld [tilespmem:s31+$0x4360]  }
0x70: {  	v2 =	vld [tilespmem:s31+$0x4000];
	_ =	sdelay $0x2  }
0x71: {  	v6 =	vld [tilespmem:s31+$0x0]  }
0x72: {  	[tilespmem:$0x1F700] =	vst v60;
	v60 =	vld [tilespmem:s31+$0x360]  }
0x73: {  	v1 =	vadd.f32 v2, v1  }
0x74: {  	v43 =	vld [tilespmem:s31+$0x2010]  }
0x75: {  	v3 =	vld [tilespmem:s31+$0x4010];
	v8 =	vmul.f32 $1.000000010e-01, v1  }
0x76: {  	v4 =	vld [tilespmem:s31+$0x2020];
	v16 =	vpop (erf)  }
0x77: {  	v45 =	vadd.f32 v8, v6;
	v1 =	vbroadcast v16, $0x0;
	[tilespmem:$0x1F750] =	vst v60;
	v60 =	vld [tilespmem:s31+$0x2370]  }
0x78: {  	v5 =	vld [tilespmem:s31+$0x4020]  }
0x79: {  	v46 =	vmul.f32 v45, v1  }
0x7a: {  	v44 =	vld [tilespmem:s31+$0x10]  }
0x7b: {  	v7 =	vld [tilespmem:s31+$0x20];
	[tilespmem:s31+$0x0] =	vst v46  }
0x7c: {  	v3 =	vadd.f32 v3, v43;
	[tilespmem:$0x1F760] =	vst v60;
	v60 =	vld [tilespmem:s31+$0x4370]  }
0x7d: {  	v4 =	vadd.f32 v5, v4  }
0x7e: {  	v3 =	vmul.f32 $1.000000010e-01, v3  }
0x7f: {  	v4 =	vmul.f32 $1.000000010e-01, v4  }
0x80: {  	v2 =	vadd.f32 v3, v44  }
0x81: {  	v4 =	vadd.f32 v4, v7;
	[tilespmem:$0x1F770] =	vst v60;
	v60 =	vld [tilespmem:s31+$0x370]  }
0x82: {  	v2 =	vmul.f32 v2, v1  }
0x83: {  	v47 =	vmul.f32 v4, v1  }
0x84: {  	[tilespmem:s31+$0x10] =	vst v2  }
0x85: {  	[tilespmem:s31+$0x20] =	vst v47  }
0x86: {  	[tilespmem:$0x1F800] =	vst v60;
	v60 =	vld [tilespmem:s31+$0x2380];
	_ =	sdelay $0x4  }
0x87: {  	[tilespmem:$0x1F780] =	vst v60;
	v60 =	vld [tilespmem:s31+$0x4380];
	_ =	sdelay $0x4  }
0x88: {  	[tilespmem:$0x1F790] =	vst v60;
	v60 =	vld [tilespmem:s31+$0x380];
	_ =	sdelay $0x4  }
0x89: {  	[tilespmem:$0x1F810] =	vst v60;
	v60 =	vld [tilespmem:s31+$0x2390];
	_ =	sdelay $0x4  }
0x8a: {  	[tilespmem:$0x1F7A0] =	vst v60;
	v60 =	vld [tilespmem:s31+$0x4390];
	_ =	sdelay $0x4  }
0x8b: {  	[tilespmem:$0x1F7B0] =	vst v60;
	v60 =	vld [tilespmem:s31+$0x390];
	_ =	sdelay $0x4  }
0x8c: {  	[tilespmem:$0x1F820] =	vst v60;
	v60 =	vld [tilespmem:s31+$0x23A0];
	_ =	sdelay $0x4  }
0x8d: {  	[tilespmem:$0x1F7C0] =	vst v60;
	v60 =	vld [tilespmem:s31+$0x43A0];
	_ =	sdelay $0x4  }
0x8e: {  	[tilespmem:$0x1F7D0] =	vst v60;
	v60 =	vld [tilespmem:s31+$0x3A0];
	_ =	sdelay $0x4  }
0x8f: {  	[tilespmem:$0x1F830] =	vst v60;
	v60 =	vld [tilespmem:s31+$0x23B0];
	_ =	sdelay $0x4  }
0x90: {  	[tilespmem:$0x1F7E0] =	vst v60;
	v60 =	vld [tilespmem:s31+$0x43B0];
	_ =	sdelay $0x4  }
0x91: {  	[tilespmem:$0x1F7F0] =	vst v60;
	v60 =	vld [tilespmem:s31+$0x3B0];
	_ =	sdelay $0x4  }
0x92: {  	[tilespmem:$0x1F840] =	vst v60;
	v60 =	vld [tilespmem:s31+$0x23C0];
	_ =	sdelay $0x4  }
0x93: {  	[tilespmem:$0x1F850] =	vst v60;
	v60 =	vld [tilespmem:s31+$0x43C0];
	_ =	sdelay $0x4  }
0x94: {  	[tilespmem:$0x1F860] =	vst v60;
	v60 =	vld [tilespmem:s31+$0x3C0];
	_ =	sdelay $0x4  }
0x95: {  	[tilespmem:$0x1F8F0] =	vst v60;
	v60 =	vld [tilespmem:s31+$0x23D0];
	_ =	sdelay $0x4  }
0x96: {  	[tilespmem:$0x1F870] =	vst v60;
	v60 =	vld [tilespmem:s31+$0x43D0];
	_ =	sdelay $0x4  }
0x97: {  	[tilespmem:$0x1F880] =	vst v60;
	v60 =	vld [tilespmem:s31+$0x3D0];
	_ =	sdelay $0x4  }
0x98: {  	[tilespmem:$0x1F900] =	vst v60;
	v60 =	vld [tilespmem:s31+$0x23E0];
	_ =	sdelay $0x4  }
0x99: {  	[tilespmem:$0x1F890] =	vst v60;
	v60 =	vld [tilespmem:s31+$0x43E0];
	_ =	sdelay $0x4  }
0x9a: {  	[tilespmem:$0x1F8A0] =	vst v60;
	v60 =	vld [tilespmem:s31+$0x3E0];
	_ =	sdelay $0x2  }
0x9b: {  	v12 =	vld [tilespmem:s31+$0x2030]  }
0x9c: {  	v11 =	vld [tilespmem:s31+$0x4030]  }
0x9d: {  	[tilespmem:$0x1F910] =	vst v60;
	v60 =	vld [tilespmem:s31+$0x23F0]  }
0x9e: {  	v34 =	vld [tilespmem:s31+$0x30]  }
0x9f: {  	v9 =	vld [tilespmem:s31+$0x2040]  }
0xa0: {  	v35 =	vld [tilespmem:s31+$0x40]  }
0xa1: {  	v26 =	vld [tilespmem:s31+$0x50]  }
0xa2: {  	[tilespmem:$0x1F8B0] =	vst v60;
	v60 =	vld [tilespmem:s31+$0x43F0]  }
0xa3: {  	v27 =	vld [tilespmem:s31+$0x60]  }
0xa4: {  	v29 =	vld [tilespmem:s31+$0x70]  }
0xa5: {  	v23 =	vld [tilespmem:s31+$0x2080]  }
0xa6: {  	v50 =	vld [tilespmem:s31+$0x80]  }
0xa7: {  	[tilespmem:$0x1F8C0] =	vst v60;
	v60 =	vld [tilespmem:s31+$0x3F0]  }
0xa8: {  	v22 =	vld [tilespmem:s31+$0x2090]  }
0xa9: {  	v21 =	vld [tilespmem:s31+$0x4090]  }
0xaa: {  	v52 =	vld [tilespmem:s31+$0x90]  }
0xab: {  	v20 =	vld [tilespmem:s31+$0x20A0]  }
0xac: {  	[tilespmem:$0x1F920] =	vst v60;
	v60 =	vld [tilespmem:s31+$0x2400]  }
0xad: {  	v19 =	vld [tilespmem:s31+$0x40A0]  }
0xae: {  	v54 =	vld [tilespmem:s31+$0xA0]  }
0xaf: {  	v18 =	vld [tilespmem:s31+$0x20B0]  }
0xb0: {  	v14 =	vld [tilespmem:s31+$0x40B0]  }
0xb1: {  	[tilespmem:$0x1F8D0] =	vst v60;
	v60 =	vld [tilespmem:s31+$0x4400]  }
0xb2: {  	v17 =	vld [tilespmem:s31+$0x20C0]  }
0xb3: {  	v15 =	vld [tilespmem:s31+$0x40C0]  }
0xb4: {  	v13 =	vld [tilespmem:s31+$0x20D0]  }
0xb5: {  	v10 =	vld [tilespmem:s31+$0x40D0]  }
0xb6: {  	[tilespmem:$0x1F8E0] =	vst v60;
	v60 =	vld [tilespmem:s31+$0x400]  }
0xb7: {  	v41 =	vld [tilespmem:s31+$0xD0]  }
0xb8: {  	v42 =	vld [tilespmem:s31+$0x20E0]  }
0xb9: {  	v39 =	vld [tilespmem:s31+$0x40E0]  }
0xba: {  	v24 =	vld [tilespmem:s31+$0xE0]  }
0xbb: {  	[tilespmem:$0x1F930] =	vst v60;
	v60 =	vld [tilespmem:s31+$0x2410]  }
0xbc: {  	v38 =	vld [tilespmem:s31+$0x20F0]  }
0xbd: {  	v36 =	vld [tilespmem:s31+$0x40F0]  }
0xbe: {  	v48 =	vld [tilespmem:s31+$0xF0]  }
0xbf: {  	v37 =	vld [tilespmem:s31+$0x2100]  }
0xc0: {  	[tilespmem:$0x1F940] =	vst v60;
	v60 =	vld [tilespmem:s31+$0x4410]  }
0xc1: {  	v33 =	vld [tilespmem:s31+$0x4100]  }
0xc2: {  	v49 =	vld [tilespmem:s31+$0x100]  }
0xc3: {  	v31 =	vld [tilespmem:s31+$0x2110]  }
0xc4: {  	v28 =	vld [tilespmem:s31+$0x4110]  }
0xc5: {  	[tilespmem:$0x1F950] =	vst v60;
	v60 =	vld [tilespmem:s31+$0x410]  }
0xc6: {  	v62 =	vld [tilespmem:s31+$0x110]  }
0xc7: {  	v30 =	vld [tilespmem:s31+$0x2120]  }
0xc8: {  	v25 =	vld [tilespmem:s31+$0x120]  }
0xc9: {  	v32 =	vld [tilespmem:s31+$0x2130]  }
0xca: {  	[tilespmem:$0x1F9E0] =	vst v60;
	v60 =	vld [tilespmem:s31+$0x2420]  }
0xcb: {  	v40 =	vld [tilespmem:s31+$0x130]  }
0xcc: {  	v58 =	vld [tilespmem:s31+$0x2140]  }
0xcd: {  	v55 =	vld [tilespmem:s31+$0x4140]  }
0xce: {  	v51 =	vld [tilespmem:s31+$0x140]  }
0xcf: {  	[tilespmem:$0x1F960] =	vst v60;
	v60 =	vld [tilespmem:s31+$0x4420]  }
0xd0: {  	v57 =	vld [tilespmem:s31+$0x2150]  }
0xd1: {  	v56 =	vld [tilespmem:s31+$0x4150]  }
0xd2: {  	v53 =	vld [tilespmem:s31+$0x150]  }
0xd3: {  	v59 =	vld [tilespmem:s31+$0x160]  }
0xd4: {  	[tilespmem:$0x1F970] =	vst v60;
	v60 =	vld [tilespmem:s31+$0x420]  }
0xd5: {  	v61 =	vld [tilespmem:s31+$0x180]  }
0xd6: {  	v63 =	vld [tilespmem:s31+$0x21A0]  }
0xd7: {  	v5 =	vld [tilespmem:s31+$0x4050]  }
0xd8: {  	[tilespmem:$0x1F170] =	vst v24;
	v24 =	vld [tilespmem:s31+$0x4120]  }
0xd9: {  	[tilespmem:$0x1F9F0] =	vst v60;
	v60 =	vld [tilespmem:s31+$0x2430]  }
0xda: {  	[tilespmem:$0x1F1A0] =	vst v25;
	v25 =	vld [tilespmem:s31+$0x4130]  }
0xdb: {  	[tilespmem:$0x1F1D0] =	vst v53;
	v53 =	vld [tilespmem:s31+$0x2160]  }
0xdc: {  	[tilespmem:$0x1F1C0] =	vst v51;
	v51 =	vld [tilespmem:s31+$0x4160]  }
0xdd: {  	[tilespmem:$0x1F180] =	vst v48;
	v48 =	vld [tilespmem:s31+$0x2170]  }
0xde: {  	[tilespmem:$0x1F980] =	vst v60;
	v60 =	vld [tilespmem:s31+$0x4430]  }
0xdf: {  	[tilespmem:$0x1F190] =	vst v49;
	v49 =	vld [tilespmem:s31+$0x2180]  }
0xe0: {  	v43 =	vld [tilespmem:s31+$0x2190]  }
0xe1: {  	[tilespmem:$0x1F1B0] =	vst v40;
	v40 =	vld [tilespmem:s31+$0x4190]  }
0xe2: {  	[tilespmem:$0x1F1E0] =	vst v59;
	v59 =	vld [tilespmem:s31+$0x190]  }
0xe3: {  	[tilespmem:$0x1F990] =	vst v60;
	v60 =	vld [tilespmem:s31+$0x430]  }
0xe4: {  	[tilespmem:$0x1F200] =	vst v61;
	v61 =	vld [tilespmem:s31+$0x1A0]  }
0xe5: {  	[tilespmem:$0x1F220] =	vst v63;
	v63 =	vld [tilespmem:s31+$0x21B0]  }
0xe6: {  	v11 =	vadd.f32 v11, v12;
	v12 =	vld [tilespmem:s31+$0x450]  }
0xe7: {  	v8 =	vld [tilespmem:s31+$0x4040]  }
0xe8: {  	[tilespmem:$0x1FA00] =	vst v60;
	v60 =	vld [tilespmem:s31+$0x2440]  }
0xe9: {  	v7 =	vld [tilespmem:s31+$0x2050]  }
0xea: {  	v6 =	vld [tilespmem:s31+$0x2060]  }
0xeb: {  	[tilespmem:$0x1F240] =	vst v63;
	v63 =	vld [tilespmem:s31+$0x21C0]  }
0xec: {  	[tilespmem:$0x1F2B0] =	vst v61;
	v61 =	vld [tilespmem:s31+$0x1B0]  }
0xed: {  	[tilespmem:$0x1F9A0] =	vst v60;
	v60 =	vld [tilespmem:s31+$0x4440]  }
0xee: {  	v3 =	vld [tilespmem:s31+$0x4070]  }
0xef: {  	v44 =	vld [tilespmem:s31+$0xC0]  }
0xf0: {  	[tilespmem:$0x1F260] =	vst v63;
	v63 =	vld [tilespmem:s31+$0x21D0]  }
0xf1: {  	[tilespmem:$0x1F2C0] =	vst v61;
	v61 =	vld [tilespmem:s31+$0x1C0]  }
0xf2: {  	[tilespmem:$0x1F9B0] =	vst v60;
	v60 =	vld [tilespmem:s31+$0x440]  }
0xf3: {  	v0 =	vld [tilespmem:s31+$0x4080]  }
0xf4: {  	[tilespmem:$0x1F210] =	vst v59;
	v59 =	vld [tilespmem:s31+$0x41E0]  }
0xf5: {  	[tilespmem:$0x1F280] =	vst v63;
	v63 =	vld [tilespmem:s31+$0x41D0]  }
0xf6: {  	[tilespmem:$0x1F2D0] =	vst v61;
	v61 =	vld [tilespmem:s31+$0x21E0]  }
0xf7: {  	[tilespmem:$0x1FA10] =	vst v60;
	v60 =	vld [tilespmem:s31+$0x2450]  }
0xf8: {  	v53 =	vadd.f32 v51, v53;
	v51 =	vld [tilespmem:$0x1F280]  }
0xf9: {  	v4 =	vld [tilespmem:s31+$0x2070]  }
0xfa: {  	v45 =	vld [tilespmem:s31+$0x4170]  }
0xfb: {  	v2 =	vld [tilespmem:s31+$0x4060]  }
0xfc: {  	[tilespmem:$0x1F9C0] =	vst v60;
	v60 =	vld [tilespmem:s31+$0x4450]  }
0xfd: {  	v8 =	vadd.f32 v8, v9;
	v9 =	vld [tilespmem:s31+$0x2460]  }
0xfe: {  	[tilespmem:$0x1FA20] =	vst v12;
	v12 =	vld [tilespmem:s31+$0x4460]  }
0xff: {  	v47 =	vld [tilespmem:s31+$0xB0]  }
0x100: {  	v46 =	vld [tilespmem:s31+$0x4180];
	[tilespmem:$0x1F290] =	vst v61  }
0x101: {  	v61 =	vld [tilespmem:s31+$0x41F0];
	[tilespmem:$0x1F9D0] =	vst v60;
	v60 =	vmul.f32 $1.000000010e-01, v11;
	v11 =	vmul.f32 $1.000000010e-01, v8  }
0x102: {  	v5 =	vadd.f32 v5, v7;
	[tilespmem:$0x1FA30] =	vst v9;
	v9 =	vld [tilespmem:s31+$0x460]  }
0x103: {  	v2 =	vadd.f32 v2, v6;
	[tilespmem:$0x1FA40] =	vst v12;
	v12 =	vadd.f32 v11, v35;
	v11 =	vld [tilespmem:s31+$0x2470]  }
0x104: {  	v5 =	vmul.f32 $1.000000010e-01, v5;
	v3 =	vadd.f32 v3, v4;
	v35 =	vld [tilespmem:s31+$0x470]  }
0x105: {  	v4 =	vadd.f32 v60, v34;
	v60 =	vmul.f32 $1.000000010e-01, v2;
	v34 =	vadd.f32 v21, v22;
	v21 =	vld [tilespmem:s31+$0x4480]  }
0x106: {  	v22 =	vld [tilespmem:s31+$0x480]  }
0x107: {  	[tilespmem:$0x1FAD0] =	vst v9;
	v2 =	vadd.f32 v5, v26;
	v9 =	vadd.f32 v60, v27;
	v27 =	vld [tilespmem:s31+$0x4470]  }
0x108: {  	v26 =	vadd.f32 v0, v23;
	v60 =	vadd.f32 v19, v20;
	v19 =	vld [tilespmem:s31+$0x2480]  }
0x109: {  	v3 =	vmul.f32 $1.000000010e-01, v3;
	v20 =	vadd.f32 v15, v17;
	v17 =	vld [tilespmem:s31+$0x24A0]  }
0x10a: {  	v5 =	vmul.f32 $1.000000010e-01, v26;
	v26 =	vld [tilespmem:$0x1F170]  }
0x10b: {  	v0 =	vadd.f32 v3, v29;
	v3 =	vmul.f32 $1.000000010e-01, v34;
	v15 =	vadd.f32 v63, v51;
	v51 =	vld [tilespmem:s31+$0x510]  }
0x10c: {  	v5 =	vadd.f32 v5, v50;
	v50 =	vld [tilespmem:s31+$0x4490]  }
0x10d: {  	v8 =	vadd.f32 v3, v52;
	v52 =	vld [tilespmem:s31+$0x490]  }
0x10e: {  	v23 =	vmul.f32 $1.000000010e-01, v20;
	v20 =	vld [tilespmem:s31+$0x44A0]  }
0x10f: {  	v6 =	vmul.f32 $1.000000010e-01, v60;
	v60 =	vadd.f32 v36, v38;
	v36 =	vld [tilespmem:$0x1F190]  }
0x110: {  	v38 =	vld [tilespmem:s31+$0x4B0]  }
0x111: {  	[tilespmem:$0x1FAE0] =	vst v35;
	v35 =	vld [tilespmem:s31+$0x2490]  }
0x112: {  	v10 =	vadd.f32 v10, v13;
	[tilespmem:$0x1FAF0] =	vst v22;
	v22 =	vld [tilespmem:s31+$0x4A0]  }
0x113: {  	v3 =	vadd.f32 v23, v44;
	v23 =	vadd.f32 v25, v32;
	v25 =	vld [tilespmem:s31+$0x24B0]  }
0x114: {  	v10 =	vmul.f32 $1.000000010e-01, v10;
	v34 =	vadd.f32 v6, v54;
	v54 =	vadd.f32 v39, v42;
	v39 =	vld [tilespmem:$0x1F1A0]  }
0x115: {  	v18 =	vadd.f32 v14, v18;
	v42 =	vld [tilespmem:s31+$0x24C0]  }
0x116: {  	v6 =	vadd.f32 v10, v41;
	v41 =	vadd.f32 v55, v58;
	v55 =	vld [tilespmem:s31+$0x4C0]  }
0x117: {  	v58 =	vld [tilespmem:s31+$0x24D0]  }
0x118: {  	v7 =	vmul.f32 $1.000000010e-01, v18;
	v10 =	vmul.f32 $1.000000010e-01, v60;
	v60 =	vld [tilespmem:$0x1F1C0]  }
0x119: {  	[tilespmem:$0x1FA70] =	vst v19;
	v19 =	vadd.f32 v28, v31;
	v28 =	vld [tilespmem:$0x1F180]  }
0x11a: {  	[tilespmem:$0x1FA60] =	vst v27;
	v27 =	vadd.f32 v7, v47;
	v47 =	vld [tilespmem:$0x1F1B0]  }
0x11b: {  	v18 =	vadd.f32 v33, v37;
	v7 =	vmul.f32 $1.000000010e-01, v54;
	v54 =	vadd.f32 v45, v48;
	v45 =	vld [tilespmem:$0x1F240]  }
0x11c: {  	v48 =	vld [tilespmem:$0x1F260]  }
0x11d: {  	[tilespmem:$0x1FA50] =	vst v11;
	v11 =	vmul.f32 $1.000000010e-01, v18;
	v37 =	vmul.f32 $1.000000010e-01, v23;
	v23 =	vld [tilespmem:$0x1F300]  }
0x11e: {  	[tilespmem:$0x1FB00] =	vst v52;
	v52 =	vld [tilespmem:s31+$0x44C0]  }
0x11f: {  	v13 =	vadd.f32 v11, v36;
	v36 =	vld [tilespmem:$0x1F1E0]  }
0x120: {  	[tilespmem:$0x1FBC0] =	vst v38;
	v38 =	vld [tilespmem:s31+$0x24E0]  }
0x121: {  	[tilespmem:$0x1FAA0] =	vst v50;
	v50 =	vadd.f32 v56, v57;
	v57 =	vadd.f32 v40, v43;
	v40 =	vld [tilespmem:$0x1F210]  }
0x122: {  	v43 =	vld [tilespmem:$0x1F230]  }
0x123: {  	v56 =	vadd.f32 v46, v49;
	v46 =	vld [tilespmem:$0x1F250]  }
0x124: {  	v49 =	vld [tilespmem:$0x1F270]  }
0x125: {  	[tilespmem:$0x1FA80] =	vst v21;
	v21 =	vadd.f32 v24, v30;
	v24 =	vmul.f32 $1.000000010e-01, v19;
	v19 =	vld [tilespmem:$0x1F2F0]  }
0x126: {  	[tilespmem:$0x1FA90] =	vst v35;
	v35 =	vld [tilespmem:s31+$0x44B0]  }
0x127: {  	v29 =	vmul.f32 $1.000000010e-01, v21;
	v31 =	vadd.f32 v7, v26;
	v7 =	vmul.f32 $1.000000010e-01, v41;
	v41 =	vld [tilespmem:s31+$0x44E0]  }
0x128: {  	[tilespmem:$0x1FB20] =	vst v25;
	v25 =	vld [tilespmem:s31+$0x44D0]  }
0x129: {  	[tilespmem:$0x1FB10] =	vst v22;
	v22 =	vadd.f32 v29, v39;
	v39 =	vld [tilespmem:$0x1F200]  }
0x12a: {  	[tilespmem:$0x1FB40] =	vst v42;
	v42 =	vld [tilespmem:$0x1F220]  }
0x12b: {  	v32 =	vadd.f32 v24, v62;
	v62 =	vmul.f32 $1.000000010e-01, v53;
	v53 =	vld [tilespmem:$0x1F290]  }
0x12c: {  	v24 =	vmul.f32 $1.000000010e-01, v54;
	v54 =	vld [tilespmem:s31+$0x44F0]  }
0x12d: {  	[tilespmem:$0x1FBD0] =	vst v55;
	v55 =	vld [tilespmem:$0x1F2A0]  }
0x12e: {  	v29 =	vmul.f32 $1.000000010e-01, v56;
	v56 =	vld [tilespmem:s31+$0x4F0]  }
0x12f: {  	v30 =	vmul.f32 $1.000000010e-01, v57;
	v57 =	vld [tilespmem:$0x1F2B0]  }
0x130: {  	[tilespmem:$0x1FB60] =	vst v58;
	v58 =	vld [tilespmem:$0x1F2C0]  }
0x131: {  	v44 =	vadd.f32 v10, v28;
	v28 =	vld [tilespmem:$0x1F1D0]  }
0x132: {  	v14 =	vadd.f32 v37, v47;
	v37 =	vld [tilespmem:$0x1F1F0]  }
0x133: {  	v47 =	vld [tilespmem:s31+$0x4E0]  }
0x134: {  	v26 =	vadd.f32 v7, v60;
	v60 =	vld [tilespmem:s31+$0x2500]  }
0x135: {  	[tilespmem:$0x1FB50] =	vst v52;
	v52 =	vld [tilespmem:s31+$0x24F0]  }
0x136: {  	v21 =	vadd.f32 v62, v36;
	v62 =	vld [tilespmem:$0x1F2E0]  }
0x137: {  	v10 =	vmul.f32 $1.000000010e-01, v50;
	v50 =	vadd.f32 v30, v40;
	v30 =	vld [tilespmem:$0x1F320]  }
0x138: {  	v36 =	vld [tilespmem:$0x1F340]  }
0x139: {  	[tilespmem:$0x1FB80] =	vst v38;
	v38 =	vld [tilespmem:$0x1F350]  }
0x13a: {  	v40 =	vld [tilespmem:$0x1F370]  }
0x13b: {  	v11 =	vadd.f32 v49, v48;
	v48 =	vld [tilespmem:$0x1F3C0]  }
0x13c: {  	[tilespmem:$0x1FB30] =	vst v35;
	v35 =	vld [tilespmem:s31+$0x4D0]  }
0x13d: {  	[tilespmem:$0x1FB90] =	vst v41;
	v41 =	vld [tilespmem:$0x1F380]  }
0x13e: {  	v18 =	vadd.f32 v61, v55;
	v61 =	vld [tilespmem:$0x1F2D0]  }
0x13f: {  	[tilespmem:$0x1FB70] =	vst v25;
	v25 =	vadd.f32 v29, v39;
	v29 =	vld [tilespmem:s31+$0x500]  }
0x140: {  	v39 =	vld [tilespmem:$0x1F360]  }
0x141: {  	v7 =	vadd.f32 v43, v42;
	v42 =	vld [tilespmem:s31+$0x4510]  }
0x142: {  	v43 =	vld [tilespmem:$0x1F390]  }
0x143: {  	[tilespmem:$0x1FAC0] =	vst v20;
	v20 =	vadd.f32 v10, v28;
	v28 =	vld [tilespmem:$0x1F310]  }
0x144: {  	[tilespmem:$0x1FAB0] =	vst v17;
	v33 =	vadd.f32 v24, v37;
	v37 =	vld [tilespmem:s31+$0x2510]  }
0x145: {  	[tilespmem:$0x1FCF0] =	vst v51;
	v10 =	vadd.f32 v46, v45;
	v45 =	vld [tilespmem:$0x1F3A0]  }
0x146: {  	v17 =	vadd.f32 v59, v53;
	[tilespmem:$0x1FBB0] =	vst v54;
	v46 =	vld [tilespmem:$0x1F3B0]  }
0x147: {  	[tilespmem:$0x1FC10] =	vst v56;
	v63 =	vmul.f32 $1.000000010e-01, v18;
	v18 =	vld [tilespmem:s31+$0x4500]  }
0x148: {  	v59 =	vmul.f32 $1.000000010e-01, v17;
	[tilespmem:$0x1FBA0] =	vst v52;
	v52 =	vld [tilespmem:$0x1F3D0]  }
0x149: {  	[tilespmem:$0x1FBF0] =	vst v35;
	v35 =	vld [tilespmem:$0x1F330]  }
0x14a: {  	v11 =	vmul.f32 $1.000000010e-01, v11;
	[tilespmem:$0x1FC00] =	vst v47;
	v24 =	vadd.f32 v59, v19;
	v59 =	vld [tilespmem:s31+$0x2520]  }
0x14b: {  	v15 =	vmul.f32 $1.000000010e-01, v15;
	[tilespmem:$0x1FC20] =	vst v60;
	v60 =	vadd.f32 v63, v30;
	v30 =	vld [tilespmem:s31+$0x520]  }
0x14c: {  	v10 =	vmul.f32 $1.000000010e-01, v10;
	v49 =	vadd.f32 v11, v61;
	[tilespmem:$0x1FCE0] =	vst v29;
	v61 =	vld [tilespmem:$0x1F3E0]  }
0x14d: {  	v54 =	vadd.f32 v15, v62;
	v15 =	vadd.f32 v39, v38;
	[tilespmem:$0x1FC60] =	vst v42;
	v38 =	vld [tilespmem:s31+$0x2530]  }
0x14e: {  	v47 =	vadd.f32 v10, v58;
	v10 =	vadd.f32 v28, v23;
	[tilespmem:$0x1FC50] =	vst v37;
	v23 =	vld [tilespmem:s31+$0x4520]  }
0x14f: {  	v29 =	vld [tilespmem:$0x1F400];
	[tilespmem:$0x1FC30] =	vst v18  }
0x150: {  	v39 =	vld [tilespmem:$0x1F430];
	[tilespmem:$0x1FC80] =	vst v59  }
0x151: {  	v28 =	vld [tilespmem:$0x1F3F0];
	[tilespmem:$0x1FD00] =	vst v30  }
0x152: {  	v37 =	vld [tilespmem:$0x1F420];
	[tilespmem:$0x1FCA0] =	vst v38  }
0x153: {  	v11 =	vadd.f32 v36, v35;
	v36 =	vld [tilespmem:$0x1F410];
	[tilespmem:$0x1FC90] =	vst v23  }
0x154: {  	v17 =	vadd.f32 v41, v40;
	v41 =	vld [tilespmem:$0x1F440]  }
0x155: {  	v42 =	vld [tilespmem:$0x1F450]  }
0x156: {  	v18 =	vadd.f32 v45, v43;
	v43 =	vld [tilespmem:$0x1F460]  }
0x157: {  	v45 =	vld [tilespmem:s31+$0x4530]  }
0x158: {  	v19 =	vadd.f32 v48, v46;
	v10 =	vmul.f32 $1.000000010e-01, v10;
	v46 =	vld [tilespmem:$0x1F470]  }
0x159: {  	v7 =	vmul.f32 $1.000000010e-01, v7;
	v53 =	vmul.f32 $1.000000010e-01, v15;
	v51 =	vld [tilespmem:$0x1F480]  }
0x15a: {  	v35 =	vadd.f32 v10, v52;
	v52 =	vld [tilespmem:$0x1F490]  }
0x15b: {  	v7 =	vadd.f32 v7, v57;
	v57 =	vadd.f32 v53, v28;
	v53 =	vld [tilespmem:$0x1F4A0]  }
0x15c: {  	v56 =	vld [tilespmem:$0x1F4B0]  }
0x15d: {  	v63 =	vmul.f32 $1.000000010e-01, v19;
	v58 =	vld [tilespmem:$0x1F4C0]  }
0x15e: {  	v59 =	vld [tilespmem:s31+$0x2540]  }
0x15f: {  	v40 =	vadd.f32 v63, v37;
	v37 =	vld [tilespmem:$0x1F4F0]  }
0x160: {  	v4 =	vmul.f32 v4, v1;
	v38 =	vld [tilespmem:$0x1F500]  }
0x161: {  	v12 =	vmul.f32 v12, v1;
	v30 =	vld [tilespmem:$0x1F570]  }
0x162: {  	v55 =	vmul.f32 $1.000000010e-01, v17;
	v11 =	vmul.f32 $1.000000010e-01, v11;
	[tilespmem:s31+$0x30] =	vst v4;
	v4 =	vld [tilespmem:s31+$0x25A0]  }
0x163: {  	[tilespmem:s31+$0x40] =	vst v12;
	v12 =	vld [tilespmem:s31+$0x45B0]  }
0x164: {  	v48 =	vadd.f32 v11, v61;
	v11 =	vadd.f32 v55, v29;
	v55 =	vld [tilespmem:s31+$0x530]  }
0x165: {  	v62 =	vmul.f32 $1.000000010e-01, v18;
	v61 =	vld [tilespmem:$0x1F4D0]  }
0x166: {  	v29 =	vld [tilespmem:$0x1F560]  }
0x167: {  	v28 =	vadd.f32 v62, v36;
	v62 =	vld [tilespmem:$0x1F4E0]  }
0x168: {  	v36 =	vld [tilespmem:s31+$0x4540]  }
0x169: {  	v15 =	vadd.f32 v43, v42;
	v42 =	vld [tilespmem:s31+$0x540]  }
0x16a: {  	v43 =	vld [tilespmem:$0x1F510]  }
0x16b: {  	[tilespmem:$0x1FCB0] =	vst v45;
	v45 =	vld [tilespmem:$0x1F520]  }
0x16c: {  	v19 =	vadd.f32 v58, v56;
	v58 =	vld [tilespmem:s31+$0x2550]  }
0x16d: {  	[tilespmem:$0x1FCC0] =	vst v59;
	v59 =	vld [tilespmem:$0x1F530]  }
0x16e: {  	v18 =	vadd.f32 v53, v52;
	v52 =	vld [tilespmem:$0x1F5E0]  }
0x16f: {  	v53 =	vld [tilespmem:$0x1F5F0]  }
0x170: {  	v56 =	vld [tilespmem:$0x1F600]  }
0x171: {  	v10 =	vadd.f32 v41, v39;
	[tilespmem:$0x1FE50] =	vst v12;
	v12 =	vld [tilespmem:$0x1F840]  }
0x172: {  	v23 =	vadd.f32 v62, v61;
	v61 =	vld [tilespmem:$0x1F540]  }
0x173: {  	v17 =	vadd.f32 v51, v46;
	v10 =	vmul.f32 $1.000000010e-01, v10;
	[tilespmem:$0x1FCD0] =	vst v36;
	v36 =	vld [tilespmem:$0x1F580]  }
0x174: {  	v15 =	vmul.f32 $1.000000010e-01, v15;
	v51 =	vmul.f32 $1.000000010e-01, v23;
	v23 =	vld [tilespmem:s31+$0x4550]  }
0x175: {  	v63 =	vmul.f32 $1.000000010e-01, v17;
	v17 =	vadd.f32 v10, v37;
	v37 =	vld [tilespmem:s31+$0x550]  }
0x176: {  	v39 =	vmul.f32 $1.000000010e-01, v19;
	v41 =	vadd.f32 v15, v38;
	v38 =	vld [tilespmem:$0x1F590]  }
0x177: {  	v46 =	vadd.f32 v63, v43;
	v63 =	vld [tilespmem:$0x1F550]  }
0x178: {  	[tilespmem:$0x1FD10] =	vst v55;
	v55 =	vadd.f32 v39, v59;
	v39 =	vld [tilespmem:$0x1F5A0]  }
0x179: {  	v18 =	vmul.f32 $1.000000010e-01, v18;
	[tilespmem:$0x1FD20] =	vst v42;
	v42 =	vld [tilespmem:$0x1F5B0]  }
0x17a: {  	v43 =	vld [tilespmem:$0x1F5C0]  }
0x17b: {  	v62 =	vadd.f32 v18, v45;
	v45 =	vld [tilespmem:s31+$0x2560]  }
0x17c: {  	[tilespmem:$0x1FD30] =	vst v58;
	v58 =	vld [tilespmem:s31+$0x4560]  }
0x17d: {  	v59 =	vld [tilespmem:$0x1F610]  }
0x17e: {  	v15 =	vadd.f32 v36, v30;
	v30 =	vadd.f32 v56, v53;
	v53 =	vld [tilespmem:$0x1F640]  }
0x17f: {  	v56 =	vld [tilespmem:s31+$0x4570]  }
0x180: {  	v36 =	vld [tilespmem:$0x1F6B0]  }
0x181: {  	[tilespmem:$0x1FDD0] =	vst v37;
	v37 =	vld [tilespmem:$0x1F6C0]  }
0x182: {  	v10 =	vadd.f32 v63, v61;
	v61 =	vadd.f32 v51, v29;
	v51 =	vld [tilespmem:$0x1F5D0]  }
0x183: {  	v18 =	vadd.f32 v39, v38;
	v38 =	vld [tilespmem:s31+$0x560]  }
0x184: {  	v19 =	vadd.f32 v43, v42;
	v42 =	vld [tilespmem:$0x1F620]  }
0x185: {  	[tilespmem:$0x1FD60] =	vst v58;
	v58 =	vld [tilespmem:$0x1F650]  }
0x186: {  	[tilespmem:$0x1FD50] =	vst v45;
	v45 =	vmul.f32 $1.000000010e-01, v30;
	v30 =	vld [tilespmem:s31+$0x2580]  }
0x187: {  	v63 =	vmul.f32 $1.000000010e-01, v18;
	v18 =	vld [tilespmem:$0x1F670]  }
0x188: {  	v10 =	vmul.f32 $1.000000010e-01, v10;
	v29 =	vmul.f32 $1.000000010e-01, v19;
	v19 =	vld [tilespmem:$0x1F680]  }
0x189: {  	[tilespmem:$0x1FD80] =	vst v56;
	v56 =	vld [tilespmem:s31+$0x2590]  }
0x18a: {  	v39 =	vadd.f32 v10, v59;
	v10 =	vadd.f32 v29, v53;
	v29 =	vld [tilespmem:$0x1F6A0]  }
0x18b: {  	v53 =	vld [tilespmem:$0x1F700]  }
0x18c: {  	[tilespmem:$0x1FD40] =	vst v23;
	v15 =	vmul.f32 $1.000000010e-01, v15;
	v23 =	vadd.f32 v52, v51;
	v51 =	vld [tilespmem:s31+$0x2570]  }
0x18d: {  	v52 =	vld [tilespmem:$0x1F630]  }
0x18e: {  	[tilespmem:$0x1FDE0] =	vst v38;
	v38 =	vadd.f32 v15, v42;
	v15 =	vld [tilespmem:s31+$0x570]  }
0x18f: {  	v42 =	vld [tilespmem:s31+$0x4580]  }
0x190: {  	[tilespmem:$0x1FD90] =	vst v30;
	v30 =	vld [tilespmem:s31+$0x4590];
	v43 =	vmul.f32 $1.000000010e-01, v23  }
0x191: {  	v23 =	vld [tilespmem:$0x1F690]  }
0x192: {  	[tilespmem:$0x1FBE0] =	vst v10;
	v10 =	vadd.f32 v43, v58;
	v43 =	vld [tilespmem:$0x1F6D0]  }
0x193: {  	v58 =	vld [tilespmem:$0x1F710]  }
0x194: {  	v59 =	vadd.f32 v63, v52;
	v63 =	vld [tilespmem:$0x1F660]  }
0x195: {  	v52 =	vld [tilespmem:$0x1F6F0]  }
0x196: {  	[tilespmem:$0x1FDA0] =	vst v42;
	v42 =	vld [tilespmem:s31+$0x590]  }
0x197: {  	[tilespmem:$0x1FD70] =	vst v51;
	v51 =	vld [tilespmem:s31+$0x580]  }
0x198: {  	[tilespmem:$0x1FDC0] =	vst v30;
	v30 =	vld [tilespmem:$0x1F790]  }
0x199: {  	[tilespmem:$0x1FC40] =	vst v10;
	v10 =	vadd.f32 v45, v63;
	v45 =	vld [tilespmem:$0x1F6E0]  }
0x19a: {  	[tilespmem:$0x1FDF0] =	vst v15;
	v15 =	vadd.f32 v29, v23;
	v23 =	vadd.f32 v53, v52;
	v52 =	vld [tilespmem:s31+$0x25B0]  }
0x19b: {  	[tilespmem:$0x1FE10] =	vst v42;
	v42 =	vld [tilespmem:$0x1F7B0]  }
0x19c: {  	[tilespmem:$0x1FC70] =	vst v10;
	v10 =	vadd.f32 v19, v18;
	v18 =	vadd.f32 v37, v36;
	v36 =	vld [tilespmem:$0x1F720]  }
0x19d: {  	v37 =	vmul.f32 $1.000000010e-01, v23;
	v23 =	vld [tilespmem:s31+$0x45A0]  }
0x19e: {  	v10 =	vmul.f32 $1.000000010e-01, v10;
	v63 =	vmul.f32 $1.000000010e-01, v18;
	v18 =	vld [tilespmem:$0x1F760]  }
0x19f: {  	[tilespmem:$0x1FE40] =	vst v52;
	v52 =	vld [tilespmem:s31+$0x45C0]  }
0x1a0: {  	v19 =	vadd.f32 v45, v43;
	v45 =	vadd.f32 v10, v58;
	v58 =	vld [tilespmem:$0x1F730]  }
0x1a1: {  	v15 =	vmul.f32 $1.000000010e-01, v15;
	v10 =	vld [tilespmem:$0x1F750]  }
0x1a2: {  	v29 =	vmul.f32 $1.000000010e-01, v19;
	v19 =	vld [tilespmem:$0x1F770]  }
0x1a3: {  	[tilespmem:$0x1FE00] =	vst v51;
	v51 =	vadd.f32 v15, v36;
	v36 =	vld [tilespmem:s31+$0x5A0]  }
0x1a4: {  	v2 =	vmul.f32 v2, v1;
	[tilespmem:$0x1FE60] =	vst v52;
	v52 =	vld [tilespmem:$0x1F890]  }
0x1a5: {  	v9 =	vmul.f32 v9, v1;
	v43 =	vmul.f32 v0, v1;
	v1 =	vadd.f32 v63, v58;
	v63 =	vld [tilespmem:$0x1F740]  }
0x1a6: {  	v15 =	vbroadcast v16, $0x1;
	v53 =	vadd.f32 v37, v10;
	v37 =	vld [tilespmem:$0x1F7A0]  }
0x1a7: {  	v58 =	vld [tilespmem:$0x1F7C0]  }
0x1a8: {  	[tilespmem:$0x1FE20] =	vst v4;
	v3 =	vmul.f32 v3, v15;
	v10 =	vld [tilespmem:s31+$0x25C0]  }
0x1a9: {  	[tilespmem:$0x1FE30] =	vst v23;
	v4 =	vadd.f32 v19, v18;
	v18 =	vld [tilespmem:$0x1F7E0]  }
0x1aa: {  	v23 =	vmul.f32 v31, v15;
	[tilespmem:s31+$0xC0] =	vst v3;
	v3 =	vbroadcast v16, $0x2;
	v19 =	vld [tilespmem:$0x1F7F0]  }
0x1ab: {  	[tilespmem:$0x1FEB0] =	vst v36;
	v36 =	vld [tilespmem:$0x1F810]  }
0x1ac: {  	[tilespmem:s31+$0xE0] =	vst v23;
	v23 =	vmul.f32 v13, v3;
	v13 =	vld [tilespmem:$0x1F910]  }
0x1ad: {  	[tilespmem:$0x1FDB0] =	vst v56;
	v56 =	vadd.f32 v29, v63;
	v29 =	vld [tilespmem:$0x1F780]  }
0x1ae: {  	[tilespmem:s31+$0x100] =	vst v23;
	v23 =	vld [tilespmem:$0x1F8C0]  }
0x1af: {  	[tilespmem:s31+$0x60] =	vst v9;
	v5 =	vmul.f32 v5, v15;
	v63 =	vld [tilespmem:$0x1F7D0];
	v9 =	vadd.f32 v19, v18  }
0x1b0: {  	v18 =	vld [tilespmem:$0x1F860]  }
0x1b1: {  	[tilespmem:s31+$0x80] =	vst v5;
	v5 =	vadd.f32 v42, v37;
	v37 =	vmul.f32 $1.000000010e-01, v9;
	v9 =	vld [tilespmem:s31+$0x5C0]  }
0x1b2: {  	[tilespmem:s31+$0x50] =	vst v2;
	v8 =	vmul.f32 v8, v15;
	v2 =	vadd.f32 v30, v29;
	v29 =	vld [tilespmem:s31+$0x5B0]  }
0x1b3: {  	[tilespmem:s31+$0x70] =	vst v43;
	v30 =	vld [tilespmem:$0x1F800]  }
0x1b4: {  	v34 =	vmul.f32 v34, v15;
	v43 =	vmul.f32 v27, v15;
	[tilespmem:s31+$0x90] =	vst v8;
	v8 =	vadd.f32 v63, v58;
	v63 =	vld [tilespmem:$0x1F820]  }
0x1b5: {  	v6 =	vmul.f32 v6, v15;
	v58 =	vmul.f32 v44, v15;
	v15 =	vld [tilespmem:$0x1F850]  }
0x1b6: {  	v44 =	vld [tilespmem:s31+$0x45D0]  }
0x1b7: {  	[tilespmem:s31+$0xB0] =	vst v43;
	v43 =	vadd.f32 v37, v12;
	v37 =	vmul.f32 v22, v3;
	v22 =	vld [tilespmem:$0x1F8B0]  }
0x1b8: {  	v12 =	vmul.f32 v26, v3;
	v26 =	vmul.f32 v20, v3;
	v20 =	vld [tilespmem:s31+$0x45F0]  }
0x1b9: {  	[tilespmem:s31+$0xA0] =	vst v34;
	v34 =	vmul.f32 $1.000000010e-01, v8;
	v8 =	vld [tilespmem:$0x1F830]  }
0x1ba: {  	[tilespmem:s31+$0xF0] =	vst v58;
	v58 =	vld [tilespmem:$0x1F8A0]  }
0x1bb: {  	[tilespmem:s31+$0x120] =	vst v37;
	v37 =	vld [tilespmem:s31+$0x45E0]  }
0x1bc: {  	v4 =	vmul.f32 $1.000000010e-01, v4;
	[tilespmem:s31+$0x140] =	vst v12;
	v12 =	vld [tilespmem:s31+$0x25F0]  }
0x1bd: {  	v31 =	vmul.f32 $1.000000010e-01, v5;
	[tilespmem:$0x1FEC0] =	vst v29;
	v29 =	vld [tilespmem:s31+$0x25D0]  }
0x1be: {  	v2 =	vmul.f32 $1.000000010e-01, v2;
	v27 =	vadd.f32 v4, v30;
	v30 =	vld [tilespmem:$0x1F870]  }
0x1bf: {  	v19 =	vadd.f32 v31, v63;
	v31 =	vld [tilespmem:$0x1F880]  }
0x1c0: {  	v36 =	vadd.f32 v2, v36;
	v2 =	vadd.f32 v18, v15;
	v18 =	vld [tilespmem:s31+$0x5D0]  }
0x1c1: {  	[tilespmem:$0x1FE80] =	vst v44;
	v44 =	vld [tilespmem:$0x1F8F0]  }
0x1c2: {  	v15 =	vld [tilespmem:$0x1F920]  }
0x1c3: {  	[tilespmem:s31+$0xD0] =	vst v6;
	v6 =	vadd.f32 v23, v22;
	v22 =	vld [tilespmem:$0x1F940]  }
0x1c4: {  	v23 =	vld [tilespmem:$0x1F950]  }
0x1c5: {  	v63 =	vmul.f32 v14, v3;
	v14 =	vld [tilespmem:$0x1FA30]  }
0x1c6: {  	v42 =	vadd.f32 v34, v8;
	v34 =	vmul.f32 v32, v3;
	v32 =	vld [tilespmem:$0x1F8E0]  }
0x1c7: {  	[tilespmem:s31+$0x130] =	vst v63;
	v63 =	vld [tilespmem:s31+$0x5E0]  }
0x1c8: {  	v4 =	vadd.f32 v58, v52;
	v58 =	vmul.f32 $1.000000010e-01, v6;
	v6 =	vld [tilespmem:$0x1F900]  }
0x1c9: {  	[tilespmem:$0x1FF00] =	vst v12;
	v12 =	vld [tilespmem:$0x1FA20]  }
0x1ca: {  	[tilespmem:s31+$0x110] =	vst v34;
	v34 =	vmul.f32 v21, v3;
	v21 =	vld [tilespmem:$0x1F930]  }
0x1cb: {  	v3 =	vmul.f32 v33, v3;
	v33 =	vld [tilespmem:$0x1F970]  }
0x1cc: {  	v2 =	vmul.f32 $1.000000010e-01, v2;
	v5 =	vadd.f32 v31, v30;
	v30 =	vld [tilespmem:s31+$0x25E0]  }
0x1cd: {  	v31 =	vld [tilespmem:$0x1F8D0]  }
0x1ce: {  	[tilespmem:$0x1FE70] =	vst v29;
	v29 =	vadd.f32 v2, v44;
	v44 =	vld [tilespmem:s31+$0x2600]  }
0x1cf: {  	[tilespmem:$0x1FEA0] =	vst v37;
	v37 =	vadd.f32 v58, v15;
	v58 =	vld [tilespmem:$0x1F990]  }
0x1d0: {  	v2 =	vadd.f32 v23, v22;
	v22 =	vld [tilespmem:$0x1F9A0]  }
0x1d1: {  	v23 =	vld [tilespmem:$0x1F9B0]  }
0x1d2: {  	[tilespmem:s31+$0x150] =	vst v26;
	v15 =	vld [tilespmem:$0x1FA40];
	v5 =	vmul.f32 $1.000000010e-01, v5  }
0x1d3: {  	[tilespmem:$0x1FE90] =	vst v30;
	v30 =	vld [tilespmem:s31+$0x5F0]  }
0x1d4: {  	[tilespmem:$0x1FEE0] =	vst v18;
	v18 =	vadd.f32 v5, v6;
	v6 =	vbroadcast v16, $0x3;
	v8 =	vadd.f32 v32, v31;
	v32 =	vld [tilespmem:$0x1F960]  }
0x1d5: {  	[tilespmem:$0x1FF20] =	vst v44;
	v44 =	vld [tilespmem:$0x1F9E0]  }
0x1d6: {  	[tilespmem:s31+$0x160] =	vst v34;
	v34 =	vmul.f32 v50, v6;
	v50 =	vld [tilespmem:$0x1F980]  }
0x1d7: {  	[tilespmem:$0x1FED0] =	vst v9;
	v26 =	vmul.f32 v25, v6;
	v25 =	vmul.f32 v54, v6;
	v54 =	vld [tilespmem:$0x1F9F0]  }
0x1d8: {  	[tilespmem:$0x1FEF0] =	vst v63;
	v9 =	vmul.f32 $1.000000010e-01, v8;
	v8 =	vld [tilespmem:$0x1FA10]  }
0x1d9: {  	v63 =	vmul.f32 v47, v6;
	[tilespmem:s31+$0x180] =	vst v26;
	v26 =	vld [tilespmem:s31+$0x600]  }
0x1da: {  	[tilespmem:s31+$0x190] =	vst v34;
	v34 =	vld [tilespmem:s31+$0x2610]  }
0x1db: {  	v52 =	vmul.f32 $1.000000010e-01, v4;
	[tilespmem:s31+$0x1B0] =	vst v63;
	v63 =	vld [tilespmem:s31+$0x610]  }
0x1dc: {  	[tilespmem:s31+$0x1D0] =	vst v25;
	v25 =	vld [tilespmem:$0x1FA60]  }
0x1dd: {  	v31 =	vadd.f32 v52, v13;
	v52 =	vadd.f32 v9, v21;
	v21 =	vld [tilespmem:s31+$0x4600]  }
0x1de: {  	[tilespmem:$0x1FF70] =	vst v30;
	v30 =	vld [tilespmem:$0x1F9C0]  }
0x1df: {  	[tilespmem:s31+$0x170] =	vst v3;
	v2 =	vmul.f32 $1.000000010e-01, v2;
	v3 =	vadd.f32 v33, v32;
	v32 =	vld [tilespmem:$0x1F9D0]  }
0x1e0: {  	v7 =	vmul.f32 v7, v6;
	v33 =	vmul.f32 v24, v6;
	v24 =	vld [tilespmem:$0x1FA50]  }
0x1e1: {  	v5 =	vadd.f32 v23, v22;
	v9 =	vmul.f32 v49, v6;
	v6 =	vmul.f32 v60, v6;
	v60 =	vld [tilespmem:$0x1FAC0]  }
0x1e2: {  	v22 =	vadd.f32 v2, v44;
	v2 =	vadd.f32 v15, v14;
	v14 =	vld [tilespmem:$0x1FB50]  }
0x1e3: {  	v49 =	vmul.f32 $1.000000010e-01, v5;
	v5 =	vbroadcast v16, $0x4;
	v4 =	vadd.f32 v58, v50;
	v50 =	vld [tilespmem:s31+$0x4610]  }
0x1e4: {  	[tilespmem:s31+$0x1C0] =	vst v9;
	v9 =	vld [tilespmem:s31+$0x2620]  }
0x1e5: {  	v23 =	vmul.f32 v35, v5;
	v35 =	vld [tilespmem:$0x1FA80]  }
0x1e6: {  	v44 =	vmul.f32 v11, v5;
	v11 =	vld [tilespmem:$0x1FB40]  }
0x1e7: {  	[tilespmem:$0x1FF10] =	vst v20;
	v20 =	vadd.f32 v49, v8;
	v49 =	vld [tilespmem:$0x1FAA0]  }
0x1e8: {  	v8 =	vld [tilespmem:$0x1FB30]  }
0x1e9: {  	[tilespmem:$0x1FF90] =	vst v63;
	v63 =	vld [tilespmem:s31+$0x4620]  }
0x1ea: {  	[tilespmem:$0x1FF40] =	vst v34;
	v34 =	vld [tilespmem:$0x1FA70]  }
0x1eb: {  	v3 =	vmul.f32 $1.000000010e-01, v3;
	[tilespmem:$0x1FF80] =	vst v26;
	v26 =	vmul.f32 v48, v5;
	v48 =	vld [tilespmem:$0x1FA90]  }
0x1ec: {  	[tilespmem:s31+$0x230] =	vst v44;
	v44 =	vld [tilespmem:$0x1FAE0]  }
0x1ed: {  	[tilespmem:$0x1FF30] =	vst v21;
	v21 =	vadd.f32 v3, v54;
	v54 =	vld [tilespmem:$0x1FAB0]  }
0x1ee: {  	[tilespmem:s31+$0x1A0] =	vst v7;
	v7 =	vadd.f32 v32, v30;
	v32 =	vld [tilespmem:s31+$0x620]  }
0x1ef: {  	v30 =	vmul.f32 v57, v5;
	v57 =	vld [tilespmem:s31+$0x4630]  }
0x1f0: {  	v47 =	vmul.f32 $1.000000010e-01, v4;
	v4 =	vadd.f32 v25, v24;
	v24 =	vld [tilespmem:$0x1FAD0]  }
0x1f1: {  	[tilespmem:$0x1FF60] =	vst v9;
	v9 =	vmul.f32 v17, v5;
	v17 =	vld [tilespmem:s31+$0x630]  }
0x1f2: {  	[tilespmem:$0x1FF50] =	vst v50;
	v50 =	vmul.f32 v40, v5;
	v40 =	vld [tilespmem:s31+$0x2640]  }
0x1f3: {  	v58 =	vmul.f32 $1.000000010e-01, v7;
	v7 =	vld [tilespmem:$0x1FA00]  }
0x1f4: {  	[tilespmem:s31+$0x1F0] =	vst v6;
	v6 =	vadd.f32 v49, v48;
	v48 =	vld [tilespmem:$0x1FAF0]  }
0x1f5: {  	v49 =	vld [tilespmem:$0x1FB00]  }
0x1f6: {  	v4 =	vmul.f32 $1.000000010e-01, v4;
	[tilespmem:s31+$0x250] =	vst v50;
	v50 =	vld [tilespmem:s31+$0x640]  }
0x1f7: {  	[tilespmem:s31+$0x1E0] =	vst v33;
	v33 =	vadd.f32 v58, v12;
	v58 =	vld [tilespmem:s31+$0x2630]  }
0x1f8: {  	[tilespmem:s31+$0x220] =	vst v30;
	v30 =	vadd.f32 v4, v44;
	v4 =	vadd.f32 v14, v11;
	v14 =	vld [tilespmem:$0x1FC10]  }
0x1f9: {  	[tilespmem:s31+$0x210] =	vst v26;
	v44 =	vld [tilespmem:$0x1FC50]  }
0x1fa: {  	v26 =	vmul.f32 $1.000000010e-01, v6;
	[tilespmem:$0x1FFC0] =	vst v40;
	v40 =	vld [tilespmem:$0x1FBC0]  }
0x1fb: {  	v6 =	vbroadcast v16, $0x5;
	v13 =	vadd.f32 v47, v7;
	v7 =	vadd.f32 v60, v54;
	v60 =	vld [tilespmem:s31+$0x4640]  }
0x1fc: {  	v3 =	vadd.f32 v35, v34;
	v54 =	vld [tilespmem:$0x1FB10]  }
0x1fd: {  	[tilespmem:$0x1FFB0] =	vst v17;
	v17 =	vmul.f32 v55, v6;
	v55 =	vld [tilespmem:s31+$0x4650]  }
0x1fe: {  	v25 =	vmul.f32 $1.000000010e-01, v3;
	v15 =	vmul.f32 v62, v6;
	v62 =	vld [tilespmem:s31+$0x650]  }
0x1ff: {  	[tilespmem:s31+$0x260] =	vst v9;
	v9 =	vmul.f32 v46, v6;
	v46 =	vld [tilespmem:s31+$0x2670]  }
0x200: {  	[tilespmem:$0x1FFA0] =	vst v32;
	v32 =	vadd.f32 v25, v48;
	v25 =	vld [tilespmem:$0x1FB60]  }
0x201: {  	v35 =	vadd.f32 v26, v49;
	v26 =	vld [tilespmem:$0x1FB70]  }
0x202: {  	v47 =	vmul.f32 v28, v5;
	v49 =	vld [tilespmem:s31+$0x2660]  }
0x203: {  	[tilespmem:$0x1FFD0] =	vst v50;
	v50 =	vld [tilespmem:s31+$0x660]  }
0x204: {  	[tilespmem:s31+$0x240] =	vst v47;
	v47 =	vmul.f32 $1.000000010e-01, v7;
	v7 =	vld [tilespmem:$0x1FB20]  }
0x205: {  	[tilespmem:s31+$0x280] =	vst v9;
	v9 =	vld [tilespmem:$0x1FB90]  }
0x206: {  	v28 =	vmul.f32 v61, v6;
	v61 =	vmul.f32 v39, v6;
	[tilespmem:s31+$0x290] =	vst v15;
	v15 =	vld [tilespmem:$0x1FBA0]  }
0x207: {  	v11 =	vmul.f32 v38, v6;
	[tilespmem:s31+$0x2A0] =	vst v17;
	v17 =	vld [tilespmem:$0x1FBB0]  }
0x208: {  	[tilespmem:s31+$0x2C0] =	vst v61;
	v61 =	vld [tilespmem:$0x1FBD0]  }
0x209: {  	[tilespmem:s31+$0x2D0] =	vst v11;
	v11 =	vld [tilespmem:$0x1FC00]  }
0x20a: {  	v34 =	vadd.f32 v47, v54;
	v54 =	vld [tilespmem:s31+$0x2650]  }
0x20b: {  	v47 =	vld [tilespmem:s31+$0x4660]  }
0x20c: {  	v2 =	vmul.f32 $1.000000010e-01, v2;
	v3 =	vadd.f32 v26, v25;
	v25 =	vld [tilespmem:$0x1FC30]  }
0x20d: {  	v26 =	vld [tilespmem:$0x1FC40]  }
0x20e: {  	v12 =	vadd.f32 v2, v24;
	[tilespmem:$0x1FFF0] =	vst v50;
	v50 =	vld [tilespmem:s31+$0x670]  }
0x20f: {  	v4 =	vmul.f32 $1.000000010e-01, v4;
	v5 =	vmul.f32 v41, v5;
	v2 =	vadd.f32 v8, v7;
	v8 =	vld [tilespmem:$0x1FB80]  }
0x210: {  	[tilespmem:s31+$0x200] =	vst v23;
	v24 =	vadd.f32 v17, v15;
	v7 =	vld [tilespmem:$0x1FBE0]  }
0x211: {  	[tilespmem:s31+$0x270] =	vst v5;
	v15 =	vadd.f32 v4, v61;
	v61 =	vld [tilespmem:$0x1FC70]  }
0x212: {  	[tilespmem:$0x1FFE0] =	vst v62;
	v2 =	vmul.f32 $1.000000010e-01, v2;
	v62 =	vmul.f32 $1.000000010e-01, v24;
	v24 =	vld [tilespmem:$0x1FC20]  }
0x213: {  	v23 =	vbroadcast v16, $0x6;
	v59 =	vmul.f32 v59, v6;
	v47 =	vadd.f32 v47, v49;
	v49 =	vld [tilespmem:s31+$0x2730]  }
0x214: {  	[tilespmem:s31+$0x2B0] =	vst v28;
	v28 =	vadd.f32 v2, v40;
	v40 =	vld [tilespmem:s31+$0x4670]  }
0x215: {  	[tilespmem:s31+$0x2E0] =	vst v59;
	v59 =	vadd.f32 v62, v14;
	v14 =	vmul.f32 v51, v23;
	v51 =	vld [tilespmem:s31+$0x4680]  }
0x216: {  	v38 =	vmul.f32 v26, v23;
	v26 =	vld [tilespmem:s31+$0x26A0]  }
0x217: {  	v5 =	vadd.f32 v9, v8;
	v9 =	vld [tilespmem:$0x1FBF0]  }
0x218: {  	v62 =	vmul.f32 v61, v23;
	v61 =	vld [tilespmem:$0x1FD00]  }
0x219: {  	v8 =	vmul.f32 v7, v6;
	v7 =	vld [tilespmem:$0x1FD40]  }
0x21a: {  	[tilespmem:s31+$0x300] =	vst v38;
	v38 =	vld [tilespmem:$0x1FCC0]  }
0x21b: {  	v2 =	vadd.f32 v25, v24;
	v24 =	vld [tilespmem:$0x1FCA0]  }
0x21c: {  	v25 =	vld [tilespmem:$0x1FCB0]  }
0x21d: {  	v48 =	vmul.f32 $1.000000010e-01, v5;
	v5 =	vmul.f32 v56, v23;
	v56 =	vld [tilespmem:s31+$0x680]  }
0x21e: {  	v6 =	vmul.f32 v53, v23;
	[tilespmem:s31+$0x310] =	vst v62;
	v62 =	vld [tilespmem:s31+$0x2690]  }
0x21f: {  	[tilespmem:s31+$0x2F0] =	vst v8;
	v8 =	vmul.f32 v45, v23;
	v45 =	vld [tilespmem:s31+$0x4690]  }
0x220: {  	[tilespmem:s31+$0x360] =	vst v6;
	v6 =	vld [tilespmem:$0x1FD30]  }
0x221: {  	v39 =	vadd.f32 v48, v11;
	v48 =	vld [tilespmem:$0x1FC60]  }
0x222: {  	v41 =	vmul.f32 $1.000000010e-01, v3;
	v11 =	vld [tilespmem:$0x1FC90]  }
0x223: {  	[tilespmem:s31+$0x350] =	vst v5;
	v5 =	vld [tilespmem:$0x1FD20]  }
0x224: {  	v17 =	vadd.f32 v41, v9;
	v9 =	vld [tilespmem:$0x1FC80]  }
0x225: {  	v40 =	vadd.f32 v40, v46;
	v46 =	vld [tilespmem:s31+$0x730]  }
0x226: {  	v41 =	vld [tilespmem:s31+$0x2680]  }
0x227: {  	v6 =	vadd.f32 v7, v6;
	v7 =	vld [tilespmem:$0x1FD70]  }
0x228: {  	v0 =	vadd.f32 v25, v24;
	v4 =	vadd.f32 v48, v44;
	v44 =	vld [tilespmem:$0x1FCD0]  }
0x229: {  	v3 =	vadd.f32 v11, v9;
	v11 =	vld [tilespmem:$0x1FCE0]  }
0x22a: {  	[tilespmem:s31+$0x330] =	vst v14;
	v25 =	vld [tilespmem:s31+$0x26B0];
	v14 =	vmul.f32 $1.000000010e-01, v0;
	v0 =	vbroadcast v16, $0x7  }
0x22b: {  	v24 =	vld [tilespmem:$0x1FD90]  }
0x22c: {  	v2 =	vmul.f32 $1.000000010e-01, v2;
	v41 =	vadd.f32 v51, v41;
	v51 =	vld [tilespmem:s31+$0x4740];
	v42 =	vmul.f32 v42, v0  }
0x22d: {  	v48 =	vadd.f32 v44, v38;
	v38 =	vld [tilespmem:$0x1FCF0]  }
0x22e: {  	v1 =	vmul.f32 v1, v23;
	[tilespmem:s31+$0x3A0] =	vst v42;
	v42 =	vld [tilespmem:$0x1FDC0];
	v53 =	vadd.f32 v2, v11;
	v2 =	vmul.f32 $1.000000010e-01, v3  }
0x22f: {  	v3 =	vmul.f32 v18, v0;
	v18 =	vld [tilespmem:s31+$0x46B0];
	v44 =	vmul.f32 $1.000000010e-01, v48  }
0x230: {  	v27 =	vmul.f32 v27, v23;
	v4 =	vmul.f32 $1.000000010e-01, v4;
	v23 =	vadd.f32 v2, v61;
	v61 =	vld [tilespmem:$0x1FD60]  }
0x231: {  	[tilespmem:s31+$0x320] =	vst v8;
	v8 =	vadd.f32 v44, v5;
	v44 =	vld [tilespmem:$0x1FD50]  }
0x232: {  	v11 =	vadd.f32 v4, v38;
	v4 =	vld [tilespmem:$0x1FD10]  }
0x233: {  	v48 =	vld [tilespmem:s31+$0x690]  }
0x234: {  	v5 =	vld [tilespmem:$0x1FDD0]  }
0x235: {  	v38 =	vld [tilespmem:$0x1FDB0]  }
0x236: {  	[tilespmem:s31+$0x370] =	vst v27;
	v18 =	vadd.f32 v18, v25;
	v25 =	vld [tilespmem:s31+$0x750];
	v27 =	vadd.f32 v61, v44  }
0x237: {  	v61 =	vmul.f32 v29, v0;
	v29 =	vld [tilespmem:$0x1FDA0];
	v9 =	vadd.f32 v14, v4;
	v14 =	vmul.f32 v36, v0  }
0x238: {  	v36 =	vld [tilespmem:s31+$0x46A0]  }
0x239: {  	[tilespmem:s31+$0x380] =	vst v14;
	v14 =	vld [tilespmem:$0x1FD80]  }
0x23a: {  	v19 =	vmul.f32 v19, v0;
	v44 =	vld [tilespmem:s31+$0x6A0]  }
0x23b: {  	v6 =	vmul.f32 $1.000000010e-01, v6;
	v43 =	vmul.f32 v43, v0;
	v4 =	vld [tilespmem:$0x1FE20]  }
0x23c: {  	[tilespmem:s31+$0x390] =	vst v19;
	v19 =	vadd.f32 v29, v24;
	v24 =	vld [tilespmem:s31+$0x6C0]  }
0x23d: {  	[tilespmem:s31+$0x3B0] =	vst v43;
	v43 =	vadd.f32 v6, v5;
	v26 =	vadd.f32 v36, v26;
	v36 =	vld [tilespmem:s31+$0x4750]  }
0x23e: {  	[tilespmem:s31+$0x340] =	vst v1;
	v6 =	vmul.f32 $1.000000010e-01, v19;
	v19 =	vld [tilespmem:s31+$0x26C0];
	v1 =	vadd.f32 v14, v7;
	v14 =	vadd.f32 v42, v38  }
0x23f: {  	v7 =	vld [tilespmem:$0x1FDE0]  }
0x240: {  	v29 =	vmul.f32 $1.000000010e-01, v14;
	v14 =	vmul.f32 v37, v0;
	v37 =	vld [tilespmem:$0x1FE00]  }
0x241: {  	v42 =	vmul.f32 v31, v0;
	v38 =	vld [tilespmem:s31+$0x6B0]  }
0x242: {  	v27 =	vmul.f32 $1.000000010e-01, v27;
	v31 =	vld [tilespmem:$0x1FDF0]  }
0x243: {  	v2 =	vmul.f32 $1.000000010e-01, v1;
	v1 =	vbroadcast v16, $0x8;
	[tilespmem:s31+$0x3E0] =	vst v42;
	v42 =	vld [tilespmem:$0x1FE10]  }
0x244: {  	[tilespmem:s31+$0x3F0] =	vst v14;
	v14 =	vld [tilespmem:$0x1FE40]  }
0x245: {  	[tilespmem:s31+$0x3C0] =	vst v61;
	v21 =	vmul.f32 v21, v1;
	v61 =	vadd.f32 v27, v7;
	v7 =	vadd.f32 v6, v37;
	v6 =	vld [tilespmem:$0x1FE30]  }
0x246: {  	v27 =	vld [tilespmem:s31+$0x46C0]  }
0x247: {  	v5 =	vadd.f32 v2, v31;
	v31 =	vmul.f32 v52, v1;
	v52 =	vmul.f32 v22, v1;
	[tilespmem:s31+$0x420] =	vst v21;
	v21 =	vld [tilespmem:$0x1FE90]  }
0x248: {  	v37 =	vld [tilespmem:$0x1FE50]  }
0x249: {  	[tilespmem:s31+$0x410] =	vst v52;
	v52 =	vld [tilespmem:$0x1FEA0]  }
0x24a: {  	v13 =	vmul.f32 v13, v1;
	v6 =	vadd.f32 v6, v4;
	v4 =	vld [tilespmem:$0x1FE60]  }
0x24b: {  	v12 =	vmul.f32 v12, v1;
	v22 =	vld [tilespmem:s31+$0x46D0]  }
0x24c: {  	[tilespmem:s31+$0x430] =	vst v13;
	v13 =	vld [tilespmem:$0x1FEB0]  }
0x24d: {  	[tilespmem:s31+$0x460] =	vst v12;
	v12 =	vld [tilespmem:$0x1FEF0]  }
0x24e: {  	[tilespmem:s31+$0x3D0] =	vst v3;
	v3 =	vadd.f32 v37, v14;
	v14 =	vld [tilespmem:$0x1FE80]  }
0x24f: {  	[tilespmem:s31+$0x400] =	vst v31;
	v21 =	vadd.f32 v52, v21;
	v31 =	vadd.f32 v4, v10;
	v10 =	vld [tilespmem:$0x1FE70];
	v4 =	vmul.f32 v33, v1  }
0x250: {  	v30 =	vmul.f32 v30, v1;
	v52 =	vld [tilespmem:$0x1FEC0]  }
0x251: {  	v6 =	vmul.f32 $1.000000010e-01, v6;
	v21 =	vmul.f32 $1.000000010e-01, v21;
	[tilespmem:s31+$0x450] =	vst v4;
	v4 =	vld [tilespmem:$0x1FED0]  }
0x252: {  	v2 =	vmul.f32 v20, v1;
	v20 =	vld [tilespmem:s31+$0x6D0]  }
0x253: {  	v0 =	vbroadcast v16, $0x9;
	[tilespmem:s31+$0x470] =	vst v30;
	v30 =	vld [tilespmem:$0x1FF30];
	v13 =	vadd.f32 v6, v13;
	v12 =	vadd.f32 v21, v12  }
0x254: {  	v21 =	vld [tilespmem:$0x1FF10];
	v6 =	vmul.f32 $1.000000010e-01, v31;
	v37 =	vadd.f32 v14, v10;
	v10 =	vmul.f32 $1.000000010e-01, v3  }
0x255: {  	v1 =	vld [tilespmem:$0x1FF00]  }
0x256: {  	v34 =	vmul.f32 v34, v0;
	[tilespmem:s31+$0x440] =	vst v2;
	v2 =	vadd.f32 v10, v52;
	v52 =	vadd.f32 v6, v4;
	v6 =	vld [tilespmem:$0x1FEE0]  }
0x257: {  	v42 =	vadd.f32 v29, v42;
	v29 =	vld [tilespmem:s31+$0x26D0]  }
0x258: {  	[tilespmem:s31+$0x4A0] =	vst v34;
	v34 =	vadd.f32 v57, v58;
	v57 =	vld [tilespmem:s31+$0x2710]  }
0x259: {  	v58 =	vld [tilespmem:$0x1FF70];
	v31 =	vmul.f32 $1.000000010e-01, v37  }
0x25a: {  	v19 =	vadd.f32 v27, v19;
	v27 =	vld [tilespmem:s31+$0x2760]  }
0x25b: {  	v31 =	vadd.f32 v31, v6;
	v6 =	vadd.f32 v21, v1;
	v1 =	vld [tilespmem:$0x1FF20]  }
0x25c: {  	v22 =	vadd.f32 v22, v29;
	v29 =	vld [tilespmem:s31+$0x760];
	v21 =	vmul.f32 v32, v0  }
0x25d: {  	v33 =	vld [tilespmem:s31+$0x26E0];
	v32 =	vmul.f32 v35, v0  }
0x25e: {  	[tilespmem:s31+$0x480] =	vst v21;
	v21 =	vld [tilespmem:$0x1FF50]  }
0x25f: {  	[tilespmem:s31+$0x490] =	vst v32;
	v32 =	vld [tilespmem:$0x1FF60]  }
0x260: {  	v30 =	vadd.f32 v30, v1;
	v1 =	vld [tilespmem:$0x1FF40]  }
0x261: {  	v14 =	vld [tilespmem:s31+$0x46E0]  }
0x262: {  	v28 =	vmul.f32 v28, v0;
	v15 =	vmul.f32 v15, v0;
	v3 =	vld [tilespmem:s31+$0x46F0]  }
0x263: {  	v17 =	vmul.f32 v17, v0;
	v39 =	vmul.f32 v39, v0;
	v37 =	vld [tilespmem:s31+$0x6E0]  }
0x264: {  	v0 =	vmul.f32 v59, v0;
	v59 =	vld [tilespmem:$0x1FF90];
	v32 =	vadd.f32 v63, v32;
	v63 =	vmul.f32 $1.000000010e-01, v6  }
0x265: {  	v10 =	vld [tilespmem:s31+$0x26F0];
	v21 =	vadd.f32 v21, v1  }
0x266: {  	[tilespmem:s31+$0x4B0] =	vst v28;
	v28 =	vadd.f32 v63, v58;
	v63 =	vld [tilespmem:$0x1FF80]  }
0x267: {  	v4 =	vld [tilespmem:s31+$0x6F0];
	v21 =	vmul.f32 $1.000000010e-01, v21  }
0x268: {  	v35 =	vld [tilespmem:s31+$0x2700]  }
0x269: {  	[tilespmem:s31+$0x4D0] =	vst v17;
	v30 =	vmul.f32 $1.000000010e-01, v30;
	v17 =	vadd.f32 v21, v59;
	v59 =	vld [tilespmem:$0x1FFA0]  }
0x26a: {  	v3 =	vadd.f32 v3, v10;
	v10 =	vld [tilespmem:s31+$0x2780]  }
0x26b: {  	[tilespmem:s31+$0x4C0] =	vst v15;
	v1 =	vld [tilespmem:s31+$0x4700];
	v15 =	vadd.f32 v30, v63;
	v30 =	vmul.f32 $1.000000010e-01, v34;
	v34 =	vbroadcast v16, $0xA  }
0x26c: {  	v6 =	vld [tilespmem:s31+$0x700];
	v32 =	vmul.f32 $1.000000010e-01, v32  }
0x26d: {  	[tilespmem:s31+$0x4E0] =	vst v39;
	v58 =	vld [tilespmem:s31+$0x4710];
	v53 =	vmul.f32 v53, v34  }
0x26e: {  	v40 =	vmul.f32 $1.000000010e-01, v40;
	[tilespmem:s31+$0x4F0] =	vst v0;
	v11 =	vmul.f32 v11, v34;
	v21 =	vadd.f32 v32, v59;
	v59 =	vld [tilespmem:$0x1FFB0]  }
0x26f: {  	v41 =	vmul.f32 $1.000000010e-01, v41;
	v63 =	vld [tilespmem:s31+$0x710];
	v23 =	vmul.f32 v23, v34;
	[tilespmem:s31+$0x500] =	vst v53  }
0x270: {  	v18 =	vmul.f32 $1.000000010e-01, v18;
	v1 =	vadd.f32 v1, v35;
	v35 =	vld [tilespmem:s31+$0x27A0];
	v9 =	vmul.f32 v9, v34;
	[tilespmem:s31+$0x510] =	vst v11  }
0x271: {  	v8 =	vmul.f32 v8, v34;
	v11 =	vmul.f32 v43, v34;
	v43 =	vld [tilespmem:s31+$0x4730];
	[tilespmem:s31+$0x520] =	vst v23  }
0x272: {  	v5 =	vmul.f32 v5, v34;
	v23 =	vmul.f32 v61, v34;
	[tilespmem:s31+$0x530] =	vst v9;
	v61 =	vld [tilespmem:$0x1FFE0]  }
0x273: {  	v19 =	vmul.f32 $1.000000010e-01, v19;
	[tilespmem:s31+$0x540] =	vst v8;
	v8 =	vbroadcast v16, $0xB;
	v30 =	vadd.f32 v30, v59;
	v59 =	vld [tilespmem:$0x1FFC0]  }
0x274: {  	v22 =	vmul.f32 $1.000000010e-01, v22;
	v3 =	vmul.f32 $1.000000010e-01, v3;
	v53 =	vld [tilespmem:$0x1FFF0];
	[tilespmem:s31+$0x570] =	vst v5  }
0x275: {  	v34 =	vadd.f32 v40, v50;
	v40 =	vmul.f32 $1.000000010e-01, v26;
	v26 =	vld [tilespmem:s31+$0x4760];
	[tilespmem:s31+$0x550] =	vst v11;
	v13 =	vmul.f32 v13, v8  }
0x276: {  	v50 =	vadd.f32 v19, v24;
	v19 =	vld [tilespmem:s31+$0x4770];
	[tilespmem:s31+$0x560] =	vst v23;
	v23 =	vadd.f32 v41, v56;
	v7 =	vmul.f32 v7, v8  }
0x277: {  	v24 =	vld [tilespmem:s31+$0x2790];
	v56 =	vmul.f32 v42, v8;
	v42 =	vbroadcast v16, $0xC;
	[tilespmem:s31+$0x5A0] =	vst v13;
	v13 =	vadd.f32 v40, v44  }
0x278: {  	v2 =	vmul.f32 v2, v8;
	[tilespmem:s31+$0x580] =	vst v7;
	v40 =	vld [tilespmem:s31+$0x47A0];
	v39 =	vadd.f32 v60, v59;
	v60 =	vadd.f32 v55, v54  }
0x279: {  	v14 =	vadd.f32 v14, v33;
	v32 =	vld [tilespmem:s31+$0x2720];
	v12 =	vmul.f32 v12, v8;
	[tilespmem:s31+$0x590] =	vst v56;
	v15 =	vmul.f32 v15, v42  }
0x27a: {  	v3 =	vadd.f32 v3, v4;
	v41 =	vld [tilespmem:s31+$0x2750];
	[tilespmem:s31+$0x5B0] =	vst v2;
	v0 =	vmul.f32 $1.000000010e-01, v60;
	v60 =	vmul.f32 $1.000000010e-01, v47  }
0x27b: {  	v1 =	vmul.f32 $1.000000010e-01, v1;
	[tilespmem:s31+$0x5E0] =	vst v12;
	v12 =	vadd.f32 v22, v20;
	v33 =	vmul.f32 v34, v42;
	v55 =	vld [tilespmem:$0x1FFD0]  }
0x27c: {  	v20 =	vld [tilespmem:s31+$0x770];
	v56 =	vmul.f32 $1.000000010e-01, v14;
	[tilespmem:s31+$0x600] =	vst v15;
	v11 =	vadd.f32 v60, v53;
	v60 =	vmul.f32 v52, v8  }
0x27d: {  	[tilespmem:s31+$0x670] =	vst v33;
	v33 =	vadd.f32 v40, v35;
	v59 =	vld [tilespmem:s31+$0x4720];
	v0 =	vadd.f32 v0, v61;
	v61 =	vmul.f32 v31, v8  }
0x27e: {  	v1 =	vadd.f32 v1, v6;
	v39 =	vmul.f32 $1.000000010e-01, v39;
	v47 =	vld [tilespmem:s31+$0x2740];
	v52 =	vmul.f32 v17, v42;
	[tilespmem:s31+$0x5C0] =	vst v60  }
0x27f: {  	v22 =	vld [tilespmem:s31+$0x780];
	v5 =	vadd.f32 v56, v37;
	v6 =	vmul.f32 $1.000000010e-01, v33;
	v53 =	vmul.f32 v21, v42;
	[tilespmem:s31+$0x5D0] =	vst v61  }
0x280: {  	v15 =	vld [tilespmem:s31+$0x4790];
	v9 =	vadd.f32 v39, v55;
	v55 =	vadd.f32 v45, v62;
	v45 =	vmul.f32 v28, v8;
	[tilespmem:s31+$0x610] =	vst v52  }
0x281: {  	v54 =	vld [tilespmem:s31+$0x720];
	v0 =	vmul.f32 v0, v42;
	v60 =	vadd.f32 v58, v57;
	[tilespmem:s31+$0x620] =	vst v53;
	v11 =	vmul.f32 v11, v42  }
0x282: {  	v31 =	vld [tilespmem:s31+$0x2770];
	v61 =	vadd.f32 v59, v32;
	v59 =	vbroadcast v16, $0xE;
	v62 =	vmul.f32 $1.000000010e-01, v55;
	[tilespmem:s31+$0x5F0] =	vst v45  }
0x283: {  	v21 =	vld [tilespmem:s31+$0x4780];
	v55 =	vmul.f32 v30, v42;
	v9 =	vmul.f32 v9, v42;
	v44 =	vadd.f32 v51, v47;
	[tilespmem:s31+$0x650] =	vst v0  }
0x284: {  	v17 =	vld [tilespmem:s31+$0x790];
	v14 =	vmul.f32 $1.000000010e-01, v60;
	[tilespmem:s31+$0x660] =	vst v11;
	v2 =	vadd.f32 v62, v48;
	v62 =	vbroadcast v16, $0xD  }
0x285: {  	v39 =	vld [tilespmem:s31+$0x740];
	v47 =	vadd.f32 v36, v41;
	v32 =	vmul.f32 $1.000000010e-01, v61;
	v1 =	vmul.f32 v1, v59;
	[tilespmem:s31+$0x630] =	vst v55  }
0x286: {  	v28 =	vld [tilespmem:s31+$0x7A0];
	v48 =	vadd.f32 v18, v38;
	[tilespmem:s31+$0x640] =	vst v9;
	v38 =	vadd.f32 v43, v49;
	v37 =	vmul.f32 v23, v62  }
0x287: {  	v57 =	vld [tilespmem:s31+$0x27C0];
	v53 =	vmul.f32 $1.000000010e-01, v47;
	v19 =	vadd.f32 v19, v31;
	[tilespmem:s31+$0x700] =	vst v1;
	v42 =	vmul.f32 v2, v62  }
0x288: {  	v51 =	vld [tilespmem:s31+$0x47B0];
	v34 =	vadd.f32 v14, v63;
	v43 =	vmul.f32 v13, v62;
	v8 =	vmul.f32 v48, v62;
	[tilespmem:s31+$0x680] =	vst v37  }
0x289: {  	v41 =	vld [tilespmem:s31+$0x27F0];
	v4 =	vadd.f32 v32, v54;
	v45 =	vmul.f32 $1.000000010e-01, v38;
	v49 =	vmul.f32 v50, v62;
	[tilespmem:s31+$0x690] =	vst v42  }
0x28a: {  	v60 =	vld [tilespmem:s31+$0x47C0];
	v63 =	vadd.f32 v21, v10;
	v13 =	vmul.f32 $1.000000010e-01, v44;
	v52 =	vmul.f32 v12, v62;
	[tilespmem:s31+$0x6A0] =	vst v43  }
0x28b: {  	v31 =	vld [tilespmem:s31+$0x47D0];
	v50 =	vadd.f32 v26, v27;
	v5 =	vmul.f32 v5, v62;
	v61 =	vmul.f32 v3, v62;
	[tilespmem:s31+$0x6B0] =	vst v8  }
0x28c: {  	v54 =	vld [tilespmem:s31+$0x7B0];
	v58 =	vadd.f32 v53, v25;
	v27 =	vmul.f32 $1.000000010e-01, v19;
	v32 =	vmul.f32 v34, v59;
	[tilespmem:s31+$0x6C0] =	vst v49  }
0x28d: {  	v48 =	vld [tilespmem:s31+$0x27B0];
	v4 =	vmul.f32 v4, v59;
	v36 =	vmul.f32 $1.000000010e-01, v63;
	v11 =	vadd.f32 v45, v46;
	[tilespmem:s31+$0x6D0] =	vst v52  }
0x28e: {  	v38 =	vld [tilespmem:s31+$0x47E0];
	v55 =	vadd.f32 v13, v39;
	v56 =	vmul.f32 $1.000000010e-01, v50;
	[tilespmem:s31+$0x6E0] =	vst v5;
	v35 =	vadd.f32 v27, v20  }
0x28f: {  	v34 =	vld [tilespmem:s31+$0x27E0];
	[tilespmem:s31+$0x6F0] =	vst v61;
	v0 =	vmul.f32 v58, v59;
	v46 =	vadd.f32 v6, v28;
	v50 =	vadd.f32 v60, v57  }
0x290: {  	v45 =	vld [tilespmem:s31+$0x47F0];
	v49 =	vbroadcast v16, $0xF;
	[tilespmem:s31+$0x710] =	vst v32;
	v42 =	vadd.f32 v36, v22;
	v62 =	vadd.f32 v56, v29  }
0x291: {  	v21 =	vld [tilespmem:s31+$0x27D0];
	[tilespmem:s31+$0x720] =	vst v4;
	v29 =	vadd.f32 v15, v24;
	v39 =	vmul.f32 v11, v59;
	v43 =	vmul.f32 v55, v59  }
0x292: {  	[tilespmem:s31+$0x750] =	vst v0;
	v52 =	vmul.f32 v35, v59;
	v57 =	vmul.f32 $1.000000010e-01, v50;
	v40 =	vadd.f32 v51, v48;
	v48 =	vld [tilespmem:s31+$0x7C0]  }
0x293: {  	v55 =	vld [tilespmem:s31+$0x7E0];
	v2 =	vmul.f32 v46, v49;
	v37 =	vmul.f32 $1.000000010e-01, v29;
	[tilespmem:s31+$0x730] =	vst v39  }
0x294: {  	v58 =	vld [tilespmem:s31+$0x7F0];
	v56 =	vmul.f32 v42, v49;
	[tilespmem:s31+$0x740] =	vst v43;
	v7 =	vadd.f32 v38, v34;
	v47 =	vmul.f32 $1.000000010e-01, v40  }
0x295: {  	v51 =	vld [tilespmem:s31+$0x7D0];
	v3 =	vmul.f32 v62, v59;
	[tilespmem:s31+$0x770] =	vst v52;
	v59 =	vadd.f32 v45, v41;
	v44 =	vadd.f32 v37, v17  }
0x296: {  	[tilespmem:s31+$0x7A0] =	vst v2;
	v61 =	vmul.f32 $1.000000010e-01, v7;
	v53 =	vadd.f32 v47, v54;
	v54 =	vadd.f32 v31, v21  }
0x297: {  	[tilespmem:s31+$0x780] =	vst v56;
	v0 =	vmul.f32 $1.000000010e-01, v59;
	v8 =	vmul.f32 v44, v49;
	v60 =	vadd.f32 v57, v48  }
0x298: {  	[tilespmem:s31+$0x760] =	vst v3;
	v62 =	vadd.f32 v61, v55;
	v6 =	vmul.f32 $1.000000010e-01, v54;
	v1 =	vmul.f32 v53, v49  }
0x299: {  	p0 =	sne.s32 s17, $0x3;
	v0 =	vadd.f32 v0, v58;
	[tilespmem:s31+$0x790] =	vst v8;
	v3 =	vmul.f32 v60, v49  }
.Ltmp0:
0x29a: {  	v2 =	vmul.f32 v62, v49;
	v6 =	vadd.f32 v6, v51;
	[tilespmem:s31+$0x7B0] =	vst v1;
	(pc) =	sbr.rel @p0 .LBB2_3-.Ltmp0, $4  }
0x29b: {  	v0 =	vmul.f32 v0, v49;
	[tilespmem:s31+$0x7C0] =	vst v3  }
0x29c: {  	[tilespmem:s31+$0x7E0] =	vst v2;
	v63 =	vmul.f32 v6, v49  }
0x29d: {  	[tilespmem:s31+$0x7F0] =	vst v0  }
0x29e: {  	s17 =	sadd.s32 $0x1, s17;
	[tilespmem:s31+$0x7D0] =	vst v63  }
0x29f: {  	s15 =	sadd.s32 $0x1, s15  }
0x2a0: {  	p0 =	sne.s32 s15, $0x5  }
.Ltmp1:
0x2a1: {  	s16 =	sadd.s32 s6, s16;
	(pc) =	sbr.rel @p0 .LBB2_2-.Ltmp1, $4  }
0x2a2: {  	[hbm4b:s16+s1] =	stream.linear.scatter [tilespmem:s1], [sflag:$0x1], $0x2000, $0x38;
	[tilespmem:$0x6080] =	vst v63  }
0x2a3: {  	_ =	swait.ge [sflag:s10], $0x2000  }
0x2a4: {  	[sflag:s10] =	ssyncset.done $0x0  }
0x2a5: {  	[sflag:s10] =	ssyncadd.s32 $0xFFFFE000  }
0x2a6: {  	s14 =	sadd.s32 $0x1, s14  }
0x2a7: {  	p0 =	sne.s32 s14, s9  }
.Ltmp2:
0x2a8: {  	_ = 	snop;
	(pc) =	sbr.rel @p0 .LBB2_1-.Ltmp2, $1  }
0x2a9: {  	_ =	sdelay $0x3  }
0x2aa: {  	_ =	sfence.sel $0x180000  }
0x2ab: {  	[bflag:$0x0] =	sbarrier.arrive $0xFFFF  }
0x2ac: {  	p0 =	sne.s32 s3, $0x0;
	_ =	strace $0x9000004A  }
0x2ad: {  	s0 =	sadd.s32 @!p0 $0x100000, s0;
	[bflag:$0x2] =	sbarrier.arrive $0xFFFF  }
0x2ae: {  	[sflag:s0] =	ssyncadd.tile.s32 @!p0 $0x1;
	_ =	shalt  }
.Lfunc_end2:
_tile_overlayer_lowered:
.L_overlay_start_2:
0x2af: {  	(tag) =	ssettag $0x2  }
0x2b0: {  	s0 =	rddreg [dreg:$0x0];
	s2 =	stileid.u32  }
0x2b1: {  	s1 =	rddreg [dreg:$0x1];
	p0 =	sne.s32 s2, $0x0  }
0x2b2: {  	s3 =	rddreg [dreg:$0x2];
	[bflag:$0x3] =	sbarrier.arrive $0xFFFF;
	s2 =	simm.s32 @!p0 $0x1C01  }
0x2b3: {  	[timem:s3], [sflag:s2] =	dma.local @!p0 [hbm:s0], s1  }
0x2b4: {  	s0 =	simm.s32 @!p0 $0x1  }
0x2b5: {  	_ =	swait.ge @!p0 [sflag:s0], s1  }
0x2b6: {  	s1 =	ssub.s32 @!p0 $0x0, s1;
	[sflag:s0] =	ssyncset.done @!p0 $0x0  }
0x2b7: {  	[sflag:s0] =	ssyncadd.s32 @!p0 s1  }
0x2b8: {  	[bflag:$0x3] =	sbarrier.arrive $0xFFFF  }
0x2b9: {  	_ =	shalt  }

</sc_bundles>
